<compile_context>
chip_gen: v7x
topology: tpu7x:2x2x1
jax: 0.10.2.dev20260603
libtpu: 0.0.44.dev20260713+nightly
codegen_flags: <defaults>
</compile_context>

<pallas_src>
import functools

import jax
import jax.numpy as jnp
from jax import lax
from jax.experimental import pallas as pl
from jax.experimental.pallas import tpu as pltpu
from jax.experimental.pallas import tpu_sc as plsc

N = 10000
E = 320000
D = 128
H = D // 2
NC = 2
NS = 16
W = 128
SUB = 8
CB = SUB * W
E2 = 327680
NCHUNK = E2 // (NS * CB)
ERT = E2 // NS // W
NP = 10240
AR = 2 * NP
RT = AR // NS


def _leaky(x):
    return jnp.where(x >= 0, x, 0.01 * x)



def _enc_body(des, tweet, num, cat, wd, bd, wt, bt, wn, bn, wc, bc, win, bin_,
              out):
    d = _leaky(jnp.dot(des[...], wd[...], preferred_element_type=jnp.float32)
               + bd[...])
    t = _leaky(jnp.dot(tweet[...], wt[...], preferred_element_type=jnp.float32)
               + bt[...])
    n = _leaky(jnp.dot(num[...], wn[...], preferred_element_type=jnp.float32)
               + bn[...])
    c = _leaky(jnp.dot(cat[...], wc[...], preferred_element_type=jnp.float32)
               + bc[...])
    x = jnp.concatenate([d, t, n, c], axis=1)
    x = _leaky(jnp.dot(x, win[...], preferred_element_type=jnp.float32)
               + bin_[...])
    out[0] = x[:, :H]
    out[1] = x[:, H:]


def _encoder(des, tweet, num, cat, wd, bd, wt, bt, wn, bn, wc, bc, win, bin_):
    B = 1000
    g = N // B
    row = lambda i: (i, 0)
    full = lambda i: (0, 0)
    return pl.pallas_call(
        _enc_body,
        grid=(g,),
        in_specs=[
            pl.BlockSpec((B, 768), row),
            pl.BlockSpec((B, 768), row),
            pl.BlockSpec((B, 5), row),
            pl.BlockSpec((B, 3), row),
            pl.BlockSpec((768, 32), full),
            pl.BlockSpec((1, 32), full),
            pl.BlockSpec((768, 32), full),
            pl.BlockSpec((1, 32), full),
            pl.BlockSpec((5, 32), full),
            pl.BlockSpec((1, 32), full),
            pl.BlockSpec((3, 32), full),
            pl.BlockSpec((1, 32), full),
            pl.BlockSpec((D, D), full),
            pl.BlockSpec((1, D), full),
        ],
        out_specs=pl.BlockSpec((2, B, H), lambda i: (0, i, 0)),
        out_shape=jax.ShapeDtypeStruct((2, N, H), jnp.float32),
    )(des, tweet, num, cat, wd, bd, wt, bt, wn, bn, wc, bc, win, bin_)



def _zero_fill(buf, rows, width, value=0.0):
    val = jnp.full((16,), value, jnp.float32)

    def body(i):
        for j in range(width // 16):
            buf[i, pl.ds(j * 16, 16)] = val

    pl.loop(0, rows)(body)


def _copy_rows(src_buf, dst_ref, base, nrows):
    for off in range(0, RT, nrows):
        sz = min(nrows, RT - off)
        pltpu.sync_copy(src_buf.at[pl.ds(0, sz)],
                        dst_ref.at[pl.ds(base + off, sz)])


def _sc_agg_body(with_counts, nbuf, xs, src, dst, agg, cnt,
                 src_v, dst_v, bufs, ones_v, acc_sh, cnt_sh, sems, sem_c):
    cid = lax.axis_index("c")
    sid = lax.axis_index("s")

    _zero_fill(bufs[0], W, H)
    _copy_rows(bufs[0], acc_sh, sid * RT, W)
    if with_counts:
        _zero_fill(ones_v, W, 16)

        @pl.when(cid == 0)
        def _():
            _copy_rows(ones_v, cnt_sh, sid * RT, W)
        _zero_fill(ones_v, W, 16, 1.0)
    plsc.subcore_barrier()

    def chunk(k):
        r0 = sid * ERT + k * SUB
        pltpu.sync_copy(src.at[pl.ds(r0, SUB)], src_v)
        pltpu.sync_copy(dst.at[pl.ds(r0, SUB)], dst_v)
        for i in range(SUB):
            for j in range(W // 16):
                sl = pl.ds(j * 16, 16)
                src_v[i, sl] = src_v[i, sl] + cid * N
        cdescs = []
        gd = [None] * SUB
        for p in range(min(nbuf - 1, SUB)):
            gd[p] = pltpu.async_copy(xs.at[src_v.at[p]],
                                     bufs[p % nbuf], sems[p % nbuf])
        for i in range(SUB):
            nxt = i + nbuf - 1
            if nxt < SUB:
                gd[nxt] = pltpu.async_copy(xs.at[src_v.at[nxt]],
                                           bufs[nxt % nbuf], sems[nxt % nbuf])
            gd[i].wait()
            pltpu.sync_copy(bufs[i % nbuf], acc_sh.at[dst_v.at[i]], add=True)
            if with_counts:
                @pl.when(cid == 0)
                def _():
                    cdescs.append(pltpu.async_copy(
                        ones_v, cnt_sh.at[dst_v.at[i]], sem_c, add=True))
        if with_counts:
            @pl.when(cid == 0)
            def _():
                for d in cdescs:
                    d.wait()

    pl.loop(0, NCHUNK)(chunk)
    plsc.subcore_barrier()

    w0 = sid * RT
    pltpu.sync_copy(acc_sh.at[pl.ds(w0, RT)],
                    agg.at[pl.ds(cid * AR + w0, RT)])
    if with_counts:
        @pl.when(cid == 0)
        def _():
            pltpu.sync_copy(cnt_sh.at[pl.ds(w0, RT)], cnt.at[pl.ds(w0, RT)])


def _make_sc_agg(with_counts, nbuf):
    out_type = [jax.ShapeDtypeStruct((NC * AR, H), jnp.float32)]
    if with_counts:
        out_type.append(jax.ShapeDtypeStruct((AR, 16), jnp.float32))
    mesh = plsc.VectorSubcoreMesh(core_axis_name="c", subcore_axis_name="s")

    def body(xs, src, dst, agg, *rest):
        rest = list(rest)
        cnt = rest.pop(0) if with_counts else None
        src_v, dst_v = rest.pop(0), rest.pop(0)
        bufs = [rest.pop(0) for _ in range(nbuf)]
        ones_v = rest.pop(0) if with_counts else None
        acc_sh = rest.pop(0)
        cnt_sh = rest.pop(0) if with_counts else None
        sems = [rest.pop(0) for _ in range(nbuf)]
        sem_c = rest.pop(0)
        _sc_agg_body(with_counts, nbuf, xs, src, dst, agg, cnt,
                     src_v, dst_v, bufs, ones_v, acc_sh, cnt_sh, sems, sem_c)

    scratch = [
        pltpu.VMEM((SUB, W), jnp.int32),
        pltpu.VMEM((SUB, W), jnp.int32),
    ]
    scratch += [pltpu.VMEM((W, H), jnp.float32)] * nbuf
    if with_counts:
        scratch.append(pltpu.VMEM((W, 16), jnp.float32))
    scratch.append(pltpu.VMEM_SHARED((AR, H), jnp.float32))
    if with_counts:
        scratch.append(pltpu.VMEM_SHARED((AR, 16), jnp.float32))
    scratch += [pltpu.SemaphoreType.DMA] * (nbuf + 1)
    fn = pl.kernel(
        body,
        out_type=out_type,
        mesh=mesh,
        scratch_types=scratch,
        compiler_params=pltpu.CompilerParams(use_tc_tiling_on_sc=False),
    )
    return fn


_sc_agg_first = _make_sc_agg(True, 2)
_sc_agg_next = _make_sc_agg(False, 4)



def _rgcn_dense_body(final, xs, agg, cnt, wroot, wrel, b, w1, b1, w2, b2, out):
    x = jnp.concatenate([xs[0], xs[1]], axis=1)
    m0 = jnp.concatenate([agg[0, 0], agg[1, 0]], axis=1)
    m1 = jnp.concatenate([agg[0, 1], agg[1, 1]], axis=1)
    inv0 = 1.0 / jnp.maximum(cnt[0][:, :1], 1.0)
    inv1 = 1.0 / jnp.maximum(cnt[1][:, :1], 1.0)
    h = (jnp.dot(x, wroot[...], preferred_element_type=jnp.float32) + b[...]
         + jnp.dot(m0 * inv0, wrel[0], preferred_element_type=jnp.float32)
         + jnp.dot(m1 * inv1, wrel[1], preferred_element_type=jnp.float32))
    if final:
        y = _leaky(jnp.dot(h, w1[...], preferred_element_type=jnp.float32)
                   + b1[...])
        out[...] = jnp.dot(y, w2[...], preferred_element_type=jnp.float32) \
            + b2[...]
    else:
        out[0] = h[:, :H]
        out[1] = h[:, H:]


def _rgcn_dense(final, xs, agg, cnt, wroot, wrel, b, w1, b1, w2, b2):
    B = 1000
    g = N // B
    full = lambda i: tuple([0] * 2)
    specs = [
        pl.BlockSpec((2, B, H), lambda i: (0, i, 0)),
        pl.BlockSpec((2, 2, B, H), lambda i: (0, 0, i, 0)),
        pl.BlockSpec((2, B, 16), lambda i: (0, i, 0)),
        pl.BlockSpec((D, D), full),
        pl.BlockSpec((2, D, D), lambda i: (0, 0, 0)),
        pl.BlockSpec((1, D), full),
        pl.BlockSpec((D, 64), full),
        pl.BlockSpec((1, 64), full),
        pl.BlockSpec((64, D), full),
        pl.BlockSpec((1, D), full),
    ]
    if final:
        out_spec = pl.BlockSpec((B, D), lambda i: (i, 0))
        out_shape = jax.ShapeDtypeStruct((N, D), jnp.float32)
    else:
        out_spec = pl.BlockSpec((2, B, H), lambda i: (0, i, 0))
        out_shape = jax.ShapeDtypeStruct((2, N, H), jnp.float32)
    return pl.pallas_call(
        functools.partial(_rgcn_dense_body, final),
        grid=(g,),
        in_specs=specs,
        out_specs=out_spec,
        out_shape=out_shape,
    )(xs, agg, cnt, wroot, wrel, b, w1, b1, w2, b2)



def kernel(des, tweet, num_prop, cat_prop, edge_index, edge_type,
           W_des, b_des, W_tweet, b_tweet, W_num, b_num, W_cat, b_cat,
           W_in, b_in, W_rel, W_root, b_rgcn,
           W_out1, b_out1, W_out2, b_out2):
    r2 = lambda v: v.reshape(1, -1)
    xs = _encoder(des, tweet, num_prop, cat_prop,
                  W_des, r2(b_des), W_tweet, r2(b_tweet),
                  W_num, r2(b_num), W_cat, r2(b_cat), W_in, r2(b_in))
    pad = E2 - E
    src = jnp.concatenate([edge_index[0], jnp.zeros((pad,), jnp.int32)])
    src = src.reshape(E2 // W, W)
    dstc = edge_type * NP + edge_index[1]
    dst = jnp.concatenate([dstc, jnp.full((pad,), NP - 1, jnp.int32)])
    dst = dst.reshape(E2 // W, W)

    xs_flat = xs.reshape(2 * N, H)
    agg, cnt = _sc_agg_first(xs_flat, src, dst)
    agg4 = agg.reshape(2, 2, NP, H)
    cnt3 = cnt.reshape(2, NP, 16)
    x1 = _rgcn_dense(False, xs, agg4, cnt3, W_root, W_rel, r2(b_rgcn),
                     W_out1, r2(b_out1), W_out2, r2(b_out2))

    (agg2,) = _sc_agg_next(x1.reshape(2 * N, H), src, dst)
    agg2_4 = agg2.reshape(2, 2, NP, H)
    w2p = jnp.pad(W_out2, ((0, 0), (0, D - 2)))
    b2p = jnp.pad(r2(b_out2), ((0, 0), (0, D - 2)))
    out = _rgcn_dense(True, x1, agg2_4, cnt3, W_root, W_rel, r2(b_rgcn),
                      W_out1, r2(b_out1), w2p, b2p)
    return out[:, :2]

# --- scband reference (transcript-rebuilt; emitter-appended) ---
"""Pipeline reference for scband-bot-rgcn-40467181863061 (READ-ONLY COPY).

The authoritative reference and input builder live on the scoring server;
editing this copy changes nothing except your own understanding.
"""

import jax, jax.numpy as jnp
import numpy as np

N = 10000
E = 320000
D = 128


def _leaky(x):
    return jnp.where(x >= 0, x, 0.01 * x)


def setup_inputs(seed: int = 0):
    key = jax.random.key(seed)
    ks = jax.random.split(key, 24)
    s = 0.02
    inp = {}
    inp["des"] = jax.random.normal(ks[0], (N, 768), dtype=jnp.float32)
    inp["tweet"] = jax.random.normal(ks[1], (N, 768), dtype=jnp.float32)
    inp["num_prop"] = jax.random.normal(ks[2], (N, 5), dtype=jnp.float32)
    inp["cat_prop"] = jax.random.normal(ks[3], (N, 3), dtype=jnp.float32)
    inp["edge_index"] = jax.random.randint(ks[4], (2, E), 0, N, dtype=jnp.int32)
    inp["edge_type"] = jax.random.randint(ks[5], (E,), 0, 2, dtype=jnp.int32)
    inp["W_des"] = jax.random.normal(ks[6], (768, 32), dtype=jnp.float32) * s
    inp["b_des"] = jnp.zeros((32,), jnp.float32)
    inp["W_tweet"] = jax.random.normal(ks[7], (768, 32), dtype=jnp.float32) * s
    inp["b_tweet"] = jnp.zeros((32,), jnp.float32)
    inp["W_num"] = jax.random.normal(ks[8], (5, 32), dtype=jnp.float32) * s
    inp["b_num"] = jnp.zeros((32,), jnp.float32)
    inp["W_cat"] = jax.random.normal(ks[9], (3, 32), dtype=jnp.float32) * s
    inp["b_cat"] = jnp.zeros((32,), jnp.float32)
    inp["W_in"] = jax.random.normal(ks[10], (D, D), dtype=jnp.float32) * s
    inp["b_in"] = jnp.zeros((D,), jnp.float32)
    inp["W_rel"] = jax.random.normal(ks[11], (2, D, D), dtype=jnp.float32) * s
    inp["W_root"] = jax.random.normal(ks[12], (D, D), dtype=jnp.float32) * s
    inp["b_rgcn"] = jnp.zeros((D,), jnp.float32)
    inp["W_out1"] = jax.random.normal(ks[13], (D, 64), dtype=jnp.float32) * s
    inp["b_out1"] = jnp.zeros((64,), jnp.float32)
    inp["W_out2"] = jax.random.normal(ks[14], (64, 2), dtype=jnp.float32) * s
    inp["b_out2"] = jnp.zeros((2,), jnp.float32)
    return inp


def _rgcn(x, edge_index, edge_type, W_rel, W_root, b):
    # PyG-style RGCNConv, num_relations=2, aggr='mean', root weight + bias
    src = edge_index[0]
    dst = edge_index[1]
    out = x @ W_root + b
    for r in range(2):
        w = (edge_type == r).astype(x.dtype)
        msg = x[src] * w[:, None]
        agg = jax.ops.segment_sum(msg, dst, num_segments=N)
        cnt = jax.ops.segment_sum(w, dst, num_segments=N)
        out = out + (agg / jnp.clip(cnt, 1.0)[:, None]) @ W_rel[r]
    return out


def reference(des, tweet, num_prop, cat_prop, edge_index, edge_type,
              W_des, b_des, W_tweet, b_tweet, W_num, b_num, W_cat, b_cat,
              W_in, b_in, W_rel, W_root, b_rgcn,
              W_out1, b_out1, W_out2, b_out2):
    d = _leaky(des @ W_des + b_des)
    t = _leaky(tweet @ W_tweet + b_tweet)
    n = _leaky(num_prop @ W_num + b_num)
    c = _leaky(cat_prop @ W_cat + b_cat)
    x = jnp.concatenate([d, t, n, c], axis=1)
    x = _leaky(x @ W_in + b_in)
    x = _rgcn(x, edge_index, edge_type, W_rel, W_root, b_rgcn)
    # dropout is identity in eval mode
    x = _rgcn(x, edge_index, edge_type, W_rel, W_root, b_rgcn)
    x = _leaky(x @ W_out1 + b_out1)
    x = x @ W_out2 + b_out2
    return x

if __name__ == "__main__":
    import jax
    _d = setup_inputs()
    print(jax.jit(kernel)(*tuple(_d.values())))

</pallas_src>

<mosaic_0001>
#map = affine_map<(d0, d1) -> (0, 0)>
module attributes {stable_mosaic.version = 14 : i64} {
  func.func @body(%arg0: i32, %arg1: i32, %arg2: memref<20000x64xf32, #tpu.memory_space<hbm>>, %arg3: memref<2560x128xi32, #tpu.memory_space<hbm>>, %arg4: memref<2560x128xi32, #tpu.memory_space<hbm>>, %arg5: memref<40960x64xf32, #tpu.memory_space<hbm>>, %arg6: memref<8x128xi32, #tpu.memory_space<vmem>>, %arg7: memref<8x128xi32, #tpu.memory_space<vmem>>, %arg8: memref<128x64xf32, #tpu.memory_space<vmem>>, %arg9: memref<128x64xf32, #tpu.memory_space<vmem>>, %arg10: memref<128x64xf32, #tpu.memory_space<vmem>>, %arg11: memref<128x64xf32, #tpu.memory_space<vmem>>, %arg12: memref<20480x64xf32, #tpu.memory_space<vmem_shared>>, %arg13: memref<!tpu.dma_semaphore, #tpu.memory_space<semaphore_mem>>, %arg14: memref<!tpu.dma_semaphore, #tpu.memory_space<semaphore_mem>>, %arg15: memref<!tpu.dma_semaphore, #tpu.memory_space<semaphore_mem>>, %arg16: memref<!tpu.dma_semaphore, #tpu.memory_space<semaphore_mem>>, %arg17: memref<!tpu.dma_semaphore, #tpu.memory_space<semaphore_mem>>) attributes {dimension_semantics = [#tpu.dimension_semantics<core_parallel>, #tpu.dimension_semantics<subcore_parallel>], iteration_bounds = array<i64: 2, 16>, scalar_prefetch = 0 : i64, scratch_operands = 12 : i64, tpu.core_type = #tpu.core_type<sc_vector_subcore>, window_params = [{transform_indices = #map}, {transform_indices = #map}, {transform_indices = #map}, {transform_indices = #map}]} {
    %broadcast_in_dim3A = arith.constant 0.000000e+00 : f32
    %broadcast_in_dim3A_0 = vector.broadcast %broadcast_in_dim3A : f32 to vector<16xf32>
    %scan3A = arith.constant 0 : i32
    %scan3A_1 = arith.constant 128 : i32
    %scan3A_2 = arith.addi %scan3A, %scan3A_1 : i32
    %scan3A_3 = arith.constant 1 : i32
    scf.for %scan3A_36 = %scan3A to %scan3A_2 step %scan3A_3  : i32 {
      %mul3A_37 = arith.constant 1 : i32
      %mul3A_38 = arith.muli %scan3A_36, %mul3A_37 : i32
      %add3A_39 = arith.constant 0 : i32
      %add3A_40 = arith.addi %add3A_39, %mul3A_38 : i32
      %swap3A = arith.index_cast %add3A_40 : i32 to index
      %swap3A_41 = arith.constant 0 : index
      %swap3A_42 = tpu.vector_load %arg8[%swap3A, %swap3A_41] {strides = array<i32>} : memref<128x64xf32, #tpu.memory_space<vmem>>, vector<1x16xf32>,
      %swap3A_43 = vector.shape_cast %swap3A_42 : vector<1x16xf32> to vector<16xf32>
      %swap3A_44 = vector.shape_cast %broadcast_in_dim3A_0 : vector<16xf32> to vector<1x16xf32>
      tpu.vector_store %arg8[%swap3A, %swap3A_41], %swap3A_44 {strides = array<i32>} : memref<128x64xf32, #tpu.memory_space<vmem>>, vector<1x16xf32>,
      %swap3A_45 = arith.index_cast %add3A_40 : i32 to index
      %swap3A_46 = arith.constant 16 : index
      %swap3A_47 = tpu.vector_load %arg8[%swap3A_45, %swap3A_46] {strides = array<i32>} : memref<128x64xf32, #tpu.memory_space<vmem>>, vector<1x16xf32>,
      %swap3A_48 = vector.shape_cast %swap3A_47 : vector<1x16xf32> to vector<16xf32>
      %swap3A_49 = vector.shape_cast %broadcast_in_dim3A_0 : vector<16xf32> to vector<1x16xf32>
      tpu.vector_store %arg8[%swap3A_45, %swap3A_46], %swap3A_49 {strides = array<i32>} : memref<128x64xf32, #tpu.memory_space<vmem>>, vector<1x16xf32>,
      %swap3A_50 = arith.index_cast %add3A_40 : i32 to index
      %swap3A_51 = arith.constant 32 : index
      %swap3A_52 = tpu.vector_load %arg8[%swap3A_50, %swap3A_51] {strides = array<i32>} : memref<128x64xf32, #tpu.memory_space<vmem>>, vector<1x16xf32>,
      %swap3A_53 = vector.shape_cast %swap3A_52 : vector<1x16xf32> to vector<16xf32>
      %swap3A_54 = vector.shape_cast %broadcast_in_dim3A_0 : vector<16xf32> to vector<1x16xf32>
      tpu.vector_store %arg8[%swap3A_50, %swap3A_51], %swap3A_54 {strides = array<i32>} : memref<128x64xf32, #tpu.memory_space<vmem>>, vector<1x16xf32>,
      %swap3A_55 = arith.index_cast %add3A_40 : i32 to index
      %swap3A_56 = arith.constant 48 : index
      %swap3A_57 = tpu.vector_load %arg8[%swap3A_55, %swap3A_56] {strides = array<i32>} : memref<128x64xf32, #tpu.memory_space<vmem>>, vector<1x16xf32>,
      %swap3A_58 = vector.shape_cast %swap3A_57 : vector<1x16xf32> to vector<16xf32>
      %swap3A_59 = vector.shape_cast %broadcast_in_dim3A_0 : vector<16xf32> to vector<1x16xf32>
      tpu.vector_store %arg8[%swap3A_55, %swap3A_56], %swap3A_59 {strides = array<i32>} : memref<128x64xf32, #tpu.memory_space<vmem>>, vector<1x16xf32>,
    }
    %scan3A_4 = arith.constant 128 : i32
    %mul3A = arith.constant 1280 : i32
    %mul3A_5 = arith.muli %arg1, %mul3A : i32
    %add3A = arith.constant 0 : i32
    %add3A_6 = arith.addi %mul3A_5, %add3A : i32
    "tpu.region"() ({
      %run_scoped3A = tpu.sem_alloc : memref<!tpu.dma_semaphore, #tpu.memory_space<semaphore_mem>>
      %dma_start3A = arith.constant 0 : i32
      %dma_start3A_36 = arith.constant 0 : i32
      %dma_start3A_37 = tpu.memref_slice %arg8[%dma_start3A, %dma_start3A_36] : memref<128x64xf32, #tpu.memory_space<vmem>> -> memref<128x64xf32, #tpu.memory_space<vmem>>
      %dma_start3A_38 = arith.constant 0 : i32
      %dma_start3A_39 = tpu.memref_slice %arg12[%add3A_6, %dma_start3A_38] : memref<20480x64xf32, #tpu.memory_space<vmem_shared>> -> memref<128x64xf32, #tpu.memory_space<vmem_shared>>
      %dma_start3A_40 = arith.constant 0 : i32
      %dma_start3A_41 = tpu.memref_slice %arg12[%add3A_6, %dma_start3A_40] : memref<20480x64xf32, #tpu.memory_space<vmem_shared>> -> memref<128x64xf32, #tpu.memory_space<vmem_shared>>
      %dma_start3A_42 = arith.constant 0 : i32
      %dma_start3A_43 = arith.constant 0 : i32
      %dma_start3A_44 = tpu.memref_slice %arg8[%dma_start3A_42, %dma_start3A_43] : memref<128x64xf32, #tpu.memory_space<vmem>> -> memref<128x64xf32, #tpu.memory_space<vmem>>
      tpu.enqueue_dma source(%dma_start3A_44 : memref<128x64xf32, #tpu.memory_space<vmem>>) target(%dma_start3A_41 : memref<128x64xf32, #tpu.memory_space<vmem_shared>>) target_semaphore(%run_scoped3A : memref<!tpu.dma_semaphore, #tpu.memory_space<semaphore_mem>>)
      %dma_wait3A = arith.constant 0 : i32
      %dma_wait3A_45 = arith.constant 0 : i32
      %dma_wait3A_46 = tpu.memref_slice %arg8[%dma_wait3A, %dma_wait3A_45] : memref<128x64xf32, #tpu.memory_space<vmem>> -> memref<128x64xf32, #tpu.memory_space<vmem>>
      %dma_wait3A_47 = arith.constant 0 : i32
      %dma_wait3A_48 = tpu.memref_slice %arg12[%add3A_6, %dma_wait3A_47] : memref<20480x64xf32, #tpu.memory_space<vmem_shared>> -> memref<128x64xf32, #tpu.memory_space<vmem_shared>>
      %dma_wait3A_49 = arith.constant 0 : i32
      %dma_wait3A_50 = tpu.memref_slice %arg12[%add3A_6, %dma_wait3A_49] : memref<20480x64xf32, #tpu.memory_space<vmem_shared>> -> memref<128x64xf32, #tpu.memory_space<vmem_shared>>
      %dma_wait3A_51 = arith.constant 0 : i32
      %dma_wait3A_52 = arith.constant 0 : i32
      %dma_wait3A_53 = tpu.memref_slice %arg8[%dma_wait3A_51, %dma_wait3A_52] : memref<128x64xf32, #tpu.memory_space<vmem>> -> memref<128x64xf32, #tpu.memory_space<vmem>>
      tpu.wait_dma2 semaphore(%run_scoped3A : memref<!tpu.dma_semaphore, #tpu.memory_space<semaphore_mem>>) src(%dma_wait3A_53 : memref<128x64xf32, #tpu.memory_space<vmem>>) dst(%dma_wait3A_50 : memref<128x64xf32, #tpu.memory_space<vmem_shared>>)
      tpu.yield
    }) : () -> ()
    %add3A_7 = arith.constant 128 : i32
    %add3A_8 = arith.addi %mul3A_5, %add3A_7 : i32
    "tpu.region"() ({
      %run_scoped3A = tpu.sem_alloc : memref<!tpu.dma_semaphore, #tpu.memory_space<semaphore_mem>>
      %dma_start3A = arith.constant 0 : i32
      %dma_start3A_36 = arith.constant 0 : i32
      %dma_start3A_37 = tpu.memref_slice %arg8[%dma_start3A, %dma_start3A_36] : memref<128x64xf32, #tpu.memory_space<vmem>> -> memref<128x64xf32, #tpu.memory_space<vmem>>
      %dma_start3A_38 = arith.constant 0 : i32
      %dma_start3A_39 = tpu.memref_slice %arg12[%add3A_8, %dma_start3A_38] : memref<20480x64xf32, #tpu.memory_space<vmem_shared>> -> memref<128x64xf32, #tpu.memory_space<vmem_shared>>
      %dma_start3A_40 = arith.constant 0 : i32
      %dma_start3A_41 = tpu.memref_slice %arg12[%add3A_8, %dma_start3A_40] : memref<20480x64xf32, #tpu.memory_space<vmem_shared>> -> memref<128x64xf32, #tpu.memory_space<vmem_shared>>
      %dma_start3A_42 = arith.constant 0 : i32
      %dma_start3A_43 = arith.constant 0 : i32
      %dma_start3A_44 = tpu.memref_slice %arg8[%dma_start3A_42, %dma_start3A_43] : memref<128x64xf32, #tpu.memory_space<vmem>> -> memref<128x64xf32, #tpu.memory_space<vmem>>
      tpu.enqueue_dma source(%dma_start3A_44 : memref<128x64xf32, #tpu.memory_space<vmem>>) target(%dma_start3A_41 : memref<128x64xf32, #tpu.memory_space<vmem_shared>>) target_semaphore(%run_scoped3A : memref<!tpu.dma_semaphore, #tpu.memory_space<semaphore_mem>>)
      %dma_wait3A = arith.constant 0 : i32
      %dma_wait3A_45 = arith.constant 0 : i32
      %dma_wait3A_46 = tpu.memref_slice %arg8[%dma_wait3A, %dma_wait3A_45] : memref<128x64xf32, #tpu.memory_space<vmem>> -> memref<128x64xf32, #tpu.memory_space<vmem>>
      %dma_wait3A_47 = arith.constant 0 : i32
      %dma_wait3A_48 = tpu.memref_slice %arg12[%add3A_8, %dma_wait3A_47] : memref<20480x64xf32, #tpu.memory_space<vmem_shared>> -> memref<128x64xf32, #tpu.memory_space<vmem_shared>>
      %dma_wait3A_49 = arith.constant 0 : i32
      %dma_wait3A_50 = tpu.memref_slice %arg12[%add3A_8, %dma_wait3A_49] : memref<20480x64xf32, #tpu.memory_space<vmem_shared>> -> memref<128x64xf32, #tpu.memory_space<vmem_shared>>
      %dma_wait3A_51 = arith.constant 0 : i32
      %dma_wait3A_52 = arith.constant 0 : i32
      %dma_wait3A_53 = tpu.memref_slice %arg8[%dma_wait3A_51, %dma_wait3A_52] : memref<128x64xf32, #tpu.memory_space<vmem>> -> memref<128x64xf32, #tpu.memory_space<vmem>>
      tpu.wait_dma2 semaphore(%run_scoped3A : memref<!tpu.dma_semaphore, #tpu.memory_space<semaphore_mem>>) src(%dma_wait3A_53 : memref<128x64xf32, #tpu.memory_space<vmem>>) dst(%dma_wait3A_50 : memref<128x64xf32, #tpu.memory_space<vmem_shared>>)
      tpu.yield
    }) : () -> ()
    %add3A_9 = arith.constant 256 : i32
    %add3A_10 = arith.addi %mul3A_5, %add3A_9 : i32
    "tpu.region"() ({
      %run_scoped3A = tpu.sem_alloc : memref<!tpu.dma_semaphore, #tpu.memory_space<semaphore_mem>>
      %dma_start3A = arith.constant 0 : i32
      %dma_start3A_36 = arith.constant 0 : i32
      %dma_start3A_37 = tpu.memref_slice %arg8[%dma_start3A, %dma_start3A_36] : memref<128x64xf32, #tpu.memory_space<vmem>> -> memref<128x64xf32, #tpu.memory_space<vmem>>
      %dma_start3A_38 = arith.constant 0 : i32
      %dma_start3A_39 = tpu.memref_slice %arg12[%add3A_10, %dma_start3A_38] : memref<20480x64xf32, #tpu.memory_space<vmem_shared>> -> memref<128x64xf32, #tpu.memory_space<vmem_shared>>
      %dma_start3A_40 = arith.constant 0 : i32
      %dma_start3A_41 = tpu.memref_slice %arg12[%add3A_10, %dma_start3A_40] : memref<20480x64xf32, #tpu.memory_space<vmem_shared>> -> memref<128x64xf32, #tpu.memory_space<vmem_shared>>
      %dma_start3A_42 = arith.constant 0 : i32
      %dma_start3A_43 = arith.constant 0 : i32
      %dma_start3A_44 = tpu.memref_slice %arg8[%dma_start3A_42, %dma_start3A_43] : memref<128x64xf32, #tpu.memory_space<vmem>> -> memref<128x64xf32, #tpu.memory_space<vmem>>
      tpu.enqueue_dma source(%dma_start3A_44 : memref<128x64xf32, #tpu.memory_space<vmem>>) target(%dma_start3A_41 : memref<128x64xf32, #tpu.memory_space<vmem_shared>>) target_semaphore(%run_scoped3A : memref<!tpu.dma_semaphore, #tpu.memory_space<semaphore_mem>>)
      %dma_wait3A = arith.constant 0 : i32
      %dma_wait3A_45 = arith.constant 0 : i32
      %dma_wait3A_46 = tpu.memref_slice %arg8[%dma_wait3A, %dma_wait3A_45] : memref<128x64xf32, #tpu.memory_space<vmem>> -> memref<128x64xf32, #tpu.memory_space<vmem>>
      %dma_wait3A_47 = arith.constant 0 : i32
      %dma_wait3A_48 = tpu.memref_slice %arg12[%add3A_10, %dma_wait3A_47] : memref<20480x64xf32, #tpu.memory_space<vmem_shared>> -> memref<128x64xf32, #tpu.memory_space<vmem_shared>>
      %dma_wait3A_49 = arith.constant 0 : i32
      %dma_wait3A_50 = tpu.memref_slice %arg12[%add3A_10, %dma_wait3A_49] : memref<20480x64xf32, #tpu.memory_space<vmem_shared>> -> memref<128x64xf32, #tpu.memory_space<vmem_shared>>
      %dma_wait3A_51 = arith.constant 0 : i32
      %dma_wait3A_52 = arith.constant 0 : i32
      %dma_wait3A_53 = tpu.memref_slice %arg8[%dma_wait3A_51, %dma_wait3A_52] : memref<128x64xf32, #tpu.memory_space<vmem>> -> memref<128x64xf32, #tpu.memory_space<vmem>>
      tpu.wait_dma2 semaphore(%run_scoped3A : memref<!tpu.dma_semaphore, #tpu.memory_space<semaphore_mem>>) src(%dma_wait3A_53 : memref<128x64xf32, #tpu.memory_space<vmem>>) dst(%dma_wait3A_50 : memref<128x64xf32, #tpu.memory_space<vmem_shared>>)
      tpu.yield
    }) : () -> ()
    %add3A_11 = arith.constant 384 : i32
    %add3A_12 = arith.addi %mul3A_5, %add3A_11 : i32
    "tpu.region"() ({
      %run_scoped3A = tpu.sem_alloc : memref<!tpu.dma_semaphore, #tpu.memory_space<semaphore_mem>>
      %dma_start3A = arith.constant 0 : i32
      %dma_start3A_36 = arith.constant 0 : i32
      %dma_start3A_37 = tpu.memref_slice %arg8[%dma_start3A, %dma_start3A_36] : memref<128x64xf32, #tpu.memory_space<vmem>> -> memref<128x64xf32, #tpu.memory_space<vmem>>
      %dma_start3A_38 = arith.constant 0 : i32
      %dma_start3A_39 = tpu.memref_slice %arg12[%add3A_12, %dma_start3A_38] : memref<20480x64xf32, #tpu.memory_space<vmem_shared>> -> memref<128x64xf32, #tpu.memory_space<vmem_shared>>
      %dma_start3A_40 = arith.constant 0 : i32
      %dma_start3A_41 = tpu.memref_slice %arg12[%add3A_12, %dma_start3A_40] : memref<20480x64xf32, #tpu.memory_space<vmem_shared>> -> memref<128x64xf32, #tpu.memory_space<vmem_shared>>
      %dma_start3A_42 = arith.constant 0 : i32
      %dma_start3A_43 = arith.constant 0 : i32
      %dma_start3A_44 = tpu.memref_slice %arg8[%dma_start3A_42, %dma_start3A_43] : memref<128x64xf32, #tpu.memory_space<vmem>> -> memref<128x64xf32, #tpu.memory_space<vmem>>
      tpu.enqueue_dma source(%dma_start3A_44 : memref<128x64xf32, #tpu.memory_space<vmem>>) target(%dma_start3A_41 : memref<128x64xf32, #tpu.memory_space<vmem_shared>>) target_semaphore(%run_scoped3A : memref<!tpu.dma_semaphore, #tpu.memory_space<semaphore_mem>>)
      %dma_wait3A = arith.constant 0 : i32
      %dma_wait3A_45 = arith.constant 0 : i32
      %dma_wait3A_46 = tpu.memref_slice %arg8[%dma_wait3A, %dma_wait3A_45] : memref<128x64xf32, #tpu.memory_space<vmem>> -> memref<128x64xf32, #tpu.memory_space<vmem>>
      %dma_wait3A_47 = arith.constant 0 : i32
      %dma_wait3A_48 = tpu.memref_slice %arg12[%add3A_12, %dma_wait3A_47] : memref<20480x64xf32, #tpu.memory_space<vmem_shared>> -> memref<128x64xf32, #tpu.memory_space<vmem_shared>>
      %dma_wait3A_49 = arith.constant 0 : i32
      %dma_wait3A_50 = tpu.memref_slice %arg12[%add3A_12, %dma_wait3A_49] : memref<20480x64xf32, #tpu.memory_space<vmem_shared>> -> memref<128x64xf32, #tpu.memory_space<vmem_shared>>
      %dma_wait3A_51 = arith.constant 0 : i32
      %dma_wait3A_52 = arith.constant 0 : i32
      %dma_wait3A_53 = tpu.memref_slice %arg8[%dma_wait3A_51, %dma_wait3A_52] : memref<128x64xf32, #tpu.memory_space<vmem>> -> memref<128x64xf32, #tpu.memory_space<vmem>>
      tpu.wait_dma2 semaphore(%run_scoped3A : memref<!tpu.dma_semaphore, #tpu.memory_space<semaphore_mem>>) src(%dma_wait3A_53 : memref<128x64xf32, #tpu.memory_space<vmem>>) dst(%dma_wait3A_50 : memref<128x64xf32, #tpu.memory_space<vmem_shared>>)
      tpu.yield
    }) : () -> ()
    %add3A_13 = arith.constant 512 : i32
    %add3A_14 = arith.addi %mul3A_5, %add3A_13 : i32
    "tpu.region"() ({
      %run_scoped3A = tpu.sem_alloc : memref<!tpu.dma_semaphore, #tpu.memory_space<semaphore_mem>>
      %dma_start3A = arith.constant 0 : i32
      %dma_start3A_36 = arith.constant 0 : i32
      %dma_start3A_37 = tpu.memref_slice %arg8[%dma_start3A, %dma_start3A_36] : memref<128x64xf32, #tpu.memory_space<vmem>> -> memref<128x64xf32, #tpu.memory_space<vmem>>
      %dma_start3A_38 = arith.constant 0 : i32
      %dma_start3A_39 = tpu.memref_slice %arg12[%add3A_14, %dma_start3A_38] : memref<20480x64xf32, #tpu.memory_space<vmem_shared>> -> memref<128x64xf32, #tpu.memory_space<vmem_shared>>
      %dma_start3A_40 = arith.constant 0 : i32
      %dma_start3A_41 = tpu.memref_slice %arg12[%add3A_14, %dma_start3A_40] : memref<20480x64xf32, #tpu.memory_space<vmem_shared>> -> memref<128x64xf32, #tpu.memory_space<vmem_shared>>
      %dma_start3A_42 = arith.constant 0 : i32
      %dma_start3A_43 = arith.constant 0 : i32
      %dma_start3A_44 = tpu.memref_slice %arg8[%dma_start3A_42, %dma_start3A_43] : memref<128x64xf32, #tpu.memory_space<vmem>> -> memref<128x64xf32, #tpu.memory_space<vmem>>
      tpu.enqueue_dma source(%dma_start3A_44 : memref<128x64xf32, #tpu.memory_space<vmem>>) target(%dma_start3A_41 : memref<128x64xf32, #tpu.memory_space<vmem_shared>>) target_semaphore(%run_scoped3A : memref<!tpu.dma_semaphore, #tpu.memory_space<semaphore_mem>>)
      %dma_wait3A = arith.constant 0 : i32
      %dma_wait3A_45 = arith.constant 0 : i32
      %dma_wait3A_46 = tpu.memref_slice %arg8[%dma_wait3A, %dma_wait3A_45] : memref<128x64xf32, #tpu.memory_space<vmem>> -> memref<128x64xf32, #tpu.memory_space<vmem>>
      %dma_wait3A_47 = arith.constant 0 : i32
      %dma_wait3A_48 = tpu.memref_slice %arg12[%add3A_14, %dma_wait3A_47] : memref<20480x64xf32, #tpu.memory_space<vmem_shared>> -> memref<128x64xf32, #tpu.memory_space<vmem_shared>>
      %dma_wait3A_49 = arith.constant 0 : i32
      %dma_wait3A_50 = tpu.memref_slice %arg12[%add3A_14, %dma_wait3A_49] : memref<20480x64xf32, #tpu.memory_space<vmem_shared>> -> memref<128x64xf32, #tpu.memory_space<vmem_shared>>
      %dma_wait3A_51 = arith.constant 0 : i32
      %dma_wait3A_52 = arith.constant 0 : i32
      %dma_wait3A_53 = tpu.memref_slice %arg8[%dma_wait3A_51, %dma_wait3A_52] : memref<128x64xf32, #tpu.memory_space<vmem>> -> memref<128x64xf32, #tpu.memory_space<vmem>>
      tpu.wait_dma2 semaphore(%run_scoped3A : memref<!tpu.dma_semaphore, #tpu.memory_space<semaphore_mem>>) src(%dma_wait3A_53 : memref<128x64xf32, #tpu.memory_space<vmem>>) dst(%dma_wait3A_50 : memref<128x64xf32, #tpu.memory_space<vmem_shared>>)
      tpu.yield
    }) : () -> ()
    %add3A_15 = arith.constant 640 : i32
    %add3A_16 = arith.addi %mul3A_5, %add3A_15 : i32
    "tpu.region"() ({
      %run_scoped3A = tpu.sem_alloc : memref<!tpu.dma_semaphore, #tpu.memory_space<semaphore_mem>>
      %dma_start3A = arith.constant 0 : i32
      %dma_start3A_36 = arith.constant 0 : i32
      %dma_start3A_37 = tpu.memref_slice %arg8[%dma_start3A, %dma_start3A_36] : memref<128x64xf32, #tpu.memory_space<vmem>> -> memref<128x64xf32, #tpu.memory_space<vmem>>
      %dma_start3A_38 = arith.constant 0 : i32
      %dma_start3A_39 = tpu.memref_slice %arg12[%add3A_16, %dma_start3A_38] : memref<20480x64xf32, #tpu.memory_space<vmem_shared>> -> memref<128x64xf32, #tpu.memory_space<vmem_shared>>
      %dma_start3A_40 = arith.constant 0 : i32
      %dma_start3A_41 = tpu.memref_slice %arg12[%add3A_16, %dma_start3A_40] : memref<20480x64xf32, #tpu.memory_space<vmem_shared>> -> memref<128x64xf32, #tpu.memory_space<vmem_shared>>
      %dma_start3A_42 = arith.constant 0 : i32
      %dma_start3A_43 = arith.constant 0 : i32
      %dma_start3A_44 = tpu.memref_slice %arg8[%dma_start3A_42, %dma_start3A_43] : memref<128x64xf32, #tpu.memory_space<vmem>> -> memref<128x64xf32, #tpu.memory_space<vmem>>
      tpu.enqueue_dma source(%dma_start3A_44 : memref<128x64xf32, #tpu.memory_space<vmem>>) target(%dma_start3A_41 : memref<128x64xf32, #tpu.memory_space<vmem_shared>>) target_semaphore(%run_scoped3A : memref<!tpu.dma_semaphore, #tpu.memory_space<semaphore_mem>>)
      %dma_wait3A = arith.constant 0 : i32
      %dma_wait3A_45 = arith.constant 0 : i32
      %dma_wait3A_46 = tpu.memref_slice %arg8[%dma_wait3A, %dma_wait3A_45] : memref<128x64xf32, #tpu.memory_space<vmem>> -> memref<128x64xf32, #tpu.memory_space<vmem>>
      %dma_wait3A_47 = arith.constant 0 : i32
      %dma_wait3A_48 = tpu.memref_slice %arg12[%add3A_16, %dma_wait3A_47] : memref<20480x64xf32, #tpu.memory_space<vmem_shared>> -> memref<128x64xf32, #tpu.memory_space<vmem_shared>>
      %dma_wait3A_49 = arith.constant 0 : i32
      %dma_wait3A_50 = tpu.memref_slice %arg12[%add3A_16, %dma_wait3A_49] : memref<20480x64xf32, #tpu.memory_space<vmem_shared>> -> memref<128x64xf32, #tpu.memory_space<vmem_shared>>
      %dma_wait3A_51 = arith.constant 0 : i32
      %dma_wait3A_52 = arith.constant 0 : i32
      %dma_wait3A_53 = tpu.memref_slice %arg8[%dma_wait3A_51, %dma_wait3A_52] : memref<128x64xf32, #tpu.memory_space<vmem>> -> memref<128x64xf32, #tpu.memory_space<vmem>>
      tpu.wait_dma2 semaphore(%run_scoped3A : memref<!tpu.dma_semaphore, #tpu.memory_space<semaphore_mem>>) src(%dma_wait3A_53 : memref<128x64xf32, #tpu.memory_space<vmem>>) dst(%dma_wait3A_50 : memref<128x64xf32, #tpu.memory_space<vmem_shared>>)
      tpu.yield
    }) : () -> ()
    %add3A_17 = arith.constant 768 : i32
    %add3A_18 = arith.addi %mul3A_5, %add3A_17 : i32
    "tpu.region"() ({
      %run_scoped3A = tpu.sem_alloc : memref<!tpu.dma_semaphore, #tpu.memory_space<semaphore_mem>>
      %dma_start3A = arith.constant 0 : i32
      %dma_start3A_36 = arith.constant 0 : i32
      %dma_start3A_37 = tpu.memref_slice %arg8[%dma_start3A, %dma_start3A_36] : memref<128x64xf32, #tpu.memory_space<vmem>> -> memref<128x64xf32, #tpu.memory_space<vmem>>
      %dma_start3A_38 = arith.constant 0 : i32
      %dma_start3A_39 = tpu.memref_slice %arg12[%add3A_18, %dma_start3A_38] : memref<20480x64xf32, #tpu.memory_space<vmem_shared>> -> memref<128x64xf32, #tpu.memory_space<vmem_shared>>
      %dma_start3A_40 = arith.constant 0 : i32
      %dma_start3A_41 = tpu.memref_slice %arg12[%add3A_18, %dma_start3A_40] : memref<20480x64xf32, #tpu.memory_space<vmem_shared>> -> memref<128x64xf32, #tpu.memory_space<vmem_shared>>
      %dma_start3A_42 = arith.constant 0 : i32
      %dma_start3A_43 = arith.constant 0 : i32
      %dma_start3A_44 = tpu.memref_slice %arg8[%dma_start3A_42, %dma_start3A_43] : memref<128x64xf32, #tpu.memory_space<vmem>> -> memref<128x64xf32, #tpu.memory_space<vmem>>
      tpu.enqueue_dma source(%dma_start3A_44 : memref<128x64xf32, #tpu.memory_space<vmem>>) target(%dma_start3A_41 : memref<128x64xf32, #tpu.memory_space<vmem_shared>>) target_semaphore(%run_scoped3A : memref<!tpu.dma_semaphore, #tpu.memory_space<semaphore_mem>>)
      %dma_wait3A = arith.constant 0 : i32
      %dma_wait3A_45 = arith.constant 0 : i32
      %dma_wait3A_46 = tpu.memref_slice %arg8[%dma_wait3A, %dma_wait3A_45] : memref<128x64xf32, #tpu.memory_space<vmem>> -> memref<128x64xf32, #tpu.memory_space<vmem>>
      %dma_wait3A_47 = arith.constant 0 : i32
      %dma_wait3A_48 = tpu.memref_slice %arg12[%add3A_18, %dma_wait3A_47] : memref<20480x64xf32, #tpu.memory_space<vmem_shared>> -> memref<128x64xf32, #tpu.memory_space<vmem_shared>>
      %dma_wait3A_49 = arith.constant 0 : i32
      %dma_wait3A_50 = tpu.memref_slice %arg12[%add3A_18, %dma_wait3A_49] : memref<20480x64xf32, #tpu.memory_space<vmem_shared>> -> memref<128x64xf32, #tpu.memory_space<vmem_shared>>
      %dma_wait3A_51 = arith.constant 0 : i32
      %dma_wait3A_52 = arith.constant 0 : i32
      %dma_wait3A_53 = tpu.memref_slice %arg8[%dma_wait3A_51, %dma_wait3A_52] : memref<128x64xf32, #tpu.memory_space<vmem>> -> memref<128x64xf32, #tpu.memory_space<vmem>>
      tpu.wait_dma2 semaphore(%run_scoped3A : memref<!tpu.dma_semaphore, #tpu.memory_space<semaphore_mem>>) src(%dma_wait3A_53 : memref<128x64xf32, #tpu.memory_space<vmem>>) dst(%dma_wait3A_50 : memref<128x64xf32, #tpu.memory_space<vmem_shared>>)
      tpu.yield
    }) : () -> ()
    %add3A_19 = arith.constant 896 : i32
    %add3A_20 = arith.addi %mul3A_5, %add3A_19 : i32
    "tpu.region"() ({
      %run_scoped3A = tpu.sem_alloc : memref<!tpu.dma_semaphore, #tpu.memory_space<semaphore_mem>>
      %dma_start3A = arith.constant 0 : i32
      %dma_start3A_36 = arith.constant 0 : i32
      %dma_start3A_37 = tpu.memref_slice %arg8[%dma_start3A, %dma_start3A_36] : memref<128x64xf32, #tpu.memory_space<vmem>> -> memref<128x64xf32, #tpu.memory_space<vmem>>
      %dma_start3A_38 = arith.constant 0 : i32
      %dma_start3A_39 = tpu.memref_slice %arg12[%add3A_20, %dma_start3A_38] : memref<20480x64xf32, #tpu.memory_space<vmem_shared>> -> memref<128x64xf32, #tpu.memory_space<vmem_shared>>
      %dma_start3A_40 = arith.constant 0 : i32
      %dma_start3A_41 = tpu.memref_slice %arg12[%add3A_20, %dma_start3A_40] : memref<20480x64xf32, #tpu.memory_space<vmem_shared>> -> memref<128x64xf32, #tpu.memory_space<vmem_shared>>
      %dma_start3A_42 = arith.constant 0 : i32
      %dma_start3A_43 = arith.constant 0 : i32
      %dma_start3A_44 = tpu.memref_slice %arg8[%dma_start3A_42, %dma_start3A_43] : memref<128x64xf32, #tpu.memory_space<vmem>> -> memref<128x64xf32, #tpu.memory_space<vmem>>
      tpu.enqueue_dma source(%dma_start3A_44 : memref<128x64xf32, #tpu.memory_space<vmem>>) target(%dma_start3A_41 : memref<128x64xf32, #tpu.memory_space<vmem_shared>>) target_semaphore(%run_scoped3A : memref<!tpu.dma_semaphore, #tpu.memory_space<semaphore_mem>>)
      %dma_wait3A = arith.constant 0 : i32
      %dma_wait3A_45 = arith.constant 0 : i32
      %dma_wait3A_46 = tpu.memref_slice %arg8[%dma_wait3A, %dma_wait3A_45] : memref<128x64xf32, #tpu.memory_space<vmem>> -> memref<128x64xf32, #tpu.memory_space<vmem>>
      %dma_wait3A_47 = arith.constant 0 : i32
      %dma_wait3A_48 = tpu.memref_slice %arg12[%add3A_20, %dma_wait3A_47] : memref<20480x64xf32, #tpu.memory_space<vmem_shared>> -> memref<128x64xf32, #tpu.memory_space<vmem_shared>>
      %dma_wait3A_49 = arith.constant 0 : i32
      %dma_wait3A_50 = tpu.memref_slice %arg12[%add3A_20, %dma_wait3A_49] : memref<20480x64xf32, #tpu.memory_space<vmem_shared>> -> memref<128x64xf32, #tpu.memory_space<vmem_shared>>
      %dma_wait3A_51 = arith.constant 0 : i32
      %dma_wait3A_52 = arith.constant 0 : i32
      %dma_wait3A_53 = tpu.memref_slice %arg8[%dma_wait3A_51, %dma_wait3A_52] : memref<128x64xf32, #tpu.memory_space<vmem>> -> memref<128x64xf32, #tpu.memory_space<vmem>>
      tpu.wait_dma2 semaphore(%run_scoped3A : memref<!tpu.dma_semaphore, #tpu.memory_space<semaphore_mem>>) src(%dma_wait3A_53 : memref<128x64xf32, #tpu.memory_space<vmem>>) dst(%dma_wait3A_50 : memref<128x64xf32, #tpu.memory_space<vmem_shared>>)
      tpu.yield
    }) : () -> ()
    %add3A_21 = arith.constant 1024 : i32
    %add3A_22 = arith.addi %mul3A_5, %add3A_21 : i32
    "tpu.region"() ({
      %run_scoped3A = tpu.sem_alloc : memref<!tpu.dma_semaphore, #tpu.memory_space<semaphore_mem>>
      %dma_start3A = arith.constant 0 : i32
      %dma_start3A_36 = arith.constant 0 : i32
      %dma_start3A_37 = tpu.memref_slice %arg8[%dma_start3A, %dma_start3A_36] : memref<128x64xf32, #tpu.memory_space<vmem>> -> memref<128x64xf32, #tpu.memory_space<vmem>>
      %dma_start3A_38 = arith.constant 0 : i32
      %dma_start3A_39 = tpu.memref_slice %arg12[%add3A_22, %dma_start3A_38] : memref<20480x64xf32, #tpu.memory_space<vmem_shared>> -> memref<128x64xf32, #tpu.memory_space<vmem_shared>>
      %dma_start3A_40 = arith.constant 0 : i32
      %dma_start3A_41 = tpu.memref_slice %arg12[%add3A_22, %dma_start3A_40] : memref<20480x64xf32, #tpu.memory_space<vmem_shared>> -> memref<128x64xf32, #tpu.memory_space<vmem_shared>>
      %dma_start3A_42 = arith.constant 0 : i32
      %dma_start3A_43 = arith.constant 0 : i32
      %dma_start3A_44 = tpu.memref_slice %arg8[%dma_start3A_42, %dma_start3A_43] : memref<128x64xf32, #tpu.memory_space<vmem>> -> memref<128x64xf32, #tpu.memory_space<vmem>>
      tpu.enqueue_dma source(%dma_start3A_44 : memref<128x64xf32, #tpu.memory_space<vmem>>) target(%dma_start3A_41 : memref<128x64xf32, #tpu.memory_space<vmem_shared>>) target_semaphore(%run_scoped3A : memref<!tpu.dma_semaphore, #tpu.memory_space<semaphore_mem>>)
      %dma_wait3A = arith.constant 0 : i32
      %dma_wait3A_45 = arith.constant 0 : i32
      %dma_wait3A_46 = tpu.memref_slice %arg8[%dma_wait3A, %dma_wait3A_45] : memref<128x64xf32, #tpu.memory_space<vmem>> -> memref<128x64xf32, #tpu.memory_space<vmem>>
      %dma_wait3A_47 = arith.constant 0 : i32
      %dma_wait3A_48 = tpu.memref_slice %arg12[%add3A_22, %dma_wait3A_47] : memref<20480x64xf32, #tpu.memory_space<vmem_shared>> -> memref<128x64xf32, #tpu.memory_space<vmem_shared>>
      %dma_wait3A_49 = arith.constant 0 : i32
      %dma_wait3A_50 = tpu.memref_slice %arg12[%add3A_22, %dma_wait3A_49] : memref<20480x64xf32, #tpu.memory_space<vmem_shared>> -> memref<128x64xf32, #tpu.memory_space<vmem_shared>>
      %dma_wait3A_51 = arith.constant 0 : i32
      %dma_wait3A_52 = arith.constant 0 : i32
      %dma_wait3A_53 = tpu.memref_slice %arg8[%dma_wait3A_51, %dma_wait3A_52] : memref<128x64xf32, #tpu.memory_space<vmem>> -> memref<128x64xf32, #tpu.memory_space<vmem>>
      tpu.wait_dma2 semaphore(%run_scoped3A : memref<!tpu.dma_semaphore, #tpu.memory_space<semaphore_mem>>) src(%dma_wait3A_53 : memref<128x64xf32, #tpu.memory_space<vmem>>) dst(%dma_wait3A_50 : memref<128x64xf32, #tpu.memory_space<vmem_shared>>)
      tpu.yield
    }) : () -> ()
    %add3A_23 = arith.constant 1152 : i32
    %add3A_24 = arith.addi %mul3A_5, %add3A_23 : i32
    "tpu.region"() ({
      %run_scoped3A = tpu.sem_alloc : memref<!tpu.dma_semaphore, #tpu.memory_space<semaphore_mem>>
      %dma_start3A = arith.constant 0 : i32
      %dma_start3A_36 = arith.constant 0 : i32
      %dma_start3A_37 = tpu.memref_slice %arg8[%dma_start3A, %dma_start3A_36] : memref<128x64xf32, #tpu.memory_space<vmem>> -> memref<128x64xf32, #tpu.memory_space<vmem>>
      %dma_start3A_38 = arith.constant 0 : i32
      %dma_start3A_39 = tpu.memref_slice %arg12[%add3A_24, %dma_start3A_38] : memref<20480x64xf32, #tpu.memory_space<vmem_shared>> -> memref<128x64xf32, #tpu.memory_space<vmem_shared>>
      %dma_start3A_40 = arith.constant 0 : i32
      %dma_start3A_41 = tpu.memref_slice %arg12[%add3A_24, %dma_start3A_40] : memref<20480x64xf32, #tpu.memory_space<vmem_shared>> -> memref<128x64xf32, #tpu.memory_space<vmem_shared>>
      %dma_start3A_42 = arith.constant 0 : i32
      %dma_start3A_43 = arith.constant 0 : i32
      %dma_start3A_44 = tpu.memref_slice %arg8[%dma_start3A_42, %dma_start3A_43] : memref<128x64xf32, #tpu.memory_space<vmem>> -> memref<128x64xf32, #tpu.memory_space<vmem>>
      tpu.enqueue_dma source(%dma_start3A_44 : memref<128x64xf32, #tpu.memory_space<vmem>>) target(%dma_start3A_41 : memref<128x64xf32, #tpu.memory_space<vmem_shared>>) target_semaphore(%run_scoped3A : memref<!tpu.dma_semaphore, #tpu.memory_space<semaphore_mem>>)
      %dma_wait3A = arith.constant 0 : i32
      %dma_wait3A_45 = arith.constant 0 : i32
      %dma_wait3A_46 = tpu.memref_slice %arg8[%dma_wait3A, %dma_wait3A_45] : memref<128x64xf32, #tpu.memory_space<vmem>> -> memref<128x64xf32, #tpu.memory_space<vmem>>
      %dma_wait3A_47 = arith.constant 0 : i32
      %dma_wait3A_48 = tpu.memref_slice %arg12[%add3A_24, %dma_wait3A_47] : memref<20480x64xf32, #tpu.memory_space<vmem_shared>> -> memref<128x64xf32, #tpu.memory_space<vmem_shared>>
      %dma_wait3A_49 = arith.constant 0 : i32
      %dma_wait3A_50 = tpu.memref_slice %arg12[%add3A_24, %dma_wait3A_49] : memref<20480x64xf32, #tpu.memory_space<vmem_shared>> -> memref<128x64xf32, #tpu.memory_space<vmem_shared>>
      %dma_wait3A_51 = arith.constant 0 : i32
      %dma_wait3A_52 = arith.constant 0 : i32
      %dma_wait3A_53 = tpu.memref_slice %arg8[%dma_wait3A_51, %dma_wait3A_52] : memref<128x64xf32, #tpu.memory_space<vmem>> -> memref<128x64xf32, #tpu.memory_space<vmem>>
      tpu.wait_dma2 semaphore(%run_scoped3A : memref<!tpu.dma_semaphore, #tpu.memory_space<semaphore_mem>>) src(%dma_wait3A_53 : memref<128x64xf32, #tpu.memory_space<vmem>>) dst(%dma_wait3A_50 : memref<128x64xf32, #tpu.memory_space<vmem_shared>>)
      tpu.yield
    }) : () -> ()
    %barrier3A = arith.constant 0 : index
    tpu.barrier barrier_id(%barrier3A)
    %scan3A_25 = arith.constant 0 : i32
    %scan3A_26 = arith.constant 20 : i32
    %scan3A_27 = arith.addi %scan3A_25, %scan3A_26 : i32
    %scan3A_28 = arith.constant 1 : i32
    scf.for %scan3A_36 = %scan3A_25 to %scan3A_27 step %scan3A_28  : i32 {
      %mul3A_37 = arith.constant 1 : i32
      %mul3A_38 = arith.muli %scan3A_36, %mul3A_37 : i32
      %add3A_39 = arith.constant 0 : i32
      %add3A_40 = arith.addi %add3A_39, %mul3A_38 : i32
      %mul3A_41 = arith.constant 160 : i32
      %mul3A_42 = arith.muli %arg1, %mul3A_41 : i32
      %mul3A_43 = arith.constant 8 : i32
      %mul3A_44 = arith.muli %add3A_40, %mul3A_43 : i32
      %add3A_45 = arith.addi %mul3A_42, %mul3A_44 : i32
      "tpu.region"() ({
        %run_scoped3A_1121 = tpu.sem_alloc : memref<!tpu.dma_semaphore, #tpu.memory_space<semaphore_mem>>
        %dma_start3A_1122 = arith.constant 0 : i32
        %dma_start3A_1123 = tpu.memref_slice %arg3[%add3A_45, %dma_start3A_1122] : memref<2560x128xi32, #tpu.memory_space<hbm>> -> memref<8x128xi32, #tpu.memory_space<hbm>>
        %dma_start3A_1124 = arith.constant 0 : i32
        %dma_start3A_1125 = tpu.memref_slice %arg3[%add3A_45, %dma_start3A_1124] : memref<2560x128xi32, #tpu.memory_space<hbm>> -> memref<8x128xi32, #tpu.memory_space<hbm>>
        tpu.enqueue_dma source(%dma_start3A_1125 : memref<8x128xi32, #tpu.memory_space<hbm>>) target(%arg6 : memref<8x128xi32, #tpu.memory_space<vmem>>) target_semaphore(%run_scoped3A_1121 : memref<!tpu.dma_semaphore, #tpu.memory_space<semaphore_mem>>)
        %dma_wait3A_1126 = arith.constant 0 : i32
        %dma_wait3A_1127 = tpu.memref_slice %arg3[%add3A_45, %dma_wait3A_1126] : memref<2560x128xi32, #tpu.memory_space<hbm>> -> memref<8x128xi32, #tpu.memory_space<hbm>>
        %dma_wait3A_1128 = arith.constant 0 : i32
        %dma_wait3A_1129 = tpu.memref_slice %arg3[%add3A_45, %dma_wait3A_1128] : memref<2560x128xi32, #tpu.memory_space<hbm>> -> memref<8x128xi32, #tpu.memory_space<hbm>>
        tpu.wait_dma2 semaphore(%run_scoped3A_1121 : memref<!tpu.dma_semaphore, #tpu.memory_space<semaphore_mem>>) src(%dma_wait3A_1129 : memref<8x128xi32, #tpu.memory_space<hbm>>) dst(%arg6 : memref<8x128xi32, #tpu.memory_space<vmem>>)
        tpu.yield
      }) : () -> ()
      "tpu.region"() ({
        %run_scoped3A_1121 = tpu.sem_alloc : memref<!tpu.dma_semaphore, #tpu.memory_space<semaphore_mem>>
        %dma_start3A_1122 = arith.constant 0 : i32
        %dma_start3A_1123 = tpu.memref_slice %arg4[%add3A_45, %dma_start3A_1122] : memref<2560x128xi32, #tpu.memory_space<hbm>> -> memref<8x128xi32, #tpu.memory_space<hbm>>
        %dma_start3A_1124 = arith.constant 0 : i32
        %dma_start3A_1125 = tpu.memref_slice %arg4[%add3A_45, %dma_start3A_1124] : memref<2560x128xi32, #tpu.memory_space<hbm>> -> memref<8x128xi32, #tpu.memory_space<hbm>>
        tpu.enqueue_dma source(%dma_start3A_1125 : memref<8x128xi32, #tpu.memory_space<hbm>>) target(%arg7 : memref<8x128xi32, #tpu.memory_space<vmem>>) target_semaphore(%run_scoped3A_1121 : memref<!tpu.dma_semaphore, #tpu.memory_space<semaphore_mem>>)
        %dma_wait3A_1126 = arith.constant 0 : i32
        %dma_wait3A_1127 = tpu.memref_slice %arg4[%add3A_45, %dma_wait3A_1126] : memref<2560x128xi32, #tpu.memory_space<hbm>> -> memref<8x128xi32, #tpu.memory_space<hbm>>
        %dma_wait3A_1128 = arith.constant 0 : i32
        %dma_wait3A_1129 = tpu.memref_slice %arg4[%add3A_45, %dma_wait3A_1128] : memref<2560x128xi32, #tpu.memory_space<hbm>> -> memref<8x128xi32, #tpu.memory_space<hbm>>
        tpu.wait_dma2 semaphore(%run_scoped3A_1121 : memref<!tpu.dma_semaphore, #tpu.memory_space<semaphore_mem>>) src(%dma_wait3A_1129 : memref<8x128xi32, #tpu.memory_space<hbm>>) dst(%arg7 : memref<8x128xi32, #tpu.memory_space<vmem>>)
        tpu.yield
      }) : () -> ()
      %get3A = arith.constant 0 : i32
      %get3A_46 = arith.index_cast %get3A : i32 to index
      %get3A_47 = arith.constant 0 : index
      %get3A_48 = tpu.vector_load %arg6[%get3A_46, %get3A_47] {strides = array<i32>} : memref<8x128xi32, #tpu.memory_space<vmem>>, vector<1x16xi32>,
      %get3A_49 = vector.shape_cast %get3A_48 : vector<1x16xi32> to vector<16xi32>
      %mul3A_50 = arith.constant 10000 : i32
      %mul3A_51 = arith.muli %arg0, %mul3A_50 : i32
      %add3A_52 = vector.broadcast %mul3A_51 : i32 to vector<16xi32>
      %add3A_53 = arith.addi %get3A_49, %add3A_52 : vector<16xi32>
      %swap3A = arith.constant 0 : i32
      %swap3A_54 = arith.index_cast %swap3A : i32 to index
      %swap3A_55 = arith.constant 0 : index
      %swap3A_56 = tpu.vector_load %arg6[%swap3A_54, %swap3A_55] {strides = array<i32>} : memref<8x128xi32, #tpu.memory_space<vmem>>, vector<1x16xi32>,
      %swap3A_57 = vector.shape_cast %swap3A_56 : vector<1x16xi32> to vector<16xi32>
      %swap3A_58 = vector.shape_cast %add3A_53 : vector<16xi32> to vector<1x16xi32>
      tpu.vector_store %arg6[%swap3A_54, %swap3A_55], %swap3A_58 {strides = array<i32>} : memref<8x128xi32, #tpu.memory_space<vmem>>, vector<1x16xi32>,
      %get3A_59 = arith.constant 0 : i32
      %get3A_60 = arith.index_cast %get3A_59 : i32 to index
      %get3A_61 = arith.constant 16 : index
      %get3A_62 = tpu.vector_load %arg6[%get3A_60, %get3A_61] {strides = array<i32>} : memref<8x128xi32, #tpu.memory_space<vmem>>, vector<1x16xi32>,
      %get3A_63 = vector.shape_cast %get3A_62 : vector<1x16xi32> to vector<16xi32>
      %mul3A_64 = arith.constant 10000 : i32
      %mul3A_65 = arith.muli %arg0, %mul3A_64 : i32
      %add3A_66 = vector.broadcast %mul3A_65 : i32 to vector<16xi32>
      %add3A_67 = arith.addi %get3A_63, %add3A_66 : vector<16xi32>
      %swap3A_68 = arith.constant 0 : i32
      %swap3A_69 = arith.index_cast %swap3A_68 : i32 to index
      %swap3A_70 = arith.constant 16 : index
      %swap3A_71 = tpu.vector_load %arg6[%swap3A_69, %swap3A_70] {strides = array<i32>} : memref<8x128xi32, #tpu.memory_space<vmem>>, vector<1x16xi32>,
      %swap3A_72 = vector.shape_cast %swap3A_71 : vector<1x16xi32> to vector<16xi32>
      %swap3A_73 = vector.shape_cast %add3A_67 : vector<16xi32> to vector<1x16xi32>
      tpu.vector_store %arg6[%swap3A_69, %swap3A_70], %swap3A_73 {strides = array<i32>} : memref<8x128xi32, #tpu.memory_space<vmem>>, vector<1x16xi32>,
      %get3A_74 = arith.constant 0 : i32
      %get3A_75 = arith.index_cast %get3A_74 : i32 to index
      %get3A_76 = arith.constant 32 : index
      %get3A_77 = tpu.vector_load %arg6[%get3A_75, %get3A_76] {strides = array<i32>} : memref<8x128xi32, #tpu.memory_space<vmem>>, vector<1x16xi32>,
      %get3A_78 = vector.shape_cast %get3A_77 : vector<1x16xi32> to vector<16xi32>
      %mul3A_79 = arith.constant 10000 : i32
      %mul3A_80 = arith.muli %arg0, %mul3A_79 : i32
      %add3A_81 = vector.broadcast %mul3A_80 : i32 to vector<16xi32>
      %add3A_82 = arith.addi %get3A_78, %add3A_81 : vector<16xi32>
      %swap3A_83 = arith.constant 0 : i32
      %swap3A_84 = arith.index_cast %swap3A_83 : i32 to index
      %swap3A_85 = arith.constant 32 : index
      %swap3A_86 = tpu.vector_load %arg6[%swap3A_84, %swap3A_85] {strides = array<i32>} : memref<8x128xi32, #tpu.memory_space<vmem>>, vector<1x16xi32>,
      %swap3A_87 = vector.shape_cast %swap3A_86 : vector<1x16xi32> to vector<16xi32>
      %swap3A_88 = vector.shape_cast %add3A_82 : vector<16xi32> to vector<1x16xi32>
      tpu.vector_store %arg6[%swap3A_84, %swap3A_85], %swap3A_88 {strides = array<i32>} : memref<8x128xi32, #tpu.memory_space<vmem>>, vector<1x16xi32>,
      %get3A_89 = arith.constant 0 : i32
      %get3A_90 = arith.index_cast %get3A_89 : i32 to index
      %get3A_91 = arith.constant 48 : index
      %get3A_92 = tpu.vector_load %arg6[%get3A_90, %get3A_91] {strides = array<i32>} : memref<8x128xi32, #tpu.memory_space<vmem>>, vector<1x16xi32>,
      %get3A_93 = vector.shape_cast %get3A_92 : vector<1x16xi32> to vector<16xi32>
      %mul3A_94 = arith.constant 10000 : i32
      %mul3A_95 = arith.muli %arg0, %mul3A_94 : i32
      %add3A_96 = vector.broadcast %mul3A_95 : i32 to vector<16xi32>
      %add3A_97 = arith.addi %get3A_93, %add3A_96 : vector<16xi32>
      %swap3A_98 = arith.constant 0 : i32
      %swap3A_99 = arith.index_cast %swap3A_98 : i32 to index
      %swap3A_100 = arith.constant 48 : index
      %swap3A_101 = tpu.vector_load %arg6[%swap3A_99, %swap3A_100] {strides = array<i32>} : memref<8x128xi32, #tpu.memory_space<vmem>>, vector<1x16xi32>,
      %swap3A_102 = vector.shape_cast %swap3A_101 : vector<1x16xi32> to vector<16xi32>
      %swap3A_103 = vector.shape_cast %add3A_97 : vector<16xi32> to vector<1x16xi32>
      tpu.vector_store %arg6[%swap3A_99, %swap3A_100], %swap3A_103 {strides = array<i32>} : memref<8x128xi32, #tpu.memory_space<vmem>>, vector<1x16xi32>,
      %get3A_104 = arith.constant 0 : i32
      %get3A_105 = arith.index_cast %get3A_104 : i32 to index
      %get3A_106 = arith.constant 64 : index
      %get3A_107 = tpu.vector_load %arg6[%get3A_105, %get3A_106] {strides = array<i32>} : memref<8x128xi32, #tpu.memory_space<vmem>>, vector<1x16xi32>,
      %get3A_108 = vector.shape_cast %get3A_107 : vector<1x16xi32> to vector<16xi32>
      %mul3A_109 = arith.constant 10000 : i32
      %mul3A_110 = arith.muli %arg0, %mul3A_109 : i32
      %add3A_111 = vector.broadcast %mul3A_110 : i32 to vector<16xi32>
      %add3A_112 = arith.addi %get3A_108, %add3A_111 : vector<16xi32>
      %swap3A_113 = arith.constant 0 : i32
      %swap3A_114 = arith.index_cast %swap3A_113 : i32 to index
      %swap3A_115 = arith.constant 64 : index
      %swap3A_116 = tpu.vector_load %arg6[%swap3A_114, %swap3A_115] {strides = array<i32>} : memref<8x128xi32, #tpu.memory_space<vmem>>, vector<1x16xi32>,
      %swap3A_117 = vector.shape_cast %swap3A_116 : vector<1x16xi32> to vector<16xi32>
      %swap3A_118 = vector.shape_cast %add3A_112 : vector<16xi32> to vector<1x16xi32>
      tpu.vector_store %arg6[%swap3A_114, %swap3A_115], %swap3A_118 {strides = array<i32>} : memref<8x128xi32, #tpu.memory_space<vmem>>, vector<1x16xi32>,
      %get3A_119 = arith.constant 0 : i32
      %get3A_120 = arith.index_cast %get3A_119 : i32 to index
      %get3A_121 = arith.constant 80 : index
      %get3A_122 = tpu.vector_load %arg6[%get3A_120, %get3A_121] {strides = array<i32>} : memref<8x128xi32, #tpu.memory_space<vmem>>, vector<1x16xi32>,
      %get3A_123 = vector.shape_cast %get3A_122 : vector<1x16xi32> to vector<16xi32>
      %mul3A_124 = arith.constant 10000 : i32
      %mul3A_125 = arith.muli %arg0, %mul3A_124 : i32
      %add3A_126 = vector.broadcast %mul3A_125 : i32 to vector<16xi32>
      %add3A_127 = arith.addi %get3A_123, %add3A_126 : vector<16xi32>
      %swap3A_128 = arith.constant 0 : i32
      %swap3A_129 = arith.index_cast %swap3A_128 : i32 to index
      %swap3A_130 = arith.constant 80 : index
      %swap3A_131 = tpu.vector_load %arg6[%swap3A_129, %swap3A_130] {strides = array<i32>} : memref<8x128xi32, #tpu.memory_space<vmem>>, vector<1x16xi32>,
      %swap3A_132 = vector.shape_cast %swap3A_131 : vector<1x16xi32> to vector<16xi32>
      %swap3A_133 = vector.shape_cast %add3A_127 : vector<16xi32> to vector<1x16xi32>
      tpu.vector_store %arg6[%swap3A_129, %swap3A_130], %swap3A_133 {strides = array<i32>} : memref<8x128xi32, #tpu.memory_space<vmem>>, vector<1x16xi32>,
      %get3A_134 = arith.constant 0 : i32
      %get3A_135 = arith.index_cast %get3A_134 : i32 to index
      %get3A_136 = arith.constant 96 : index
      %get3A_137 = tpu.vector_load %arg6[%get3A_135, %get3A_136] {strides = array<i32>} : memref<8x128xi32, #tpu.memory_space<vmem>>, vector<1x16xi32>,
      %get3A_138 = vector.shape_cast %get3A_137 : vector<1x16xi32> to vector<16xi32>
      %mul3A_139 = arith.constant 10000 : i32
      %mul3A_140 = arith.muli %arg0, %mul3A_139 : i32
      %add3A_141 = vector.broadcast %mul3A_140 : i32 to vector<16xi32>
      %add3A_142 = arith.addi %get3A_138, %add3A_141 : vector<16xi32>
      %swap3A_143 = arith.constant 0 : i32
      %swap3A_144 = arith.index_cast %swap3A_143 : i32 to index
      %swap3A_145 = arith.constant 96 : index
      %swap3A_146 = tpu.vector_load %arg6[%swap3A_144, %swap3A_145] {strides = array<i32>} : memref<8x128xi32, #tpu.memory_space<vmem>>, vector<1x16xi32>,
      %swap3A_147 = vector.shape_cast %swap3A_146 : vector<1x16xi32> to vector<16xi32>
      %swap3A_148 = vector.shape_cast %add3A_142 : vector<16xi32> to vector<1x16xi32>
      tpu.vector_store %arg6[%swap3A_144, %swap3A_145], %swap3A_148 {strides = array<i32>} : memref<8x128xi32, #tpu.memory_space<vmem>>, vector<1x16xi32>,
      %get3A_149 = arith.constant 0 : i32
      %get3A_150 = arith.index_cast %get3A_149 : i32 to index
      %get3A_151 = arith.constant 112 : index
      %get3A_152 = tpu.vector_load %arg6[%get3A_150, %get3A_151] {strides = array<i32>} : memref<8x128xi32, #tpu.memory_space<vmem>>, vector<1x16xi32>,
      %get3A_153 = vector.shape_cast %get3A_152 : vector<1x16xi32> to vector<16xi32>
      %mul3A_154 = arith.constant 10000 : i32
      %mul3A_155 = arith.muli %arg0, %mul3A_154 : i32
      %add3A_156 = vector.broadcast %mul3A_155 : i32 to vector<16xi32>
      %add3A_157 = arith.addi %get3A_153, %add3A_156 : vector<16xi32>
      %swap3A_158 = arith.constant 0 : i32
      %swap3A_159 = arith.index_cast %swap3A_158 : i32 to index
      %swap3A_160 = arith.constant 112 : index
      %swap3A_161 = tpu.vector_load %arg6[%swap3A_159, %swap3A_160] {strides = array<i32>} : memref<8x128xi32, #tpu.memory_space<vmem>>, vector<1x16xi32>,
      %swap3A_162 = vector.shape_cast %swap3A_161 : vector<1x16xi32> to vector<16xi32>
      %swap3A_163 = vector.shape_cast %add3A_157 : vector<16xi32> to vector<1x16xi32>
      tpu.vector_store %arg6[%swap3A_159, %swap3A_160], %swap3A_163 {strides = array<i32>} : memref<8x128xi32, #tpu.memory_space<vmem>>, vector<1x16xi32>,
      %get3A_164 = arith.constant 1 : i32
      %get3A_165 = arith.index_cast %get3A_164 : i32 to index
      %get3A_166 = arith.constant 0 : index
      %get3A_167 = tpu.vector_load %arg6[%get3A_165, %get3A_166] {strides = array<i32>} : memref<8x128xi32, #tpu.memory_space<vmem>>, vector<1x16xi32>,
      %get3A_168 = vector.shape_cast %get3A_167 : vector<1x16xi32> to vector<16xi32>
      %mul3A_169 = arith.constant 10000 : i32
      %mul3A_170 = arith.muli %arg0, %mul3A_169 : i32
      %add3A_171 = vector.broadcast %mul3A_170 : i32 to vector<16xi32>
      %add3A_172 = arith.addi %get3A_168, %add3A_171 : vector<16xi32>
      %swap3A_173 = arith.constant 1 : i32
      %swap3A_174 = arith.index_cast %swap3A_173 : i32 to index
      %swap3A_175 = arith.constant 0 : index
      %swap3A_176 = tpu.vector_load %arg6[%swap3A_174, %swap3A_175] {strides = array<i32>} : memref<8x128xi32, #tpu.memory_space<vmem>>, vector<1x16xi32>,
      %swap3A_177 = vector.shape_cast %swap3A_176 : vector<1x16xi32> to vector<16xi32>
      %swap3A_178 = vector.shape_cast %add3A_172 : vector<16xi32> to vector<1x16xi32>
      tpu.vector_store %arg6[%swap3A_174, %swap3A_175], %swap3A_178 {strides = array<i32>} : memref<8x128xi32, #tpu.memory_space<vmem>>, vector<1x16xi32>,
      %get3A_179 = arith.constant 1 : i32
      %get3A_180 = arith.index_cast %get3A_179 : i32 to index
      %get3A_181 = arith.constant 16 : index
      %get3A_182 = tpu.vector_load %arg6[%get3A_180, %get3A_181] {strides = array<i32>} : memref<8x128xi32, #tpu.memory_space<vmem>>, vector<1x16xi32>,
      %get3A_183 = vector.shape_cast %get3A_182 : vector<1x16xi32> to vector<16xi32>
      %mul3A_184 = arith.constant 10000 : i32
      %mul3A_185 = arith.muli %arg0, %mul3A_184 : i32
      %add3A_186 = vector.broadcast %mul3A_185 : i32 to vector<16xi32>
      %add3A_187 = arith.addi %get3A_183, %add3A_186 : vector<16xi32>
      %swap3A_188 = arith.constant 1 : i32
      %swap3A_189 = arith.index_cast %swap3A_188 : i32 to index
      %swap3A_190 = arith.constant 16 : index
      %swap3A_191 = tpu.vector_load %arg6[%swap3A_189, %swap3A_190] {strides = array<i32>} : memref<8x128xi32, #tpu.memory_space<vmem>>, vector<1x16xi32>,
      %swap3A_192 = vector.shape_cast %swap3A_191 : vector<1x16xi32> to vector<16xi32>
      %swap3A_193 = vector.shape_cast %add3A_187 : vector<16xi32> to vector<1x16xi32>
      tpu.vector_store %arg6[%swap3A_189, %swap3A_190], %swap3A_193 {strides = array<i32>} : memref<8x128xi32, #tpu.memory_space<vmem>>, vector<1x16xi32>,
      %get3A_194 = arith.constant 1 : i32
      %get3A_195 = arith.index_cast %get3A_194 : i32 to index
      %get3A_196 = arith.constant 32 : index
      %get3A_197 = tpu.vector_load %arg6[%get3A_195, %get3A_196] {strides = array<i32>} : memref<8x128xi32, #tpu.memory_space<vmem>>, vector<1x16xi32>,
      %get3A_198 = vector.shape_cast %get3A_197 : vector<1x16xi32> to vector<16xi32>
      %mul3A_199 = arith.constant 10000 : i32
      %mul3A_200 = arith.muli %arg0, %mul3A_199 : i32
      %add3A_201 = vector.broadcast %mul3A_200 : i32 to vector<16xi32>
      %add3A_202 = arith.addi %get3A_198, %add3A_201 : vector<16xi32>
      %swap3A_203 = arith.constant 1 : i32
      %swap3A_204 = arith.index_cast %swap3A_203 : i32 to index
      %swap3A_205 = arith.constant 32 : index
      %swap3A_206 = tpu.vector_load %arg6[%swap3A_204, %swap3A_205] {strides = array<i32>} : memref<8x128xi32, #tpu.memory_space<vmem>>, vector<1x16xi32>,
      %swap3A_207 = vector.shape_cast %swap3A_206 : vector<1x16xi32> to vector<16xi32>
      %swap3A_208 = vector.shape_cast %add3A_202 : vector<16xi32> to vector<1x16xi32>
      tpu.vector_store %arg6[%swap3A_204, %swap3A_205], %swap3A_208 {strides = array<i32>} : memref<8x128xi32, #tpu.memory_space<vmem>>, vector<1x16xi32>,
      %get3A_209 = arith.constant 1 : i32
      %get3A_210 = arith.index_cast %get3A_209 : i32 to index
      %get3A_211 = arith.constant 48 : index
      %get3A_212 = tpu.vector_load %arg6[%get3A_210, %get3A_211] {strides = array<i32>} : memref<8x128xi32, #tpu.memory_space<vmem>>, vector<1x16xi32>,
      %get3A_213 = vector.shape_cast %get3A_212 : vector<1x16xi32> to vector<16xi32>
      %mul3A_214 = arith.constant 10000 : i32
      %mul3A_215 = arith.muli %arg0, %mul3A_214 : i32
      %add3A_216 = vector.broadcast %mul3A_215 : i32 to vector<16xi32>
      %add3A_217 = arith.addi %get3A_213, %add3A_216 : vector<16xi32>
      %swap3A_218 = arith.constant 1 : i32
      %swap3A_219 = arith.index_cast %swap3A_218 : i32 to index
      %swap3A_220 = arith.constant 48 : index
      %swap3A_221 = tpu.vector_load %arg6[%swap3A_219, %swap3A_220] {strides = array<i32>} : memref<8x128xi32, #tpu.memory_space<vmem>>, vector<1x16xi32>,
      %swap3A_222 = vector.shape_cast %swap3A_221 : vector<1x16xi32> to vector<16xi32>
      %swap3A_223 = vector.shape_cast %add3A_217 : vector<16xi32> to vector<1x16xi32>
      tpu.vector_store %arg6[%swap3A_219, %swap3A_220], %swap3A_223 {strides = array<i32>} : memref<8x128xi32, #tpu.memory_space<vmem>>, vector<1x16xi32>,
      %get3A_224 = arith.constant 1 : i32
      %get3A_225 = arith.index_cast %get3A_224 : i32 to index
      %get3A_226 = arith.constant 64 : index
      %get3A_227 = tpu.vector_load %arg6[%get3A_225, %get3A_226] {strides = array<i32>} : memref<8x128xi32, #tpu.memory_space<vmem>>, vector<1x16xi32>,
      %get3A_228 = vector.shape_cast %get3A_227 : vector<1x16xi32> to vector<16xi32>
      %mul3A_229 = arith.constant 10000 : i32
      %mul3A_230 = arith.muli %arg0, %mul3A_229 : i32
      %add3A_231 = vector.broadcast %mul3A_230 : i32 to vector<16xi32>
      %add3A_232 = arith.addi %get3A_228, %add3A_231 : vector<16xi32>
      %swap3A_233 = arith.constant 1 : i32
      %swap3A_234 = arith.index_cast %swap3A_233 : i32 to index
      %swap3A_235 = arith.constant 64 : index
      %swap3A_236 = tpu.vector_load %arg6[%swap3A_234, %swap3A_235] {strides = array<i32>} : memref<8x128xi32, #tpu.memory_space<vmem>>, vector<1x16xi32>,
      %swap3A_237 = vector.shape_cast %swap3A_236 : vector<1x16xi32> to vector<16xi32>
      %swap3A_238 = vector.shape_cast %add3A_232 : vector<16xi32> to vector<1x16xi32>
      tpu.vector_store %arg6[%swap3A_234, %swap3A_235], %swap3A_238 {strides = array<i32>} : memref<8x128xi32, #tpu.memory_space<vmem>>, vector<1x16xi32>,
      %get3A_239 = arith.constant 1 : i32
      %get3A_240 = arith.index_cast %get3A_239 : i32 to index
      %get3A_241 = arith.constant 80 : index
      %get3A_242 = tpu.vector_load %arg6[%get3A_240, %get3A_241] {strides = array<i32>} : memref<8x128xi32, #tpu.memory_space<vmem>>, vector<1x16xi32>,
      %get3A_243 = vector.shape_cast %get3A_242 : vector<1x16xi32> to vector<16xi32>
      %mul3A_244 = arith.constant 10000 : i32
      %mul3A_245 = arith.muli %arg0, %mul3A_244 : i32
      %add3A_246 = vector.broadcast %mul3A_245 : i32 to vector<16xi32>
      %add3A_247 = arith.addi %get3A_243, %add3A_246 : vector<16xi32>
      %swap3A_248 = arith.constant 1 : i32
      %swap3A_249 = arith.index_cast %swap3A_248 : i32 to index
      %swap3A_250 = arith.constant 80 : index
      %swap3A_251 = tpu.vector_load %arg6[%swap3A_249, %swap3A_250] {strides = array<i32>} : memref<8x128xi32, #tpu.memory_space<vmem>>, vector<1x16xi32>,
      %swap3A_252 = vector.shape_cast %swap3A_251 : vector<1x16xi32> to vector<16xi32>
      %swap3A_253 = vector.shape_cast %add3A_247 : vector<16xi32> to vector<1x16xi32>
      tpu.vector_store %arg6[%swap3A_249, %swap3A_250], %swap3A_253 {strides = array<i32>} : memref<8x128xi32, #tpu.memory_space<vmem>>, vector<1x16xi32>,
      %get3A_254 = arith.constant 1 : i32
      %get3A_255 = arith.index_cast %get3A_254 : i32 to index
      %get3A_256 = arith.constant 96 : index
      %get3A_257 = tpu.vector_load %arg6[%get3A_255, %get3A_256] {strides = array<i32>} : memref<8x128xi32, #tpu.memory_space<vmem>>, vector<1x16xi32>,
      %get3A_258 = vector.shape_cast %get3A_257 : vector<1x16xi32> to vector<16xi32>
      %mul3A_259 = arith.constant 10000 : i32
      %mul3A_260 = arith.muli %arg0, %mul3A_259 : i32
      %add3A_261 = vector.broadcast %mul3A_260 : i32 to vector<16xi32>
      %add3A_262 = arith.addi %get3A_258, %add3A_261 : vector<16xi32>
      %swap3A_263 = arith.constant 1 : i32
      %swap3A_264 = arith.index_cast %swap3A_263 : i32 to index
      %swap3A_265 = arith.constant 96 : index
      %swap3A_266 = tpu.vector_load %arg6[%swap3A_264, %swap3A_265] {strides = array<i32>} : memref<8x128xi32, #tpu.memory_space<vmem>>, vector<1x16xi32>,
      %swap3A_267 = vector.shape_cast %swap3A_266 : vector<1x16xi32> to vector<16xi32>
      %swap3A_268 = vector.shape_cast %add3A_262 : vector<16xi32> to vector<1x16xi32>
      tpu.vector_store %arg6[%swap3A_264, %swap3A_265], %swap3A_268 {strides = array<i32>} : memref<8x128xi32, #tpu.memory_space<vmem>>, vector<1x16xi32>,
      %get3A_269 = arith.constant 1 : i32
      %get3A_270 = arith.index_cast %get3A_269 : i32 to index
      %get3A_271 = arith.constant 112 : index
      %get3A_272 = tpu.vector_load %arg6[%get3A_270, %get3A_271] {strides = array<i32>} : memref<8x128xi32, #tpu.memory_space<vmem>>, vector<1x16xi32>,
      %get3A_273 = vector.shape_cast %get3A_272 : vector<1x16xi32> to vector<16xi32>
      %mul3A_274 = arith.constant 10000 : i32
      %mul3A_275 = arith.muli %arg0, %mul3A_274 : i32
      %add3A_276 = vector.broadcast %mul3A_275 : i32 to vector<16xi32>
      %add3A_277 = arith.addi %get3A_273, %add3A_276 : vector<16xi32>
      %swap3A_278 = arith.constant 1 : i32
      %swap3A_279 = arith.index_cast %swap3A_278 : i32 to index
      %swap3A_280 = arith.constant 112 : index
      %swap3A_281 = tpu.vector_load %arg6[%swap3A_279, %swap3A_280] {strides = array<i32>} : memref<8x128xi32, #tpu.memory_space<vmem>>, vector<1x16xi32>,
      %swap3A_282 = vector.shape_cast %swap3A_281 : vector<1x16xi32> to vector<16xi32>
      %swap3A_283 = vector.shape_cast %add3A_277 : vector<16xi32> to vector<1x16xi32>
      tpu.vector_store %arg6[%swap3A_279, %swap3A_280], %swap3A_283 {strides = array<i32>} : memref<8x128xi32, #tpu.memory_space<vmem>>, vector<1x16xi32>,
      %get3A_284 = arith.constant 2 : i32
      %get3A_285 = arith.index_cast %get3A_284 : i32 to index
      %get3A_286 = arith.constant 0 : index
      %get3A_287 = tpu.vector_load %arg6[%get3A_285, %get3A_286] {strides = array<i32>} : memref<8x128xi32, #tpu.memory_space<vmem>>, vector<1x16xi32>,
      %get3A_288 = vector.shape_cast %get3A_287 : vector<1x16xi32> to vector<16xi32>
      %mul3A_289 = arith.constant 10000 : i32
      %mul3A_290 = arith.muli %arg0, %mul3A_289 : i32
      %add3A_291 = vector.broadcast %mul3A_290 : i32 to vector<16xi32>
      %add3A_292 = arith.addi %get3A_288, %add3A_291 : vector<16xi32>
      %swap3A_293 = arith.constant 2 : i32
      %swap3A_294 = arith.index_cast %swap3A_293 : i32 to index
      %swap3A_295 = arith.constant 0 : index
      %swap3A_296 = tpu.vector_load %arg6[%swap3A_294, %swap3A_295] {strides = array<i32>} : memref<8x128xi32, #tpu.memory_space<vmem>>, vector<1x16xi32>,
      %swap3A_297 = vector.shape_cast %swap3A_296 : vector<1x16xi32> to vector<16xi32>
      %swap3A_298 = vector.shape_cast %add3A_292 : vector<16xi32> to vector<1x16xi32>
      tpu.vector_store %arg6[%swap3A_294, %swap3A_295], %swap3A_298 {strides = array<i32>} : memref<8x128xi32, #tpu.memory_space<vmem>>, vector<1x16xi32>,
      %get3A_299 = arith.constant 2 : i32
      %get3A_300 = arith.index_cast %get3A_299 : i32 to index
      %get3A_301 = arith.constant 16 : index
      %get3A_302 = tpu.vector_load %arg6[%get3A_300, %get3A_301] {strides = array<i32>} : memref<8x128xi32, #tpu.memory_space<vmem>>, vector<1x16xi32>,
      %get3A_303 = vector.shape_cast %get3A_302 : vector<1x16xi32> to vector<16xi32>
      %mul3A_304 = arith.constant 10000 : i32
      %mul3A_305 = arith.muli %arg0, %mul3A_304 : i32
      %add3A_306 = vector.broadcast %mul3A_305 : i32 to vector<16xi32>
      %add3A_307 = arith.addi %get3A_303, %add3A_306 : vector<16xi32>
      %swap3A_308 = arith.constant 2 : i32
      %swap3A_309 = arith.index_cast %swap3A_308 : i32 to index
      %swap3A_310 = arith.constant 16 : index
      %swap3A_311 = tpu.vector_load %arg6[%swap3A_309, %swap3A_310] {strides = array<i32>} : memref<8x128xi32, #tpu.memory_space<vmem>>, vector<1x16xi32>,
      %swap3A_312 = vector.shape_cast %swap3A_311 : vector<1x16xi32> to vector<16xi32>
      %swap3A_313 = vector.shape_cast %add3A_307 : vector<16xi32> to vector<1x16xi32>
      tpu.vector_store %arg6[%swap3A_309, %swap3A_310], %swap3A_313 {strides = array<i32>} : memref<8x128xi32, #tpu.memory_space<vmem>>, vector<1x16xi32>,
      %get3A_314 = arith.constant 2 : i32
      %get3A_315 = arith.index_cast %get3A_314 : i32 to index
      %get3A_316 = arith.constant 32 : index
      %get3A_317 = tpu.vector_load %arg6[%get3A_315, %get3A_316] {strides = array<i32>} : memref<8x128xi32, #tpu.memory_space<vmem>>, vector<1x16xi32>,
      %get3A_318 = vector.shape_cast %get3A_317 : vector<1x16xi32> to vector<16xi32>
      %mul3A_319 = arith.constant 10000 : i32
      %mul3A_320 = arith.muli %arg0, %mul3A_319 : i32
      %add3A_321 = vector.broadcast %mul3A_320 : i32 to vector<16xi32>
      %add3A_322 = arith.addi %get3A_318, %add3A_321 : vector<16xi32>
      %swap3A_323 = arith.constant 2 : i32
      %swap3A_324 = arith.index_cast %swap3A_323 : i32 to index
      %swap3A_325 = arith.constant 32 : index
      %swap3A_326 = tpu.vector_load %arg6[%swap3A_324, %swap3A_325] {strides = array<i32>} : memref<8x128xi32, #tpu.memory_space<vmem>>, vector<1x16xi32>,
      %swap3A_327 = vector.shape_cast %swap3A_326 : vector<1x16xi32> to vector<16xi32>
      %swap3A_328 = vector.shape_cast %add3A_322 : vector<16xi32> to vector<1x16xi32>
      tpu.vector_store %arg6[%swap3A_324, %swap3A_325], %swap3A_328 {strides = array<i32>} : memref<8x128xi32, #tpu.memory_space<vmem>>, vector<1x16xi32>,
      %get3A_329 = arith.constant 2 : i32
      %get3A_330 = arith.index_cast %get3A_329 : i32 to index
      %get3A_331 = arith.constant 48 : index
      %get3A_332 = tpu.vector_load %arg6[%get3A_330, %get3A_331] {strides = array<i32>} : memref<8x128xi32, #tpu.memory_space<vmem>>, vector<1x16xi32>,
      %get3A_333 = vector.shape_cast %get3A_332 : vector<1x16xi32> to vector<16xi32>
      %mul3A_334 = arith.constant 10000 : i32
      %mul3A_335 = arith.muli %arg0, %mul3A_334 : i32
      %add3A_336 = vector.broadcast %mul3A_335 : i32 to vector<16xi32>
      %add3A_337 = arith.addi %get3A_333, %add3A_336 : vector<16xi32>
      %swap3A_338 = arith.constant 2 : i32
      %swap3A_339 = arith.index_cast %swap3A_338 : i32 to index
      %swap3A_340 = arith.constant 48 : index
      %swap3A_341 = tpu.vector_load %arg6[%swap3A_339, %swap3A_340] {strides = array<i32>} : memref<8x128xi32, #tpu.memory_space<vmem>>, vector<1x16xi32>,
      %swap3A_342 = vector.shape_cast %swap3A_341 : vector<1x16xi32> to vector<16xi32>
      %swap3A_343 = vector.shape_cast %add3A_337 : vector<16xi32> to vector<1x16xi32>
      tpu.vector_store %arg6[%swap3A_339, %swap3A_340], %swap3A_343 {strides = array<i32>} : memref<8x128xi32, #tpu.memory_space<vmem>>, vector<1x16xi32>,
      %get3A_344 = arith.constant 2 : i32
      %get3A_345 = arith.index_cast %get3A_344 : i32 to index
      %get3A_346 = arith.constant 64 : index
      %get3A_347 = tpu.vector_load %arg6[%get3A_345, %get3A_346] {strides = array<i32>} : memref<8x128xi32, #tpu.memory_space<vmem>>, vector<1x16xi32>,
      %get3A_348 = vector.shape_cast %get3A_347 : vector<1x16xi32> to vector<16xi32>
      %mul3A_349 = arith.constant 10000 : i32
      %mul3A_350 = arith.muli %arg0, %mul3A_349 : i32
      %add3A_351 = vector.broadcast %mul3A_350 : i32 to vector<16xi32>
      %add3A_352 = arith.addi %get3A_348, %add3A_351 : vector<16xi32>
      %swap3A_353 = arith.constant 2 : i32
      %swap3A_354 = arith.index_cast %swap3A_353 : i32 to index
      %swap3A_355 = arith.constant 64 : index
      %swap3A_356 = tpu.vector_load %arg6[%swap3A_354, %swap3A_355] {strides = array<i32>} : memref<8x128xi32, #tpu.memory_space<vmem>>, vector<1x16xi32>,
      %swap3A_357 = vector.shape_cast %swap3A_356 : vector<1x16xi32> to vector<16xi32>
      %swap3A_358 = vector.shape_cast %add3A_352 : vector<16xi32> to vector<1x16xi32>
      tpu.vector_store %arg6[%swap3A_354, %swap3A_355], %swap3A_358 {strides = array<i32>} : memref<8x128xi32, #tpu.memory_space<vmem>>, vector<1x16xi32>,
      %get3A_359 = arith.constant 2 : i32
      %get3A_360 = arith.index_cast %get3A_359 : i32 to index
      %get3A_361 = arith.constant 80 : index
      %get3A_362 = tpu.vector_load %arg6[%get3A_360, %get3A_361] {strides = array<i32>} : memref<8x128xi32, #tpu.memory_space<vmem>>, vector<1x16xi32>,
      %get3A_363 = vector.shape_cast %get3A_362 : vector<1x16xi32> to vector<16xi32>
      %mul3A_364 = arith.constant 10000 : i32
      %mul3A_365 = arith.muli %arg0, %mul3A_364 : i32
      %add3A_366 = vector.broadcast %mul3A_365 : i32 to vector<16xi32>
      %add3A_367 = arith.addi %get3A_363, %add3A_366 : vector<16xi32>
      %swap3A_368 = arith.constant 2 : i32
      %swap3A_369 = arith.index_cast %swap3A_368 : i32 to index
      %swap3A_370 = arith.constant 80 : index
      %swap3A_371 = tpu.vector_load %arg6[%swap3A_369, %swap3A_370] {strides = array<i32>} : memref<8x128xi32, #tpu.memory_space<vmem>>, vector<1x16xi32>,
      %swap3A_372 = vector.shape_cast %swap3A_371 : vector<1x16xi32> to vector<16xi32>
      %swap3A_373 = vector.shape_cast %add3A_367 : vector<16xi32> to vector<1x16xi32>
      tpu.vector_store %arg6[%swap3A_369, %swap3A_370], %swap3A_373 {strides = array<i32>} : memref<8x128xi32, #tpu.memory_space<vmem>>, vector<1x16xi32>,
      %get3A_374 = arith.constant 2 : i32
      %get3A_375 = arith.index_cast %get3A_374 : i32 to index
      %get3A_376 = arith.constant 96 : index
      %get3A_377 = tpu.vector_load %arg6[%get3A_375, %get3A_376] {strides = array<i32>} : memref<8x128xi32, #tpu.memory_space<vmem>>, vector<1x16xi32>,
      %get3A_378 = vector.shape_cast %get3A_377 : vector<1x16xi32> to vector<16xi32>
      %mul3A_379 = arith.constant 10000 : i32
      %mul3A_380 = arith.muli %arg0, %mul3A_379 : i32
      %add3A_381 = vector.broadcast %mul3A_380 : i32 to vector<16xi32>
      %add3A_382 = arith.addi %get3A_378, %add3A_381 : vector<16xi32>
      %swap3A_383 = arith.constant 2 : i32
      %swap3A_384 = arith.index_cast %swap3A_383 : i32 to index
      %swap3A_385 = arith.constant 96 : index
      %swap3A_386 = tpu.vector_load %arg6[%swap3A_384, %swap3A_385] {strides = array<i32>} : memref<8x128xi32, #tpu.memory_space<vmem>>, vector<1x16xi32>,
      %swap3A_387 = vector.shape_cast %swap3A_386 : vector<1x16xi32> to vector<16xi32>
      %swap3A_388 = vector.shape_cast %add3A_382 : vector<16xi32> to vector<1x16xi32>
      tpu.vector_store %arg6[%swap3A_384, %swap3A_385], %swap3A_388 {strides = array<i32>} : memref<8x128xi32, #tpu.memory_space<vmem>>, vector<1x16xi32>,
      %get3A_389 = arith.constant 2 : i32
      %get3A_390 = arith.index_cast %get3A_389 : i32 to index
      %get3A_391 = arith.constant 112 : index
      %get3A_392 = tpu.vector_load %arg6[%get3A_390, %get3A_391] {strides = array<i32>} : memref<8x128xi32, #tpu.memory_space<vmem>>, vector<1x16xi32>,
      %get3A_393 = vector.shape_cast %get3A_392 : vector<1x16xi32> to vector<16xi32>
      %mul3A_394 = arith.constant 10000 : i32
      %mul3A_395 = arith.muli %arg0, %mul3A_394 : i32
      %add3A_396 = vector.broadcast %mul3A_395 : i32 to vector<16xi32>
      %add3A_397 = arith.addi %get3A_393, %add3A_396 : vector<16xi32>
      %swap3A_398 = arith.constant 2 : i32
      %swap3A_399 = arith.index_cast %swap3A_398 : i32 to index
      %swap3A_400 = arith.constant 112 : index
      %swap3A_401 = tpu.vector_load %arg6[%swap3A_399, %swap3A_400] {strides = array<i32>} : memref<8x128xi32, #tpu.memory_space<vmem>>, vector<1x16xi32>,
      %swap3A_402 = vector.shape_cast %swap3A_401 : vector<1x16xi32> to vector<16xi32>
      %swap3A_403 = vector.shape_cast %add3A_397 : vector<16xi32> to vector<1x16xi32>
      tpu.vector_store %arg6[%swap3A_399, %swap3A_400], %swap3A_403 {strides = array<i32>} : memref<8x128xi32, #tpu.memory_space<vmem>>, vector<1x16xi32>,
      %get3A_404 = arith.constant 3 : i32
      %get3A_405 = arith.index_cast %get3A_404 : i32 to index
      %get3A_406 = arith.constant 0 : index
      %get3A_407 = tpu.vector_load %arg6[%get3A_405, %get3A_406] {strides = array<i32>} : memref<8x128xi32, #tpu.memory_space<vmem>>, vector<1x16xi32>,
      %get3A_408 = vector.shape_cast %get3A_407 : vector<1x16xi32> to vector<16xi32>
      %mul3A_409 = arith.constant 10000 : i32
      %mul3A_410 = arith.muli %arg0, %mul3A_409 : i32
      %add3A_411 = vector.broadcast %mul3A_410 : i32 to vector<16xi32>
      %add3A_412 = arith.addi %get3A_408, %add3A_411 : vector<16xi32>
      %swap3A_413 = arith.constant 3 : i32
      %swap3A_414 = arith.index_cast %swap3A_413 : i32 to index
      %swap3A_415 = arith.constant 0 : index
      %swap3A_416 = tpu.vector_load %arg6[%swap3A_414, %swap3A_415] {strides = array<i32>} : memref<8x128xi32, #tpu.memory_space<vmem>>, vector<1x16xi32>,
      %swap3A_417 = vector.shape_cast %swap3A_416 : vector<1x16xi32> to vector<16xi32>
      %swap3A_418 = vector.shape_cast %add3A_412 : vector<16xi32> to vector<1x16xi32>
      tpu.vector_store %arg6[%swap3A_414, %swap3A_415], %swap3A_418 {strides = array<i32>} : memref<8x128xi32, #tpu.memory_space<vmem>>, vector<1x16xi32>,
      %get3A_419 = arith.constant 3 : i32
      %get3A_420 = arith.index_cast %get3A_419 : i32 to index
      %get3A_421 = arith.constant 16 : index
      %get3A_422 = tpu.vector_load %arg6[%get3A_420, %get3A_421] {strides = array<i32>} : memref<8x128xi32, #tpu.memory_space<vmem>>, vector<1x16xi32>,
      %get3A_423 = vector.shape_cast %get3A_422 : vector<1x16xi32> to vector<16xi32>
      %mul3A_424 = arith.constant 10000 : i32
      %mul3A_425 = arith.muli %arg0, %mul3A_424 : i32
      %add3A_426 = vector.broadcast %mul3A_425 : i32 to vector<16xi32>
      %add3A_427 = arith.addi %get3A_423, %add3A_426 : vector<16xi32>
      %swap3A_428 = arith.constant 3 : i32
      %swap3A_429 = arith.index_cast %swap3A_428 : i32 to index
      %swap3A_430 = arith.constant 16 : index
      %swap3A_431 = tpu.vector_load %arg6[%swap3A_429, %swap3A_430] {strides = array<i32>} : memref<8x128xi32, #tpu.memory_space<vmem>>, vector<1x16xi32>,
      %swap3A_432 = vector.shape_cast %swap3A_431 : vector<1x16xi32> to vector<16xi32>
      %swap3A_433 = vector.shape_cast %add3A_427 : vector<16xi32> to vector<1x16xi32>
      tpu.vector_store %arg6[%swap3A_429, %swap3A_430], %swap3A_433 {strides = array<i32>} : memref<8x128xi32, #tpu.memory_space<vmem>>, vector<1x16xi32>,
      %get3A_434 = arith.constant 3 : i32
      %get3A_435 = arith.index_cast %get3A_434 : i32 to index
      %get3A_436 = arith.constant 32 : index
      %get3A_437 = tpu.vector_load %arg6[%get3A_435, %get3A_436] {strides = array<i32>} : memref<8x128xi32, #tpu.memory_space<vmem>>, vector<1x16xi32>,
      %get3A_438 = vector.shape_cast %get3A_437 : vector<1x16xi32> to vector<16xi32>
      %mul3A_439 = arith.constant 10000 : i32
      %mul3A_440 = arith.muli %arg0, %mul3A_439 : i32
      %add3A_441 = vector.broadcast %mul3A_440 : i32 to vector<16xi32>
      %add3A_442 = arith.addi %get3A_438, %add3A_441 : vector<16xi32>
      %swap3A_443 = arith.constant 3 : i32
      %swap3A_444 = arith.index_cast %swap3A_443 : i32 to index
      %swap3A_445 = arith.constant 32 : index
      %swap3A_446 = tpu.vector_load %arg6[%swap3A_444, %swap3A_445] {strides = array<i32>} : memref<8x128xi32, #tpu.memory_space<vmem>>, vector<1x16xi32>,
      %swap3A_447 = vector.shape_cast %swap3A_446 : vector<1x16xi32> to vector<16xi32>
      %swap3A_448 = vector.shape_cast %add3A_442 : vector<16xi32> to vector<1x16xi32>
      tpu.vector_store %arg6[%swap3A_444, %swap3A_445], %swap3A_448 {strides = array<i32>} : memref<8x128xi32, #tpu.memory_space<vmem>>, vector<1x16xi32>,
      %get3A_449 = arith.constant 3 : i32
      %get3A_450 = arith.index_cast %get3A_449 : i32 to index
      %get3A_451 = arith.constant 48 : index
      %get3A_452 = tpu.vector_load %arg6[%get3A_450, %get3A_451] {strides = array<i32>} : memref<8x128xi32, #tpu.memory_space<vmem>>, vector<1x16xi32>,
      %get3A_453 = vector.shape_cast %get3A_452 : vector<1x16xi32> to vector<16xi32>
      %mul3A_454 = arith.constant 10000 : i32
      %mul3A_455 = arith.muli %arg0, %mul3A_454 : i32
      %add3A_456 = vector.broadcast %mul3A_455 : i32 to vector<16xi32>
      %add3A_457 = arith.addi %get3A_453, %add3A_456 : vector<16xi32>
      %swap3A_458 = arith.constant 3 : i32
      %swap3A_459 = arith.index_cast %swap3A_458 : i32 to index
      %swap3A_460 = arith.constant 48 : index
      %swap3A_461 = tpu.vector_load %arg6[%swap3A_459, %swap3A_460] {strides = array<i32>} : memref<8x128xi32, #tpu.memory_space<vmem>>, vector<1x16xi32>,
      %swap3A_462 = vector.shape_cast %swap3A_461 : vector<1x16xi32> to vector<16xi32>
      %swap3A_463 = vector.shape_cast %add3A_457 : vector<16xi32> to vector<1x16xi32>
      tpu.vector_store %arg6[%swap3A_459, %swap3A_460], %swap3A_463 {strides = array<i32>} : memref<8x128xi32, #tpu.memory_space<vmem>>, vector<1x16xi32>,
      %get3A_464 = arith.constant 3 : i32
      %get3A_465 = arith.index_cast %get3A_464 : i32 to index
      %get3A_466 = arith.constant 64 : index
      %get3A_467 = tpu.vector_load %arg6[%get3A_465, %get3A_466] {strides = array<i32>} : memref<8x128xi32, #tpu.memory_space<vmem>>, vector<1x16xi32>,
      %get3A_468 = vector.shape_cast %get3A_467 : vector<1x16xi32> to vector<16xi32>
      %mul3A_469 = arith.constant 10000 : i32
      %mul3A_470 = arith.muli %arg0, %mul3A_469 : i32
      %add3A_471 = vector.broadcast %mul3A_470 : i32 to vector<16xi32>
      %add3A_472 = arith.addi %get3A_468, %add3A_471 : vector<16xi32>
      %swap3A_473 = arith.constant 3 : i32
      %swap3A_474 = arith.index_cast %swap3A_473 : i32 to index
      %swap3A_475 = arith.constant 64 : index
      %swap3A_476 = tpu.vector_load %arg6[%swap3A_474, %swap3A_475] {strides = array<i32>} : memref<8x128xi32, #tpu.memory_space<vmem>>, vector<1x16xi32>,
      %swap3A_477 = vector.shape_cast %swap3A_476 : vector<1x16xi32> to vector<16xi32>
      %swap3A_478 = vector.shape_cast %add3A_472 : vector<16xi32> to vector<1x16xi32>
      tpu.vector_store %arg6[%swap3A_474, %swap3A_475], %swap3A_478 {strides = array<i32>} : memref<8x128xi32, #tpu.memory_space<vmem>>, vector<1x16xi32>,
      %get3A_479 = arith.constant 3 : i32
      %get3A_480 = arith.index_cast %get3A_479 : i32 to index
      %get3A_481 = arith.constant 80 : index
      %get3A_482 = tpu.vector_load %arg6[%get3A_480, %get3A_481] {strides = array<i32>} : memref<8x128xi32, #tpu.memory_space<vmem>>, vector<1x16xi32>,
      %get3A_483 = vector.shape_cast %get3A_482 : vector<1x16xi32> to vector<16xi32>
      %mul3A_484 = arith.constant 10000 : i32
      %mul3A_485 = arith.muli %arg0, %mul3A_484 : i32
      %add3A_486 = vector.broadcast %mul3A_485 : i32 to vector<16xi32>
      %add3A_487 = arith.addi %get3A_483, %add3A_486 : vector<16xi32>
      %swap3A_488 = arith.constant 3 : i32
      %swap3A_489 = arith.index_cast %swap3A_488 : i32 to index
      %swap3A_490 = arith.constant 80 : index
      %swap3A_491 = tpu.vector_load %arg6[%swap3A_489, %swap3A_490] {strides = array<i32>} : memref<8x128xi32, #tpu.memory_space<vmem>>, vector<1x16xi32>,
      %swap3A_492 = vector.shape_cast %swap3A_491 : vector<1x16xi32> to vector<16xi32>
      %swap3A_493 = vector.shape_cast %add3A_487 : vector<16xi32> to vector<1x16xi32>
      tpu.vector_store %arg6[%swap3A_489, %swap3A_490], %swap3A_493 {strides = array<i32>} : memref<8x128xi32, #tpu.memory_space<vmem>>, vector<1x16xi32>,
      %get3A_494 = arith.constant 3 : i32
      %get3A_495 = arith.index_cast %get3A_494 : i32 to index
      %get3A_496 = arith.constant 96 : index
      %get3A_497 = tpu.vector_load %arg6[%get3A_495, %get3A_496] {strides = array<i32>} : memref<8x128xi32, #tpu.memory_space<vmem>>, vector<1x16xi32>,
      %get3A_498 = vector.shape_cast %get3A_497 : vector<1x16xi32> to vector<16xi32>
      %mul3A_499 = arith.constant 10000 : i32
      %mul3A_500 = arith.muli %arg0, %mul3A_499 : i32
      %add3A_501 = vector.broadcast %mul3A_500 : i32 to vector<16xi32>
      %add3A_502 = arith.addi %get3A_498, %add3A_501 : vector<16xi32>
      %swap3A_503 = arith.constant 3 : i32
      %swap3A_504 = arith.index_cast %swap3A_503 : i32 to index
      %swap3A_505 = arith.constant 96 : index
      %swap3A_506 = tpu.vector_load %arg6[%swap3A_504, %swap3A_505] {strides = array<i32>} : memref<8x128xi32, #tpu.memory_space<vmem>>, vector<1x16xi32>,
      %swap3A_507 = vector.shape_cast %swap3A_506 : vector<1x16xi32> to vector<16xi32>
      %swap3A_508 = vector.shape_cast %add3A_502 : vector<16xi32> to vector<1x16xi32>
      tpu.vector_store %arg6[%swap3A_504, %swap3A_505], %swap3A_508 {strides = array<i32>} : memref<8x128xi32, #tpu.memory_space<vmem>>, vector<1x16xi32>,
      %get3A_509 = arith.constant 3 : i32
      %get3A_510 = arith.index_cast %get3A_509 : i32 to index
      %get3A_511 = arith.constant 112 : index
      %get3A_512 = tpu.vector_load %arg6[%get3A_510, %get3A_511] {strides = array<i32>} : memref<8x128xi32, #tpu.memory_space<vmem>>, vector<1x16xi32>,
      %get3A_513 = vector.shape_cast %get3A_512 : vector<1x16xi32> to vector<16xi32>
      %mul3A_514 = arith.constant 10000 : i32
      %mul3A_515 = arith.muli %arg0, %mul3A_514 : i32
      %add3A_516 = vector.broadcast %mul3A_515 : i32 to vector<16xi32>
      %add3A_517 = arith.addi %get3A_513, %add3A_516 : vector<16xi32>
      %swap3A_518 = arith.constant 3 : i32
      %swap3A_519 = arith.index_cast %swap3A_518 : i32 to index
      %swap3A_520 = arith.constant 112 : index
      %swap3A_521 = tpu.vector_load %arg6[%swap3A_519, %swap3A_520] {strides = array<i32>} : memref<8x128xi32, #tpu.memory_space<vmem>>, vector<1x16xi32>,
      %swap3A_522 = vector.shape_cast %swap3A_521 : vector<1x16xi32> to vector<16xi32>
      %swap3A_523 = vector.shape_cast %add3A_517 : vector<16xi32> to vector<1x16xi32>
      tpu.vector_store %arg6[%swap3A_519, %swap3A_520], %swap3A_523 {strides = array<i32>} : memref<8x128xi32, #tpu.memory_space<vmem>>, vector<1x16xi32>,
      %get3A_524 = arith.constant 4 : i32
      %get3A_525 = arith.index_cast %get3A_524 : i32 to index
      %get3A_526 = arith.constant 0 : index
      %get3A_527 = tpu.vector_load %arg6[%get3A_525, %get3A_526] {strides = array<i32>} : memref<8x128xi32, #tpu.memory_space<vmem>>, vector<1x16xi32>,
      %get3A_528 = vector.shape_cast %get3A_527 : vector<1x16xi32> to vector<16xi32>
      %mul3A_529 = arith.constant 10000 : i32
      %mul3A_530 = arith.muli %arg0, %mul3A_529 : i32
      %add3A_531 = vector.broadcast %mul3A_530 : i32 to vector<16xi32>
      %add3A_532 = arith.addi %get3A_528, %add3A_531 : vector<16xi32>
      %swap3A_533 = arith.constant 4 : i32
      %swap3A_534 = arith.index_cast %swap3A_533 : i32 to index
      %swap3A_535 = arith.constant 0 : index
      %swap3A_536 = tpu.vector_load %arg6[%swap3A_534, %swap3A_535] {strides = array<i32>} : memref<8x128xi32, #tpu.memory_space<vmem>>, vector<1x16xi32>,
      %swap3A_537 = vector.shape_cast %swap3A_536 : vector<1x16xi32> to vector<16xi32>
      %swap3A_538 = vector.shape_cast %add3A_532 : vector<16xi32> to vector<1x16xi32>
      tpu.vector_store %arg6[%swap3A_534, %swap3A_535], %swap3A_538 {strides = array<i32>} : memref<8x128xi32, #tpu.memory_space<vmem>>, vector<1x16xi32>,
      %get3A_539 = arith.constant 4 : i32
      %get3A_540 = arith.index_cast %get3A_539 : i32 to index
      %get3A_541 = arith.constant 16 : index
      %get3A_542 = tpu.vector_load %arg6[%get3A_540, %get3A_541] {strides = array<i32>} : memref<8x128xi32, #tpu.memory_space<vmem>>, vector<1x16xi32>,
      %get3A_543 = vector.shape_cast %get3A_542 : vector<1x16xi32> to vector<16xi32>
      %mul3A_544 = arith.constant 10000 : i32
      %mul3A_545 = arith.muli %arg0, %mul3A_544 : i32
      %add3A_546 = vector.broadcast %mul3A_545 : i32 to vector<16xi32>
      %add3A_547 = arith.addi %get3A_543, %add3A_546 : vector<16xi32>
      %swap3A_548 = arith.constant 4 : i32
      %swap3A_549 = arith.index_cast %swap3A_548 : i32 to index
      %swap3A_550 = arith.constant 16 : index
      %swap3A_551 = tpu.vector_load %arg6[%swap3A_549, %swap3A_550] {strides = array<i32>} : memref<8x128xi32, #tpu.memory_space<vmem>>, vector<1x16xi32>,
      %swap3A_552 = vector.shape_cast %swap3A_551 : vector<1x16xi32> to vector<16xi32>
      %swap3A_553 = vector.shape_cast %add3A_547 : vector<16xi32> to vector<1x16xi32>
      tpu.vector_store %arg6[%swap3A_549, %swap3A_550], %swap3A_553 {strides = array<i32>} : memref<8x128xi32, #tpu.memory_space<vmem>>, vector<1x16xi32>,
      %get3A_554 = arith.constant 4 : i32
      %get3A_555 = arith.index_cast %get3A_554 : i32 to index
      %get3A_556 = arith.constant 32 : index
      %get3A_557 = tpu.vector_load %arg6[%get3A_555, %get3A_556] {strides = array<i32>} : memref<8x128xi32, #tpu.memory_space<vmem>>, vector<1x16xi32>,
      %get3A_558 = vector.shape_cast %get3A_557 : vector<1x16xi32> to vector<16xi32>
      %mul3A_559 = arith.constant 10000 : i32
      %mul3A_560 = arith.muli %arg0, %mul3A_559 : i32
      %add3A_561 = vector.broadcast %mul3A_560 : i32 to vector<16xi32>
      %add3A_562 = arith.addi %get3A_558, %add3A_561 : vector<16xi32>
      %swap3A_563 = arith.constant 4 : i32
      %swap3A_564 = arith.index_cast %swap3A_563 : i32 to index
      %swap3A_565 = arith.constant 32 : index
      %swap3A_566 = tpu.vector_load %arg6[%swap3A_564, %swap3A_565] {strides = array<i32>} : memref<8x128xi32, #tpu.memory_space<vmem>>, vector<1x16xi32>,
      %swap3A_567 = vector.shape_cast %swap3A_566 : vector<1x16xi32> to vector<16xi32>
      %swap3A_568 = vector.shape_cast %add3A_562 : vector<16xi32> to vector<1x16xi32>
      tpu.vector_store %arg6[%swap3A_564, %swap3A_565], %swap3A_568 {strides = array<i32>} : memref<8x128xi32, #tpu.memory_space<vmem>>, vector<1x16xi32>,
      %get3A_569 = arith.constant 4 : i32
      %get3A_570 = arith.index_cast %get3A_569 : i32 to index
      %get3A_571 = arith.constant 48 : index
      %get3A_572 = tpu.vector_load %arg6[%get3A_570, %get3A_571] {strides = array<i32>} : memref<8x128xi32, #tpu.memory_space<vmem>>, vector<1x16xi32>,
      %get3A_573 = vector.shape_cast %get3A_572 : vector<1x16xi32> to vector<16xi32>
      %mul3A_574 = arith.constant 10000 : i32
      %mul3A_575 = arith.muli %arg0, %mul3A_574 : i32
      %add3A_576 = vector.broadcast %mul3A_575 : i32 to vector<16xi32>
      %add3A_577 = arith.addi %get3A_573, %add3A_576 : vector<16xi32>
      %swap3A_578 = arith.constant 4 : i32
      %swap3A_579 = arith.index_cast %swap3A_578 : i32 to index
      %swap3A_580 = arith.constant 48 : index
      %swap3A_581 = tpu.vector_load %arg6[%swap3A_579, %swap3A_580] {strides = array<i32>} : memref<8x128xi32, #tpu.memory_space<vmem>>, vector<1x16xi32>,
      %swap3A_582 = vector.shape_cast %swap3A_581 : vector<1x16xi32> to vector<16xi32>
      %swap3A_583 = vector.shape_cast %add3A_577 : vector<16xi32> to vector<1x16xi32>
      tpu.vector_store %arg6[%swap3A_579, %swap3A_580], %swap3A_583 {strides = array<i32>} : memref<8x128xi32, #tpu.memory_space<vmem>>, vector<1x16xi32>,
      %get3A_584 = arith.constant 4 : i32
      %get3A_585 = arith.index_cast %get3A_584 : i32 to index
      %get3A_586 = arith.constant 64 : index
      %get3A_587 = tpu.vector_load %arg6[%get3A_585, %get3A_586] {strides = array<i32>} : memref<8x128xi32, #tpu.memory_space<vmem>>, vector<1x16xi32>,
      %get3A_588 = vector.shape_cast %get3A_587 : vector<1x16xi32> to vector<16xi32>
      %mul3A_589 = arith.constant 10000 : i32
      %mul3A_590 = arith.muli %arg0, %mul3A_589 : i32
      %add3A_591 = vector.broadcast %mul3A_590 : i32 to vector<16xi32>
      %add3A_592 = arith.addi %get3A_588, %add3A_591 : vector<16xi32>
      %swap3A_593 = arith.constant 4 : i32
      %swap3A_594 = arith.index_cast %swap3A_593 : i32 to index
      %swap3A_595 = arith.constant 64 : index
      %swap3A_596 = tpu.vector_load %arg6[%swap3A_594, %swap3A_595] {strides = array<i32>} : memref<8x128xi32, #tpu.memory_space<vmem>>, vector<1x16xi32>,
      %swap3A_597 = vector.shape_cast %swap3A_596 : vector<1x16xi32> to vector<16xi32>
      %swap3A_598 = vector.shape_cast %add3A_592 : vector<16xi32> to vector<1x16xi32>
      tpu.vector_store %arg6[%swap3A_594, %swap3A_595], %swap3A_598 {strides = array<i32>} : memref<8x128xi32, #tpu.memory_space<vmem>>, vector<1x16xi32>,
      %get3A_599 = arith.constant 4 : i32
      %get3A_600 = arith.index_cast %get3A_599 : i32 to index
      %get3A_601 = arith.constant 80 : index
      %get3A_602 = tpu.vector_load %arg6[%get3A_600, %get3A_601] {strides = array<i32>} : memref<8x128xi32, #tpu.memory_space<vmem>>, vector<1x16xi32>,
      %get3A_603 = vector.shape_cast %get3A_602 : vector<1x16xi32> to vector<16xi32>
      %mul3A_604 = arith.constant 10000 : i32
      %mul3A_605 = arith.muli %arg0, %mul3A_604 : i32
      %add3A_606 = vector.broadcast %mul3A_605 : i32 to vector<16xi32>
      %add3A_607 = arith.addi %get3A_603, %add3A_606 : vector<16xi32>
      %swap3A_608 = arith.constant 4 : i32
      %swap3A_609 = arith.index_cast %swap3A_608 : i32 to index
      %swap3A_610 = arith.constant 80 : index
      %swap3A_611 = tpu.vector_load %arg6[%swap3A_609, %swap3A_610] {strides = array<i32>} : memref<8x128xi32, #tpu.memory_space<vmem>>, vector<1x16xi32>,
      %swap3A_612 = vector.shape_cast %swap3A_611 : vector<1x16xi32> to vector<16xi32>
      %swap3A_613 = vector.shape_cast %add3A_607 : vector<16xi32> to vector<1x16xi32>
      tpu.vector_store %arg6[%swap3A_609, %swap3A_610], %swap3A_613 {strides = array<i32>} : memref<8x128xi32, #tpu.memory_space<vmem>>, vector<1x16xi32>,
      %get3A_614 = arith.constant 4 : i32
      %get3A_615 = arith.index_cast %get3A_614 : i32 to index
      %get3A_616 = arith.constant 96 : index
      %get3A_617 = tpu.vector_load %arg6[%get3A_615, %get3A_616] {strides = array<i32>} : memref<8x128xi32, #tpu.memory_space<vmem>>, vector<1x16xi32>,
      %get3A_618 = vector.shape_cast %get3A_617 : vector<1x16xi32> to vector<16xi32>
      %mul3A_619 = arith.constant 10000 : i32
      %mul3A_620 = arith.muli %arg0, %mul3A_619 : i32
      %add3A_621 = vector.broadcast %mul3A_620 : i32 to vector<16xi32>
      %add3A_622 = arith.addi %get3A_618, %add3A_621 : vector<16xi32>
      %swap3A_623 = arith.constant 4 : i32
      %swap3A_624 = arith.index_cast %swap3A_623 : i32 to index
      %swap3A_625 = arith.constant 96 : index
      %swap3A_626 = tpu.vector_load %arg6[%swap3A_624, %swap3A_625] {strides = array<i32>} : memref<8x128xi32, #tpu.memory_space<vmem>>, vector<1x16xi32>,
      %swap3A_627 = vector.shape_cast %swap3A_626 : vector<1x16xi32> to vector<16xi32>
      %swap3A_628 = vector.shape_cast %add3A_622 : vector<16xi32> to vector<1x16xi32>
      tpu.vector_store %arg6[%swap3A_624, %swap3A_625], %swap3A_628 {strides = array<i32>} : memref<8x128xi32, #tpu.memory_space<vmem>>, vector<1x16xi32>,
      %get3A_629 = arith.constant 4 : i32
      %get3A_630 = arith.index_cast %get3A_629 : i32 to index
      %get3A_631 = arith.constant 112 : index
      %get3A_632 = tpu.vector_load %arg6[%get3A_630, %get3A_631] {strides = array<i32>} : memref<8x128xi32, #tpu.memory_space<vmem>>, vector<1x16xi32>,
      %get3A_633 = vector.shape_cast %get3A_632 : vector<1x16xi32> to vector<16xi32>
      %mul3A_634 = arith.constant 10000 : i32
      %mul3A_635 = arith.muli %arg0, %mul3A_634 : i32
      %add3A_636 = vector.broadcast %mul3A_635 : i32 to vector<16xi32>
      %add3A_637 = arith.addi %get3A_633, %add3A_636 : vector<16xi32>
      %swap3A_638 = arith.constant 4 : i32
      %swap3A_639 = arith.index_cast %swap3A_638 : i32 to index
      %swap3A_640 = arith.constant 112 : index
      %swap3A_641 = tpu.vector_load %arg6[%swap3A_639, %swap3A_640] {strides = array<i32>} : memref<8x128xi32, #tpu.memory_space<vmem>>, vector<1x16xi32>,
      %swap3A_642 = vector.shape_cast %swap3A_641 : vector<1x16xi32> to vector<16xi32>
      %swap3A_643 = vector.shape_cast %add3A_637 : vector<16xi32> to vector<1x16xi32>
      tpu.vector_store %arg6[%swap3A_639, %swap3A_640], %swap3A_643 {strides = array<i32>} : memref<8x128xi32, #tpu.memory_space<vmem>>, vector<1x16xi32>,
      %get3A_644 = arith.constant 5 : i32
      %get3A_645 = arith.index_cast %get3A_644 : i32 to index
      %get3A_646 = arith.constant 0 : index
      %get3A_647 = tpu.vector_load %arg6[%get3A_645, %get3A_646] {strides = array<i32>} : memref<8x128xi32, #tpu.memory_space<vmem>>, vector<1x16xi32>,
      %get3A_648 = vector.shape_cast %get3A_647 : vector<1x16xi32> to vector<16xi32>
      %mul3A_649 = arith.constant 10000 : i32
      %mul3A_650 = arith.muli %arg0, %mul3A_649 : i32
      %add3A_651 = vector.broadcast %mul3A_650 : i32 to vector<16xi32>
      %add3A_652 = arith.addi %get3A_648, %add3A_651 : vector<16xi32>
      %swap3A_653 = arith.constant 5 : i32
      %swap3A_654 = arith.index_cast %swap3A_653 : i32 to index
      %swap3A_655 = arith.constant 0 : index
      %swap3A_656 = tpu.vector_load %arg6[%swap3A_654, %swap3A_655] {strides = array<i32>} : memref<8x128xi32, #tpu.memory_space<vmem>>, vector<1x16xi32>,
      %swap3A_657 = vector.shape_cast %swap3A_656 : vector<1x16xi32> to vector<16xi32>
      %swap3A_658 = vector.shape_cast %add3A_652 : vector<16xi32> to vector<1x16xi32>
      tpu.vector_store %arg6[%swap3A_654, %swap3A_655], %swap3A_658 {strides = array<i32>} : memref<8x128xi32, #tpu.memory_space<vmem>>, vector<1x16xi32>,
      %get3A_659 = arith.constant 5 : i32
      %get3A_660 = arith.index_cast %get3A_659 : i32 to index
      %get3A_661 = arith.constant 16 : index
      %get3A_662 = tpu.vector_load %arg6[%get3A_660, %get3A_661] {strides = array<i32>} : memref<8x128xi32, #tpu.memory_space<vmem>>, vector<1x16xi32>,
      %get3A_663 = vector.shape_cast %get3A_662 : vector<1x16xi32> to vector<16xi32>
      %mul3A_664 = arith.constant 10000 : i32
      %mul3A_665 = arith.muli %arg0, %mul3A_664 : i32
      %add3A_666 = vector.broadcast %mul3A_665 : i32 to vector<16xi32>
      %add3A_667 = arith.addi %get3A_663, %add3A_666 : vector<16xi32>
      %swap3A_668 = arith.constant 5 : i32
      %swap3A_669 = arith.index_cast %swap3A_668 : i32 to index
      %swap3A_670 = arith.constant 16 : index
      %swap3A_671 = tpu.vector_load %arg6[%swap3A_669, %swap3A_670] {strides = array<i32>} : memref<8x128xi32, #tpu.memory_space<vmem>>, vector<1x16xi32>,
      %swap3A_672 = vector.shape_cast %swap3A_671 : vector<1x16xi32> to vector<16xi32>
      %swap3A_673 = vector.shape_cast %add3A_667 : vector<16xi32> to vector<1x16xi32>
      tpu.vector_store %arg6[%swap3A_669, %swap3A_670], %swap3A_673 {strides = array<i32>} : memref<8x128xi32, #tpu.memory_space<vmem>>, vector<1x16xi32>,
      %get3A_674 = arith.constant 5 : i32
      %get3A_675 = arith.index_cast %get3A_674 : i32 to index
      %get3A_676 = arith.constant 32 : index
      %get3A_677 = tpu.vector_load %arg6[%get3A_675, %get3A_676] {strides = array<i32>} : memref<8x128xi32, #tpu.memory_space<vmem>>, vector<1x16xi32>,
      %get3A_678 = vector.shape_cast %get3A_677 : vector<1x16xi32> to vector<16xi32>
      %mul3A_679 = arith.constant 10000 : i32
      %mul3A_680 = arith.muli %arg0, %mul3A_679 : i32
      %add3A_681 = vector.broadcast %mul3A_680 : i32 to vector<16xi32>
      %add3A_682 = arith.addi %get3A_678, %add3A_681 : vector<16xi32>
      %swap3A_683 = arith.constant 5 : i32
      %swap3A_684 = arith.index_cast %swap3A_683 : i32 to index
      %swap3A_685 = arith.constant 32 : index
      %swap3A_686 = tpu.vector_load %arg6[%swap3A_684, %swap3A_685] {strides = array<i32>} : memref<8x128xi32, #tpu.memory_space<vmem>>, vector<1x16xi32>,
      %swap3A_687 = vector.shape_cast %swap3A_686 : vector<1x16xi32> to vector<16xi32>
      %swap3A_688 = vector.shape_cast %add3A_682 : vector<16xi32> to vector<1x16xi32>
      tpu.vector_store %arg6[%swap3A_684, %swap3A_685], %swap3A_688 {strides = array<i32>} : memref<8x128xi32, #tpu.memory_space<vmem>>, vector<1x16xi32>,
      %get3A_689 = arith.constant 5 : i32
      %get3A_690 = arith.index_cast %get3A_689 : i32 to index
      %get3A_691 = arith.constant 48 : index
      %get3A_692 = tpu.vector_load %arg6[%get3A_690, %get3A_691] {strides = array<i32>} : memref<8x128xi32, #tpu.memory_space<vmem>>, vector<1x16xi32>,
      %get3A_693 = vector.shape_cast %get3A_692 : vector<1x16xi32> to vector<16xi32>
      %mul3A_694 = arith.constant 10000 : i32
      %mul3A_695 = arith.muli %arg0, %mul3A_694 : i32
      %add3A_696 = vector.broadcast %mul3A_695 : i32 to vector<16xi32>
      %add3A_697 = arith.addi %get3A_693, %add3A_696 : vector<16xi32>
      %swap3A_698 = arith.constant 5 : i32
      %swap3A_699 = arith.index_cast %swap3A_698 : i32 to index
      %swap3A_700 = arith.constant 48 : index
      %swap3A_701 = tpu.vector_load %arg6[%swap3A_699, %swap3A_700] {strides = array<i32>} : memref<8x128xi32, #tpu.memory_space<vmem>>, vector<1x16xi32>,
      %swap3A_702 = vector.shape_cast %swap3A_701 : vector<1x16xi32> to vector<16xi32>
      %swap3A_703 = vector.shape_cast %add3A_697 : vector<16xi32> to vector<1x16xi32>
      tpu.vector_store %arg6[%swap3A_699, %swap3A_700], %swap3A_703 {strides = array<i32>} : memref<8x128xi32, #tpu.memory_space<vmem>>, vector<1x16xi32>,
      %get3A_704 = arith.constant 5 : i32
      %get3A_705 = arith.index_cast %get3A_704 : i32 to index
      %get3A_706 = arith.constant 64 : index
      %get3A_707 = tpu.vector_load %arg6[%get3A_705, %get3A_706] {strides = array<i32>} : memref<8x128xi32, #tpu.memory_space<vmem>>, vector<1x16xi32>,
      %get3A_708 = vector.shape_cast %get3A_707 : vector<1x16xi32> to vector<16xi32>
      %mul3A_709 = arith.constant 10000 : i32
      %mul3A_710 = arith.muli %arg0, %mul3A_709 : i32
      %add3A_711 = vector.broadcast %mul3A_710 : i32 to vector<16xi32>
      %add3A_712 = arith.addi %get3A_708, %add3A_711 : vector<16xi32>
      %swap3A_713 = arith.constant 5 : i32
      %swap3A_714 = arith.index_cast %swap3A_713 : i32 to index
      %swap3A_715 = arith.constant 64 : index
      %swap3A_716 = tpu.vector_load %arg6[%swap3A_714, %swap3A_715] {strides = array<i32>} : memref<8x128xi32, #tpu.memory_space<vmem>>, vector<1x16xi32>,
      %swap3A_717 = vector.shape_cast %swap3A_716 : vector<1x16xi32> to vector<16xi32>
      %swap3A_718 = vector.shape_cast %add3A_712 : vector<16xi32> to vector<1x16xi32>
      tpu.vector_store %arg6[%swap3A_714, %swap3A_715], %swap3A_718 {strides = array<i32>} : memref<8x128xi32, #tpu.memory_space<vmem>>, vector<1x16xi32>,
      %get3A_719 = arith.constant 5 : i32
      %get3A_720 = arith.index_cast %get3A_719 : i32 to index
      %get3A_721 = arith.constant 80 : index
      %get3A_722 = tpu.vector_load %arg6[%get3A_720, %get3A_721] {strides = array<i32>} : memref<8x128xi32, #tpu.memory_space<vmem>>, vector<1x16xi32>,
      %get3A_723 = vector.shape_cast %get3A_722 : vector<1x16xi32> to vector<16xi32>
      %mul3A_724 = arith.constant 10000 : i32
      %mul3A_725 = arith.muli %arg0, %mul3A_724 : i32
      %add3A_726 = vector.broadcast %mul3A_725 : i32 to vector<16xi32>
      %add3A_727 = arith.addi %get3A_723, %add3A_726 : vector<16xi32>
      %swap3A_728 = arith.constant 5 : i32
      %swap3A_729 = arith.index_cast %swap3A_728 : i32 to index
      %swap3A_730 = arith.constant 80 : index
      %swap3A_731 = tpu.vector_load %arg6[%swap3A_729, %swap3A_730] {strides = array<i32>} : memref<8x128xi32, #tpu.memory_space<vmem>>, vector<1x16xi32>,
      %swap3A_732 = vector.shape_cast %swap3A_731 : vector<1x16xi32> to vector<16xi32>
      %swap3A_733 = vector.shape_cast %add3A_727 : vector<16xi32> to vector<1x16xi32>
      tpu.vector_store %arg6[%swap3A_729, %swap3A_730], %swap3A_733 {strides = array<i32>} : memref<8x128xi32, #tpu.memory_space<vmem>>, vector<1x16xi32>,
      %get3A_734 = arith.constant 5 : i32
      %get3A_735 = arith.index_cast %get3A_734 : i32 to index
      %get3A_736 = arith.constant 96 : index
      %get3A_737 = tpu.vector_load %arg6[%get3A_735, %get3A_736] {strides = array<i32>} : memref<8x128xi32, #tpu.memory_space<vmem>>, vector<1x16xi32>,
      %get3A_738 = vector.shape_cast %get3A_737 : vector<1x16xi32> to vector<16xi32>
      %mul3A_739 = arith.constant 10000 : i32
      %mul3A_740 = arith.muli %arg0, %mul3A_739 : i32
      %add3A_741 = vector.broadcast %mul3A_740 : i32 to vector<16xi32>
      %add3A_742 = arith.addi %get3A_738, %add3A_741 : vector<16xi32>
      %swap3A_743 = arith.constant 5 : i32
      %swap3A_744 = arith.index_cast %swap3A_743 : i32 to index
      %swap3A_745 = arith.constant 96 : index
      %swap3A_746 = tpu.vector_load %arg6[%swap3A_744, %swap3A_745] {strides = array<i32>} : memref<8x128xi32, #tpu.memory_space<vmem>>, vector<1x16xi32>,
      %swap3A_747 = vector.shape_cast %swap3A_746 : vector<1x16xi32> to vector<16xi32>
      %swap3A_748 = vector.shape_cast %add3A_742 : vector<16xi32> to vector<1x16xi32>
      tpu.vector_store %arg6[%swap3A_744, %swap3A_745], %swap3A_748 {strides = array<i32>} : memref<8x128xi32, #tpu.memory_space<vmem>>, vector<1x16xi32>,
      %get3A_749 = arith.constant 5 : i32
      %get3A_750 = arith.index_cast %get3A_749 : i32 to index
      %get3A_751 = arith.constant 112 : index
      %get3A_752 = tpu.vector_load %arg6[%get3A_750, %get3A_751] {strides = array<i32>} : memref<8x128xi32, #tpu.memory_space<vmem>>, vector<1x16xi32>,
      %get3A_753 = vector.shape_cast %get3A_752 : vector<1x16xi32> to vector<16xi32>
      %mul3A_754 = arith.constant 10000 : i32
      %mul3A_755 = arith.muli %arg0, %mul3A_754 : i32
      %add3A_756 = vector.broadcast %mul3A_755 : i32 to vector<16xi32>
      %add3A_757 = arith.addi %get3A_753, %add3A_756 : vector<16xi32>
      %swap3A_758 = arith.constant 5 : i32
      %swap3A_759 = arith.index_cast %swap3A_758 : i32 to index
      %swap3A_760 = arith.constant 112 : index
      %swap3A_761 = tpu.vector_load %arg6[%swap3A_759, %swap3A_760] {strides = array<i32>} : memref<8x128xi32, #tpu.memory_space<vmem>>, vector<1x16xi32>,
      %swap3A_762 = vector.shape_cast %swap3A_761 : vector<1x16xi32> to vector<16xi32>
      %swap3A_763 = vector.shape_cast %add3A_757 : vector<16xi32> to vector<1x16xi32>
      tpu.vector_store %arg6[%swap3A_759, %swap3A_760], %swap3A_763 {strides = array<i32>} : memref<8x128xi32, #tpu.memory_space<vmem>>, vector<1x16xi32>,
      %get3A_764 = arith.constant 6 : i32
      %get3A_765 = arith.index_cast %get3A_764 : i32 to index
      %get3A_766 = arith.constant 0 : index
      %get3A_767 = tpu.vector_load %arg6[%get3A_765, %get3A_766] {strides = array<i32>} : memref<8x128xi32, #tpu.memory_space<vmem>>, vector<1x16xi32>,
      %get3A_768 = vector.shape_cast %get3A_767 : vector<1x16xi32> to vector<16xi32>
      %mul3A_769 = arith.constant 10000 : i32
      %mul3A_770 = arith.muli %arg0, %mul3A_769 : i32
      %add3A_771 = vector.broadcast %mul3A_770 : i32 to vector<16xi32>
      %add3A_772 = arith.addi %get3A_768, %add3A_771 : vector<16xi32>
      %swap3A_773 = arith.constant 6 : i32
      %swap3A_774 = arith.index_cast %swap3A_773 : i32 to index
      %swap3A_775 = arith.constant 0 : index
      %swap3A_776 = tpu.vector_load %arg6[%swap3A_774, %swap3A_775] {strides = array<i32>} : memref<8x128xi32, #tpu.memory_space<vmem>>, vector<1x16xi32>,
      %swap3A_777 = vector.shape_cast %swap3A_776 : vector<1x16xi32> to vector<16xi32>
      %swap3A_778 = vector.shape_cast %add3A_772 : vector<16xi32> to vector<1x16xi32>
      tpu.vector_store %arg6[%swap3A_774, %swap3A_775], %swap3A_778 {strides = array<i32>} : memref<8x128xi32, #tpu.memory_space<vmem>>, vector<1x16xi32>,
      %get3A_779 = arith.constant 6 : i32
      %get3A_780 = arith.index_cast %get3A_779 : i32 to index
      %get3A_781 = arith.constant 16 : index
      %get3A_782 = tpu.vector_load %arg6[%get3A_780, %get3A_781] {strides = array<i32>} : memref<8x128xi32, #tpu.memory_space<vmem>>, vector<1x16xi32>,
      %get3A_783 = vector.shape_cast %get3A_782 : vector<1x16xi32> to vector<16xi32>
      %mul3A_784 = arith.constant 10000 : i32
      %mul3A_785 = arith.muli %arg0, %mul3A_784 : i32
      %add3A_786 = vector.broadcast %mul3A_785 : i32 to vector<16xi32>
      %add3A_787 = arith.addi %get3A_783, %add3A_786 : vector<16xi32>
      %swap3A_788 = arith.constant 6 : i32
      %swap3A_789 = arith.index_cast %swap3A_788 : i32 to index
      %swap3A_790 = arith.constant 16 : index
      %swap3A_791 = tpu.vector_load %arg6[%swap3A_789, %swap3A_790] {strides = array<i32>} : memref<8x128xi32, #tpu.memory_space<vmem>>, vector<1x16xi32>,
      %swap3A_792 = vector.shape_cast %swap3A_791 : vector<1x16xi32> to vector<16xi32>
      %swap3A_793 = vector.shape_cast %add3A_787 : vector<16xi32> to vector<1x16xi32>
      tpu.vector_store %arg6[%swap3A_789, %swap3A_790], %swap3A_793 {strides = array<i32>} : memref<8x128xi32, #tpu.memory_space<vmem>>, vector<1x16xi32>,
      %get3A_794 = arith.constant 6 : i32
      %get3A_795 = arith.index_cast %get3A_794 : i32 to index
      %get3A_796 = arith.constant 32 : index
      %get3A_797 = tpu.vector_load %arg6[%get3A_795, %get3A_796] {strides = array<i32>} : memref<8x128xi32, #tpu.memory_space<vmem>>, vector<1x16xi32>,
      %get3A_798 = vector.shape_cast %get3A_797 : vector<1x16xi32> to vector<16xi32>
      %mul3A_799 = arith.constant 10000 : i32
      %mul3A_800 = arith.muli %arg0, %mul3A_799 : i32
      %add3A_801 = vector.broadcast %mul3A_800 : i32 to vector<16xi32>
      %add3A_802 = arith.addi %get3A_798, %add3A_801 : vector<16xi32>
      %swap3A_803 = arith.constant 6 : i32
      %swap3A_804 = arith.index_cast %swap3A_803 : i32 to index
      %swap3A_805 = arith.constant 32 : index
      %swap3A_806 = tpu.vector_load %arg6[%swap3A_804, %swap3A_805] {strides = array<i32>} : memref<8x128xi32, #tpu.memory_space<vmem>>, vector<1x16xi32>,
      %swap3A_807 = vector.shape_cast %swap3A_806 : vector<1x16xi32> to vector<16xi32>
      %swap3A_808 = vector.shape_cast %add3A_802 : vector<16xi32> to vector<1x16xi32>
      tpu.vector_store %arg6[%swap3A_804, %swap3A_805], %swap3A_808 {strides = array<i32>} : memref<8x128xi32, #tpu.memory_space<vmem>>, vector<1x16xi32>,
      %get3A_809 = arith.constant 6 : i32
      %get3A_810 = arith.index_cast %get3A_809 : i32 to index
      %get3A_811 = arith.constant 48 : index
      %get3A_812 = tpu.vector_load %arg6[%get3A_810, %get3A_811] {strides = array<i32>} : memref<8x128xi32, #tpu.memory_space<vmem>>, vector<1x16xi32>,
      %get3A_813 = vector.shape_cast %get3A_812 : vector<1x16xi32> to vector<16xi32>
      %mul3A_814 = arith.constant 10000 : i32
      %mul3A_815 = arith.muli %arg0, %mul3A_814 : i32
      %add3A_816 = vector.broadcast %mul3A_815 : i32 to vector<16xi32>
      %add3A_817 = arith.addi %get3A_813, %add3A_816 : vector<16xi32>
      %swap3A_818 = arith.constant 6 : i32
      %swap3A_819 = arith.index_cast %swap3A_818 : i32 to index
      %swap3A_820 = arith.constant 48 : index
      %swap3A_821 = tpu.vector_load %arg6[%swap3A_819, %swap3A_820] {strides = array<i32>} : memref<8x128xi32, #tpu.memory_space<vmem>>, vector<1x16xi32>,
      %swap3A_822 = vector.shape_cast %swap3A_821 : vector<1x16xi32> to vector<16xi32>
      %swap3A_823 = vector.shape_cast %add3A_817 : vector<16xi32> to vector<1x16xi32>
      tpu.vector_store %arg6[%swap3A_819, %swap3A_820], %swap3A_823 {strides = array<i32>} : memref<8x128xi32, #tpu.memory_space<vmem>>, vector<1x16xi32>,
      %get3A_824 = arith.constant 6 : i32
      %get3A_825 = arith.index_cast %get3A_824 : i32 to index
      %get3A_826 = arith.constant 64 : index
      %get3A_827 = tpu.vector_load %arg6[%get3A_825, %get3A_826] {strides = array<i32>} : memref<8x128xi32, #tpu.memory_space<vmem>>, vector<1x16xi32>,
      %get3A_828 = vector.shape_cast %get3A_827 : vector<1x16xi32> to vector<16xi32>
      %mul3A_829 = arith.constant 10000 : i32
      %mul3A_830 = arith.muli %arg0, %mul3A_829 : i32
      %add3A_831 = vector.broadcast %mul3A_830 : i32 to vector<16xi32>
      %add3A_832 = arith.addi %get3A_828, %add3A_831 : vector<16xi32>
      %swap3A_833 = arith.constant 6 : i32
      %swap3A_834 = arith.index_cast %swap3A_833 : i32 to index
      %swap3A_835 = arith.constant 64 : index
      %swap3A_836 = tpu.vector_load %arg6[%swap3A_834, %swap3A_835] {strides = array<i32>} : memref<8x128xi32, #tpu.memory_space<vmem>>, vector<1x16xi32>,
      %swap3A_837 = vector.shape_cast %swap3A_836 : vector<1x16xi32> to vector<16xi32>
      %swap3A_838 = vector.shape_cast %add3A_832 : vector<16xi32> to vector<1x16xi32>
      tpu.vector_store %arg6[%swap3A_834, %swap3A_835], %swap3A_838 {strides = array<i32>} : memref<8x128xi32, #tpu.memory_space<vmem>>, vector<1x16xi32>,
      %get3A_839 = arith.constant 6 : i32
      %get3A_840 = arith.index_cast %get3A_839 : i32 to index
      %get3A_841 = arith.constant 80 : index
      %get3A_842 = tpu.vector_load %arg6[%get3A_840, %get3A_841] {strides = array<i32>} : memref<8x128xi32, #tpu.memory_space<vmem>>, vector<1x16xi32>,
      %get3A_843 = vector.shape_cast %get3A_842 : vector<1x16xi32> to vector<16xi32>
      %mul3A_844 = arith.constant 10000 : i32
      %mul3A_845 = arith.muli %arg0, %mul3A_844 : i32
      %add3A_846 = vector.broadcast %mul3A_845 : i32 to vector<16xi32>
      %add3A_847 = arith.addi %get3A_843, %add3A_846 : vector<16xi32>
      %swap3A_848 = arith.constant 6 : i32
      %swap3A_849 = arith.index_cast %swap3A_848 : i32 to index
      %swap3A_850 = arith.constant 80 : index
      %swap3A_851 = tpu.vector_load %arg6[%swap3A_849, %swap3A_850] {strides = array<i32>} : memref<8x128xi32, #tpu.memory_space<vmem>>, vector<1x16xi32>,
      %swap3A_852 = vector.shape_cast %swap3A_851 : vector<1x16xi32> to vector<16xi32>
      %swap3A_853 = vector.shape_cast %add3A_847 : vector<16xi32> to vector<1x16xi32>
      tpu.vector_store %arg6[%swap3A_849, %swap3A_850], %swap3A_853 {strides = array<i32>} : memref<8x128xi32, #tpu.memory_space<vmem>>, vector<1x16xi32>,
      %get3A_854 = arith.constant 6 : i32
      %get3A_855 = arith.index_cast %get3A_854 : i32 to index
      %get3A_856 = arith.constant 96 : index
      %get3A_857 = tpu.vector_load %arg6[%get3A_855, %get3A_856] {strides = array<i32>} : memref<8x128xi32, #tpu.memory_space<vmem>>, vector<1x16xi32>,
      %get3A_858 = vector.shape_cast %get3A_857 : vector<1x16xi32> to vector<16xi32>
      %mul3A_859 = arith.constant 10000 : i32
      %mul3A_860 = arith.muli %arg0, %mul3A_859 : i32
      %add3A_861 = vector.broadcast %mul3A_860 : i32 to vector<16xi32>
      %add3A_862 = arith.addi %get3A_858, %add3A_861 : vector<16xi32>
      %swap3A_863 = arith.constant 6 : i32
      %swap3A_864 = arith.index_cast %swap3A_863 : i32 to index
      %swap3A_865 = arith.constant 96 : index
      %swap3A_866 = tpu.vector_load %arg6[%swap3A_864, %swap3A_865] {strides = array<i32>} : memref<8x128xi32, #tpu.memory_space<vmem>>, vector<1x16xi32>,
      %swap3A_867 = vector.shape_cast %swap3A_866 : vector<1x16xi32> to vector<16xi32>
      %swap3A_868 = vector.shape_cast %add3A_862 : vector<16xi32> to vector<1x16xi32>
      tpu.vector_store %arg6[%swap3A_864, %swap3A_865], %swap3A_868 {strides = array<i32>} : memref<8x128xi32, #tpu.memory_space<vmem>>, vector<1x16xi32>,
      %get3A_869 = arith.constant 6 : i32
      %get3A_870 = arith.index_cast %get3A_869 : i32 to index
      %get3A_871 = arith.constant 112 : index
      %get3A_872 = tpu.vector_load %arg6[%get3A_870, %get3A_871] {strides = array<i32>} : memref<8x128xi32, #tpu.memory_space<vmem>>, vector<1x16xi32>,
      %get3A_873 = vector.shape_cast %get3A_872 : vector<1x16xi32> to vector<16xi32>
      %mul3A_874 = arith.constant 10000 : i32
      %mul3A_875 = arith.muli %arg0, %mul3A_874 : i32
      %add3A_876 = vector.broadcast %mul3A_875 : i32 to vector<16xi32>
      %add3A_877 = arith.addi %get3A_873, %add3A_876 : vector<16xi32>
      %swap3A_878 = arith.constant 6 : i32
      %swap3A_879 = arith.index_cast %swap3A_878 : i32 to index
      %swap3A_880 = arith.constant 112 : index
      %swap3A_881 = tpu.vector_load %arg6[%swap3A_879, %swap3A_880] {strides = array<i32>} : memref<8x128xi32, #tpu.memory_space<vmem>>, vector<1x16xi32>,
      %swap3A_882 = vector.shape_cast %swap3A_881 : vector<1x16xi32> to vector<16xi32>
      %swap3A_883 = vector.shape_cast %add3A_877 : vector<16xi32> to vector<1x16xi32>
      tpu.vector_store %arg6[%swap3A_879, %swap3A_880], %swap3A_883 {strides = array<i32>} : memref<8x128xi32, #tpu.memory_space<vmem>>, vector<1x16xi32>,
      %get3A_884 = arith.constant 7 : i32
      %get3A_885 = arith.index_cast %get3A_884 : i32 to index
      %get3A_886 = arith.constant 0 : index
      %get3A_887 = tpu.vector_load %arg6[%get3A_885, %get3A_886] {strides = array<i32>} : memref<8x128xi32, #tpu.memory_space<vmem>>, vector<1x16xi32>,
      %get3A_888 = vector.shape_cast %get3A_887 : vector<1x16xi32> to vector<16xi32>
      %mul3A_889 = arith.constant 10000 : i32
      %mul3A_890 = arith.muli %arg0, %mul3A_889 : i32
      %add3A_891 = vector.broadcast %mul3A_890 : i32 to vector<16xi32>
      %add3A_892 = arith.addi %get3A_888, %add3A_891 : vector<16xi32>
      %swap3A_893 = arith.constant 7 : i32
      %swap3A_894 = arith.index_cast %swap3A_893 : i32 to index
      %swap3A_895 = arith.constant 0 : index
      %swap3A_896 = tpu.vector_load %arg6[%swap3A_894, %swap3A_895] {strides = array<i32>} : memref<8x128xi32, #tpu.memory_space<vmem>>, vector<1x16xi32>,
      %swap3A_897 = vector.shape_cast %swap3A_896 : vector<1x16xi32> to vector<16xi32>
      %swap3A_898 = vector.shape_cast %add3A_892 : vector<16xi32> to vector<1x16xi32>
      tpu.vector_store %arg6[%swap3A_894, %swap3A_895], %swap3A_898 {strides = array<i32>} : memref<8x128xi32, #tpu.memory_space<vmem>>, vector<1x16xi32>,
      %get3A_899 = arith.constant 7 : i32
      %get3A_900 = arith.index_cast %get3A_899 : i32 to index
      %get3A_901 = arith.constant 16 : index
      %get3A_902 = tpu.vector_load %arg6[%get3A_900, %get3A_901] {strides = array<i32>} : memref<8x128xi32, #tpu.memory_space<vmem>>, vector<1x16xi32>,
      %get3A_903 = vector.shape_cast %get3A_902 : vector<1x16xi32> to vector<16xi32>
      %mul3A_904 = arith.constant 10000 : i32
      %mul3A_905 = arith.muli %arg0, %mul3A_904 : i32
      %add3A_906 = vector.broadcast %mul3A_905 : i32 to vector<16xi32>
      %add3A_907 = arith.addi %get3A_903, %add3A_906 : vector<16xi32>
      %swap3A_908 = arith.constant 7 : i32
      %swap3A_909 = arith.index_cast %swap3A_908 : i32 to index
      %swap3A_910 = arith.constant 16 : index
      %swap3A_911 = tpu.vector_load %arg6[%swap3A_909, %swap3A_910] {strides = array<i32>} : memref<8x128xi32, #tpu.memory_space<vmem>>, vector<1x16xi32>,
      %swap3A_912 = vector.shape_cast %swap3A_911 : vector<1x16xi32> to vector<16xi32>
      %swap3A_913 = vector.shape_cast %add3A_907 : vector<16xi32> to vector<1x16xi32>
      tpu.vector_store %arg6[%swap3A_909, %swap3A_910], %swap3A_913 {strides = array<i32>} : memref<8x128xi32, #tpu.memory_space<vmem>>, vector<1x16xi32>,
      %get3A_914 = arith.constant 7 : i32
      %get3A_915 = arith.index_cast %get3A_914 : i32 to index
      %get3A_916 = arith.constant 32 : index
      %get3A_917 = tpu.vector_load %arg6[%get3A_915, %get3A_916] {strides = array<i32>} : memref<8x128xi32, #tpu.memory_space<vmem>>, vector<1x16xi32>,
      %get3A_918 = vector.shape_cast %get3A_917 : vector<1x16xi32> to vector<16xi32>
      %mul3A_919 = arith.constant 10000 : i32
      %mul3A_920 = arith.muli %arg0, %mul3A_919 : i32
      %add3A_921 = vector.broadcast %mul3A_920 : i32 to vector<16xi32>
      %add3A_922 = arith.addi %get3A_918, %add3A_921 : vector<16xi32>
      %swap3A_923 = arith.constant 7 : i32
      %swap3A_924 = arith.index_cast %swap3A_923 : i32 to index
      %swap3A_925 = arith.constant 32 : index
      %swap3A_926 = tpu.vector_load %arg6[%swap3A_924, %swap3A_925] {strides = array<i32>} : memref<8x128xi32, #tpu.memory_space<vmem>>, vector<1x16xi32>,
      %swap3A_927 = vector.shape_cast %swap3A_926 : vector<1x16xi32> to vector<16xi32>
      %swap3A_928 = vector.shape_cast %add3A_922 : vector<16xi32> to vector<1x16xi32>
      tpu.vector_store %arg6[%swap3A_924, %swap3A_925], %swap3A_928 {strides = array<i32>} : memref<8x128xi32, #tpu.memory_space<vmem>>, vector<1x16xi32>,
      %get3A_929 = arith.constant 7 : i32
      %get3A_930 = arith.index_cast %get3A_929 : i32 to index
      %get3A_931 = arith.constant 48 : index
      %get3A_932 = tpu.vector_load %arg6[%get3A_930, %get3A_931] {strides = array<i32>} : memref<8x128xi32, #tpu.memory_space<vmem>>, vector<1x16xi32>,
      %get3A_933 = vector.shape_cast %get3A_932 : vector<1x16xi32> to vector<16xi32>
      %mul3A_934 = arith.constant 10000 : i32
      %mul3A_935 = arith.muli %arg0, %mul3A_934 : i32
      %add3A_936 = vector.broadcast %mul3A_935 : i32 to vector<16xi32>
      %add3A_937 = arith.addi %get3A_933, %add3A_936 : vector<16xi32>
      %swap3A_938 = arith.constant 7 : i32
      %swap3A_939 = arith.index_cast %swap3A_938 : i32 to index
      %swap3A_940 = arith.constant 48 : index
      %swap3A_941 = tpu.vector_load %arg6[%swap3A_939, %swap3A_940] {strides = array<i32>} : memref<8x128xi32, #tpu.memory_space<vmem>>, vector<1x16xi32>,
      %swap3A_942 = vector.shape_cast %swap3A_941 : vector<1x16xi32> to vector<16xi32>
      %swap3A_943 = vector.shape_cast %add3A_937 : vector<16xi32> to vector<1x16xi32>
      tpu.vector_store %arg6[%swap3A_939, %swap3A_940], %swap3A_943 {strides = array<i32>} : memref<8x128xi32, #tpu.memory_space<vmem>>, vector<1x16xi32>,
      %get3A_944 = arith.constant 7 : i32
      %get3A_945 = arith.index_cast %get3A_944 : i32 to index
      %get3A_946 = arith.constant 64 : index
      %get3A_947 = tpu.vector_load %arg6[%get3A_945, %get3A_946] {strides = array<i32>} : memref<8x128xi32, #tpu.memory_space<vmem>>, vector<1x16xi32>,
      %get3A_948 = vector.shape_cast %get3A_947 : vector<1x16xi32> to vector<16xi32>
      %mul3A_949 = arith.constant 10000 : i32
      %mul3A_950 = arith.muli %arg0, %mul3A_949 : i32
      %add3A_951 = vector.broadcast %mul3A_950 : i32 to vector<16xi32>
      %add3A_952 = arith.addi %get3A_948, %add3A_951 : vector<16xi32>
      %swap3A_953 = arith.constant 7 : i32
      %swap3A_954 = arith.index_cast %swap3A_953 : i32 to index
      %swap3A_955 = arith.constant 64 : index
      %swap3A_956 = tpu.vector_load %arg6[%swap3A_954, %swap3A_955] {strides = array<i32>} : memref<8x128xi32, #tpu.memory_space<vmem>>, vector<1x16xi32>,
      %swap3A_957 = vector.shape_cast %swap3A_956 : vector<1x16xi32> to vector<16xi32>
      %swap3A_958 = vector.shape_cast %add3A_952 : vector<16xi32> to vector<1x16xi32>
      tpu.vector_store %arg6[%swap3A_954, %swap3A_955], %swap3A_958 {strides = array<i32>} : memref<8x128xi32, #tpu.memory_space<vmem>>, vector<1x16xi32>,
      %get3A_959 = arith.constant 7 : i32
      %get3A_960 = arith.index_cast %get3A_959 : i32 to index
      %get3A_961 = arith.constant 80 : index
      %get3A_962 = tpu.vector_load %arg6[%get3A_960, %get3A_961] {strides = array<i32>} : memref<8x128xi32, #tpu.memory_space<vmem>>, vector<1x16xi32>,
      %get3A_963 = vector.shape_cast %get3A_962 : vector<1x16xi32> to vector<16xi32>
      %mul3A_964 = arith.constant 10000 : i32
      %mul3A_965 = arith.muli %arg0, %mul3A_964 : i32
      %add3A_966 = vector.broadcast %mul3A_965 : i32 to vector<16xi32>
      %add3A_967 = arith.addi %get3A_963, %add3A_966 : vector<16xi32>
      %swap3A_968 = arith.constant 7 : i32
      %swap3A_969 = arith.index_cast %swap3A_968 : i32 to index
      %swap3A_970 = arith.constant 80 : index
      %swap3A_971 = tpu.vector_load %arg6[%swap3A_969, %swap3A_970] {strides = array<i32>} : memref<8x128xi32, #tpu.memory_space<vmem>>, vector<1x16xi32>,
      %swap3A_972 = vector.shape_cast %swap3A_971 : vector<1x16xi32> to vector<16xi32>
      %swap3A_973 = vector.shape_cast %add3A_967 : vector<16xi32> to vector<1x16xi32>
      tpu.vector_store %arg6[%swap3A_969, %swap3A_970], %swap3A_973 {strides = array<i32>} : memref<8x128xi32, #tpu.memory_space<vmem>>, vector<1x16xi32>,
      %get3A_974 = arith.constant 7 : i32
      %get3A_975 = arith.index_cast %get3A_974 : i32 to index
      %get3A_976 = arith.constant 96 : index
      %get3A_977 = tpu.vector_load %arg6[%get3A_975, %get3A_976] {strides = array<i32>} : memref<8x128xi32, #tpu.memory_space<vmem>>, vector<1x16xi32>,
      %get3A_978 = vector.shape_cast %get3A_977 : vector<1x16xi32> to vector<16xi32>
      %mul3A_979 = arith.constant 10000 : i32
      %mul3A_980 = arith.muli %arg0, %mul3A_979 : i32
      %add3A_981 = vector.broadcast %mul3A_980 : i32 to vector<16xi32>
      %add3A_982 = arith.addi %get3A_978, %add3A_981 : vector<16xi32>
      %swap3A_983 = arith.constant 7 : i32
      %swap3A_984 = arith.index_cast %swap3A_983 : i32 to index
      %swap3A_985 = arith.constant 96 : index
      %swap3A_986 = tpu.vector_load %arg6[%swap3A_984, %swap3A_985] {strides = array<i32>} : memref<8x128xi32, #tpu.memory_space<vmem>>, vector<1x16xi32>,
      %swap3A_987 = vector.shape_cast %swap3A_986 : vector<1x16xi32> to vector<16xi32>
      %swap3A_988 = vector.shape_cast %add3A_982 : vector<16xi32> to vector<1x16xi32>
      tpu.vector_store %arg6[%swap3A_984, %swap3A_985], %swap3A_988 {strides = array<i32>} : memref<8x128xi32, #tpu.memory_space<vmem>>, vector<1x16xi32>,
      %get3A_989 = arith.constant 7 : i32
      %get3A_990 = arith.index_cast %get3A_989 : i32 to index
      %get3A_991 = arith.constant 112 : index
      %get3A_992 = tpu.vector_load %arg6[%get3A_990, %get3A_991] {strides = array<i32>} : memref<8x128xi32, #tpu.memory_space<vmem>>, vector<1x16xi32>,
      %get3A_993 = vector.shape_cast %get3A_992 : vector<1x16xi32> to vector<16xi32>
      %mul3A_994 = arith.constant 10000 : i32
      %mul3A_995 = arith.muli %arg0, %mul3A_994 : i32
      %add3A_996 = vector.broadcast %mul3A_995 : i32 to vector<16xi32>
      %add3A_997 = arith.addi %get3A_993, %add3A_996 : vector<16xi32>
      %swap3A_998 = arith.constant 7 : i32
      %swap3A_999 = arith.index_cast %swap3A_998 : i32 to index
      %swap3A_1000 = arith.constant 112 : index
      %swap3A_1001 = tpu.vector_load %arg6[%swap3A_999, %swap3A_1000] {strides = array<i32>} : memref<8x128xi32, #tpu.memory_space<vmem>>, vector<1x16xi32>,
      %swap3A_1002 = vector.shape_cast %swap3A_1001 : vector<1x16xi32> to vector<16xi32>
      %swap3A_1003 = vector.shape_cast %add3A_997 : vector<16xi32> to vector<1x16xi32>
      tpu.vector_store %arg6[%swap3A_999, %swap3A_1000], %swap3A_1003 {strides = array<i32>} : memref<8x128xi32, #tpu.memory_space<vmem>>, vector<1x16xi32>,
      %dma_start3A = arith.constant 0 : i32
      %dma_start3A_1004 = arith.constant 0 : i32
      %dma_start3A_1005 = tpu.memref_slice %arg6[%dma_start3A, %dma_start3A_1004] : memref<8x128xi32, #tpu.memory_space<vmem>> -> memref<1x128xi32, #tpu.memory_space<vmem>>
      %dma_start3A_1006 = tpu.memref_squeeze %dma_start3A_1005 : memref<1x128xi32, #tpu.memory_space<vmem>> -> memref<128xi32, #tpu.memory_space<vmem>>
      %dma_start3A_1007 = arith.constant 0 : i32
      %dma_start3A_1008 = arith.constant 0 : i32
      %dma_start3A_1009 = tpu.memref_slice %arg2[%dma_start3A_1007, %dma_start3A_1008] : memref<20000x64xf32, #tpu.memory_space<hbm>> -> memref<20000x64xf32, #tpu.memory_space<hbm>>
      tpu.enqueue_indirect_dma source(%dma_start3A_1009 : memref<20000x64xf32, #tpu.memory_space<hbm>>) target(%arg8 : memref<128x64xf32, #tpu.memory_space<vmem>>) offsets(%dma_start3A_1006 : memref<128xi32, #tpu.memory_space<vmem>>) semaphore(%arg13 : memref<!tpu.dma_semaphore, #tpu.memory_space<semaphore_mem>>)
      %dma_start3A_1010 = arith.constant 1 : i32
      %dma_start3A_1011 = arith.constant 0 : i32
      %dma_start3A_1012 = tpu.memref_slice %arg6[%dma_start3A_1010, %dma_start3A_1011] : memref<8x128xi32, #tpu.memory_space<vmem>> -> memref<1x128xi32, #tpu.memory_space<vmem>>
      %dma_start3A_1013 = tpu.memref_squeeze %dma_start3A_1012 : memref<1x128xi32, #tpu.memory_space<vmem>> -> memref<128xi32, #tpu.memory_space<vmem>>
      %dma_start3A_1014 = arith.constant 0 : i32
      %dma_start3A_1015 = arith.constant 0 : i32
      %dma_start3A_1016 = tpu.memref_slice %arg2[%dma_start3A_1014, %dma_start3A_1015] : memref<20000x64xf32, #tpu.memory_space<hbm>> -> memref<20000x64xf32, #tpu.memory_space<hbm>>
      tpu.enqueue_indirect_dma source(%dma_start3A_1016 : memref<20000x64xf32, #tpu.memory_space<hbm>>) target(%arg9 : memref<128x64xf32, #tpu.memory_space<vmem>>) offsets(%dma_start3A_1013 : memref<128xi32, #tpu.memory_space<vmem>>) semaphore(%arg14 : memref<!tpu.dma_semaphore, #tpu.memory_space<semaphore_mem>>)
      %dma_start3A_1017 = arith.constant 2 : i32
      %dma_start3A_1018 = arith.constant 0 : i32
      %dma_start3A_1019 = tpu.memref_slice %arg6[%dma_start3A_1017, %dma_start3A_1018] : memref<8x128xi32, #tpu.memory_space<vmem>> -> memref<1x128xi32, #tpu.memory_space<vmem>>
      %dma_start3A_1020 = tpu.memref_squeeze %dma_start3A_1019 : memref<1x128xi32, #tpu.memory_space<vmem>> -> memref<128xi32, #tpu.memory_space<vmem>>
      %dma_start3A_1021 = arith.constant 0 : i32
      %dma_start3A_1022 = arith.constant 0 : i32
      %dma_start3A_1023 = tpu.memref_slice %arg2[%dma_start3A_1021, %dma_start3A_1022] : memref<20000x64xf32, #tpu.memory_space<hbm>> -> memref<20000x64xf32, #tpu.memory_space<hbm>>
      tpu.enqueue_indirect_dma source(%dma_start3A_1023 : memref<20000x64xf32, #tpu.memory_space<hbm>>) target(%arg10 : memref<128x64xf32, #tpu.memory_space<vmem>>) offsets(%dma_start3A_1020 : memref<128xi32, #tpu.memory_space<vmem>>) semaphore(%arg15 : memref<!tpu.dma_semaphore, #tpu.memory_space<semaphore_mem>>)
      %dma_start3A_1024 = arith.constant 3 : i32
      %dma_start3A_1025 = arith.constant 0 : i32
      %dma_start3A_1026 = tpu.memref_slice %arg6[%dma_start3A_1024, %dma_start3A_1025] : memref<8x128xi32, #tpu.memory_space<vmem>> -> memref<1x128xi32, #tpu.memory_space<vmem>>
      %dma_start3A_1027 = tpu.memref_squeeze %dma_start3A_1026 : memref<1x128xi32, #tpu.memory_space<vmem>> -> memref<128xi32, #tpu.memory_space<vmem>>
      %dma_start3A_1028 = arith.constant 0 : i32
      %dma_start3A_1029 = arith.constant 0 : i32
      %dma_start3A_1030 = tpu.memref_slice %arg2[%dma_start3A_1028, %dma_start3A_1029] : memref<20000x64xf32, #tpu.memory_space<hbm>> -> memref<20000x64xf32, #tpu.memory_space<hbm>>
      tpu.enqueue_indirect_dma source(%dma_start3A_1030 : memref<20000x64xf32, #tpu.memory_space<hbm>>) target(%arg11 : memref<128x64xf32, #tpu.memory_space<vmem>>) offsets(%dma_start3A_1027 : memref<128xi32, #tpu.memory_space<vmem>>) semaphore(%arg16 : memref<!tpu.dma_semaphore, #tpu.memory_space<semaphore_mem>>)
      %dma_wait3A = arith.constant 0 : i32
      %dma_wait3A_1031 = arith.constant 0 : i32
      %dma_wait3A_1032 = tpu.memref_slice %arg6[%dma_wait3A, %dma_wait3A_1031] : memref<8x128xi32, #tpu.memory_space<vmem>> -> memref<1x128xi32, #tpu.memory_space<vmem>>
      %dma_wait3A_1033 = tpu.memref_squeeze %dma_wait3A_1032 : memref<1x128xi32, #tpu.memory_space<vmem>> -> memref<128xi32, #tpu.memory_space<vmem>>
      %dma_wait3A_1034 = arith.constant 0 : i32
      %dma_wait3A_1035 = arith.constant 0 : i32
      %dma_wait3A_1036 = tpu.memref_slice %arg2[%dma_wait3A_1034, %dma_wait3A_1035] : memref<20000x64xf32, #tpu.memory_space<hbm>> -> memref<20000x64xf32, #tpu.memory_space<hbm>>
      tpu.wait_indirect_dma semaphore(%arg13 : memref<!tpu.dma_semaphore, #tpu.memory_space<semaphore_mem>>) src(%dma_wait3A_1036 : memref<20000x64xf32, #tpu.memory_space<hbm>>) dst(%arg8 : memref<128x64xf32, #tpu.memory_space<vmem>>)
      %run_scoped3A = arith.constant 0 : i32
      "tpu.region"() ({
        %run_scoped3A_1121 = tpu.sem_alloc : memref<!tpu.dma_semaphore, #tpu.memory_space<semaphore_mem>>
        %dma_start3A_1122 = arith.constant 0 : i32
        %dma_start3A_1123 = tpu.memref_slice %arg7[%run_scoped3A, %dma_start3A_1122] : memref<8x128xi32, #tpu.memory_space<vmem>> -> memref<1x128xi32, #tpu.memory_space<vmem>>
        %dma_start3A_1124 = tpu.memref_squeeze %dma_start3A_1123 : memref<1x128xi32, #tpu.memory_space<vmem>> -> memref<128xi32, #tpu.memory_space<vmem>>
        %dma_start3A_1125 = arith.constant 0 : i32
        %dma_start3A_1126 = arith.constant 0 : i32
        %dma_start3A_1127 = tpu.memref_slice %arg12[%dma_start3A_1125, %dma_start3A_1126] : memref<20480x64xf32, #tpu.memory_space<vmem_shared>> -> memref<20480x64xf32, #tpu.memory_space<vmem_shared>>
        tpu.enqueue_indirect_dma source(%arg8 : memref<128x64xf32, #tpu.memory_space<vmem>>) target(%dma_start3A_1127 : memref<20480x64xf32, #tpu.memory_space<vmem_shared>>) offsets(%dma_start3A_1124 : memref<128xi32, #tpu.memory_space<vmem>>) semaphore(%run_scoped3A_1121 : memref<!tpu.dma_semaphore, #tpu.memory_space<semaphore_mem>>) {add = true}
        %dma_wait3A_1128 = arith.constant 0 : i32
        %dma_wait3A_1129 = tpu.memref_slice %arg7[%run_scoped3A, %dma_wait3A_1128] : memref<8x128xi32, #tpu.memory_space<vmem>> -> memref<1x128xi32, #tpu.memory_space<vmem>>
        %dma_wait3A_1130 = tpu.memref_squeeze %dma_wait3A_1129 : memref<1x128xi32, #tpu.memory_space<vmem>> -> memref<128xi32, #tpu.memory_space<vmem>>
        %dma_wait3A_1131 = arith.constant 0 : i32
        %dma_wait3A_1132 = arith.constant 0 : i32
        %dma_wait3A_1133 = tpu.memref_slice %arg12[%dma_wait3A_1131, %dma_wait3A_1132] : memref<20480x64xf32, #tpu.memory_space<vmem_shared>> -> memref<20480x64xf32, #tpu.memory_space<vmem_shared>>
        tpu.wait_indirect_dma semaphore(%run_scoped3A_1121 : memref<!tpu.dma_semaphore, #tpu.memory_space<semaphore_mem>>) src(%arg8 : memref<128x64xf32, #tpu.memory_space<vmem>>) dst(%dma_wait3A_1133 : memref<20480x64xf32, #tpu.memory_space<vmem_shared>>)
        tpu.yield
      }) : () -> ()
      %dma_start3A_1037 = arith.constant 4 : i32
      %dma_start3A_1038 = arith.constant 0 : i32
      %dma_start3A_1039 = tpu.memref_slice %arg6[%dma_start3A_1037, %dma_start3A_1038] : memref<8x128xi32, #tpu.memory_space<vmem>> -> memref<1x128xi32, #tpu.memory_space<vmem>>
      %dma_start3A_1040 = tpu.memref_squeeze %dma_start3A_1039 : memref<1x128xi32, #tpu.memory_space<vmem>> -> memref<128xi32, #tpu.memory_space<vmem>>
      %dma_start3A_1041 = arith.constant 0 : i32
      %dma_start3A_1042 = arith.constant 0 : i32
      %dma_start3A_1043 = tpu.memref_slice %arg2[%dma_start3A_1041, %dma_start3A_1042] : memref<20000x64xf32, #tpu.memory_space<hbm>> -> memref<20000x64xf32, #tpu.memory_space<hbm>>
      tpu.enqueue_indirect_dma source(%dma_start3A_1043 : memref<20000x64xf32, #tpu.memory_space<hbm>>) target(%arg8 : memref<128x64xf32, #tpu.memory_space<vmem>>) offsets(%dma_start3A_1040 : memref<128xi32, #tpu.memory_space<vmem>>) semaphore(%arg13 : memref<!tpu.dma_semaphore, #tpu.memory_space<semaphore_mem>>)
      %dma_wait3A_1044 = arith.constant 1 : i32
      %dma_wait3A_1045 = arith.constant 0 : i32
      %dma_wait3A_1046 = tpu.memref_slice %arg6[%dma_wait3A_1044, %dma_wait3A_1045] : memref<8x128xi32, #tpu.memory_space<vmem>> -> memref<1x128xi32, #tpu.memory_space<vmem>>
      %dma_wait3A_1047 = tpu.memref_squeeze %dma_wait3A_1046 : memref<1x128xi32, #tpu.memory_space<vmem>> -> memref<128xi32, #tpu.memory_space<vmem>>
      %dma_wait3A_1048 = arith.constant 0 : i32
      %dma_wait3A_1049 = arith.constant 0 : i32
      %dma_wait3A_1050 = tpu.memref_slice %arg2[%dma_wait3A_1048, %dma_wait3A_1049] : memref<20000x64xf32, #tpu.memory_space<hbm>> -> memref<20000x64xf32, #tpu.memory_space<hbm>>
      tpu.wait_indirect_dma semaphore(%arg14 : memref<!tpu.dma_semaphore, #tpu.memory_space<semaphore_mem>>) src(%dma_wait3A_1050 : memref<20000x64xf32, #tpu.memory_space<hbm>>) dst(%arg9 : memref<128x64xf32, #tpu.memory_space<vmem>>)
      %run_scoped3A_1051 = arith.constant 1 : i32
      "tpu.region"() ({
        %run_scoped3A_1121 = tpu.sem_alloc : memref<!tpu.dma_semaphore, #tpu.memory_space<semaphore_mem>>
        %dma_start3A_1122 = arith.constant 0 : i32
        %dma_start3A_1123 = tpu.memref_slice %arg7[%run_scoped3A_1051, %dma_start3A_1122] : memref<8x128xi32, #tpu.memory_space<vmem>> -> memref<1x128xi32, #tpu.memory_space<vmem>>
        %dma_start3A_1124 = tpu.memref_squeeze %dma_start3A_1123 : memref<1x128xi32, #tpu.memory_space<vmem>> -> memref<128xi32, #tpu.memory_space<vmem>>
        %dma_start3A_1125 = arith.constant 0 : i32
        %dma_start3A_1126 = arith.constant 0 : i32
        %dma_start3A_1127 = tpu.memref_slice %arg12[%dma_start3A_1125, %dma_start3A_1126] : memref<20480x64xf32, #tpu.memory_space<vmem_shared>> -> memref<20480x64xf32, #tpu.memory_space<vmem_shared>>
        tpu.enqueue_indirect_dma source(%arg9 : memref<128x64xf32, #tpu.memory_space<vmem>>) target(%dma_start3A_1127 : memref<20480x64xf32, #tpu.memory_space<vmem_shared>>) offsets(%dma_start3A_1124 : memref<128xi32, #tpu.memory_space<vmem>>) semaphore(%run_scoped3A_1121 : memref<!tpu.dma_semaphore, #tpu.memory_space<semaphore_mem>>) {add = true}
        %dma_wait3A_1128 = arith.constant 0 : i32
        %dma_wait3A_1129 = tpu.memref_slice %arg7[%run_scoped3A_1051, %dma_wait3A_1128] : memref<8x128xi32, #tpu.memory_space<vmem>> -> memref<1x128xi32, #tpu.memory_space<vmem>>
        %dma_wait3A_1130 = tpu.memref_squeeze %dma_wait3A_1129 : memref<1x128xi32, #tpu.memory_space<vmem>> -> memref<128xi32, #tpu.memory_space<vmem>>
        %dma_wait3A_1131 = arith.constant 0 : i32
        %dma_wait3A_1132 = arith.constant 0 : i32
        %dma_wait3A_1133 = tpu.memref_slice %arg12[%dma_wait3A_1131, %dma_wait3A_1132] : memref<20480x64xf32, #tpu.memory_space<vmem_shared>> -> memref<20480x64xf32, #tpu.memory_space<vmem_shared>>
        tpu.wait_indirect_dma semaphore(%run_scoped3A_1121 : memref<!tpu.dma_semaphore, #tpu.memory_space<semaphore_mem>>) src(%arg9 : memref<128x64xf32, #tpu.memory_space<vmem>>) dst(%dma_wait3A_1133 : memref<20480x64xf32, #tpu.memory_space<vmem_shared>>)
        tpu.yield
      }) : () -> ()
      %dma_start3A_1052 = arith.constant 5 : i32
      %dma_start3A_1053 = arith.constant 0 : i32
      %dma_start3A_1054 = tpu.memref_slice %arg6[%dma_start3A_1052, %dma_start3A_1053] : memref<8x128xi32, #tpu.memory_space<vmem>> -> memref<1x128xi32, #tpu.memory_space<vmem>>
      %dma_start3A_1055 = tpu.memref_squeeze %dma_start3A_1054 : memref<1x128xi32, #tpu.memory_space<vmem>> -> memref<128xi32, #tpu.memory_space<vmem>>
      %dma_start3A_1056 = arith.constant 0 : i32
      %dma_start3A_1057 = arith.constant 0 : i32
      %dma_start3A_1058 = tpu.memref_slice %arg2[%dma_start3A_1056, %dma_start3A_1057] : memref<20000x64xf32, #tpu.memory_space<hbm>> -> memref<20000x64xf32, #tpu.memory_space<hbm>>
      tpu.enqueue_indirect_dma source(%dma_start3A_1058 : memref<20000x64xf32, #tpu.memory_space<hbm>>) target(%arg9 : memref<128x64xf32, #tpu.memory_space<vmem>>) offsets(%dma_start3A_1055 : memref<128xi32, #tpu.memory_space<vmem>>) semaphore(%arg14 : memref<!tpu.dma_semaphore, #tpu.memory_space<semaphore_mem>>)
      %dma_wait3A_1059 = arith.constant 2 : i32
      %dma_wait3A_1060 = arith.constant 0 : i32
      %dma_wait3A_1061 = tpu.memref_slice %arg6[%dma_wait3A_1059, %dma_wait3A_1060] : memref<8x128xi32, #tpu.memory_space<vmem>> -> memref<1x128xi32, #tpu.memory_space<vmem>>
      %dma_wait3A_1062 = tpu.memref_squeeze %dma_wait3A_1061 : memref<1x128xi32, #tpu.memory_space<vmem>> -> memref<128xi32, #tpu.memory_space<vmem>>
      %dma_wait3A_1063 = arith.constant 0 : i32
      %dma_wait3A_1064 = arith.constant 0 : i32
      %dma_wait3A_1065 = tpu.memref_slice %arg2[%dma_wait3A_1063, %dma_wait3A_1064] : memref<20000x64xf32, #tpu.memory_space<hbm>> -> memref<20000x64xf32, #tpu.memory_space<hbm>>
      tpu.wait_indirect_dma semaphore(%arg15 : memref<!tpu.dma_semaphore, #tpu.memory_space<semaphore_mem>>) src(%dma_wait3A_1065 : memref<20000x64xf32, #tpu.memory_space<hbm>>) dst(%arg10 : memref<128x64xf32, #tpu.memory_space<vmem>>)
      %run_scoped3A_1066 = arith.constant 2 : i32
      "tpu.region"() ({
        %run_scoped3A_1121 = tpu.sem_alloc : memref<!tpu.dma_semaphore, #tpu.memory_space<semaphore_mem>>
        %dma_start3A_1122 = arith.constant 0 : i32
        %dma_start3A_1123 = tpu.memref_slice %arg7[%run_scoped3A_1066, %dma_start3A_1122] : memref<8x128xi32, #tpu.memory_space<vmem>> -> memref<1x128xi32, #tpu.memory_space<vmem>>
        %dma_start3A_1124 = tpu.memref_squeeze %dma_start3A_1123 : memref<1x128xi32, #tpu.memory_space<vmem>> -> memref<128xi32, #tpu.memory_space<vmem>>
        %dma_start3A_1125 = arith.constant 0 : i32
        %dma_start3A_1126 = arith.constant 0 : i32
        %dma_start3A_1127 = tpu.memref_slice %arg12[%dma_start3A_1125, %dma_start3A_1126] : memref<20480x64xf32, #tpu.memory_space<vmem_shared>> -> memref<20480x64xf32, #tpu.memory_space<vmem_shared>>
        tpu.enqueue_indirect_dma source(%arg10 : memref<128x64xf32, #tpu.memory_space<vmem>>) target(%dma_start3A_1127 : memref<20480x64xf32, #tpu.memory_space<vmem_shared>>) offsets(%dma_start3A_1124 : memref<128xi32, #tpu.memory_space<vmem>>) semaphore(%run_scoped3A_1121 : memref<!tpu.dma_semaphore, #tpu.memory_space<semaphore_mem>>) {add = true}
        %dma_wait3A_1128 = arith.constant 0 : i32
        %dma_wait3A_1129 = tpu.memref_slice %arg7[%run_scoped3A_1066, %dma_wait3A_1128] : memref<8x128xi32, #tpu.memory_space<vmem>> -> memref<1x128xi32, #tpu.memory_space<vmem>>
        %dma_wait3A_1130 = tpu.memref_squeeze %dma_wait3A_1129 : memref<1x128xi32, #tpu.memory_space<vmem>> -> memref<128xi32, #tpu.memory_space<vmem>>
        %dma_wait3A_1131 = arith.constant 0 : i32
        %dma_wait3A_1132 = arith.constant 0 : i32
        %dma_wait3A_1133 = tpu.memref_slice %arg12[%dma_wait3A_1131, %dma_wait3A_1132] : memref<20480x64xf32, #tpu.memory_space<vmem_shared>> -> memref<20480x64xf32, #tpu.memory_space<vmem_shared>>
        tpu.wait_indirect_dma semaphore(%run_scoped3A_1121 : memref<!tpu.dma_semaphore, #tpu.memory_space<semaphore_mem>>) src(%arg10 : memref<128x64xf32, #tpu.memory_space<vmem>>) dst(%dma_wait3A_1133 : memref<20480x64xf32, #tpu.memory_space<vmem_shared>>)
        tpu.yield
      }) : () -> ()
      %dma_start3A_1067 = arith.constant 6 : i32
      %dma_start3A_1068 = arith.constant 0 : i32
      %dma_start3A_1069 = tpu.memref_slice %arg6[%dma_start3A_1067, %dma_start3A_1068] : memref<8x128xi32, #tpu.memory_space<vmem>> -> memref<1x128xi32, #tpu.memory_space<vmem>>
      %dma_start3A_1070 = tpu.memref_squeeze %dma_start3A_1069 : memref<1x128xi32, #tpu.memory_space<vmem>> -> memref<128xi32, #tpu.memory_space<vmem>>
      %dma_start3A_1071 = arith.constant 0 : i32
      %dma_start3A_1072 = arith.constant 0 : i32
      %dma_start3A_1073 = tpu.memref_slice %arg2[%dma_start3A_1071, %dma_start3A_1072] : memref<20000x64xf32, #tpu.memory_space<hbm>> -> memref<20000x64xf32, #tpu.memory_space<hbm>>
      tpu.enqueue_indirect_dma source(%dma_start3A_1073 : memref<20000x64xf32, #tpu.memory_space<hbm>>) target(%arg10 : memref<128x64xf32, #tpu.memory_space<vmem>>) offsets(%dma_start3A_1070 : memref<128xi32, #tpu.memory_space<vmem>>) semaphore(%arg15 : memref<!tpu.dma_semaphore, #tpu.memory_space<semaphore_mem>>)
      %dma_wait3A_1074 = arith.constant 3 : i32
      %dma_wait3A_1075 = arith.constant 0 : i32
      %dma_wait3A_1076 = tpu.memref_slice %arg6[%dma_wait3A_1074, %dma_wait3A_1075] : memref<8x128xi32, #tpu.memory_space<vmem>> -> memref<1x128xi32, #tpu.memory_space<vmem>>
      %dma_wait3A_1077 = tpu.memref_squeeze %dma_wait3A_1076 : memref<1x128xi32, #tpu.memory_space<vmem>> -> memref<128xi32, #tpu.memory_space<vmem>>
      %dma_wait3A_1078 = arith.constant 0 : i32
      %dma_wait3A_1079 = arith.constant 0 : i32
      %dma_wait3A_1080 = tpu.memref_slice %arg2[%dma_wait3A_1078, %dma_wait3A_1079] : memref<20000x64xf32, #tpu.memory_space<hbm>> -> memref<20000x64xf32, #tpu.memory_space<hbm>>
      tpu.wait_indirect_dma semaphore(%arg16 : memref<!tpu.dma_semaphore, #tpu.memory_space<semaphore_mem>>) src(%dma_wait3A_1080 : memref<20000x64xf32, #tpu.memory_space<hbm>>) dst(%arg11 : memref<128x64xf32, #tpu.memory_space<vmem>>)
      %run_scoped3A_1081 = arith.constant 3 : i32
      "tpu.region"() ({
        %run_scoped3A_1121 = tpu.sem_alloc : memref<!tpu.dma_semaphore, #tpu.memory_space<semaphore_mem>>
        %dma_start3A_1122 = arith.constant 0 : i32
        %dma_start3A_1123 = tpu.memref_slice %arg7[%run_scoped3A_1081, %dma_start3A_1122] : memref<8x128xi32, #tpu.memory_space<vmem>> -> memref<1x128xi32, #tpu.memory_space<vmem>>
        %dma_start3A_1124 = tpu.memref_squeeze %dma_start3A_1123 : memref<1x128xi32, #tpu.memory_space<vmem>> -> memref<128xi32, #tpu.memory_space<vmem>>
        %dma_start3A_1125 = arith.constant 0 : i32
        %dma_start3A_1126 = arith.constant 0 : i32
        %dma_start3A_1127 = tpu.memref_slice %arg12[%dma_start3A_1125, %dma_start3A_1126] : memref<20480x64xf32, #tpu.memory_space<vmem_shared>> -> memref<20480x64xf32, #tpu.memory_space<vmem_shared>>
        tpu.enqueue_indirect_dma source(%arg11 : memref<128x64xf32, #tpu.memory_space<vmem>>) target(%dma_start3A_1127 : memref<20480x64xf32, #tpu.memory_space<vmem_shared>>) offsets(%dma_start3A_1124 : memref<128xi32, #tpu.memory_space<vmem>>) semaphore(%run_scoped3A_1121 : memref<!tpu.dma_semaphore, #tpu.memory_space<semaphore_mem>>) {add = true}
        %dma_wait3A_1128 = arith.constant 0 : i32
        %dma_wait3A_1129 = tpu.memref_slice %arg7[%run_scoped3A_1081, %dma_wait3A_1128] : memref<8x128xi32, #tpu.memory_space<vmem>> -> memref<1x128xi32, #tpu.memory_space<vmem>>
        %dma_wait3A_1130 = tpu.memref_squeeze %dma_wait3A_1129 : memref<1x128xi32, #tpu.memory_space<vmem>> -> memref<128xi32, #tpu.memory_space<vmem>>
        %dma_wait3A_1131 = arith.constant 0 : i32
        %dma_wait3A_1132 = arith.constant 0 : i32
        %dma_wait3A_1133 = tpu.memref_slice %arg12[%dma_wait3A_1131, %dma_wait3A_1132] : memref<20480x64xf32, #tpu.memory_space<vmem_shared>> -> memref<20480x64xf32, #tpu.memory_space<vmem_shared>>
        tpu.wait_indirect_dma semaphore(%run_scoped3A_1121 : memref<!tpu.dma_semaphore, #tpu.memory_space<semaphore_mem>>) src(%arg11 : memref<128x64xf32, #tpu.memory_space<vmem>>) dst(%dma_wait3A_1133 : memref<20480x64xf32, #tpu.memory_space<vmem_shared>>)
        tpu.yield
      }) : () -> ()
      %dma_start3A_1082 = arith.constant 7 : i32
      %dma_start3A_1083 = arith.constant 0 : i32
      %dma_start3A_1084 = tpu.memref_slice %arg6[%dma_start3A_1082, %dma_start3A_1083] : memref<8x128xi32, #tpu.memory_space<vmem>> -> memref<1x128xi32, #tpu.memory_space<vmem>>
      %dma_start3A_1085 = tpu.memref_squeeze %dma_start3A_1084 : memref<1x128xi32, #tpu.memory_space<vmem>> -> memref<128xi32, #tpu.memory_space<vmem>>
      %dma_start3A_1086 = arith.constant 0 : i32
      %dma_start3A_1087 = arith.constant 0 : i32
      %dma_start3A_1088 = tpu.memref_slice %arg2[%dma_start3A_1086, %dma_start3A_1087] : memref<20000x64xf32, #tpu.memory_space<hbm>> -> memref<20000x64xf32, #tpu.memory_space<hbm>>
      tpu.enqueue_indirect_dma source(%dma_start3A_1088 : memref<20000x64xf32, #tpu.memory_space<hbm>>) target(%arg11 : memref<128x64xf32, #tpu.memory_space<vmem>>) offsets(%dma_start3A_1085 : memref<128xi32, #tpu.memory_space<vmem>>) semaphore(%arg16 : memref<!tpu.dma_semaphore, #tpu.memory_space<semaphore_mem>>)
      %dma_wait3A_1089 = arith.constant 4 : i32
      %dma_wait3A_1090 = arith.constant 0 : i32
      %dma_wait3A_1091 = tpu.memref_slice %arg6[%dma_wait3A_1089, %dma_wait3A_1090] : memref<8x128xi32, #tpu.memory_space<vmem>> -> memref<1x128xi32, #tpu.memory_space<vmem>>
      %dma_wait3A_1092 = tpu.memref_squeeze %dma_wait3A_1091 : memref<1x128xi32, #tpu.memory_space<vmem>> -> memref<128xi32, #tpu.memory_space<vmem>>
      %dma_wait3A_1093 = arith.constant 0 : i32
      %dma_wait3A_1094 = arith.constant 0 : i32
      %dma_wait3A_1095 = tpu.memref_slice %arg2[%dma_wait3A_1093, %dma_wait3A_1094] : memref<20000x64xf32, #tpu.memory_space<hbm>> -> memref<20000x64xf32, #tpu.memory_space<hbm>>
      tpu.wait_indirect_dma semaphore(%arg13 : memref<!tpu.dma_semaphore, #tpu.memory_space<semaphore_mem>>) src(%dma_wait3A_1095 : memref<20000x64xf32, #tpu.memory_space<hbm>>) dst(%arg8 : memref<128x64xf32, #tpu.memory_space<vmem>>)
      %run_scoped3A_1096 = arith.constant 4 : i32
      "tpu.region"() ({
        %run_scoped3A_1121 = tpu.sem_alloc : memref<!tpu.dma_semaphore, #tpu.memory_space<semaphore_mem>>
        %dma_start3A_1122 = arith.constant 0 : i32
        %dma_start3A_1123 = tpu.memref_slice %arg7[%run_scoped3A_1096, %dma_start3A_1122] : memref<8x128xi32, #tpu.memory_space<vmem>> -> memref<1x128xi32, #tpu.memory_space<vmem>>
        %dma_start3A_1124 = tpu.memref_squeeze %dma_start3A_1123 : memref<1x128xi32, #tpu.memory_space<vmem>> -> memref<128xi32, #tpu.memory_space<vmem>>
        %dma_start3A_1125 = arith.constant 0 : i32
        %dma_start3A_1126 = arith.constant 0 : i32
        %dma_start3A_1127 = tpu.memref_slice %arg12[%dma_start3A_1125, %dma_start3A_1126] : memref<20480x64xf32, #tpu.memory_space<vmem_shared>> -> memref<20480x64xf32, #tpu.memory_space<vmem_shared>>
        tpu.enqueue_indirect_dma source(%arg8 : memref<128x64xf32, #tpu.memory_space<vmem>>) target(%dma_start3A_1127 : memref<20480x64xf32, #tpu.memory_space<vmem_shared>>) offsets(%dma_start3A_1124 : memref<128xi32, #tpu.memory_space<vmem>>) semaphore(%run_scoped3A_1121 : memref<!tpu.dma_semaphore, #tpu.memory_space<semaphore_mem>>) {add = true}
        %dma_wait3A_1128 = arith.constant 0 : i32
        %dma_wait3A_1129 = tpu.memref_slice %arg7[%run_scoped3A_1096, %dma_wait3A_1128] : memref<8x128xi32, #tpu.memory_space<vmem>> -> memref<1x128xi32, #tpu.memory_space<vmem>>
        %dma_wait3A_1130 = tpu.memref_squeeze %dma_wait3A_1129 : memref<1x128xi32, #tpu.memory_space<vmem>> -> memref<128xi32, #tpu.memory_space<vmem>>
        %dma_wait3A_1131 = arith.constant 0 : i32
        %dma_wait3A_1132 = arith.constant 0 : i32
        %dma_wait3A_1133 = tpu.memref_slice %arg12[%dma_wait3A_1131, %dma_wait3A_1132] : memref<20480x64xf32, #tpu.memory_space<vmem_shared>> -> memref<20480x64xf32, #tpu.memory_space<vmem_shared>>
        tpu.wait_indirect_dma semaphore(%run_scoped3A_1121 : memref<!tpu.dma_semaphore, #tpu.memory_space<semaphore_mem>>) src(%arg8 : memref<128x64xf32, #tpu.memory_space<vmem>>) dst(%dma_wait3A_1133 : memref<20480x64xf32, #tpu.memory_space<vmem_shared>>)
        tpu.yield
      }) : () -> ()
      %dma_wait3A_1097 = arith.constant 5 : i32
      %dma_wait3A_1098 = arith.constant 0 : i32
      %dma_wait3A_1099 = tpu.memref_slice %arg6[%dma_wait3A_1097, %dma_wait3A_1098] : memref<8x128xi32, #tpu.memory_space<vmem>> -> memref<1x128xi32, #tpu.memory_space<vmem>>
      %dma_wait3A_1100 = tpu.memref_squeeze %dma_wait3A_1099 : memref<1x128xi32, #tpu.memory_space<vmem>> -> memref<128xi32, #tpu.memory_space<vmem>>
      %dma_wait3A_1101 = arith.constant 0 : i32
      %dma_wait3A_1102 = arith.constant 0 : i32
      %dma_wait3A_1103 = tpu.memref_slice %arg2[%dma_wait3A_1101, %dma_wait3A_1102] : memref<20000x64xf32, #tpu.memory_space<hbm>> -> memref<20000x64xf32, #tpu.memory_space<hbm>>
      tpu.wait_indirect_dma semaphore(%arg14 : memref<!tpu.dma_semaphore, #tpu.memory_space<semaphore_mem>>) src(%dma_wait3A_1103 : memref<20000x64xf32, #tpu.memory_space<hbm>>) dst(%arg9 : memref<128x64xf32, #tpu.memory_space<vmem>>)
      %run_scoped3A_1104 = arith.constant 5 : i32
      "tpu.region"() ({
        %run_scoped3A_1121 = tpu.sem_alloc : memref<!tpu.dma_semaphore, #tpu.memory_space<semaphore_mem>>
        %dma_start3A_1122 = arith.constant 0 : i32
        %dma_start3A_1123 = tpu.memref_slice %arg7[%run_scoped3A_1104, %dma_start3A_1122] : memref<8x128xi32, #tpu.memory_space<vmem>> -> memref<1x128xi32, #tpu.memory_space<vmem>>
        %dma_start3A_1124 = tpu.memref_squeeze %dma_start3A_1123 : memref<1x128xi32, #tpu.memory_space<vmem>> -> memref<128xi32, #tpu.memory_space<vmem>>
        %dma_start3A_1125 = arith.constant 0 : i32
        %dma_start3A_1126 = arith.constant 0 : i32
        %dma_start3A_1127 = tpu.memref_slice %arg12[%dma_start3A_1125, %dma_start3A_1126] : memref<20480x64xf32, #tpu.memory_space<vmem_shared>> -> memref<20480x64xf32, #tpu.memory_space<vmem_shared>>
        tpu.enqueue_indirect_dma source(%arg9 : memref<128x64xf32, #tpu.memory_space<vmem>>) target(%dma_start3A_1127 : memref<20480x64xf32, #tpu.memory_space<vmem_shared>>) offsets(%dma_start3A_1124 : memref<128xi32, #tpu.memory_space<vmem>>) semaphore(%run_scoped3A_1121 : memref<!tpu.dma_semaphore, #tpu.memory_space<semaphore_mem>>) {add = true}
        %dma_wait3A_1128 = arith.constant 0 : i32
        %dma_wait3A_1129 = tpu.memref_slice %arg7[%run_scoped3A_1104, %dma_wait3A_1128] : memref<8x128xi32, #tpu.memory_space<vmem>> -> memref<1x128xi32, #tpu.memory_space<vmem>>
        %dma_wait3A_1130 = tpu.memref_squeeze %dma_wait3A_1129 : memref<1x128xi32, #tpu.memory_space<vmem>> -> memref<128xi32, #tpu.memory_space<vmem>>
        %dma_wait3A_1131 = arith.constant 0 : i32
        %dma_wait3A_1132 = arith.constant 0 : i32
        %dma_wait3A_1133 = tpu.memref_slice %arg12[%dma_wait3A_1131, %dma_wait3A_1132] : memref<20480x64xf32, #tpu.memory_space<vmem_shared>> -> memref<20480x64xf32, #tpu.memory_space<vmem_shared>>
        tpu.wait_indirect_dma semaphore(%run_scoped3A_1121 : memref<!tpu.dma_semaphore, #tpu.memory_space<semaphore_mem>>) src(%arg9 : memref<128x64xf32, #tpu.memory_space<vmem>>) dst(%dma_wait3A_1133 : memref<20480x64xf32, #tpu.memory_space<vmem_shared>>)
        tpu.yield
      }) : () -> ()
      %dma_wait3A_1105 = arith.constant 6 : i32
      %dma_wait3A_1106 = arith.constant 0 : i32
      %dma_wait3A_1107 = tpu.memref_slice %arg6[%dma_wait3A_1105, %dma_wait3A_1106] : memref<8x128xi32, #tpu.memory_space<vmem>> -> memref<1x128xi32, #tpu.memory_space<vmem>>
      %dma_wait3A_1108 = tpu.memref_squeeze %dma_wait3A_1107 : memref<1x128xi32, #tpu.memory_space<vmem>> -> memref<128xi32, #tpu.memory_space<vmem>>
      %dma_wait3A_1109 = arith.constant 0 : i32
      %dma_wait3A_1110 = arith.constant 0 : i32
      %dma_wait3A_1111 = tpu.memref_slice %arg2[%dma_wait3A_1109, %dma_wait3A_1110] : memref<20000x64xf32, #tpu.memory_space<hbm>> -> memref<20000x64xf32, #tpu.memory_space<hbm>>
      tpu.wait_indirect_dma semaphore(%arg15 : memref<!tpu.dma_semaphore, #tpu.memory_space<semaphore_mem>>) src(%dma_wait3A_1111 : memref<20000x64xf32, #tpu.memory_space<hbm>>) dst(%arg10 : memref<128x64xf32, #tpu.memory_space<vmem>>)
      %run_scoped3A_1112 = arith.constant 6 : i32
      "tpu.region"() ({
        %run_scoped3A_1121 = tpu.sem_alloc : memref<!tpu.dma_semaphore, #tpu.memory_space<semaphore_mem>>
        %dma_start3A_1122 = arith.constant 0 : i32
        %dma_start3A_1123 = tpu.memref_slice %arg7[%run_scoped3A_1112, %dma_start3A_1122] : memref<8x128xi32, #tpu.memory_space<vmem>> -> memref<1x128xi32, #tpu.memory_space<vmem>>
        %dma_start3A_1124 = tpu.memref_squeeze %dma_start3A_1123 : memref<1x128xi32, #tpu.memory_space<vmem>> -> memref<128xi32, #tpu.memory_space<vmem>>
        %dma_start3A_1125 = arith.constant 0 : i32
        %dma_start3A_1126 = arith.constant 0 : i32
        %dma_start3A_1127 = tpu.memref_slice %arg12[%dma_start3A_1125, %dma_start3A_1126] : memref<20480x64xf32, #tpu.memory_space<vmem_shared>> -> memref<20480x64xf32, #tpu.memory_space<vmem_shared>>
        tpu.enqueue_indirect_dma source(%arg10 : memref<128x64xf32, #tpu.memory_space<vmem>>) target(%dma_start3A_1127 : memref<20480x64xf32, #tpu.memory_space<vmem_shared>>) offsets(%dma_start3A_1124 : memref<128xi32, #tpu.memory_space<vmem>>) semaphore(%run_scoped3A_1121 : memref<!tpu.dma_semaphore, #tpu.memory_space<semaphore_mem>>) {add = true}
        %dma_wait3A_1128 = arith.constant 0 : i32
        %dma_wait3A_1129 = tpu.memref_slice %arg7[%run_scoped3A_1112, %dma_wait3A_1128] : memref<8x128xi32, #tpu.memory_space<vmem>> -> memref<1x128xi32, #tpu.memory_space<vmem>>
        %dma_wait3A_1130 = tpu.memref_squeeze %dma_wait3A_1129 : memref<1x128xi32, #tpu.memory_space<vmem>> -> memref<128xi32, #tpu.memory_space<vmem>>
        %dma_wait3A_1131 = arith.constant 0 : i32
        %dma_wait3A_1132 = arith.constant 0 : i32
        %dma_wait3A_1133 = tpu.memref_slice %arg12[%dma_wait3A_1131, %dma_wait3A_1132] : memref<20480x64xf32, #tpu.memory_space<vmem_shared>> -> memref<20480x64xf32, #tpu.memory_space<vmem_shared>>
        tpu.wait_indirect_dma semaphore(%run_scoped3A_1121 : memref<!tpu.dma_semaphore, #tpu.memory_space<semaphore_mem>>) src(%arg10 : memref<128x64xf32, #tpu.memory_space<vmem>>) dst(%dma_wait3A_1133 : memref<20480x64xf32, #tpu.memory_space<vmem_shared>>)
        tpu.yield
      }) : () -> ()
      %dma_wait3A_1113 = arith.constant 7 : i32
      %dma_wait3A_1114 = arith.constant 0 : i32
      %dma_wait3A_1115 = tpu.memref_slice %arg6[%dma_wait3A_1113, %dma_wait3A_1114] : memref<8x128xi32, #tpu.memory_space<vmem>> -> memref<1x128xi32, #tpu.memory_space<vmem>>
      %dma_wait3A_1116 = tpu.memref_squeeze %dma_wait3A_1115 : memref<1x128xi32, #tpu.memory_space<vmem>> -> memref<128xi32, #tpu.memory_space<vmem>>
      %dma_wait3A_1117 = arith.constant 0 : i32
      %dma_wait3A_1118 = arith.constant 0 : i32
      %dma_wait3A_1119 = tpu.memref_slice %arg2[%dma_wait3A_1117, %dma_wait3A_1118] : memref<20000x64xf32, #tpu.memory_space<hbm>> -> memref<20000x64xf32, #tpu.memory_space<hbm>>
      tpu.wait_indirect_dma semaphore(%arg16 : memref<!tpu.dma_semaphore, #tpu.memory_space<semaphore_mem>>) src(%dma_wait3A_1119 : memref<20000x64xf32, #tpu.memory_space<hbm>>) dst(%arg11 : memref<128x64xf32, #tpu.memory_space<vmem>>)
      %run_scoped3A_1120 = arith.constant 7 : i32
      "tpu.region"() ({
        %run_scoped3A_1121 = tpu.sem_alloc : memref<!tpu.dma_semaphore, #tpu.memory_space<semaphore_mem>>
        %dma_start3A_1122 = arith.constant 0 : i32
        %dma_start3A_1123 = tpu.memref_slice %arg7[%run_scoped3A_1120, %dma_start3A_1122] : memref<8x128xi32, #tpu.memory_space<vmem>> -> memref<1x128xi32, #tpu.memory_space<vmem>>
        %dma_start3A_1124 = tpu.memref_squeeze %dma_start3A_1123 : memref<1x128xi32, #tpu.memory_space<vmem>> -> memref<128xi32, #tpu.memory_space<vmem>>
        %dma_start3A_1125 = arith.constant 0 : i32
        %dma_start3A_1126 = arith.constant 0 : i32
        %dma_start3A_1127 = tpu.memref_slice %arg12[%dma_start3A_1125, %dma_start3A_1126] : memref<20480x64xf32, #tpu.memory_space<vmem_shared>> -> memref<20480x64xf32, #tpu.memory_space<vmem_shared>>
        tpu.enqueue_indirect_dma source(%arg11 : memref<128x64xf32, #tpu.memory_space<vmem>>) target(%dma_start3A_1127 : memref<20480x64xf32, #tpu.memory_space<vmem_shared>>) offsets(%dma_start3A_1124 : memref<128xi32, #tpu.memory_space<vmem>>) semaphore(%run_scoped3A_1121 : memref<!tpu.dma_semaphore, #tpu.memory_space<semaphore_mem>>) {add = true}
        %dma_wait3A_1128 = arith.constant 0 : i32
        %dma_wait3A_1129 = tpu.memref_slice %arg7[%run_scoped3A_1120, %dma_wait3A_1128] : memref<8x128xi32, #tpu.memory_space<vmem>> -> memref<1x128xi32, #tpu.memory_space<vmem>>
        %dma_wait3A_1130 = tpu.memref_squeeze %dma_wait3A_1129 : memref<1x128xi32, #tpu.memory_space<vmem>> -> memref<128xi32, #tpu.memory_space<vmem>>
        %dma_wait3A_1131 = arith.constant 0 : i32
        %dma_wait3A_1132 = arith.constant 0 : i32
        %dma_wait3A_1133 = tpu.memref_slice %arg12[%dma_wait3A_1131, %dma_wait3A_1132] : memref<20480x64xf32, #tpu.memory_space<vmem_shared>> -> memref<20480x64xf32, #tpu.memory_space<vmem_shared>>
        tpu.wait_indirect_dma semaphore(%run_scoped3A_1121 : memref<!tpu.dma_semaphore, #tpu.memory_space<semaphore_mem>>) src(%arg11 : memref<128x64xf32, #tpu.memory_space<vmem>>) dst(%dma_wait3A_1133 : memref<20480x64xf32, #tpu.memory_space<vmem_shared>>)
        tpu.yield
      }) : () -> ()
    }
    %scan3A_29 = arith.constant 20 : i32
    %barrier3A_30 = arith.constant 0 : index
    tpu.barrier barrier_id(%barrier3A_30)
    %mul3A_31 = arith.constant 1280 : i32
    %mul3A_32 = arith.muli %arg1, %mul3A_31 : i32
    %mul3A_33 = arith.constant 20480 : i32
    %mul3A_34 = arith.muli %arg0, %mul3A_33 : i32
    %add3A_35 = arith.addi %mul3A_34, %mul3A_32 : i32
    "tpu.region"() ({
      %run_scoped3A = tpu.sem_alloc : memref<!tpu.dma_semaphore, #tpu.memory_space<semaphore_mem>>
      %dma_start3A = arith.constant 0 : i32
      %dma_start3A_36 = tpu.memref_slice %arg5[%add3A_35, %dma_start3A] : memref<40960x64xf32, #tpu.memory_space<hbm>> -> memref<1280x64xf32, #tpu.memory_space<hbm>>
      %dma_start3A_37 = arith.constant 0 : i32
      %dma_start3A_38 = tpu.memref_slice %arg12[%mul3A_32, %dma_start3A_37] : memref<20480x64xf32, #tpu.memory_space<vmem_shared>> -> memref<1280x64xf32, #tpu.memory_space<vmem_shared>>
      tpu.enqueue_dma source(%dma_start3A_38 : memref<1280x64xf32, #tpu.memory_space<vmem_shared>>) target(%dma_start3A_36 : memref<1280x64xf32, #tpu.memory_space<hbm>>) target_semaphore(%run_scoped3A : memref<!tpu.dma_semaphore, #tpu.memory_space<semaphore_mem>>)
      %dma_wait3A = arith.constant 0 : i32
      %dma_wait3A_39 = tpu.memref_slice %arg5[%add3A_35, %dma_wait3A] : memref<40960x64xf32, #tpu.memory_space<hbm>> -> memref<1280x64xf32, #tpu.memory_space<hbm>>
      %dma_wait3A_40 = arith.constant 0 : i32
      %dma_wait3A_41 = tpu.memref_slice %arg12[%mul3A_32, %dma_wait3A_40] : memref<20480x64xf32, #tpu.memory_space<vmem_shared>> -> memref<1280x64xf32, #tpu.memory_space<vmem_shared>>
      tpu.wait_dma2 semaphore(%run_scoped3A : memref<!tpu.dma_semaphore, #tpu.memory_space<semaphore_mem>>) src(%dma_wait3A_41 : memref<1280x64xf32, #tpu.memory_space<vmem_shared>>) dst(%dma_wait3A_39 : memref<1280x64xf32, #tpu.memory_space<hbm>>)
      tpu.yield
    }) : () -> ()
    return
  }
}

#map = affine_map<(d0, d1) -> (0, 0)>
#map1 = affine_map<(d0, d1) -> (0)>
module attributes {stable_mosaic.version = 14 : i64} {
  func.func @_rewritten_body(%arg0: i32, %arg1: i32, %arg2: memref<20000x64xf32, #tpu.memory_space<hbm>>, %arg3: memref<2560x128xi32, #tpu.memory_space<hbm>>, %arg4: memref<2560x128xi32, #tpu.memory_space<hbm>>, %arg5: memref<1xi32, #tpu.memory_space<hbm>>, %arg6: memref<1xi32, #tpu.memory_space<hbm>>, %arg7: memref<1xi32, #tpu.memory_space<hbm>>, %arg8: memref<1xi32, #tpu.memory_space<hbm>>, %arg9: memref<1xi32, #tpu.memory_space<hbm>>, %arg10: memref<1xi32, #tpu.memory_space<hbm>>, %arg11: memref<1xi32, #tpu.memory_space<hbm>>, %arg12: memref<1xi32, #tpu.memory_space<hbm>>, %arg13: memref<40960x64xf32, #tpu.memory_space<hbm>>, %arg14: memref<20480x16xf32, #tpu.memory_space<hbm>>, %arg15: memref<8x128xi32, #tpu.memory_space<vmem>>, %arg16: memref<8x128xi32, #tpu.memory_space<vmem>>, %arg17: memref<128x64xf32, #tpu.memory_space<vmem>>, %arg18: memref<128x64xf32, #tpu.memory_space<vmem>>, %arg19: memref<128x16xf32, #tpu.memory_space<vmem>>, %arg20: memref<20480x64xf32, #tpu.memory_space<vmem_shared>>, %arg21: memref<20480x16xf32, #tpu.memory_space<vmem_shared>>, %arg22: memref<!tpu.dma_semaphore, #tpu.memory_space<semaphore_mem>>, %arg23: memref<!tpu.dma_semaphore, #tpu.memory_space<semaphore_mem>>, %arg24: memref<!tpu.dma_semaphore, #tpu.memory_space<semaphore_mem>>) attributes {dimension_semantics = [#tpu.dimension_semantics<core_parallel>, #tpu.dimension_semantics<subcore_parallel>], iteration_bounds = array<i64: 2, 16>, scalar_prefetch = 0 : i64, scratch_operands = 10 : i64, tpu.core_type = #tpu.core_type<sc_vector_subcore>, window_params = [{transform_indices = #map}, {transform_indices = #map}, {transform_indices = #map}, {transform_indices = #map1}, {transform_indices = #map1}, {transform_indices = #map1}, {transform_indices = #map1}, {transform_indices = #map1}, {transform_indices = #map1}, {transform_indices = #map1}, {transform_indices = #map1}, {transform_indices = #map}, {transform_indices = #map}]} {
    %empty_ref3A = memref.alloca() : memref<16xi32, #tpu.memory_space<vmem>>
    %empty_ref3A_0 = memref.alloca() : memref<16xi32, #tpu.memory_space<vmem>>
    %empty_ref3A_1 = memref.alloca() : memref<16xi32, #tpu.memory_space<vmem>>
    %empty_ref3A_2 = memref.alloca() : memref<16xi32, #tpu.memory_space<vmem>>
    %empty_ref3A_3 = memref.alloca() : memref<16xi32, #tpu.memory_space<vmem>>
    %empty_ref3A_4 = memref.alloca() : memref<16xi32, #tpu.memory_space<vmem>>
    %empty_ref3A_5 = memref.alloca() : memref<16xi32, #tpu.memory_space<vmem>>
    %empty_ref3A_6 = memref.alloca() : memref<16xi32, #tpu.memory_space<vmem>>
    "tpu.region"() ({
      %run_scoped3A = tpu.sem_alloc : memref<!tpu.dma_semaphore, #tpu.memory_space<semaphore_mem>>
      %dma_start3A = arith.constant 0 : i32
      %dma_start3A_101 = tpu.memref_slice %empty_ref3A[%dma_start3A] : memref<16xi32, #tpu.memory_space<vmem>> -> memref<1xi32, #tpu.memory_space<vmem>>
      %dma_start3A_102 = arith.constant 0 : i32
      %dma_start3A_103 = tpu.memref_slice %empty_ref3A[%dma_start3A_102] : memref<16xi32, #tpu.memory_space<vmem>> -> memref<1xi32, #tpu.memory_space<vmem>>
      tpu.enqueue_dma source(%arg5 : memref<1xi32, #tpu.memory_space<hbm>>) target(%dma_start3A_103 : memref<1xi32, #tpu.memory_space<vmem>>) target_semaphore(%run_scoped3A : memref<!tpu.dma_semaphore, #tpu.memory_space<semaphore_mem>>)
      %dma_start3A_104 = arith.constant 0 : i32
      %dma_start3A_105 = tpu.memref_slice %empty_ref3A_0[%dma_start3A_104] : memref<16xi32, #tpu.memory_space<vmem>> -> memref<1xi32, #tpu.memory_space<vmem>>
      %dma_start3A_106 = arith.constant 0 : i32
      %dma_start3A_107 = tpu.memref_slice %empty_ref3A_0[%dma_start3A_106] : memref<16xi32, #tpu.memory_space<vmem>> -> memref<1xi32, #tpu.memory_space<vmem>>
      tpu.enqueue_dma source(%arg6 : memref<1xi32, #tpu.memory_space<hbm>>) target(%dma_start3A_107 : memref<1xi32, #tpu.memory_space<vmem>>) target_semaphore(%run_scoped3A : memref<!tpu.dma_semaphore, #tpu.memory_space<semaphore_mem>>)
      %dma_start3A_108 = arith.constant 0 : i32
      %dma_start3A_109 = tpu.memref_slice %empty_ref3A_1[%dma_start3A_108] : memref<16xi32, #tpu.memory_space<vmem>> -> memref<1xi32, #tpu.memory_space<vmem>>
      %dma_start3A_110 = arith.constant 0 : i32
      %dma_start3A_111 = tpu.memref_slice %empty_ref3A_1[%dma_start3A_110] : memref<16xi32, #tpu.memory_space<vmem>> -> memref<1xi32, #tpu.memory_space<vmem>>
      tpu.enqueue_dma source(%arg7 : memref<1xi32, #tpu.memory_space<hbm>>) target(%dma_start3A_111 : memref<1xi32, #tpu.memory_space<vmem>>) target_semaphore(%run_scoped3A : memref<!tpu.dma_semaphore, #tpu.memory_space<semaphore_mem>>)
      %dma_start3A_112 = arith.constant 0 : i32
      %dma_start3A_113 = tpu.memref_slice %empty_ref3A_2[%dma_start3A_112] : memref<16xi32, #tpu.memory_space<vmem>> -> memref<1xi32, #tpu.memory_space<vmem>>
      %dma_start3A_114 = arith.constant 0 : i32
      %dma_start3A_115 = tpu.memref_slice %empty_ref3A_2[%dma_start3A_114] : memref<16xi32, #tpu.memory_space<vmem>> -> memref<1xi32, #tpu.memory_space<vmem>>
      tpu.enqueue_dma source(%arg8 : memref<1xi32, #tpu.memory_space<hbm>>) target(%dma_start3A_115 : memref<1xi32, #tpu.memory_space<vmem>>) target_semaphore(%run_scoped3A : memref<!tpu.dma_semaphore, #tpu.memory_space<semaphore_mem>>)
      %dma_start3A_116 = arith.constant 0 : i32
      %dma_start3A_117 = tpu.memref_slice %empty_ref3A_3[%dma_start3A_116] : memref<16xi32, #tpu.memory_space<vmem>> -> memref<1xi32, #tpu.memory_space<vmem>>
      %dma_start3A_118 = arith.constant 0 : i32
      %dma_start3A_119 = tpu.memref_slice %empty_ref3A_3[%dma_start3A_118] : memref<16xi32, #tpu.memory_space<vmem>> -> memref<1xi32, #tpu.memory_space<vmem>>
      tpu.enqueue_dma source(%arg9 : memref<1xi32, #tpu.memory_space<hbm>>) target(%dma_start3A_119 : memref<1xi32, #tpu.memory_space<vmem>>) target_semaphore(%run_scoped3A : memref<!tpu.dma_semaphore, #tpu.memory_space<semaphore_mem>>)
      %dma_start3A_120 = arith.constant 0 : i32
      %dma_start3A_121 = tpu.memref_slice %empty_ref3A_4[%dma_start3A_120] : memref<16xi32, #tpu.memory_space<vmem>> -> memref<1xi32, #tpu.memory_space<vmem>>
      %dma_start3A_122 = arith.constant 0 : i32
      %dma_start3A_123 = tpu.memref_slice %empty_ref3A_4[%dma_start3A_122] : memref<16xi32, #tpu.memory_space<vmem>> -> memref<1xi32, #tpu.memory_space<vmem>>
      tpu.enqueue_dma source(%arg10 : memref<1xi32, #tpu.memory_space<hbm>>) target(%dma_start3A_123 : memref<1xi32, #tpu.memory_space<vmem>>) target_semaphore(%run_scoped3A : memref<!tpu.dma_semaphore, #tpu.memory_space<semaphore_mem>>)
      %dma_start3A_124 = arith.constant 0 : i32
      %dma_start3A_125 = tpu.memref_slice %empty_ref3A_5[%dma_start3A_124] : memref<16xi32, #tpu.memory_space<vmem>> -> memref<1xi32, #tpu.memory_space<vmem>>
      %dma_start3A_126 = arith.constant 0 : i32
      %dma_start3A_127 = tpu.memref_slice %empty_ref3A_5[%dma_start3A_126] : memref<16xi32, #tpu.memory_space<vmem>> -> memref<1xi32, #tpu.memory_space<vmem>>
      tpu.enqueue_dma source(%arg11 : memref<1xi32, #tpu.memory_space<hbm>>) target(%dma_start3A_127 : memref<1xi32, #tpu.memory_space<vmem>>) target_semaphore(%run_scoped3A : memref<!tpu.dma_semaphore, #tpu.memory_space<semaphore_mem>>)
      %dma_start3A_128 = arith.constant 0 : i32
      %dma_start3A_129 = tpu.memref_slice %empty_ref3A_6[%dma_start3A_128] : memref<16xi32, #tpu.memory_space<vmem>> -> memref<1xi32, #tpu.memory_space<vmem>>
      %dma_start3A_130 = arith.constant 0 : i32
      %dma_start3A_131 = tpu.memref_slice %empty_ref3A_6[%dma_start3A_130] : memref<16xi32, #tpu.memory_space<vmem>> -> memref<1xi32, #tpu.memory_space<vmem>>
      tpu.enqueue_dma source(%arg12 : memref<1xi32, #tpu.memory_space<hbm>>) target(%dma_start3A_131 : memref<1xi32, #tpu.memory_space<vmem>>) target_semaphore(%run_scoped3A : memref<!tpu.dma_semaphore, #tpu.memory_space<semaphore_mem>>)
      %dma_wait3A = arith.constant 0 : i32
      %dma_wait3A_132 = tpu.memref_slice %empty_ref3A[%dma_wait3A] : memref<16xi32, #tpu.memory_space<vmem>> -> memref<1xi32, #tpu.memory_space<vmem>>
      %dma_wait3A_133 = arith.constant 0 : i32
      %dma_wait3A_134 = tpu.memref_slice %empty_ref3A[%dma_wait3A_133] : memref<16xi32, #tpu.memory_space<vmem>> -> memref<1xi32, #tpu.memory_space<vmem>>
      tpu.wait_dma2 semaphore(%run_scoped3A : memref<!tpu.dma_semaphore, #tpu.memory_space<semaphore_mem>>) src(%arg5 : memref<1xi32, #tpu.memory_space<hbm>>) dst(%dma_wait3A_134 : memref<1xi32, #tpu.memory_space<vmem>>)
      %dma_wait3A_135 = arith.constant 0 : i32
      %dma_wait3A_136 = tpu.memref_slice %empty_ref3A_0[%dma_wait3A_135] : memref<16xi32, #tpu.memory_space<vmem>> -> memref<1xi32, #tpu.memory_space<vmem>>
      %dma_wait3A_137 = arith.constant 0 : i32
      %dma_wait3A_138 = tpu.memref_slice %empty_ref3A_0[%dma_wait3A_137] : memref<16xi32, #tpu.memory_space<vmem>> -> memref<1xi32, #tpu.memory_space<vmem>>
      tpu.wait_dma2 semaphore(%run_scoped3A : memref<!tpu.dma_semaphore, #tpu.memory_space<semaphore_mem>>) src(%arg6 : memref<1xi32, #tpu.memory_space<hbm>>) dst(%dma_wait3A_138 : memref<1xi32, #tpu.memory_space<vmem>>)
      %dma_wait3A_139 = arith.constant 0 : i32
      %dma_wait3A_140 = tpu.memref_slice %empty_ref3A_1[%dma_wait3A_139] : memref<16xi32, #tpu.memory_space<vmem>> -> memref<1xi32, #tpu.memory_space<vmem>>
      %dma_wait3A_141 = arith.constant 0 : i32
      %dma_wait3A_142 = tpu.memref_slice %empty_ref3A_1[%dma_wait3A_141] : memref<16xi32, #tpu.memory_space<vmem>> -> memref<1xi32, #tpu.memory_space<vmem>>
      tpu.wait_dma2 semaphore(%run_scoped3A : memref<!tpu.dma_semaphore, #tpu.memory_space<semaphore_mem>>) src(%arg7 : memref<1xi32, #tpu.memory_space<hbm>>) dst(%dma_wait3A_142 : memref<1xi32, #tpu.memory_space<vmem>>)
      %dma_wait3A_143 = arith.constant 0 : i32
      %dma_wait3A_144 = tpu.memref_slice %empty_ref3A_2[%dma_wait3A_143] : memref<16xi32, #tpu.memory_space<vmem>> -> memref<1xi32, #tpu.memory_space<vmem>>
      %dma_wait3A_145 = arith.constant 0 : i32
      %dma_wait3A_146 = tpu.memref_slice %empty_ref3A_2[%dma_wait3A_145] : memref<16xi32, #tpu.memory_space<vmem>> -> memref<1xi32, #tpu.memory_space<vmem>>
      tpu.wait_dma2 semaphore(%run_scoped3A : memref<!tpu.dma_semaphore, #tpu.memory_space<semaphore_mem>>) src(%arg8 : memref<1xi32, #tpu.memory_space<hbm>>) dst(%dma_wait3A_146 : memref<1xi32, #tpu.memory_space<vmem>>)
      %dma_wait3A_147 = arith.constant 0 : i32
      %dma_wait3A_148 = tpu.memref_slice %empty_ref3A_3[%dma_wait3A_147] : memref<16xi32, #tpu.memory_space<vmem>> -> memref<1xi32, #tpu.memory_space<vmem>>
      %dma_wait3A_149 = arith.constant 0 : i32
      %dma_wait3A_150 = tpu.memref_slice %empty_ref3A_3[%dma_wait3A_149] : memref<16xi32, #tpu.memory_space<vmem>> -> memref<1xi32, #tpu.memory_space<vmem>>
      tpu.wait_dma2 semaphore(%run_scoped3A : memref<!tpu.dma_semaphore, #tpu.memory_space<semaphore_mem>>) src(%arg9 : memref<1xi32, #tpu.memory_space<hbm>>) dst(%dma_wait3A_150 : memref<1xi32, #tpu.memory_space<vmem>>)
      %dma_wait3A_151 = arith.constant 0 : i32
      %dma_wait3A_152 = tpu.memref_slice %empty_ref3A_4[%dma_wait3A_151] : memref<16xi32, #tpu.memory_space<vmem>> -> memref<1xi32, #tpu.memory_space<vmem>>
      %dma_wait3A_153 = arith.constant 0 : i32
      %dma_wait3A_154 = tpu.memref_slice %empty_ref3A_4[%dma_wait3A_153] : memref<16xi32, #tpu.memory_space<vmem>> -> memref<1xi32, #tpu.memory_space<vmem>>
      tpu.wait_dma2 semaphore(%run_scoped3A : memref<!tpu.dma_semaphore, #tpu.memory_space<semaphore_mem>>) src(%arg10 : memref<1xi32, #tpu.memory_space<hbm>>) dst(%dma_wait3A_154 : memref<1xi32, #tpu.memory_space<vmem>>)
      %dma_wait3A_155 = arith.constant 0 : i32
      %dma_wait3A_156 = tpu.memref_slice %empty_ref3A_5[%dma_wait3A_155] : memref<16xi32, #tpu.memory_space<vmem>> -> memref<1xi32, #tpu.memory_space<vmem>>
      %dma_wait3A_157 = arith.constant 0 : i32
      %dma_wait3A_158 = tpu.memref_slice %empty_ref3A_5[%dma_wait3A_157] : memref<16xi32, #tpu.memory_space<vmem>> -> memref<1xi32, #tpu.memory_space<vmem>>
      tpu.wait_dma2 semaphore(%run_scoped3A : memref<!tpu.dma_semaphore, #tpu.memory_space<semaphore_mem>>) src(%arg11 : memref<1xi32, #tpu.memory_space<hbm>>) dst(%dma_wait3A_158 : memref<1xi32, #tpu.memory_space<vmem>>)
      %dma_wait3A_159 = arith.constant 0 : i32
      %dma_wait3A_160 = tpu.memref_slice %empty_ref3A_6[%dma_wait3A_159] : memref<16xi32, #tpu.memory_space<vmem>> -> memref<1xi32, #tpu.memory_space<vmem>>
      %dma_wait3A_161 = arith.constant 0 : i32
      %dma_wait3A_162 = tpu.memref_slice %empty_ref3A_6[%dma_wait3A_161] : memref<16xi32, #tpu.memory_space<vmem>> -> memref<1xi32, #tpu.memory_space<vmem>>
      tpu.wait_dma2 semaphore(%run_scoped3A : memref<!tpu.dma_semaphore, #tpu.memory_space<semaphore_mem>>) src(%arg12 : memref<1xi32, #tpu.memory_space<hbm>>) dst(%dma_wait3A_162 : memref<1xi32, #tpu.memory_space<vmem>>)
      tpu.yield
    }) : () -> ()
    %get3A = arith.constant 0 : index
    %get3A_7 = tpu.vector_load %empty_ref3A[%get3A] {strides = array<i32>} : memref<16xi32, #tpu.memory_space<vmem>>, vector<16xi32>,
    %get3A_8 = vector.shape_cast %get3A_7 : vector<16xi32> to vector<16xi32>
    %slice3A = vector.extract_strided_slice %get3A_8 {offsets = [0], sizes = [1], strides = [1]} : vector<16xi32> to vector<1xi32>
    %squeeze3A = vector.extract %slice3A[0] : i32 from vector<1xi32>
    %get3A_9 = arith.constant 0 : index
    %get3A_10 = tpu.vector_load %empty_ref3A_0[%get3A_9] {strides = array<i32>} : memref<16xi32, #tpu.memory_space<vmem>>, vector<16xi32>,
    %get3A_11 = vector.shape_cast %get3A_10 : vector<16xi32> to vector<16xi32>
    %slice3A_12 = vector.extract_strided_slice %get3A_11 {offsets = [0], sizes = [1], strides = [1]} : vector<16xi32> to vector<1xi32>
    %squeeze3A_13 = vector.extract %slice3A_12[0] : i32 from vector<1xi32>
    %get3A_14 = arith.constant 0 : index
    %get3A_15 = tpu.vector_load %empty_ref3A_1[%get3A_14] {strides = array<i32>} : memref<16xi32, #tpu.memory_space<vmem>>, vector<16xi32>,
    %get3A_16 = vector.shape_cast %get3A_15 : vector<16xi32> to vector<16xi32>
    %slice3A_17 = vector.extract_strided_slice %get3A_16 {offsets = [0], sizes = [1], strides = [1]} : vector<16xi32> to vector<1xi32>
    %squeeze3A_18 = vector.extract %slice3A_17[0] : i32 from vector<1xi32>
    %get3A_19 = arith.constant 0 : index
    %get3A_20 = tpu.vector_load %empty_ref3A_2[%get3A_19] {strides = array<i32>} : memref<16xi32, #tpu.memory_space<vmem>>, vector<16xi32>,
    %get3A_21 = vector.shape_cast %get3A_20 : vector<16xi32> to vector<16xi32>
    %slice3A_22 = vector.extract_strided_slice %get3A_21 {offsets = [0], sizes = [1], strides = [1]} : vector<16xi32> to vector<1xi32>
    %squeeze3A_23 = vector.extract %slice3A_22[0] : i32 from vector<1xi32>
    %get3A_24 = arith.constant 0 : index
    %get3A_25 = tpu.vector_load %empty_ref3A_3[%get3A_24] {strides = array<i32>} : memref<16xi32, #tpu.memory_space<vmem>>, vector<16xi32>,
    %get3A_26 = vector.shape_cast %get3A_25 : vector<16xi32> to vector<16xi32>
    %slice3A_27 = vector.extract_strided_slice %get3A_26 {offsets = [0], sizes = [1], strides = [1]} : vector<16xi32> to vector<1xi32>
    %squeeze3A_28 = vector.extract %slice3A_27[0] : i32 from vector<1xi32>
    %get3A_29 = arith.constant 0 : index
    %get3A_30 = tpu.vector_load %empty_ref3A_4[%get3A_29] {strides = array<i32>} : memref<16xi32, #tpu.memory_space<vmem>>, vector<16xi32>,
    %get3A_31 = vector.shape_cast %get3A_30 : vector<16xi32> to vector<16xi32>
    %slice3A_32 = vector.extract_strided_slice %get3A_31 {offsets = [0], sizes = [1], strides = [1]} : vector<16xi32> to vector<1xi32>
    %squeeze3A_33 = vector.extract %slice3A_32[0] : i32 from vector<1xi32>
    %get3A_34 = arith.constant 0 : index
    %get3A_35 = tpu.vector_load %empty_ref3A_5[%get3A_34] {strides = array<i32>} : memref<16xi32, #tpu.memory_space<vmem>>, vector<16xi32>,
    %get3A_36 = vector.shape_cast %get3A_35 : vector<16xi32> to vector<16xi32>
    %slice3A_37 = vector.extract_strided_slice %get3A_36 {offsets = [0], sizes = [1], strides = [1]} : vector<16xi32> to vector<1xi32>
    %squeeze3A_38 = vector.extract %slice3A_37[0] : i32 from vector<1xi32>
    %get3A_39 = arith.constant 0 : index
    %get3A_40 = tpu.vector_load %empty_ref3A_6[%get3A_39] {strides = array<i32>} : memref<16xi32, #tpu.memory_space<vmem>>, vector<16xi32>,
    %get3A_41 = vector.shape_cast %get3A_40 : vector<16xi32> to vector<16xi32>
    %slice3A_42 = vector.extract_strided_slice %get3A_41 {offsets = [0], sizes = [1], strides = [1]} : vector<16xi32> to vector<1xi32>
    %squeeze3A_43 = vector.extract %slice3A_42[0] : i32 from vector<1xi32>
    %broadcast_in_dim3A = arith.constant 0.000000e+00 : f32
    %broadcast_in_dim3A_44 = vector.broadcast %broadcast_in_dim3A : f32 to vector<16xf32>
    %scan3A = arith.constant 0 : i32
    %scan3A_45 = arith.constant 128 : i32
    %scan3A_46 = arith.addi %scan3A, %scan3A_45 : i32
    %scan3A_47 = arith.constant 1 : i32
    scf.for %scan3A_101 = %scan3A to %scan3A_46 step %scan3A_47  : i32 {
      %mul3A_102 = arith.constant 1 : i32
      %mul3A_103 = arith.muli %scan3A_101, %mul3A_102 : i32
      %add3A_104 = arith.constant 0 : i32
      %add3A_105 = arith.addi %add3A_104, %mul3A_103 : i32
      %swap3A = arith.index_cast %add3A_105 : i32 to index
      %swap3A_106 = arith.constant 0 : index
      %swap3A_107 = tpu.vector_load %arg17[%swap3A, %swap3A_106] {strides = array<i32>} : memref<128x64xf32, #tpu.memory_space<vmem>>, vector<1x16xf32>,
      %swap3A_108 = vector.shape_cast %swap3A_107 : vector<1x16xf32> to vector<16xf32>
      %swap3A_109 = vector.shape_cast %broadcast_in_dim3A_44 : vector<16xf32> to vector<1x16xf32>
      tpu.vector_store %arg17[%swap3A, %swap3A_106], %swap3A_109 {strides = array<i32>} : memref<128x64xf32, #tpu.memory_space<vmem>>, vector<1x16xf32>,
      %swap3A_110 = arith.index_cast %add3A_105 : i32 to index
      %swap3A_111 = arith.constant 16 : index
      %swap3A_112 = tpu.vector_load %arg17[%swap3A_110, %swap3A_111] {strides = array<i32>} : memref<128x64xf32, #tpu.memory_space<vmem>>, vector<1x16xf32>,
      %swap3A_113 = vector.shape_cast %swap3A_112 : vector<1x16xf32> to vector<16xf32>
      %swap3A_114 = vector.shape_cast %broadcast_in_dim3A_44 : vector<16xf32> to vector<1x16xf32>
      tpu.vector_store %arg17[%swap3A_110, %swap3A_111], %swap3A_114 {strides = array<i32>} : memref<128x64xf32, #tpu.memory_space<vmem>>, vector<1x16xf32>,
      %swap3A_115 = arith.index_cast %add3A_105 : i32 to index
      %swap3A_116 = arith.constant 32 : index
      %swap3A_117 = tpu.vector_load %arg17[%swap3A_115, %swap3A_116] {strides = array<i32>} : memref<128x64xf32, #tpu.memory_space<vmem>>, vector<1x16xf32>,
      %swap3A_118 = vector.shape_cast %swap3A_117 : vector<1x16xf32> to vector<16xf32>
      %swap3A_119 = vector.shape_cast %broadcast_in_dim3A_44 : vector<16xf32> to vector<1x16xf32>
      tpu.vector_store %arg17[%swap3A_115, %swap3A_116], %swap3A_119 {strides = array<i32>} : memref<128x64xf32, #tpu.memory_space<vmem>>, vector<1x16xf32>,
      %swap3A_120 = arith.index_cast %add3A_105 : i32 to index
      %swap3A_121 = arith.constant 48 : index
      %swap3A_122 = tpu.vector_load %arg17[%swap3A_120, %swap3A_121] {strides = array<i32>} : memref<128x64xf32, #tpu.memory_space<vmem>>, vector<1x16xf32>,
      %swap3A_123 = vector.shape_cast %swap3A_122 : vector<1x16xf32> to vector<16xf32>
      %swap3A_124 = vector.shape_cast %broadcast_in_dim3A_44 : vector<16xf32> to vector<1x16xf32>
      tpu.vector_store %arg17[%swap3A_120, %swap3A_121], %swap3A_124 {strides = array<i32>} : memref<128x64xf32, #tpu.memory_space<vmem>>, vector<1x16xf32>,
    }
    %scan3A_48 = arith.constant 128 : i32
    %mul3A = arith.constant 1280 : i32
    %mul3A_49 = arith.muli %arg1, %mul3A : i32
    %add3A = arith.constant 0 : i32
    %add3A_50 = arith.addi %mul3A_49, %add3A : i32
    "tpu.region"() ({
      %run_scoped3A = tpu.sem_alloc : memref<!tpu.dma_semaphore, #tpu.memory_space<semaphore_mem>>
      %dma_start3A = arith.constant 0 : i32
      %dma_start3A_101 = arith.constant 0 : i32
      %dma_start3A_102 = tpu.memref_slice %arg17[%dma_start3A, %dma_start3A_101] : memref<128x64xf32, #tpu.memory_space<vmem>> -> memref<128x64xf32, #tpu.memory_space<vmem>>
      %dma_start3A_103 = arith.constant 0 : i32
      %dma_start3A_104 = tpu.memref_slice %arg20[%add3A_50, %dma_start3A_103] : memref<20480x64xf32, #tpu.memory_space<vmem_shared>> -> memref<128x64xf32, #tpu.memory_space<vmem_shared>>
      %dma_start3A_105 = arith.constant 0 : i32
      %dma_start3A_106 = tpu.memref_slice %arg20[%add3A_50, %dma_start3A_105] : memref<20480x64xf32, #tpu.memory_space<vmem_shared>> -> memref<128x64xf32, #tpu.memory_space<vmem_shared>>
      %dma_start3A_107 = arith.constant 0 : i32
      %dma_start3A_108 = arith.constant 0 : i32
      %dma_start3A_109 = tpu.memref_slice %arg17[%dma_start3A_107, %dma_start3A_108] : memref<128x64xf32, #tpu.memory_space<vmem>> -> memref<128x64xf32, #tpu.memory_space<vmem>>
      tpu.enqueue_dma source(%dma_start3A_109 : memref<128x64xf32, #tpu.memory_space<vmem>>) target(%dma_start3A_106 : memref<128x64xf32, #tpu.memory_space<vmem_shared>>) target_semaphore(%run_scoped3A : memref<!tpu.dma_semaphore, #tpu.memory_space<semaphore_mem>>)
      %dma_wait3A = arith.constant 0 : i32
      %dma_wait3A_110 = arith.constant 0 : i32
      %dma_wait3A_111 = tpu.memref_slice %arg17[%dma_wait3A, %dma_wait3A_110] : memref<128x64xf32, #tpu.memory_space<vmem>> -> memref<128x64xf32, #tpu.memory_space<vmem>>
      %dma_wait3A_112 = arith.constant 0 : i32
      %dma_wait3A_113 = tpu.memref_slice %arg20[%add3A_50, %dma_wait3A_112] : memref<20480x64xf32, #tpu.memory_space<vmem_shared>> -> memref<128x64xf32, #tpu.memory_space<vmem_shared>>
      %dma_wait3A_114 = arith.constant 0 : i32
      %dma_wait3A_115 = tpu.memref_slice %arg20[%add3A_50, %dma_wait3A_114] : memref<20480x64xf32, #tpu.memory_space<vmem_shared>> -> memref<128x64xf32, #tpu.memory_space<vmem_shared>>
      %dma_wait3A_116 = arith.constant 0 : i32
      %dma_wait3A_117 = arith.constant 0 : i32
      %dma_wait3A_118 = tpu.memref_slice %arg17[%dma_wait3A_116, %dma_wait3A_117] : memref<128x64xf32, #tpu.memory_space<vmem>> -> memref<128x64xf32, #tpu.memory_space<vmem>>
      tpu.wait_dma2 semaphore(%run_scoped3A : memref<!tpu.dma_semaphore, #tpu.memory_space<semaphore_mem>>) src(%dma_wait3A_118 : memref<128x64xf32, #tpu.memory_space<vmem>>) dst(%dma_wait3A_115 : memref<128x64xf32, #tpu.memory_space<vmem_shared>>)
      tpu.yield
    }) : () -> ()
    %add3A_51 = arith.constant 128 : i32
    %add3A_52 = arith.addi %mul3A_49, %add3A_51 : i32
    "tpu.region"() ({
      %run_scoped3A = tpu.sem_alloc : memref<!tpu.dma_semaphore, #tpu.memory_space<semaphore_mem>>
      %dma_start3A = arith.constant 0 : i32
      %dma_start3A_101 = arith.constant 0 : i32
      %dma_start3A_102 = tpu.memref_slice %arg17[%dma_start3A, %dma_start3A_101] : memref<128x64xf32, #tpu.memory_space<vmem>> -> memref<128x64xf32, #tpu.memory_space<vmem>>
      %dma_start3A_103 = arith.constant 0 : i32
      %dma_start3A_104 = tpu.memref_slice %arg20[%add3A_52, %dma_start3A_103] : memref<20480x64xf32, #tpu.memory_space<vmem_shared>> -> memref<128x64xf32, #tpu.memory_space<vmem_shared>>
      %dma_start3A_105 = arith.constant 0 : i32
      %dma_start3A_106 = tpu.memref_slice %arg20[%add3A_52, %dma_start3A_105] : memref<20480x64xf32, #tpu.memory_space<vmem_shared>> -> memref<128x64xf32, #tpu.memory_space<vmem_shared>>
      %dma_start3A_107 = arith.constant 0 : i32
      %dma_start3A_108 = arith.constant 0 : i32
      %dma_start3A_109 = tpu.memref_slice %arg17[%dma_start3A_107, %dma_start3A_108] : memref<128x64xf32, #tpu.memory_space<vmem>> -> memref<128x64xf32, #tpu.memory_space<vmem>>
      tpu.enqueue_dma source(%dma_start3A_109 : memref<128x64xf32, #tpu.memory_space<vmem>>) target(%dma_start3A_106 : memref<128x64xf32, #tpu.memory_space<vmem_shared>>) target_semaphore(%run_scoped3A : memref<!tpu.dma_semaphore, #tpu.memory_space<semaphore_mem>>)
      %dma_wait3A = arith.constant 0 : i32
      %dma_wait3A_110 = arith.constant 0 : i32
      %dma_wait3A_111 = tpu.memref_slice %arg17[%dma_wait3A, %dma_wait3A_110] : memref<128x64xf32, #tpu.memory_space<vmem>> -> memref<128x64xf32, #tpu.memory_space<vmem>>
      %dma_wait3A_112 = arith.constant 0 : i32
      %dma_wait3A_113 = tpu.memref_slice %arg20[%add3A_52, %dma_wait3A_112] : memref<20480x64xf32, #tpu.memory_space<vmem_shared>> -> memref<128x64xf32, #tpu.memory_space<vmem_shared>>
      %dma_wait3A_114 = arith.constant 0 : i32
      %dma_wait3A_115 = tpu.memref_slice %arg20[%add3A_52, %dma_wait3A_114] : memref<20480x64xf32, #tpu.memory_space<vmem_shared>> -> memref<128x64xf32, #tpu.memory_space<vmem_shared>>
      %dma_wait3A_116 = arith.constant 0 : i32
      %dma_wait3A_117 = arith.constant 0 : i32
      %dma_wait3A_118 = tpu.memref_slice %arg17[%dma_wait3A_116, %dma_wait3A_117] : memref<128x64xf32, #tpu.memory_space<vmem>> -> memref<128x64xf32, #tpu.memory_space<vmem>>
      tpu.wait_dma2 semaphore(%run_scoped3A : memref<!tpu.dma_semaphore, #tpu.memory_space<semaphore_mem>>) src(%dma_wait3A_118 : memref<128x64xf32, #tpu.memory_space<vmem>>) dst(%dma_wait3A_115 : memref<128x64xf32, #tpu.memory_space<vmem_shared>>)
      tpu.yield
    }) : () -> ()
    %add3A_53 = arith.constant 256 : i32
    %add3A_54 = arith.addi %mul3A_49, %add3A_53 : i32
    "tpu.region"() ({
      %run_scoped3A = tpu.sem_alloc : memref<!tpu.dma_semaphore, #tpu.memory_space<semaphore_mem>>
      %dma_start3A = arith.constant 0 : i32
      %dma_start3A_101 = arith.constant 0 : i32
      %dma_start3A_102 = tpu.memref_slice %arg17[%dma_start3A, %dma_start3A_101] : memref<128x64xf32, #tpu.memory_space<vmem>> -> memref<128x64xf32, #tpu.memory_space<vmem>>
      %dma_start3A_103 = arith.constant 0 : i32
      %dma_start3A_104 = tpu.memref_slice %arg20[%add3A_54, %dma_start3A_103] : memref<20480x64xf32, #tpu.memory_space<vmem_shared>> -> memref<128x64xf32, #tpu.memory_space<vmem_shared>>
      %dma_start3A_105 = arith.constant 0 : i32
      %dma_start3A_106 = tpu.memref_slice %arg20[%add3A_54, %dma_start3A_105] : memref<20480x64xf32, #tpu.memory_space<vmem_shared>> -> memref<128x64xf32, #tpu.memory_space<vmem_shared>>
      %dma_start3A_107 = arith.constant 0 : i32
      %dma_start3A_108 = arith.constant 0 : i32
      %dma_start3A_109 = tpu.memref_slice %arg17[%dma_start3A_107, %dma_start3A_108] : memref<128x64xf32, #tpu.memory_space<vmem>> -> memref<128x64xf32, #tpu.memory_space<vmem>>
      tpu.enqueue_dma source(%dma_start3A_109 : memref<128x64xf32, #tpu.memory_space<vmem>>) target(%dma_start3A_106 : memref<128x64xf32, #tpu.memory_space<vmem_shared>>) target_semaphore(%run_scoped3A : memref<!tpu.dma_semaphore, #tpu.memory_space<semaphore_mem>>)
      %dma_wait3A = arith.constant 0 : i32
      %dma_wait3A_110 = arith.constant 0 : i32
      %dma_wait3A_111 = tpu.memref_slice %arg17[%dma_wait3A, %dma_wait3A_110] : memref<128x64xf32, #tpu.memory_space<vmem>> -> memref<128x64xf32, #tpu.memory_space<vmem>>
      %dma_wait3A_112 = arith.constant 0 : i32
      %dma_wait3A_113 = tpu.memref_slice %arg20[%add3A_54, %dma_wait3A_112] : memref<20480x64xf32, #tpu.memory_space<vmem_shared>> -> memref<128x64xf32, #tpu.memory_space<vmem_shared>>
      %dma_wait3A_114 = arith.constant 0 : i32
      %dma_wait3A_115 = tpu.memref_slice %arg20[%add3A_54, %dma_wait3A_114] : memref<20480x64xf32, #tpu.memory_space<vmem_shared>> -> memref<128x64xf32, #tpu.memory_space<vmem_shared>>
      %dma_wait3A_116 = arith.constant 0 : i32
      %dma_wait3A_117 = arith.constant 0 : i32
      %dma_wait3A_118 = tpu.memref_slice %arg17[%dma_wait3A_116, %dma_wait3A_117] : memref<128x64xf32, #tpu.memory_space<vmem>> -> memref<128x64xf32, #tpu.memory_space<vmem>>
      tpu.wait_dma2 semaphore(%run_scoped3A : memref<!tpu.dma_semaphore, #tpu.memory_space<semaphore_mem>>) src(%dma_wait3A_118 : memref<128x64xf32, #tpu.memory_space<vmem>>) dst(%dma_wait3A_115 : memref<128x64xf32, #tpu.memory_space<vmem_shared>>)
      tpu.yield
    }) : () -> ()
    %add3A_55 = arith.constant 384 : i32
    %add3A_56 = arith.addi %mul3A_49, %add3A_55 : i32
    "tpu.region"() ({
      %run_scoped3A = tpu.sem_alloc : memref<!tpu.dma_semaphore, #tpu.memory_space<semaphore_mem>>
      %dma_start3A = arith.constant 0 : i32
      %dma_start3A_101 = arith.constant 0 : i32
      %dma_start3A_102 = tpu.memref_slice %arg17[%dma_start3A, %dma_start3A_101] : memref<128x64xf32, #tpu.memory_space<vmem>> -> memref<128x64xf32, #tpu.memory_space<vmem>>
      %dma_start3A_103 = arith.constant 0 : i32
      %dma_start3A_104 = tpu.memref_slice %arg20[%add3A_56, %dma_start3A_103] : memref<20480x64xf32, #tpu.memory_space<vmem_shared>> -> memref<128x64xf32, #tpu.memory_space<vmem_shared>>
      %dma_start3A_105 = arith.constant 0 : i32
      %dma_start3A_106 = tpu.memref_slice %arg20[%add3A_56, %dma_start3A_105] : memref<20480x64xf32, #tpu.memory_space<vmem_shared>> -> memref<128x64xf32, #tpu.memory_space<vmem_shared>>
      %dma_start3A_107 = arith.constant 0 : i32
      %dma_start3A_108 = arith.constant 0 : i32
      %dma_start3A_109 = tpu.memref_slice %arg17[%dma_start3A_107, %dma_start3A_108] : memref<128x64xf32, #tpu.memory_space<vmem>> -> memref<128x64xf32, #tpu.memory_space<vmem>>
      tpu.enqueue_dma source(%dma_start3A_109 : memref<128x64xf32, #tpu.memory_space<vmem>>) target(%dma_start3A_106 : memref<128x64xf32, #tpu.memory_space<vmem_shared>>) target_semaphore(%run_scoped3A : memref<!tpu.dma_semaphore, #tpu.memory_space<semaphore_mem>>)
      %dma_wait3A = arith.constant 0 : i32
      %dma_wait3A_110 = arith.constant 0 : i32
      %dma_wait3A_111 = tpu.memref_slice %arg17[%dma_wait3A, %dma_wait3A_110] : memref<128x64xf32, #tpu.memory_space<vmem>> -> memref<128x64xf32, #tpu.memory_space<vmem>>
      %dma_wait3A_112 = arith.constant 0 : i32
      %dma_wait3A_113 = tpu.memref_slice %arg20[%add3A_56, %dma_wait3A_112] : memref<20480x64xf32, #tpu.memory_space<vmem_shared>> -> memref<128x64xf32, #tpu.memory_space<vmem_shared>>
      %dma_wait3A_114 = arith.constant 0 : i32
      %dma_wait3A_115 = tpu.memref_slice %arg20[%add3A_56, %dma_wait3A_114] : memref<20480x64xf32, #tpu.memory_space<vmem_shared>> -> memref<128x64xf32, #tpu.memory_space<vmem_shared>>
      %dma_wait3A_116 = arith.constant 0 : i32
      %dma_wait3A_117 = arith.constant 0 : i32
      %dma_wait3A_118 = tpu.memref_slice %arg17[%dma_wait3A_116, %dma_wait3A_117] : memref<128x64xf32, #tpu.memory_space<vmem>> -> memref<128x64xf32, #tpu.memory_space<vmem>>
      tpu.wait_dma2 semaphore(%run_scoped3A : memref<!tpu.dma_semaphore, #tpu.memory_space<semaphore_mem>>) src(%dma_wait3A_118 : memref<128x64xf32, #tpu.memory_space<vmem>>) dst(%dma_wait3A_115 : memref<128x64xf32, #tpu.memory_space<vmem_shared>>)
      tpu.yield
    }) : () -> ()
    %add3A_57 = arith.constant 512 : i32
    %add3A_58 = arith.addi %mul3A_49, %add3A_57 : i32
    "tpu.region"() ({
      %run_scoped3A = tpu.sem_alloc : memref<!tpu.dma_semaphore, #tpu.memory_space<semaphore_mem>>
      %dma_start3A = arith.constant 0 : i32
      %dma_start3A_101 = arith.constant 0 : i32
      %dma_start3A_102 = tpu.memref_slice %arg17[%dma_start3A, %dma_start3A_101] : memref<128x64xf32, #tpu.memory_space<vmem>> -> memref<128x64xf32, #tpu.memory_space<vmem>>
      %dma_start3A_103 = arith.constant 0 : i32
      %dma_start3A_104 = tpu.memref_slice %arg20[%add3A_58, %dma_start3A_103] : memref<20480x64xf32, #tpu.memory_space<vmem_shared>> -> memref<128x64xf32, #tpu.memory_space<vmem_shared>>
      %dma_start3A_105 = arith.constant 0 : i32
      %dma_start3A_106 = tpu.memref_slice %arg20[%add3A_58, %dma_start3A_105] : memref<20480x64xf32, #tpu.memory_space<vmem_shared>> -> memref<128x64xf32, #tpu.memory_space<vmem_shared>>
      %dma_start3A_107 = arith.constant 0 : i32
      %dma_start3A_108 = arith.constant 0 : i32
      %dma_start3A_109 = tpu.memref_slice %arg17[%dma_start3A_107, %dma_start3A_108] : memref<128x64xf32, #tpu.memory_space<vmem>> -> memref<128x64xf32, #tpu.memory_space<vmem>>
      tpu.enqueue_dma source(%dma_start3A_109 : memref<128x64xf32, #tpu.memory_space<vmem>>) target(%dma_start3A_106 : memref<128x64xf32, #tpu.memory_space<vmem_shared>>) target_semaphore(%run_scoped3A : memref<!tpu.dma_semaphore, #tpu.memory_space<semaphore_mem>>)
      %dma_wait3A = arith.constant 0 : i32
      %dma_wait3A_110 = arith.constant 0 : i32
      %dma_wait3A_111 = tpu.memref_slice %arg17[%dma_wait3A, %dma_wait3A_110] : memref<128x64xf32, #tpu.memory_space<vmem>> -> memref<128x64xf32, #tpu.memory_space<vmem>>
      %dma_wait3A_112 = arith.constant 0 : i32
      %dma_wait3A_113 = tpu.memref_slice %arg20[%add3A_58, %dma_wait3A_112] : memref<20480x64xf32, #tpu.memory_space<vmem_shared>> -> memref<128x64xf32, #tpu.memory_space<vmem_shared>>
      %dma_wait3A_114 = arith.constant 0 : i32
      %dma_wait3A_115 = tpu.memref_slice %arg20[%add3A_58, %dma_wait3A_114] : memref<20480x64xf32, #tpu.memory_space<vmem_shared>> -> memref<128x64xf32, #tpu.memory_space<vmem_shared>>
      %dma_wait3A_116 = arith.constant 0 : i32
      %dma_wait3A_117 = arith.constant 0 : i32
      %dma_wait3A_118 = tpu.memref_slice %arg17[%dma_wait3A_116, %dma_wait3A_117] : memref<128x64xf32, #tpu.memory_space<vmem>> -> memref<128x64xf32, #tpu.memory_space<vmem>>
      tpu.wait_dma2 semaphore(%run_scoped3A : memref<!tpu.dma_semaphore, #tpu.memory_space<semaphore_mem>>) src(%dma_wait3A_118 : memref<128x64xf32, #tpu.memory_space<vmem>>) dst(%dma_wait3A_115 : memref<128x64xf32, #tpu.memory_space<vmem_shared>>)
      tpu.yield
    }) : () -> ()
    %add3A_59 = arith.constant 640 : i32
    %add3A_60 = arith.addi %mul3A_49, %add3A_59 : i32
    "tpu.region"() ({
      %run_scoped3A = tpu.sem_alloc : memref<!tpu.dma_semaphore, #tpu.memory_space<semaphore_mem>>
      %dma_start3A = arith.constant 0 : i32
      %dma_start3A_101 = arith.constant 0 : i32
      %dma_start3A_102 = tpu.memref_slice %arg17[%dma_start3A, %dma_start3A_101] : memref<128x64xf32, #tpu.memory_space<vmem>> -> memref<128x64xf32, #tpu.memory_space<vmem>>
      %dma_start3A_103 = arith.constant 0 : i32
      %dma_start3A_104 = tpu.memref_slice %arg20[%add3A_60, %dma_start3A_103] : memref<20480x64xf32, #tpu.memory_space<vmem_shared>> -> memref<128x64xf32, #tpu.memory_space<vmem_shared>>
      %dma_start3A_105 = arith.constant 0 : i32
      %dma_start3A_106 = tpu.memref_slice %arg20[%add3A_60, %dma_start3A_105] : memref<20480x64xf32, #tpu.memory_space<vmem_shared>> -> memref<128x64xf32, #tpu.memory_space<vmem_shared>>
      %dma_start3A_107 = arith.constant 0 : i32
      %dma_start3A_108 = arith.constant 0 : i32
      %dma_start3A_109 = tpu.memref_slice %arg17[%dma_start3A_107, %dma_start3A_108] : memref<128x64xf32, #tpu.memory_space<vmem>> -> memref<128x64xf32, #tpu.memory_space<vmem>>
      tpu.enqueue_dma source(%dma_start3A_109 : memref<128x64xf32, #tpu.memory_space<vmem>>) target(%dma_start3A_106 : memref<128x64xf32, #tpu.memory_space<vmem_shared>>) target_semaphore(%run_scoped3A : memref<!tpu.dma_semaphore, #tpu.memory_space<semaphore_mem>>)
      %dma_wait3A = arith.constant 0 : i32
      %dma_wait3A_110 = arith.constant 0 : i32
      %dma_wait3A_111 = tpu.memref_slice %arg17[%dma_wait3A, %dma_wait3A_110] : memref<128x64xf32, #tpu.memory_space<vmem>> -> memref<128x64xf32, #tpu.memory_space<vmem>>
      %dma_wait3A_112 = arith.constant 0 : i32
      %dma_wait3A_113 = tpu.memref_slice %arg20[%add3A_60, %dma_wait3A_112] : memref<20480x64xf32, #tpu.memory_space<vmem_shared>> -> memref<128x64xf32, #tpu.memory_space<vmem_shared>>
      %dma_wait3A_114 = arith.constant 0 : i32
      %dma_wait3A_115 = tpu.memref_slice %arg20[%add3A_60, %dma_wait3A_114] : memref<20480x64xf32, #tpu.memory_space<vmem_shared>> -> memref<128x64xf32, #tpu.memory_space<vmem_shared>>
      %dma_wait3A_116 = arith.constant 0 : i32
      %dma_wait3A_117 = arith.constant 0 : i32
      %dma_wait3A_118 = tpu.memref_slice %arg17[%dma_wait3A_116, %dma_wait3A_117] : memref<128x64xf32, #tpu.memory_space<vmem>> -> memref<128x64xf32, #tpu.memory_space<vmem>>
      tpu.wait_dma2 semaphore(%run_scoped3A : memref<!tpu.dma_semaphore, #tpu.memory_space<semaphore_mem>>) src(%dma_wait3A_118 : memref<128x64xf32, #tpu.memory_space<vmem>>) dst(%dma_wait3A_115 : memref<128x64xf32, #tpu.memory_space<vmem_shared>>)
      tpu.yield
    }) : () -> ()
    %add3A_61 = arith.constant 768 : i32
    %add3A_62 = arith.addi %mul3A_49, %add3A_61 : i32
    "tpu.region"() ({
      %run_scoped3A = tpu.sem_alloc : memref<!tpu.dma_semaphore, #tpu.memory_space<semaphore_mem>>
      %dma_start3A = arith.constant 0 : i32
      %dma_start3A_101 = arith.constant 0 : i32
      %dma_start3A_102 = tpu.memref_slice %arg17[%dma_start3A, %dma_start3A_101] : memref<128x64xf32, #tpu.memory_space<vmem>> -> memref<128x64xf32, #tpu.memory_space<vmem>>
      %dma_start3A_103 = arith.constant 0 : i32
      %dma_start3A_104 = tpu.memref_slice %arg20[%add3A_62, %dma_start3A_103] : memref<20480x64xf32, #tpu.memory_space<vmem_shared>> -> memref<128x64xf32, #tpu.memory_space<vmem_shared>>
      %dma_start3A_105 = arith.constant 0 : i32
      %dma_start3A_106 = tpu.memref_slice %arg20[%add3A_62, %dma_start3A_105] : memref<20480x64xf32, #tpu.memory_space<vmem_shared>> -> memref<128x64xf32, #tpu.memory_space<vmem_shared>>
      %dma_start3A_107 = arith.constant 0 : i32
      %dma_start3A_108 = arith.constant 0 : i32
      %dma_start3A_109 = tpu.memref_slice %arg17[%dma_start3A_107, %dma_start3A_108] : memref<128x64xf32, #tpu.memory_space<vmem>> -> memref<128x64xf32, #tpu.memory_space<vmem>>
      tpu.enqueue_dma source(%dma_start3A_109 : memref<128x64xf32, #tpu.memory_space<vmem>>) target(%dma_start3A_106 : memref<128x64xf32, #tpu.memory_space<vmem_shared>>) target_semaphore(%run_scoped3A : memref<!tpu.dma_semaphore, #tpu.memory_space<semaphore_mem>>)
      %dma_wait3A = arith.constant 0 : i32
      %dma_wait3A_110 = arith.constant 0 : i32
      %dma_wait3A_111 = tpu.memref_slice %arg17[%dma_wait3A, %dma_wait3A_110] : memref<128x64xf32, #tpu.memory_space<vmem>> -> memref<128x64xf32, #tpu.memory_space<vmem>>
      %dma_wait3A_112 = arith.constant 0 : i32
      %dma_wait3A_113 = tpu.memref_slice %arg20[%add3A_62, %dma_wait3A_112] : memref<20480x64xf32, #tpu.memory_space<vmem_shared>> -> memref<128x64xf32, #tpu.memory_space<vmem_shared>>
      %dma_wait3A_114 = arith.constant 0 : i32
      %dma_wait3A_115 = tpu.memref_slice %arg20[%add3A_62, %dma_wait3A_114] : memref<20480x64xf32, #tpu.memory_space<vmem_shared>> -> memref<128x64xf32, #tpu.memory_space<vmem_shared>>
      %dma_wait3A_116 = arith.constant 0 : i32
      %dma_wait3A_117 = arith.constant 0 : i32
      %dma_wait3A_118 = tpu.memref_slice %arg17[%dma_wait3A_116, %dma_wait3A_117] : memref<128x64xf32, #tpu.memory_space<vmem>> -> memref<128x64xf32, #tpu.memory_space<vmem>>
      tpu.wait_dma2 semaphore(%run_scoped3A : memref<!tpu.dma_semaphore, #tpu.memory_space<semaphore_mem>>) src(%dma_wait3A_118 : memref<128x64xf32, #tpu.memory_space<vmem>>) dst(%dma_wait3A_115 : memref<128x64xf32, #tpu.memory_space<vmem_shared>>)
      tpu.yield
    }) : () -> ()
    %add3A_63 = arith.constant 896 : i32
    %add3A_64 = arith.addi %mul3A_49, %add3A_63 : i32
    "tpu.region"() ({
      %run_scoped3A = tpu.sem_alloc : memref<!tpu.dma_semaphore, #tpu.memory_space<semaphore_mem>>
      %dma_start3A = arith.constant 0 : i32
      %dma_start3A_101 = arith.constant 0 : i32
      %dma_start3A_102 = tpu.memref_slice %arg17[%dma_start3A, %dma_start3A_101] : memref<128x64xf32, #tpu.memory_space<vmem>> -> memref<128x64xf32, #tpu.memory_space<vmem>>
      %dma_start3A_103 = arith.constant 0 : i32
      %dma_start3A_104 = tpu.memref_slice %arg20[%add3A_64, %dma_start3A_103] : memref<20480x64xf32, #tpu.memory_space<vmem_shared>> -> memref<128x64xf32, #tpu.memory_space<vmem_shared>>
      %dma_start3A_105 = arith.constant 0 : i32
      %dma_start3A_106 = tpu.memref_slice %arg20[%add3A_64, %dma_start3A_105] : memref<20480x64xf32, #tpu.memory_space<vmem_shared>> -> memref<128x64xf32, #tpu.memory_space<vmem_shared>>
      %dma_start3A_107 = arith.constant 0 : i32
      %dma_start3A_108 = arith.constant 0 : i32
      %dma_start3A_109 = tpu.memref_slice %arg17[%dma_start3A_107, %dma_start3A_108] : memref<128x64xf32, #tpu.memory_space<vmem>> -> memref<128x64xf32, #tpu.memory_space<vmem>>
      tpu.enqueue_dma source(%dma_start3A_109 : memref<128x64xf32, #tpu.memory_space<vmem>>) target(%dma_start3A_106 : memref<128x64xf32, #tpu.memory_space<vmem_shared>>) target_semaphore(%run_scoped3A : memref<!tpu.dma_semaphore, #tpu.memory_space<semaphore_mem>>)
      %dma_wait3A = arith.constant 0 : i32
      %dma_wait3A_110 = arith.constant 0 : i32
      %dma_wait3A_111 = tpu.memref_slice %arg17[%dma_wait3A, %dma_wait3A_110] : memref<128x64xf32, #tpu.memory_space<vmem>> -> memref<128x64xf32, #tpu.memory_space<vmem>>
      %dma_wait3A_112 = arith.constant 0 : i32
      %dma_wait3A_113 = tpu.memref_slice %arg20[%add3A_64, %dma_wait3A_112] : memref<20480x64xf32, #tpu.memory_space<vmem_shared>> -> memref<128x64xf32, #tpu.memory_space<vmem_shared>>
      %dma_wait3A_114 = arith.constant 0 : i32
      %dma_wait3A_115 = tpu.memref_slice %arg20[%add3A_64, %dma_wait3A_114] : memref<20480x64xf32, #tpu.memory_space<vmem_shared>> -> memref<128x64xf32, #tpu.memory_space<vmem_shared>>
      %dma_wait3A_116 = arith.constant 0 : i32
      %dma_wait3A_117 = arith.constant 0 : i32
      %dma_wait3A_118 = tpu.memref_slice %arg17[%dma_wait3A_116, %dma_wait3A_117] : memref<128x64xf32, #tpu.memory_space<vmem>> -> memref<128x64xf32, #tpu.memory_space<vmem>>
      tpu.wait_dma2 semaphore(%run_scoped3A : memref<!tpu.dma_semaphore, #tpu.memory_space<semaphore_mem>>) src(%dma_wait3A_118 : memref<128x64xf32, #tpu.memory_space<vmem>>) dst(%dma_wait3A_115 : memref<128x64xf32, #tpu.memory_space<vmem_shared>>)
      tpu.yield
    }) : () -> ()
    %add3A_65 = arith.constant 1024 : i32
    %add3A_66 = arith.addi %mul3A_49, %add3A_65 : i32
    "tpu.region"() ({
      %run_scoped3A = tpu.sem_alloc : memref<!tpu.dma_semaphore, #tpu.memory_space<semaphore_mem>>
      %dma_start3A = arith.constant 0 : i32
      %dma_start3A_101 = arith.constant 0 : i32
      %dma_start3A_102 = tpu.memref_slice %arg17[%dma_start3A, %dma_start3A_101] : memref<128x64xf32, #tpu.memory_space<vmem>> -> memref<128x64xf32, #tpu.memory_space<vmem>>
      %dma_start3A_103 = arith.constant 0 : i32
      %dma_start3A_104 = tpu.memref_slice %arg20[%add3A_66, %dma_start3A_103] : memref<20480x64xf32, #tpu.memory_space<vmem_shared>> -> memref<128x64xf32, #tpu.memory_space<vmem_shared>>
      %dma_start3A_105 = arith.constant 0 : i32
      %dma_start3A_106 = tpu.memref_slice %arg20[%add3A_66, %dma_start3A_105] : memref<20480x64xf32, #tpu.memory_space<vmem_shared>> -> memref<128x64xf32, #tpu.memory_space<vmem_shared>>
      %dma_start3A_107 = arith.constant 0 : i32
      %dma_start3A_108 = arith.constant 0 : i32
      %dma_start3A_109 = tpu.memref_slice %arg17[%dma_start3A_107, %dma_start3A_108] : memref<128x64xf32, #tpu.memory_space<vmem>> -> memref<128x64xf32, #tpu.memory_space<vmem>>
      tpu.enqueue_dma source(%dma_start3A_109 : memref<128x64xf32, #tpu.memory_space<vmem>>) target(%dma_start3A_106 : memref<128x64xf32, #tpu.memory_space<vmem_shared>>) target_semaphore(%run_scoped3A : memref<!tpu.dma_semaphore, #tpu.memory_space<semaphore_mem>>)
      %dma_wait3A = arith.constant 0 : i32
      %dma_wait3A_110 = arith.constant 0 : i32
      %dma_wait3A_111 = tpu.memref_slice %arg17[%dma_wait3A, %dma_wait3A_110] : memref<128x64xf32, #tpu.memory_space<vmem>> -> memref<128x64xf32, #tpu.memory_space<vmem>>
      %dma_wait3A_112 = arith.constant 0 : i32
      %dma_wait3A_113 = tpu.memref_slice %arg20[%add3A_66, %dma_wait3A_112] : memref<20480x64xf32, #tpu.memory_space<vmem_shared>> -> memref<128x64xf32, #tpu.memory_space<vmem_shared>>
      %dma_wait3A_114 = arith.constant 0 : i32
      %dma_wait3A_115 = tpu.memref_slice %arg20[%add3A_66, %dma_wait3A_114] : memref<20480x64xf32, #tpu.memory_space<vmem_shared>> -> memref<128x64xf32, #tpu.memory_space<vmem_shared>>
      %dma_wait3A_116 = arith.constant 0 : i32
      %dma_wait3A_117 = arith.constant 0 : i32
      %dma_wait3A_118 = tpu.memref_slice %arg17[%dma_wait3A_116, %dma_wait3A_117] : memref<128x64xf32, #tpu.memory_space<vmem>> -> memref<128x64xf32, #tpu.memory_space<vmem>>
      tpu.wait_dma2 semaphore(%run_scoped3A : memref<!tpu.dma_semaphore, #tpu.memory_space<semaphore_mem>>) src(%dma_wait3A_118 : memref<128x64xf32, #tpu.memory_space<vmem>>) dst(%dma_wait3A_115 : memref<128x64xf32, #tpu.memory_space<vmem_shared>>)
      tpu.yield
    }) : () -> ()
    %add3A_67 = arith.constant 1152 : i32
    %add3A_68 = arith.addi %mul3A_49, %add3A_67 : i32
    "tpu.region"() ({
      %run_scoped3A = tpu.sem_alloc : memref<!tpu.dma_semaphore, #tpu.memory_space<semaphore_mem>>
      %dma_start3A = arith.constant 0 : i32
      %dma_start3A_101 = arith.constant 0 : i32
      %dma_start3A_102 = tpu.memref_slice %arg17[%dma_start3A, %dma_start3A_101] : memref<128x64xf32, #tpu.memory_space<vmem>> -> memref<128x64xf32, #tpu.memory_space<vmem>>
      %dma_start3A_103 = arith.constant 0 : i32
      %dma_start3A_104 = tpu.memref_slice %arg20[%add3A_68, %dma_start3A_103] : memref<20480x64xf32, #tpu.memory_space<vmem_shared>> -> memref<128x64xf32, #tpu.memory_space<vmem_shared>>
      %dma_start3A_105 = arith.constant 0 : i32
      %dma_start3A_106 = tpu.memref_slice %arg20[%add3A_68, %dma_start3A_105] : memref<20480x64xf32, #tpu.memory_space<vmem_shared>> -> memref<128x64xf32, #tpu.memory_space<vmem_shared>>
      %dma_start3A_107 = arith.constant 0 : i32
      %dma_start3A_108 = arith.constant 0 : i32
      %dma_start3A_109 = tpu.memref_slice %arg17[%dma_start3A_107, %dma_start3A_108] : memref<128x64xf32, #tpu.memory_space<vmem>> -> memref<128x64xf32, #tpu.memory_space<vmem>>
      tpu.enqueue_dma source(%dma_start3A_109 : memref<128x64xf32, #tpu.memory_space<vmem>>) target(%dma_start3A_106 : memref<128x64xf32, #tpu.memory_space<vmem_shared>>) target_semaphore(%run_scoped3A : memref<!tpu.dma_semaphore, #tpu.memory_space<semaphore_mem>>)
      %dma_wait3A = arith.constant 0 : i32
      %dma_wait3A_110 = arith.constant 0 : i32
      %dma_wait3A_111 = tpu.memref_slice %arg17[%dma_wait3A, %dma_wait3A_110] : memref<128x64xf32, #tpu.memory_space<vmem>> -> memref<128x64xf32, #tpu.memory_space<vmem>>
      %dma_wait3A_112 = arith.constant 0 : i32
      %dma_wait3A_113 = tpu.memref_slice %arg20[%add3A_68, %dma_wait3A_112] : memref<20480x64xf32, #tpu.memory_space<vmem_shared>> -> memref<128x64xf32, #tpu.memory_space<vmem_shared>>
      %dma_wait3A_114 = arith.constant 0 : i32
      %dma_wait3A_115 = tpu.memref_slice %arg20[%add3A_68, %dma_wait3A_114] : memref<20480x64xf32, #tpu.memory_space<vmem_shared>> -> memref<128x64xf32, #tpu.memory_space<vmem_shared>>
      %dma_wait3A_116 = arith.constant 0 : i32
      %dma_wait3A_117 = arith.constant 0 : i32
      %dma_wait3A_118 = tpu.memref_slice %arg17[%dma_wait3A_116, %dma_wait3A_117] : memref<128x64xf32, #tpu.memory_space<vmem>> -> memref<128x64xf32, #tpu.memory_space<vmem>>
      tpu.wait_dma2 semaphore(%run_scoped3A : memref<!tpu.dma_semaphore, #tpu.memory_space<semaphore_mem>>) src(%dma_wait3A_118 : memref<128x64xf32, #tpu.memory_space<vmem>>) dst(%dma_wait3A_115 : memref<128x64xf32, #tpu.memory_space<vmem_shared>>)
      tpu.yield
    }) : () -> ()
    %broadcast_in_dim3A_69 = arith.constant 0.000000e+00 : f32
    %broadcast_in_dim3A_70 = vector.broadcast %broadcast_in_dim3A_69 : f32 to vector<16xf32>
    %scan3A_71 = arith.constant 0 : i32
    %scan3A_72 = arith.constant 128 : i32
    %scan3A_73 = arith.addi %scan3A_71, %scan3A_72 : i32
    %scan3A_74 = arith.constant 1 : i32
    scf.for %scan3A_101 = %scan3A_71 to %scan3A_73 step %scan3A_74  : i32 {
      %mul3A_102 = arith.constant 1 : i32
      %mul3A_103 = arith.muli %scan3A_101, %mul3A_102 : i32
      %add3A_104 = arith.constant 0 : i32
      %add3A_105 = arith.addi %add3A_104, %mul3A_103 : i32
      %swap3A = arith.index_cast %add3A_105 : i32 to index
      %swap3A_106 = arith.constant 0 : index
      %swap3A_107 = tpu.vector_load %arg19[%swap3A, %swap3A_106] {strides = array<i32>} : memref<128x16xf32, #tpu.memory_space<vmem>>, vector<1x16xf32>,
      %swap3A_108 = vector.shape_cast %swap3A_107 : vector<1x16xf32> to vector<16xf32>
      %swap3A_109 = vector.shape_cast %broadcast_in_dim3A_70 : vector<16xf32> to vector<1x16xf32>
      tpu.vector_store %arg19[%swap3A, %swap3A_106], %swap3A_109 {strides = array<i32>} : memref<128x16xf32, #tpu.memory_space<vmem>>, vector<1x16xf32>,
    }
    %scan3A_75 = arith.constant 128 : i32
    %eq3A = arith.constant 0 : i32
    %eq3A_76 = arith.cmpi eq, %arg0, %eq3A : i32
    %convert_element_type3A = arith.extui %eq3A_76 : i1 to i32
    %cond3A = arith.constant 0 : i32
    %cond3A_77 = arith.cmpi ne, %convert_element_type3A, %cond3A : i32
    scf.if %cond3A_77 {
      %mul3A_101 = arith.constant 1280 : i32
      %mul3A_102 = arith.muli %arg1, %mul3A_101 : i32
      %add3A_103 = arith.constant 0 : i32
      %add3A_104 = arith.addi %mul3A_102, %add3A_103 : i32
      "tpu.region"() ({
        %run_scoped3A = tpu.sem_alloc : memref<!tpu.dma_semaphore, #tpu.memory_space<semaphore_mem>>
        %dma_start3A = arith.constant 0 : i32
        %dma_start3A_123 = arith.constant 0 : i32
        %dma_start3A_124 = tpu.memref_slice %arg19[%dma_start3A, %dma_start3A_123] : memref<128x16xf32, #tpu.memory_space<vmem>> -> memref<128x16xf32, #tpu.memory_space<vmem>>
        %dma_start3A_125 = arith.constant 0 : i32
        %dma_start3A_126 = tpu.memref_slice %arg21[%add3A_104, %dma_start3A_125] : memref<20480x16xf32, #tpu.memory_space<vmem_shared>> -> memref<128x16xf32, #tpu.memory_space<vmem_shared>>
        %dma_start3A_127 = arith.constant 0 : i32
        %dma_start3A_128 = tpu.memref_slice %arg21[%add3A_104, %dma_start3A_127] : memref<20480x16xf32, #tpu.memory_space<vmem_shared>> -> memref<128x16xf32, #tpu.memory_space<vmem_shared>>
        %dma_start3A_129 = arith.constant 0 : i32
        %dma_start3A_130 = arith.constant 0 : i32
        %dma_start3A_131 = tpu.memref_slice %arg19[%dma_start3A_129, %dma_start3A_130] : memref<128x16xf32, #tpu.memory_space<vmem>> -> memref<128x16xf32, #tpu.memory_space<vmem>>
        tpu.enqueue_dma source(%dma_start3A_131 : memref<128x16xf32, #tpu.memory_space<vmem>>) target(%dma_start3A_128 : memref<128x16xf32, #tpu.memory_space<vmem_shared>>) target_semaphore(%run_scoped3A : memref<!tpu.dma_semaphore, #tpu.memory_space<semaphore_mem>>)
        %dma_wait3A = arith.constant 0 : i32
        %dma_wait3A_132 = arith.constant 0 : i32
        %dma_wait3A_133 = tpu.memref_slice %arg19[%dma_wait3A, %dma_wait3A_132] : memref<128x16xf32, #tpu.memory_space<vmem>> -> memref<128x16xf32, #tpu.memory_space<vmem>>
        %dma_wait3A_134 = arith.constant 0 : i32
        %dma_wait3A_135 = tpu.memref_slice %arg21[%add3A_104, %dma_wait3A_134] : memref<20480x16xf32, #tpu.memory_space<vmem_shared>> -> memref<128x16xf32, #tpu.memory_space<vmem_shared>>
        %dma_wait3A_136 = arith.constant 0 : i32
        %dma_wait3A_137 = tpu.memref_slice %arg21[%add3A_104, %dma_wait3A_136] : memref<20480x16xf32, #tpu.memory_space<vmem_shared>> -> memref<128x16xf32, #tpu.memory_space<vmem_shared>>
        %dma_wait3A_138 = arith.constant 0 : i32
        %dma_wait3A_139 = arith.constant 0 : i32
        %dma_wait3A_140 = tpu.memref_slice %arg19[%dma_wait3A_138, %dma_wait3A_139] : memref<128x16xf32, #tpu.memory_space<vmem>> -> memref<128x16xf32, #tpu.memory_space<vmem>>
        tpu.wait_dma2 semaphore(%run_scoped3A : memref<!tpu.dma_semaphore, #tpu.memory_space<semaphore_mem>>) src(%dma_wait3A_140 : memref<128x16xf32, #tpu.memory_space<vmem>>) dst(%dma_wait3A_137 : memref<128x16xf32, #tpu.memory_space<vmem_shared>>)
        tpu.yield
      }) : () -> ()
      %add3A_105 = arith.constant 128 : i32
      %add3A_106 = arith.addi %mul3A_102, %add3A_105 : i32
      "tpu.region"() ({
        %run_scoped3A = tpu.sem_alloc : memref<!tpu.dma_semaphore, #tpu.memory_space<semaphore_mem>>
        %dma_start3A = arith.constant 0 : i32
        %dma_start3A_123 = arith.constant 0 : i32
        %dma_start3A_124 = tpu.memref_slice %arg19[%dma_start3A, %dma_start3A_123] : memref<128x16xf32, #tpu.memory_space<vmem>> -> memref<128x16xf32, #tpu.memory_space<vmem>>
        %dma_start3A_125 = arith.constant 0 : i32
        %dma_start3A_126 = tpu.memref_slice %arg21[%add3A_106, %dma_start3A_125] : memref<20480x16xf32, #tpu.memory_space<vmem_shared>> -> memref<128x16xf32, #tpu.memory_space<vmem_shared>>
        %dma_start3A_127 = arith.constant 0 : i32
        %dma_start3A_128 = tpu.memref_slice %arg21[%add3A_106, %dma_start3A_127] : memref<20480x16xf32, #tpu.memory_space<vmem_shared>> -> memref<128x16xf32, #tpu.memory_space<vmem_shared>>
        %dma_start3A_129 = arith.constant 0 : i32
        %dma_start3A_130 = arith.constant 0 : i32
        %dma_start3A_131 = tpu.memref_slice %arg19[%dma_start3A_129, %dma_start3A_130] : memref<128x16xf32, #tpu.memory_space<vmem>> -> memref<128x16xf32, #tpu.memory_space<vmem>>
        tpu.enqueue_dma source(%dma_start3A_131 : memref<128x16xf32, #tpu.memory_space<vmem>>) target(%dma_start3A_128 : memref<128x16xf32, #tpu.memory_space<vmem_shared>>) target_semaphore(%run_scoped3A : memref<!tpu.dma_semaphore, #tpu.memory_space<semaphore_mem>>)
        %dma_wait3A = arith.constant 0 : i32
        %dma_wait3A_132 = arith.constant 0 : i32
        %dma_wait3A_133 = tpu.memref_slice %arg19[%dma_wait3A, %dma_wait3A_132] : memref<128x16xf32, #tpu.memory_space<vmem>> -> memref<128x16xf32, #tpu.memory_space<vmem>>
        %dma_wait3A_134 = arith.constant 0 : i32
        %dma_wait3A_135 = tpu.memref_slice %arg21[%add3A_106, %dma_wait3A_134] : memref<20480x16xf32, #tpu.memory_space<vmem_shared>> -> memref<128x16xf32, #tpu.memory_space<vmem_shared>>
        %dma_wait3A_136 = arith.constant 0 : i32
        %dma_wait3A_137 = tpu.memref_slice %arg21[%add3A_106, %dma_wait3A_136] : memref<20480x16xf32, #tpu.memory_space<vmem_shared>> -> memref<128x16xf32, #tpu.memory_space<vmem_shared>>
        %dma_wait3A_138 = arith.constant 0 : i32
        %dma_wait3A_139 = arith.constant 0 : i32
        %dma_wait3A_140 = tpu.memref_slice %arg19[%dma_wait3A_138, %dma_wait3A_139] : memref<128x16xf32, #tpu.memory_space<vmem>> -> memref<128x16xf32, #tpu.memory_space<vmem>>
        tpu.wait_dma2 semaphore(%run_scoped3A : memref<!tpu.dma_semaphore, #tpu.memory_space<semaphore_mem>>) src(%dma_wait3A_140 : memref<128x16xf32, #tpu.memory_space<vmem>>) dst(%dma_wait3A_137 : memref<128x16xf32, #tpu.memory_space<vmem_shared>>)
        tpu.yield
      }) : () -> ()
      %add3A_107 = arith.constant 256 : i32
      %add3A_108 = arith.addi %mul3A_102, %add3A_107 : i32
      "tpu.region"() ({
        %run_scoped3A = tpu.sem_alloc : memref<!tpu.dma_semaphore, #tpu.memory_space<semaphore_mem>>
        %dma_start3A = arith.constant 0 : i32
        %dma_start3A_123 = arith.constant 0 : i32
        %dma_start3A_124 = tpu.memref_slice %arg19[%dma_start3A, %dma_start3A_123] : memref<128x16xf32, #tpu.memory_space<vmem>> -> memref<128x16xf32, #tpu.memory_space<vmem>>
        %dma_start3A_125 = arith.constant 0 : i32
        %dma_start3A_126 = tpu.memref_slice %arg21[%add3A_108, %dma_start3A_125] : memref<20480x16xf32, #tpu.memory_space<vmem_shared>> -> memref<128x16xf32, #tpu.memory_space<vmem_shared>>
        %dma_start3A_127 = arith.constant 0 : i32
        %dma_start3A_128 = tpu.memref_slice %arg21[%add3A_108, %dma_start3A_127] : memref<20480x16xf32, #tpu.memory_space<vmem_shared>> -> memref<128x16xf32, #tpu.memory_space<vmem_shared>>
        %dma_start3A_129 = arith.constant 0 : i32
        %dma_start3A_130 = arith.constant 0 : i32
        %dma_start3A_131 = tpu.memref_slice %arg19[%dma_start3A_129, %dma_start3A_130] : memref<128x16xf32, #tpu.memory_space<vmem>> -> memref<128x16xf32, #tpu.memory_space<vmem>>
        tpu.enqueue_dma source(%dma_start3A_131 : memref<128x16xf32, #tpu.memory_space<vmem>>) target(%dma_start3A_128 : memref<128x16xf32, #tpu.memory_space<vmem_shared>>) target_semaphore(%run_scoped3A : memref<!tpu.dma_semaphore, #tpu.memory_space<semaphore_mem>>)
        %dma_wait3A = arith.constant 0 : i32
        %dma_wait3A_132 = arith.constant 0 : i32
        %dma_wait3A_133 = tpu.memref_slice %arg19[%dma_wait3A, %dma_wait3A_132] : memref<128x16xf32, #tpu.memory_space<vmem>> -> memref<128x16xf32, #tpu.memory_space<vmem>>
        %dma_wait3A_134 = arith.constant 0 : i32
        %dma_wait3A_135 = tpu.memref_slice %arg21[%add3A_108, %dma_wait3A_134] : memref<20480x16xf32, #tpu.memory_space<vmem_shared>> -> memref<128x16xf32, #tpu.memory_space<vmem_shared>>
        %dma_wait3A_136 = arith.constant 0 : i32
        %dma_wait3A_137 = tpu.memref_slice %arg21[%add3A_108, %dma_wait3A_136] : memref<20480x16xf32, #tpu.memory_space<vmem_shared>> -> memref<128x16xf32, #tpu.memory_space<vmem_shared>>
        %dma_wait3A_138 = arith.constant 0 : i32
        %dma_wait3A_139 = arith.constant 0 : i32
        %dma_wait3A_140 = tpu.memref_slice %arg19[%dma_wait3A_138, %dma_wait3A_139] : memref<128x16xf32, #tpu.memory_space<vmem>> -> memref<128x16xf32, #tpu.memory_space<vmem>>
        tpu.wait_dma2 semaphore(%run_scoped3A : memref<!tpu.dma_semaphore, #tpu.memory_space<semaphore_mem>>) src(%dma_wait3A_140 : memref<128x16xf32, #tpu.memory_space<vmem>>) dst(%dma_wait3A_137 : memref<128x16xf32, #tpu.memory_space<vmem_shared>>)
        tpu.yield
      }) : () -> ()
      %add3A_109 = arith.constant 384 : i32
      %add3A_110 = arith.addi %mul3A_102, %add3A_109 : i32
      "tpu.region"() ({
        %run_scoped3A = tpu.sem_alloc : memref<!tpu.dma_semaphore, #tpu.memory_space<semaphore_mem>>
        %dma_start3A = arith.constant 0 : i32
        %dma_start3A_123 = arith.constant 0 : i32
        %dma_start3A_124 = tpu.memref_slice %arg19[%dma_start3A, %dma_start3A_123] : memref<128x16xf32, #tpu.memory_space<vmem>> -> memref<128x16xf32, #tpu.memory_space<vmem>>
        %dma_start3A_125 = arith.constant 0 : i32
        %dma_start3A_126 = tpu.memref_slice %arg21[%add3A_110, %dma_start3A_125] : memref<20480x16xf32, #tpu.memory_space<vmem_shared>> -> memref<128x16xf32, #tpu.memory_space<vmem_shared>>
        %dma_start3A_127 = arith.constant 0 : i32
        %dma_start3A_128 = tpu.memref_slice %arg21[%add3A_110, %dma_start3A_127] : memref<20480x16xf32, #tpu.memory_space<vmem_shared>> -> memref<128x16xf32, #tpu.memory_space<vmem_shared>>
        %dma_start3A_129 = arith.constant 0 : i32
        %dma_start3A_130 = arith.constant 0 : i32
        %dma_start3A_131 = tpu.memref_slice %arg19[%dma_start3A_129, %dma_start3A_130] : memref<128x16xf32, #tpu.memory_space<vmem>> -> memref<128x16xf32, #tpu.memory_space<vmem>>
        tpu.enqueue_dma source(%dma_start3A_131 : memref<128x16xf32, #tpu.memory_space<vmem>>) target(%dma_start3A_128 : memref<128x16xf32, #tpu.memory_space<vmem_shared>>) target_semaphore(%run_scoped3A : memref<!tpu.dma_semaphore, #tpu.memory_space<semaphore_mem>>)
        %dma_wait3A = arith.constant 0 : i32
        %dma_wait3A_132 = arith.constant 0 : i32
        %dma_wait3A_133 = tpu.memref_slice %arg19[%dma_wait3A, %dma_wait3A_132] : memref<128x16xf32, #tpu.memory_space<vmem>> -> memref<128x16xf32, #tpu.memory_space<vmem>>
        %dma_wait3A_134 = arith.constant 0 : i32
        %dma_wait3A_135 = tpu.memref_slice %arg21[%add3A_110, %dma_wait3A_134] : memref<20480x16xf32, #tpu.memory_space<vmem_shared>> -> memref<128x16xf32, #tpu.memory_space<vmem_shared>>
        %dma_wait3A_136 = arith.constant 0 : i32
        %dma_wait3A_137 = tpu.memref_slice %arg21[%add3A_110, %dma_wait3A_136] : memref<20480x16xf32, #tpu.memory_space<vmem_shared>> -> memref<128x16xf32, #tpu.memory_space<vmem_shared>>
        %dma_wait3A_138 = arith.constant 0 : i32
        %dma_wait3A_139 = arith.constant 0 : i32
        %dma_wait3A_140 = tpu.memref_slice %arg19[%dma_wait3A_138, %dma_wait3A_139] : memref<128x16xf32, #tpu.memory_space<vmem>> -> memref<128x16xf32, #tpu.memory_space<vmem>>
        tpu.wait_dma2 semaphore(%run_scoped3A : memref<!tpu.dma_semaphore, #tpu.memory_space<semaphore_mem>>) src(%dma_wait3A_140 : memref<128x16xf32, #tpu.memory_space<vmem>>) dst(%dma_wait3A_137 : memref<128x16xf32, #tpu.memory_space<vmem_shared>>)
        tpu.yield
      }) : () -> ()
      %add3A_111 = arith.constant 512 : i32
      %add3A_112 = arith.addi %mul3A_102, %add3A_111 : i32
      "tpu.region"() ({
        %run_scoped3A = tpu.sem_alloc : memref<!tpu.dma_semaphore, #tpu.memory_space<semaphore_mem>>
        %dma_start3A = arith.constant 0 : i32
        %dma_start3A_123 = arith.constant 0 : i32
        %dma_start3A_124 = tpu.memref_slice %arg19[%dma_start3A, %dma_start3A_123] : memref<128x16xf32, #tpu.memory_space<vmem>> -> memref<128x16xf32, #tpu.memory_space<vmem>>
        %dma_start3A_125 = arith.constant 0 : i32
        %dma_start3A_126 = tpu.memref_slice %arg21[%add3A_112, %dma_start3A_125] : memref<20480x16xf32, #tpu.memory_space<vmem_shared>> -> memref<128x16xf32, #tpu.memory_space<vmem_shared>>
        %dma_start3A_127 = arith.constant 0 : i32
        %dma_start3A_128 = tpu.memref_slice %arg21[%add3A_112, %dma_start3A_127] : memref<20480x16xf32, #tpu.memory_space<vmem_shared>> -> memref<128x16xf32, #tpu.memory_space<vmem_shared>>
        %dma_start3A_129 = arith.constant 0 : i32
        %dma_start3A_130 = arith.constant 0 : i32
        %dma_start3A_131 = tpu.memref_slice %arg19[%dma_start3A_129, %dma_start3A_130] : memref<128x16xf32, #tpu.memory_space<vmem>> -> memref<128x16xf32, #tpu.memory_space<vmem>>
        tpu.enqueue_dma source(%dma_start3A_131 : memref<128x16xf32, #tpu.memory_space<vmem>>) target(%dma_start3A_128 : memref<128x16xf32, #tpu.memory_space<vmem_shared>>) target_semaphore(%run_scoped3A : memref<!tpu.dma_semaphore, #tpu.memory_space<semaphore_mem>>)
        %dma_wait3A = arith.constant 0 : i32
        %dma_wait3A_132 = arith.constant 0 : i32
        %dma_wait3A_133 = tpu.memref_slice %arg19[%dma_wait3A, %dma_wait3A_132] : memref<128x16xf32, #tpu.memory_space<vmem>> -> memref<128x16xf32, #tpu.memory_space<vmem>>
        %dma_wait3A_134 = arith.constant 0 : i32
        %dma_wait3A_135 = tpu.memref_slice %arg21[%add3A_112, %dma_wait3A_134] : memref<20480x16xf32, #tpu.memory_space<vmem_shared>> -> memref<128x16xf32, #tpu.memory_space<vmem_shared>>
        %dma_wait3A_136 = arith.constant 0 : i32
        %dma_wait3A_137 = tpu.memref_slice %arg21[%add3A_112, %dma_wait3A_136] : memref<20480x16xf32, #tpu.memory_space<vmem_shared>> -> memref<128x16xf32, #tpu.memory_space<vmem_shared>>
        %dma_wait3A_138 = arith.constant 0 : i32
        %dma_wait3A_139 = arith.constant 0 : i32
        %dma_wait3A_140 = tpu.memref_slice %arg19[%dma_wait3A_138, %dma_wait3A_139] : memref<128x16xf32, #tpu.memory_space<vmem>> -> memref<128x16xf32, #tpu.memory_space<vmem>>
        tpu.wait_dma2 semaphore(%run_scoped3A : memref<!tpu.dma_semaphore, #tpu.memory_space<semaphore_mem>>) src(%dma_wait3A_140 : memref<128x16xf32, #tpu.memory_space<vmem>>) dst(%dma_wait3A_137 : memref<128x16xf32, #tpu.memory_space<vmem_shared>>)
        tpu.yield
      }) : () -> ()
      %add3A_113 = arith.constant 640 : i32
      %add3A_114 = arith.addi %mul3A_102, %add3A_113 : i32
      "tpu.region"() ({
        %run_scoped3A = tpu.sem_alloc : memref<!tpu.dma_semaphore, #tpu.memory_space<semaphore_mem>>
        %dma_start3A = arith.constant 0 : i32
        %dma_start3A_123 = arith.constant 0 : i32
        %dma_start3A_124 = tpu.memref_slice %arg19[%dma_start3A, %dma_start3A_123] : memref<128x16xf32, #tpu.memory_space<vmem>> -> memref<128x16xf32, #tpu.memory_space<vmem>>
        %dma_start3A_125 = arith.constant 0 : i32
        %dma_start3A_126 = tpu.memref_slice %arg21[%add3A_114, %dma_start3A_125] : memref<20480x16xf32, #tpu.memory_space<vmem_shared>> -> memref<128x16xf32, #tpu.memory_space<vmem_shared>>
        %dma_start3A_127 = arith.constant 0 : i32
        %dma_start3A_128 = tpu.memref_slice %arg21[%add3A_114, %dma_start3A_127] : memref<20480x16xf32, #tpu.memory_space<vmem_shared>> -> memref<128x16xf32, #tpu.memory_space<vmem_shared>>
        %dma_start3A_129 = arith.constant 0 : i32
        %dma_start3A_130 = arith.constant 0 : i32
        %dma_start3A_131 = tpu.memref_slice %arg19[%dma_start3A_129, %dma_start3A_130] : memref<128x16xf32, #tpu.memory_space<vmem>> -> memref<128x16xf32, #tpu.memory_space<vmem>>
        tpu.enqueue_dma source(%dma_start3A_131 : memref<128x16xf32, #tpu.memory_space<vmem>>) target(%dma_start3A_128 : memref<128x16xf32, #tpu.memory_space<vmem_shared>>) target_semaphore(%run_scoped3A : memref<!tpu.dma_semaphore, #tpu.memory_space<semaphore_mem>>)
        %dma_wait3A = arith.constant 0 : i32
        %dma_wait3A_132 = arith.constant 0 : i32
        %dma_wait3A_133 = tpu.memref_slice %arg19[%dma_wait3A, %dma_wait3A_132] : memref<128x16xf32, #tpu.memory_space<vmem>> -> memref<128x16xf32, #tpu.memory_space<vmem>>
        %dma_wait3A_134 = arith.constant 0 : i32
        %dma_wait3A_135 = tpu.memref_slice %arg21[%add3A_114, %dma_wait3A_134] : memref<20480x16xf32, #tpu.memory_space<vmem_shared>> -> memref<128x16xf32, #tpu.memory_space<vmem_shared>>
        %dma_wait3A_136 = arith.constant 0 : i32
        %dma_wait3A_137 = tpu.memref_slice %arg21[%add3A_114, %dma_wait3A_136] : memref<20480x16xf32, #tpu.memory_space<vmem_shared>> -> memref<128x16xf32, #tpu.memory_space<vmem_shared>>
        %dma_wait3A_138 = arith.constant 0 : i32
        %dma_wait3A_139 = arith.constant 0 : i32
        %dma_wait3A_140 = tpu.memref_slice %arg19[%dma_wait3A_138, %dma_wait3A_139] : memref<128x16xf32, #tpu.memory_space<vmem>> -> memref<128x16xf32, #tpu.memory_space<vmem>>
        tpu.wait_dma2 semaphore(%run_scoped3A : memref<!tpu.dma_semaphore, #tpu.memory_space<semaphore_mem>>) src(%dma_wait3A_140 : memref<128x16xf32, #tpu.memory_space<vmem>>) dst(%dma_wait3A_137 : memref<128x16xf32, #tpu.memory_space<vmem_shared>>)
        tpu.yield
      }) : () -> ()
      %add3A_115 = arith.constant 768 : i32
      %add3A_116 = arith.addi %mul3A_102, %add3A_115 : i32
      "tpu.region"() ({
        %run_scoped3A = tpu.sem_alloc : memref<!tpu.dma_semaphore, #tpu.memory_space<semaphore_mem>>
        %dma_start3A = arith.constant 0 : i32
        %dma_start3A_123 = arith.constant 0 : i32
        %dma_start3A_124 = tpu.memref_slice %arg19[%dma_start3A, %dma_start3A_123] : memref<128x16xf32, #tpu.memory_space<vmem>> -> memref<128x16xf32, #tpu.memory_space<vmem>>
        %dma_start3A_125 = arith.constant 0 : i32
        %dma_start3A_126 = tpu.memref_slice %arg21[%add3A_116, %dma_start3A_125] : memref<20480x16xf32, #tpu.memory_space<vmem_shared>> -> memref<128x16xf32, #tpu.memory_space<vmem_shared>>
        %dma_start3A_127 = arith.constant 0 : i32
        %dma_start3A_128 = tpu.memref_slice %arg21[%add3A_116, %dma_start3A_127] : memref<20480x16xf32, #tpu.memory_space<vmem_shared>> -> memref<128x16xf32, #tpu.memory_space<vmem_shared>>
        %dma_start3A_129 = arith.constant 0 : i32
        %dma_start3A_130 = arith.constant 0 : i32
        %dma_start3A_131 = tpu.memref_slice %arg19[%dma_start3A_129, %dma_start3A_130] : memref<128x16xf32, #tpu.memory_space<vmem>> -> memref<128x16xf32, #tpu.memory_space<vmem>>
        tpu.enqueue_dma source(%dma_start3A_131 : memref<128x16xf32, #tpu.memory_space<vmem>>) target(%dma_start3A_128 : memref<128x16xf32, #tpu.memory_space<vmem_shared>>) target_semaphore(%run_scoped3A : memref<!tpu.dma_semaphore, #tpu.memory_space<semaphore_mem>>)
        %dma_wait3A = arith.constant 0 : i32
        %dma_wait3A_132 = arith.constant 0 : i32
        %dma_wait3A_133 = tpu.memref_slice %arg19[%dma_wait3A, %dma_wait3A_132] : memref<128x16xf32, #tpu.memory_space<vmem>> -> memref<128x16xf32, #tpu.memory_space<vmem>>
        %dma_wait3A_134 = arith.constant 0 : i32
        %dma_wait3A_135 = tpu.memref_slice %arg21[%add3A_116, %dma_wait3A_134] : memref<20480x16xf32, #tpu.memory_space<vmem_shared>> -> memref<128x16xf32, #tpu.memory_space<vmem_shared>>
        %dma_wait3A_136 = arith.constant 0 : i32
        %dma_wait3A_137 = tpu.memref_slice %arg21[%add3A_116, %dma_wait3A_136] : memref<20480x16xf32, #tpu.memory_space<vmem_shared>> -> memref<128x16xf32, #tpu.memory_space<vmem_shared>>
        %dma_wait3A_138 = arith.constant 0 : i32
        %dma_wait3A_139 = arith.constant 0 : i32
        %dma_wait3A_140 = tpu.memref_slice %arg19[%dma_wait3A_138, %dma_wait3A_139] : memref<128x16xf32, #tpu.memory_space<vmem>> -> memref<128x16xf32, #tpu.memory_space<vmem>>
        tpu.wait_dma2 semaphore(%run_scoped3A : memref<!tpu.dma_semaphore, #tpu.memory_space<semaphore_mem>>) src(%dma_wait3A_140 : memref<128x16xf32, #tpu.memory_space<vmem>>) dst(%dma_wait3A_137 : memref<128x16xf32, #tpu.memory_space<vmem_shared>>)
        tpu.yield
      }) : () -> ()
      %add3A_117 = arith.constant 896 : i32
      %add3A_118 = arith.addi %mul3A_102, %add3A_117 : i32
      "tpu.region"() ({
        %run_scoped3A = tpu.sem_alloc : memref<!tpu.dma_semaphore, #tpu.memory_space<semaphore_mem>>
        %dma_start3A = arith.constant 0 : i32
        %dma_start3A_123 = arith.constant 0 : i32
        %dma_start3A_124 = tpu.memref_slice %arg19[%dma_start3A, %dma_start3A_123] : memref<128x16xf32, #tpu.memory_space<vmem>> -> memref<128x16xf32, #tpu.memory_space<vmem>>
        %dma_start3A_125 = arith.constant 0 : i32
        %dma_start3A_126 = tpu.memref_slice %arg21[%add3A_118, %dma_start3A_125] : memref<20480x16xf32, #tpu.memory_space<vmem_shared>> -> memref<128x16xf32, #tpu.memory_space<vmem_shared>>
        %dma_start3A_127 = arith.constant 0 : i32
        %dma_start3A_128 = tpu.memref_slice %arg21[%add3A_118, %dma_start3A_127] : memref<20480x16xf32, #tpu.memory_space<vmem_shared>> -> memref<128x16xf32, #tpu.memory_space<vmem_shared>>
        %dma_start3A_129 = arith.constant 0 : i32
        %dma_start3A_130 = arith.constant 0 : i32
        %dma_start3A_131 = tpu.memref_slice %arg19[%dma_start3A_129, %dma_start3A_130] : memref<128x16xf32, #tpu.memory_space<vmem>> -> memref<128x16xf32, #tpu.memory_space<vmem>>
        tpu.enqueue_dma source(%dma_start3A_131 : memref<128x16xf32, #tpu.memory_space<vmem>>) target(%dma_start3A_128 : memref<128x16xf32, #tpu.memory_space<vmem_shared>>) target_semaphore(%run_scoped3A : memref<!tpu.dma_semaphore, #tpu.memory_space<semaphore_mem>>)
        %dma_wait3A = arith.constant 0 : i32
        %dma_wait3A_132 = arith.constant 0 : i32
        %dma_wait3A_133 = tpu.memref_slice %arg19[%dma_wait3A, %dma_wait3A_132] : memref<128x16xf32, #tpu.memory_space<vmem>> -> memref<128x16xf32, #tpu.memory_space<vmem>>
        %dma_wait3A_134 = arith.constant 0 : i32
        %dma_wait3A_135 = tpu.memref_slice %arg21[%add3A_118, %dma_wait3A_134] : memref<20480x16xf32, #tpu.memory_space<vmem_shared>> -> memref<128x16xf32, #tpu.memory_space<vmem_shared>>
        %dma_wait3A_136 = arith.constant 0 : i32
        %dma_wait3A_137 = tpu.memref_slice %arg21[%add3A_118, %dma_wait3A_136] : memref<20480x16xf32, #tpu.memory_space<vmem_shared>> -> memref<128x16xf32, #tpu.memory_space<vmem_shared>>
        %dma_wait3A_138 = arith.constant 0 : i32
        %dma_wait3A_139 = arith.constant 0 : i32
        %dma_wait3A_140 = tpu.memref_slice %arg19[%dma_wait3A_138, %dma_wait3A_139] : memref<128x16xf32, #tpu.memory_space<vmem>> -> memref<128x16xf32, #tpu.memory_space<vmem>>
        tpu.wait_dma2 semaphore(%run_scoped3A : memref<!tpu.dma_semaphore, #tpu.memory_space<semaphore_mem>>) src(%dma_wait3A_140 : memref<128x16xf32, #tpu.memory_space<vmem>>) dst(%dma_wait3A_137 : memref<128x16xf32, #tpu.memory_space<vmem_shared>>)
        tpu.yield
      }) : () -> ()
      %add3A_119 = arith.constant 1024 : i32
      %add3A_120 = arith.addi %mul3A_102, %add3A_119 : i32
      "tpu.region"() ({
        %run_scoped3A = tpu.sem_alloc : memref<!tpu.dma_semaphore, #tpu.memory_space<semaphore_mem>>
        %dma_start3A = arith.constant 0 : i32
        %dma_start3A_123 = arith.constant 0 : i32
        %dma_start3A_124 = tpu.memref_slice %arg19[%dma_start3A, %dma_start3A_123] : memref<128x16xf32, #tpu.memory_space<vmem>> -> memref<128x16xf32, #tpu.memory_space<vmem>>
        %dma_start3A_125 = arith.constant 0 : i32
        %dma_start3A_126 = tpu.memref_slice %arg21[%add3A_120, %dma_start3A_125] : memref<20480x16xf32, #tpu.memory_space<vmem_shared>> -> memref<128x16xf32, #tpu.memory_space<vmem_shared>>
        %dma_start3A_127 = arith.constant 0 : i32
        %dma_start3A_128 = tpu.memref_slice %arg21[%add3A_120, %dma_start3A_127] : memref<20480x16xf32, #tpu.memory_space<vmem_shared>> -> memref<128x16xf32, #tpu.memory_space<vmem_shared>>
        %dma_start3A_129 = arith.constant 0 : i32
        %dma_start3A_130 = arith.constant 0 : i32
        %dma_start3A_131 = tpu.memref_slice %arg19[%dma_start3A_129, %dma_start3A_130] : memref<128x16xf32, #tpu.memory_space<vmem>> -> memref<128x16xf32, #tpu.memory_space<vmem>>
        tpu.enqueue_dma source(%dma_start3A_131 : memref<128x16xf32, #tpu.memory_space<vmem>>) target(%dma_start3A_128 : memref<128x16xf32, #tpu.memory_space<vmem_shared>>) target_semaphore(%run_scoped3A : memref<!tpu.dma_semaphore, #tpu.memory_space<semaphore_mem>>)
        %dma_wait3A = arith.constant 0 : i32
        %dma_wait3A_132 = arith.constant 0 : i32
        %dma_wait3A_133 = tpu.memref_slice %arg19[%dma_wait3A, %dma_wait3A_132] : memref<128x16xf32, #tpu.memory_space<vmem>> -> memref<128x16xf32, #tpu.memory_space<vmem>>
        %dma_wait3A_134 = arith.constant 0 : i32
        %dma_wait3A_135 = tpu.memref_slice %arg21[%add3A_120, %dma_wait3A_134] : memref<20480x16xf32, #tpu.memory_space<vmem_shared>> -> memref<128x16xf32, #tpu.memory_space<vmem_shared>>
        %dma_wait3A_136 = arith.constant 0 : i32
        %dma_wait3A_137 = tpu.memref_slice %arg21[%add3A_120, %dma_wait3A_136] : memref<20480x16xf32, #tpu.memory_space<vmem_shared>> -> memref<128x16xf32, #tpu.memory_space<vmem_shared>>
        %dma_wait3A_138 = arith.constant 0 : i32
        %dma_wait3A_139 = arith.constant 0 : i32
        %dma_wait3A_140 = tpu.memref_slice %arg19[%dma_wait3A_138, %dma_wait3A_139] : memref<128x16xf32, #tpu.memory_space<vmem>> -> memref<128x16xf32, #tpu.memory_space<vmem>>
        tpu.wait_dma2 semaphore(%run_scoped3A : memref<!tpu.dma_semaphore, #tpu.memory_space<semaphore_mem>>) src(%dma_wait3A_140 : memref<128x16xf32, #tpu.memory_space<vmem>>) dst(%dma_wait3A_137 : memref<128x16xf32, #tpu.memory_space<vmem_shared>>)
        tpu.yield
      }) : () -> ()
      %add3A_121 = arith.constant 1152 : i32
      %add3A_122 = arith.addi %mul3A_102, %add3A_121 : i32
      "tpu.region"() ({
        %run_scoped3A = tpu.sem_alloc : memref<!tpu.dma_semaphore, #tpu.memory_space<semaphore_mem>>
        %dma_start3A = arith.constant 0 : i32
        %dma_start3A_123 = arith.constant 0 : i32
        %dma_start3A_124 = tpu.memref_slice %arg19[%dma_start3A, %dma_start3A_123] : memref<128x16xf32, #tpu.memory_space<vmem>> -> memref<128x16xf32, #tpu.memory_space<vmem>>
        %dma_start3A_125 = arith.constant 0 : i32
        %dma_start3A_126 = tpu.memref_slice %arg21[%add3A_122, %dma_start3A_125] : memref<20480x16xf32, #tpu.memory_space<vmem_shared>> -> memref<128x16xf32, #tpu.memory_space<vmem_shared>>
        %dma_start3A_127 = arith.constant 0 : i32
        %dma_start3A_128 = tpu.memref_slice %arg21[%add3A_122, %dma_start3A_127] : memref<20480x16xf32, #tpu.memory_space<vmem_shared>> -> memref<128x16xf32, #tpu.memory_space<vmem_shared>>
        %dma_start3A_129 = arith.constant 0 : i32
        %dma_start3A_130 = arith.constant 0 : i32
        %dma_start3A_131 = tpu.memref_slice %arg19[%dma_start3A_129, %dma_start3A_130] : memref<128x16xf32, #tpu.memory_space<vmem>> -> memref<128x16xf32, #tpu.memory_space<vmem>>
        tpu.enqueue_dma source(%dma_start3A_131 : memref<128x16xf32, #tpu.memory_space<vmem>>) target(%dma_start3A_128 : memref<128x16xf32, #tpu.memory_space<vmem_shared>>) target_semaphore(%run_scoped3A : memref<!tpu.dma_semaphore, #tpu.memory_space<semaphore_mem>>)
        %dma_wait3A = arith.constant 0 : i32
        %dma_wait3A_132 = arith.constant 0 : i32
        %dma_wait3A_133 = tpu.memref_slice %arg19[%dma_wait3A, %dma_wait3A_132] : memref<128x16xf32, #tpu.memory_space<vmem>> -> memref<128x16xf32, #tpu.memory_space<vmem>>
        %dma_wait3A_134 = arith.constant 0 : i32
        %dma_wait3A_135 = tpu.memref_slice %arg21[%add3A_122, %dma_wait3A_134] : memref<20480x16xf32, #tpu.memory_space<vmem_shared>> -> memref<128x16xf32, #tpu.memory_space<vmem_shared>>
        %dma_wait3A_136 = arith.constant 0 : i32
        %dma_wait3A_137 = tpu.memref_slice %arg21[%add3A_122, %dma_wait3A_136] : memref<20480x16xf32, #tpu.memory_space<vmem_shared>> -> memref<128x16xf32, #tpu.memory_space<vmem_shared>>
        %dma_wait3A_138 = arith.constant 0 : i32
        %dma_wait3A_139 = arith.constant 0 : i32
        %dma_wait3A_140 = tpu.memref_slice %arg19[%dma_wait3A_138, %dma_wait3A_139] : memref<128x16xf32, #tpu.memory_space<vmem>> -> memref<128x16xf32, #tpu.memory_space<vmem>>
        tpu.wait_dma2 semaphore(%run_scoped3A : memref<!tpu.dma_semaphore, #tpu.memory_space<semaphore_mem>>) src(%dma_wait3A_140 : memref<128x16xf32, #tpu.memory_space<vmem>>) dst(%dma_wait3A_137 : memref<128x16xf32, #tpu.memory_space<vmem_shared>>)
        tpu.yield
      }) : () -> ()
    } else {
    }
    %broadcast_in_dim3A_78 = arith.constant 1.000000e+00 : f32
    %broadcast_in_dim3A_79 = vector.broadcast %broadcast_in_dim3A_78 : f32 to vector<16xf32>
    %scan3A_80 = arith.constant 0 : i32
    %scan3A_81 = arith.constant 128 : i32
    %scan3A_82 = arith.addi %scan3A_80, %scan3A_81 : i32
    %scan3A_83 = arith.constant 1 : i32
    scf.for %scan3A_101 = %scan3A_80 to %scan3A_82 step %scan3A_83  : i32 {
      %mul3A_102 = arith.constant 1 : i32
      %mul3A_103 = arith.muli %scan3A_101, %mul3A_102 : i32
      %add3A_104 = arith.constant 0 : i32
      %add3A_105 = arith.addi %add3A_104, %mul3A_103 : i32
      %swap3A = arith.index_cast %add3A_105 : i32 to index
      %swap3A_106 = arith.constant 0 : index
      %swap3A_107 = tpu.vector_load %arg19[%swap3A, %swap3A_106] {strides = array<i32>} : memref<128x16xf32, #tpu.memory_space<vmem>>, vector<1x16xf32>,
      %swap3A_108 = vector.shape_cast %swap3A_107 : vector<1x16xf32> to vector<16xf32>
      %swap3A_109 = vector.shape_cast %broadcast_in_dim3A_79 : vector<16xf32> to vector<1x16xf32>
      tpu.vector_store %arg19[%swap3A, %swap3A_106], %swap3A_109 {strides = array<i32>} : memref<128x16xf32, #tpu.memory_space<vmem>>, vector<1x16xf32>,
    }
    %scan3A_84 = arith.constant 128 : i32
    %barrier3A = arith.constant 0 : index
    tpu.barrier barrier_id(%barrier3A)
    %scan3A_85 = arith.constant 0 : i32
    %scan3A_86 = arith.constant 20 : i32
    %scan3A_87 = arith.addi %scan3A_85, %scan3A_86 : i32
    %scan3A_88 = arith.constant 1 : i32
    scf.for %scan3A_101 = %scan3A_85 to %scan3A_87 step %scan3A_88  : i32 {
      %mul3A_102 = arith.constant 1 : i32
      %mul3A_103 = arith.muli %scan3A_101, %mul3A_102 : i32
      %add3A_104 = arith.constant 0 : i32
      %add3A_105 = arith.addi %add3A_104, %mul3A_103 : i32
      %mul3A_106 = arith.constant 160 : i32
      %mul3A_107 = arith.muli %arg1, %mul3A_106 : i32
      %mul3A_108 = arith.constant 8 : i32
      %mul3A_109 = arith.muli %add3A_105, %mul3A_108 : i32
      %add3A_110 = arith.addi %mul3A_107, %mul3A_109 : i32
      "tpu.region"() ({
        %run_scoped3A_1232 = tpu.sem_alloc : memref<!tpu.dma_semaphore, #tpu.memory_space<semaphore_mem>>
        %dma_start3A_1233 = arith.constant 0 : i32
        %dma_start3A_1234 = tpu.memref_slice %arg3[%add3A_110, %dma_start3A_1233] : memref<2560x128xi32, #tpu.memory_space<hbm>> -> memref<8x128xi32, #tpu.memory_space<hbm>>
        %dma_start3A_1235 = arith.constant 0 : i32
        %dma_start3A_1236 = tpu.memref_slice %arg3[%add3A_110, %dma_start3A_1235] : memref<2560x128xi32, #tpu.memory_space<hbm>> -> memref<8x128xi32, #tpu.memory_space<hbm>>
        tpu.enqueue_dma source(%dma_start3A_1236 : memref<8x128xi32, #tpu.memory_space<hbm>>) target(%arg15 : memref<8x128xi32, #tpu.memory_space<vmem>>) target_semaphore(%run_scoped3A_1232 : memref<!tpu.dma_semaphore, #tpu.memory_space<semaphore_mem>>)
        %dma_wait3A_1237 = arith.constant 0 : i32
        %dma_wait3A_1238 = tpu.memref_slice %arg3[%add3A_110, %dma_wait3A_1237] : memref<2560x128xi32, #tpu.memory_space<hbm>> -> memref<8x128xi32, #tpu.memory_space<hbm>>
        %dma_wait3A_1239 = arith.constant 0 : i32
        %dma_wait3A_1240 = tpu.memref_slice %arg3[%add3A_110, %dma_wait3A_1239] : memref<2560x128xi32, #tpu.memory_space<hbm>> -> memref<8x128xi32, #tpu.memory_space<hbm>>
        tpu.wait_dma2 semaphore(%run_scoped3A_1232 : memref<!tpu.dma_semaphore, #tpu.memory_space<semaphore_mem>>) src(%dma_wait3A_1240 : memref<8x128xi32, #tpu.memory_space<hbm>>) dst(%arg15 : memref<8x128xi32, #tpu.memory_space<vmem>>)
        tpu.yield
      }) : () -> ()
      "tpu.region"() ({
        %run_scoped3A_1232 = tpu.sem_alloc : memref<!tpu.dma_semaphore, #tpu.memory_space<semaphore_mem>>
        %dma_start3A_1233 = arith.constant 0 : i32
        %dma_start3A_1234 = tpu.memref_slice %arg4[%add3A_110, %dma_start3A_1233] : memref<2560x128xi32, #tpu.memory_space<hbm>> -> memref<8x128xi32, #tpu.memory_space<hbm>>
        %dma_start3A_1235 = arith.constant 0 : i32
        %dma_start3A_1236 = tpu.memref_slice %arg4[%add3A_110, %dma_start3A_1235] : memref<2560x128xi32, #tpu.memory_space<hbm>> -> memref<8x128xi32, #tpu.memory_space<hbm>>
        tpu.enqueue_dma source(%dma_start3A_1236 : memref<8x128xi32, #tpu.memory_space<hbm>>) target(%arg16 : memref<8x128xi32, #tpu.memory_space<vmem>>) target_semaphore(%run_scoped3A_1232 : memref<!tpu.dma_semaphore, #tpu.memory_space<semaphore_mem>>)
        %dma_wait3A_1237 = arith.constant 0 : i32
        %dma_wait3A_1238 = tpu.memref_slice %arg4[%add3A_110, %dma_wait3A_1237] : memref<2560x128xi32, #tpu.memory_space<hbm>> -> memref<8x128xi32, #tpu.memory_space<hbm>>
        %dma_wait3A_1239 = arith.constant 0 : i32
        %dma_wait3A_1240 = tpu.memref_slice %arg4[%add3A_110, %dma_wait3A_1239] : memref<2560x128xi32, #tpu.memory_space<hbm>> -> memref<8x128xi32, #tpu.memory_space<hbm>>
        tpu.wait_dma2 semaphore(%run_scoped3A_1232 : memref<!tpu.dma_semaphore, #tpu.memory_space<semaphore_mem>>) src(%dma_wait3A_1240 : memref<8x128xi32, #tpu.memory_space<hbm>>) dst(%arg16 : memref<8x128xi32, #tpu.memory_space<vmem>>)
        tpu.yield
      }) : () -> ()
      %get3A_111 = arith.constant 0 : i32
      %get3A_112 = arith.index_cast %get3A_111 : i32 to index
      %get3A_113 = arith.constant 0 : index
      %get3A_114 = tpu.vector_load %arg15[%get3A_112, %get3A_113] {strides = array<i32>} : memref<8x128xi32, #tpu.memory_space<vmem>>, vector<1x16xi32>,
      %get3A_115 = vector.shape_cast %get3A_114 : vector<1x16xi32> to vector<16xi32>
      %mul3A_116 = arith.constant 10000 : i32
      %mul3A_117 = arith.muli %arg0, %mul3A_116 : i32
      %add3A_118 = vector.broadcast %mul3A_117 : i32 to vector<16xi32>
      %add3A_119 = arith.addi %get3A_115, %add3A_118 : vector<16xi32>
      %swap3A = arith.constant 0 : i32
      %swap3A_120 = arith.index_cast %swap3A : i32 to index
      %swap3A_121 = arith.constant 0 : index
      %swap3A_122 = tpu.vector_load %arg15[%swap3A_120, %swap3A_121] {strides = array<i32>} : memref<8x128xi32, #tpu.memory_space<vmem>>, vector<1x16xi32>,
      %swap3A_123 = vector.shape_cast %swap3A_122 : vector<1x16xi32> to vector<16xi32>
      %swap3A_124 = vector.shape_cast %add3A_119 : vector<16xi32> to vector<1x16xi32>
      tpu.vector_store %arg15[%swap3A_120, %swap3A_121], %swap3A_124 {strides = array<i32>} : memref<8x128xi32, #tpu.memory_space<vmem>>, vector<1x16xi32>,
      %get3A_125 = arith.constant 0 : i32
      %get3A_126 = arith.index_cast %get3A_125 : i32 to index
      %get3A_127 = arith.constant 16 : index
      %get3A_128 = tpu.vector_load %arg15[%get3A_126, %get3A_127] {strides = array<i32>} : memref<8x128xi32, #tpu.memory_space<vmem>>, vector<1x16xi32>,
      %get3A_129 = vector.shape_cast %get3A_128 : vector<1x16xi32> to vector<16xi32>
      %mul3A_130 = arith.constant 10000 : i32
      %mul3A_131 = arith.muli %arg0, %mul3A_130 : i32
      %add3A_132 = vector.broadcast %mul3A_131 : i32 to vector<16xi32>
      %add3A_133 = arith.addi %get3A_129, %add3A_132 : vector<16xi32>
      %swap3A_134 = arith.constant 0 : i32
      %swap3A_135 = arith.index_cast %swap3A_134 : i32 to index
      %swap3A_136 = arith.constant 16 : index
      %swap3A_137 = tpu.vector_load %arg15[%swap3A_135, %swap3A_136] {strides = array<i32>} : memref<8x128xi32, #tpu.memory_space<vmem>>, vector<1x16xi32>,
      %swap3A_138 = vector.shape_cast %swap3A_137 : vector<1x16xi32> to vector<16xi32>
      %swap3A_139 = vector.shape_cast %add3A_133 : vector<16xi32> to vector<1x16xi32>
      tpu.vector_store %arg15[%swap3A_135, %swap3A_136], %swap3A_139 {strides = array<i32>} : memref<8x128xi32, #tpu.memory_space<vmem>>, vector<1x16xi32>,
      %get3A_140 = arith.constant 0 : i32
      %get3A_141 = arith.index_cast %get3A_140 : i32 to index
      %get3A_142 = arith.constant 32 : index
      %get3A_143 = tpu.vector_load %arg15[%get3A_141, %get3A_142] {strides = array<i32>} : memref<8x128xi32, #tpu.memory_space<vmem>>, vector<1x16xi32>,
      %get3A_144 = vector.shape_cast %get3A_143 : vector<1x16xi32> to vector<16xi32>
      %mul3A_145 = arith.constant 10000 : i32
      %mul3A_146 = arith.muli %arg0, %mul3A_145 : i32
      %add3A_147 = vector.broadcast %mul3A_146 : i32 to vector<16xi32>
      %add3A_148 = arith.addi %get3A_144, %add3A_147 : vector<16xi32>
      %swap3A_149 = arith.constant 0 : i32
      %swap3A_150 = arith.index_cast %swap3A_149 : i32 to index
      %swap3A_151 = arith.constant 32 : index
      %swap3A_152 = tpu.vector_load %arg15[%swap3A_150, %swap3A_151] {strides = array<i32>} : memref<8x128xi32, #tpu.memory_space<vmem>>, vector<1x16xi32>,
      %swap3A_153 = vector.shape_cast %swap3A_152 : vector<1x16xi32> to vector<16xi32>
      %swap3A_154 = vector.shape_cast %add3A_148 : vector<16xi32> to vector<1x16xi32>
      tpu.vector_store %arg15[%swap3A_150, %swap3A_151], %swap3A_154 {strides = array<i32>} : memref<8x128xi32, #tpu.memory_space<vmem>>, vector<1x16xi32>,
      %get3A_155 = arith.constant 0 : i32
      %get3A_156 = arith.index_cast %get3A_155 : i32 to index
      %get3A_157 = arith.constant 48 : index
      %get3A_158 = tpu.vector_load %arg15[%get3A_156, %get3A_157] {strides = array<i32>} : memref<8x128xi32, #tpu.memory_space<vmem>>, vector<1x16xi32>,
      %get3A_159 = vector.shape_cast %get3A_158 : vector<1x16xi32> to vector<16xi32>
      %mul3A_160 = arith.constant 10000 : i32
      %mul3A_161 = arith.muli %arg0, %mul3A_160 : i32
      %add3A_162 = vector.broadcast %mul3A_161 : i32 to vector<16xi32>
      %add3A_163 = arith.addi %get3A_159, %add3A_162 : vector<16xi32>
      %swap3A_164 = arith.constant 0 : i32
      %swap3A_165 = arith.index_cast %swap3A_164 : i32 to index
      %swap3A_166 = arith.constant 48 : index
      %swap3A_167 = tpu.vector_load %arg15[%swap3A_165, %swap3A_166] {strides = array<i32>} : memref<8x128xi32, #tpu.memory_space<vmem>>, vector<1x16xi32>,
      %swap3A_168 = vector.shape_cast %swap3A_167 : vector<1x16xi32> to vector<16xi32>
      %swap3A_169 = vector.shape_cast %add3A_163 : vector<16xi32> to vector<1x16xi32>
      tpu.vector_store %arg15[%swap3A_165, %swap3A_166], %swap3A_169 {strides = array<i32>} : memref<8x128xi32, #tpu.memory_space<vmem>>, vector<1x16xi32>,
      %get3A_170 = arith.constant 0 : i32
      %get3A_171 = arith.index_cast %get3A_170 : i32 to index
      %get3A_172 = arith.constant 64 : index
      %get3A_173 = tpu.vector_load %arg15[%get3A_171, %get3A_172] {strides = array<i32>} : memref<8x128xi32, #tpu.memory_space<vmem>>, vector<1x16xi32>,
      %get3A_174 = vector.shape_cast %get3A_173 : vector<1x16xi32> to vector<16xi32>
      %mul3A_175 = arith.constant 10000 : i32
      %mul3A_176 = arith.muli %arg0, %mul3A_175 : i32
      %add3A_177 = vector.broadcast %mul3A_176 : i32 to vector<16xi32>
      %add3A_178 = arith.addi %get3A_174, %add3A_177 : vector<16xi32>
      %swap3A_179 = arith.constant 0 : i32
      %swap3A_180 = arith.index_cast %swap3A_179 : i32 to index
      %swap3A_181 = arith.constant 64 : index
      %swap3A_182 = tpu.vector_load %arg15[%swap3A_180, %swap3A_181] {strides = array<i32>} : memref<8x128xi32, #tpu.memory_space<vmem>>, vector<1x16xi32>,
      %swap3A_183 = vector.shape_cast %swap3A_182 : vector<1x16xi32> to vector<16xi32>
      %swap3A_184 = vector.shape_cast %add3A_178 : vector<16xi32> to vector<1x16xi32>
      tpu.vector_store %arg15[%swap3A_180, %swap3A_181], %swap3A_184 {strides = array<i32>} : memref<8x128xi32, #tpu.memory_space<vmem>>, vector<1x16xi32>,
      %get3A_185 = arith.constant 0 : i32
      %get3A_186 = arith.index_cast %get3A_185 : i32 to index
      %get3A_187 = arith.constant 80 : index
      %get3A_188 = tpu.vector_load %arg15[%get3A_186, %get3A_187] {strides = array<i32>} : memref<8x128xi32, #tpu.memory_space<vmem>>, vector<1x16xi32>,
      %get3A_189 = vector.shape_cast %get3A_188 : vector<1x16xi32> to vector<16xi32>
      %mul3A_190 = arith.constant 10000 : i32
      %mul3A_191 = arith.muli %arg0, %mul3A_190 : i32
      %add3A_192 = vector.broadcast %mul3A_191 : i32 to vector<16xi32>
      %add3A_193 = arith.addi %get3A_189, %add3A_192 : vector<16xi32>
      %swap3A_194 = arith.constant 0 : i32
      %swap3A_195 = arith.index_cast %swap3A_194 : i32 to index
      %swap3A_196 = arith.constant 80 : index
      %swap3A_197 = tpu.vector_load %arg15[%swap3A_195, %swap3A_196] {strides = array<i32>} : memref<8x128xi32, #tpu.memory_space<vmem>>, vector<1x16xi32>,
      %swap3A_198 = vector.shape_cast %swap3A_197 : vector<1x16xi32> to vector<16xi32>
      %swap3A_199 = vector.shape_cast %add3A_193 : vector<16xi32> to vector<1x16xi32>
      tpu.vector_store %arg15[%swap3A_195, %swap3A_196], %swap3A_199 {strides = array<i32>} : memref<8x128xi32, #tpu.memory_space<vmem>>, vector<1x16xi32>,
      %get3A_200 = arith.constant 0 : i32
      %get3A_201 = arith.index_cast %get3A_200 : i32 to index
      %get3A_202 = arith.constant 96 : index
      %get3A_203 = tpu.vector_load %arg15[%get3A_201, %get3A_202] {strides = array<i32>} : memref<8x128xi32, #tpu.memory_space<vmem>>, vector<1x16xi32>,
      %get3A_204 = vector.shape_cast %get3A_203 : vector<1x16xi32> to vector<16xi32>
      %mul3A_205 = arith.constant 10000 : i32
      %mul3A_206 = arith.muli %arg0, %mul3A_205 : i32
      %add3A_207 = vector.broadcast %mul3A_206 : i32 to vector<16xi32>
      %add3A_208 = arith.addi %get3A_204, %add3A_207 : vector<16xi32>
      %swap3A_209 = arith.constant 0 : i32
      %swap3A_210 = arith.index_cast %swap3A_209 : i32 to index
      %swap3A_211 = arith.constant 96 : index
      %swap3A_212 = tpu.vector_load %arg15[%swap3A_210, %swap3A_211] {strides = array<i32>} : memref<8x128xi32, #tpu.memory_space<vmem>>, vector<1x16xi32>,
      %swap3A_213 = vector.shape_cast %swap3A_212 : vector<1x16xi32> to vector<16xi32>
      %swap3A_214 = vector.shape_cast %add3A_208 : vector<16xi32> to vector<1x16xi32>
      tpu.vector_store %arg15[%swap3A_210, %swap3A_211], %swap3A_214 {strides = array<i32>} : memref<8x128xi32, #tpu.memory_space<vmem>>, vector<1x16xi32>,
      %get3A_215 = arith.constant 0 : i32
      %get3A_216 = arith.index_cast %get3A_215 : i32 to index
      %get3A_217 = arith.constant 112 : index
      %get3A_218 = tpu.vector_load %arg15[%get3A_216, %get3A_217] {strides = array<i32>} : memref<8x128xi32, #tpu.memory_space<vmem>>, vector<1x16xi32>,
      %get3A_219 = vector.shape_cast %get3A_218 : vector<1x16xi32> to vector<16xi32>
      %mul3A_220 = arith.constant 10000 : i32
      %mul3A_221 = arith.muli %arg0, %mul3A_220 : i32
      %add3A_222 = vector.broadcast %mul3A_221 : i32 to vector<16xi32>
      %add3A_223 = arith.addi %get3A_219, %add3A_222 : vector<16xi32>
      %swap3A_224 = arith.constant 0 : i32
      %swap3A_225 = arith.index_cast %swap3A_224 : i32 to index
      %swap3A_226 = arith.constant 112 : index
      %swap3A_227 = tpu.vector_load %arg15[%swap3A_225, %swap3A_226] {strides = array<i32>} : memref<8x128xi32, #tpu.memory_space<vmem>>, vector<1x16xi32>,
      %swap3A_228 = vector.shape_cast %swap3A_227 : vector<1x16xi32> to vector<16xi32>
      %swap3A_229 = vector.shape_cast %add3A_223 : vector<16xi32> to vector<1x16xi32>
      tpu.vector_store %arg15[%swap3A_225, %swap3A_226], %swap3A_229 {strides = array<i32>} : memref<8x128xi32, #tpu.memory_space<vmem>>, vector<1x16xi32>,
      %get3A_230 = arith.constant 1 : i32
      %get3A_231 = arith.index_cast %get3A_230 : i32 to index
      %get3A_232 = arith.constant 0 : index
      %get3A_233 = tpu.vector_load %arg15[%get3A_231, %get3A_232] {strides = array<i32>} : memref<8x128xi32, #tpu.memory_space<vmem>>, vector<1x16xi32>,
      %get3A_234 = vector.shape_cast %get3A_233 : vector<1x16xi32> to vector<16xi32>
      %mul3A_235 = arith.constant 10000 : i32
      %mul3A_236 = arith.muli %arg0, %mul3A_235 : i32
      %add3A_237 = vector.broadcast %mul3A_236 : i32 to vector<16xi32>
      %add3A_238 = arith.addi %get3A_234, %add3A_237 : vector<16xi32>
      %swap3A_239 = arith.constant 1 : i32
      %swap3A_240 = arith.index_cast %swap3A_239 : i32 to index
      %swap3A_241 = arith.constant 0 : index
      %swap3A_242 = tpu.vector_load %arg15[%swap3A_240, %swap3A_241] {strides = array<i32>} : memref<8x128xi32, #tpu.memory_space<vmem>>, vector<1x16xi32>,
      %swap3A_243 = vector.shape_cast %swap3A_242 : vector<1x16xi32> to vector<16xi32>
      %swap3A_244 = vector.shape_cast %add3A_238 : vector<16xi32> to vector<1x16xi32>
      tpu.vector_store %arg15[%swap3A_240, %swap3A_241], %swap3A_244 {strides = array<i32>} : memref<8x128xi32, #tpu.memory_space<vmem>>, vector<1x16xi32>,
      %get3A_245 = arith.constant 1 : i32
      %get3A_246 = arith.index_cast %get3A_245 : i32 to index
      %get3A_247 = arith.constant 16 : index
      %get3A_248 = tpu.vector_load %arg15[%get3A_246, %get3A_247] {strides = array<i32>} : memref<8x128xi32, #tpu.memory_space<vmem>>, vector<1x16xi32>,
      %get3A_249 = vector.shape_cast %get3A_248 : vector<1x16xi32> to vector<16xi32>
      %mul3A_250 = arith.constant 10000 : i32
      %mul3A_251 = arith.muli %arg0, %mul3A_250 : i32
      %add3A_252 = vector.broadcast %mul3A_251 : i32 to vector<16xi32>
      %add3A_253 = arith.addi %get3A_249, %add3A_252 : vector<16xi32>
      %swap3A_254 = arith.constant 1 : i32
      %swap3A_255 = arith.index_cast %swap3A_254 : i32 to index
      %swap3A_256 = arith.constant 16 : index
      %swap3A_257 = tpu.vector_load %arg15[%swap3A_255, %swap3A_256] {strides = array<i32>} : memref<8x128xi32, #tpu.memory_space<vmem>>, vector<1x16xi32>,
      %swap3A_258 = vector.shape_cast %swap3A_257 : vector<1x16xi32> to vector<16xi32>
      %swap3A_259 = vector.shape_cast %add3A_253 : vector<16xi32> to vector<1x16xi32>
      tpu.vector_store %arg15[%swap3A_255, %swap3A_256], %swap3A_259 {strides = array<i32>} : memref<8x128xi32, #tpu.memory_space<vmem>>, vector<1x16xi32>,
      %get3A_260 = arith.constant 1 : i32
      %get3A_261 = arith.index_cast %get3A_260 : i32 to index
      %get3A_262 = arith.constant 32 : index
      %get3A_263 = tpu.vector_load %arg15[%get3A_261, %get3A_262] {strides = array<i32>} : memref<8x128xi32, #tpu.memory_space<vmem>>, vector<1x16xi32>,
      %get3A_264 = vector.shape_cast %get3A_263 : vector<1x16xi32> to vector<16xi32>
      %mul3A_265 = arith.constant 10000 : i32
      %mul3A_266 = arith.muli %arg0, %mul3A_265 : i32
      %add3A_267 = vector.broadcast %mul3A_266 : i32 to vector<16xi32>
      %add3A_268 = arith.addi %get3A_264, %add3A_267 : vector<16xi32>
      %swap3A_269 = arith.constant 1 : i32
      %swap3A_270 = arith.index_cast %swap3A_269 : i32 to index
      %swap3A_271 = arith.constant 32 : index
      %swap3A_272 = tpu.vector_load %arg15[%swap3A_270, %swap3A_271] {strides = array<i32>} : memref<8x128xi32, #tpu.memory_space<vmem>>, vector<1x16xi32>,
      %swap3A_273 = vector.shape_cast %swap3A_272 : vector<1x16xi32> to vector<16xi32>
      %swap3A_274 = vector.shape_cast %add3A_268 : vector<16xi32> to vector<1x16xi32>
      tpu.vector_store %arg15[%swap3A_270, %swap3A_271], %swap3A_274 {strides = array<i32>} : memref<8x128xi32, #tpu.memory_space<vmem>>, vector<1x16xi32>,
      %get3A_275 = arith.constant 1 : i32
      %get3A_276 = arith.index_cast %get3A_275 : i32 to index
      %get3A_277 = arith.constant 48 : index
      %get3A_278 = tpu.vector_load %arg15[%get3A_276, %get3A_277] {strides = array<i32>} : memref<8x128xi32, #tpu.memory_space<vmem>>, vector<1x16xi32>,
      %get3A_279 = vector.shape_cast %get3A_278 : vector<1x16xi32> to vector<16xi32>
      %mul3A_280 = arith.constant 10000 : i32
      %mul3A_281 = arith.muli %arg0, %mul3A_280 : i32
      %add3A_282 = vector.broadcast %mul3A_281 : i32 to vector<16xi32>
      %add3A_283 = arith.addi %get3A_279, %add3A_282 : vector<16xi32>
      %swap3A_284 = arith.constant 1 : i32
      %swap3A_285 = arith.index_cast %swap3A_284 : i32 to index
      %swap3A_286 = arith.constant 48 : index
      %swap3A_287 = tpu.vector_load %arg15[%swap3A_285, %swap3A_286] {strides = array<i32>} : memref<8x128xi32, #tpu.memory_space<vmem>>, vector<1x16xi32>,
      %swap3A_288 = vector.shape_cast %swap3A_287 : vector<1x16xi32> to vector<16xi32>
      %swap3A_289 = vector.shape_cast %add3A_283 : vector<16xi32> to vector<1x16xi32>
      tpu.vector_store %arg15[%swap3A_285, %swap3A_286], %swap3A_289 {strides = array<i32>} : memref<8x128xi32, #tpu.memory_space<vmem>>, vector<1x16xi32>,
      %get3A_290 = arith.constant 1 : i32
      %get3A_291 = arith.index_cast %get3A_290 : i32 to index
      %get3A_292 = arith.constant 64 : index
      %get3A_293 = tpu.vector_load %arg15[%get3A_291, %get3A_292] {strides = array<i32>} : memref<8x128xi32, #tpu.memory_space<vmem>>, vector<1x16xi32>,
      %get3A_294 = vector.shape_cast %get3A_293 : vector<1x16xi32> to vector<16xi32>
      %mul3A_295 = arith.constant 10000 : i32
      %mul3A_296 = arith.muli %arg0, %mul3A_295 : i32
      %add3A_297 = vector.broadcast %mul3A_296 : i32 to vector<16xi32>
      %add3A_298 = arith.addi %get3A_294, %add3A_297 : vector<16xi32>
      %swap3A_299 = arith.constant 1 : i32
      %swap3A_300 = arith.index_cast %swap3A_299 : i32 to index
      %swap3A_301 = arith.constant 64 : index
      %swap3A_302 = tpu.vector_load %arg15[%swap3A_300, %swap3A_301] {strides = array<i32>} : memref<8x128xi32, #tpu.memory_space<vmem>>, vector<1x16xi32>,
      %swap3A_303 = vector.shape_cast %swap3A_302 : vector<1x16xi32> to vector<16xi32>
      %swap3A_304 = vector.shape_cast %add3A_298 : vector<16xi32> to vector<1x16xi32>
      tpu.vector_store %arg15[%swap3A_300, %swap3A_301], %swap3A_304 {strides = array<i32>} : memref<8x128xi32, #tpu.memory_space<vmem>>, vector<1x16xi32>,
      %get3A_305 = arith.constant 1 : i32
      %get3A_306 = arith.index_cast %get3A_305 : i32 to index
      %get3A_307 = arith.constant 80 : index
      %get3A_308 = tpu.vector_load %arg15[%get3A_306, %get3A_307] {strides = array<i32>} : memref<8x128xi32, #tpu.memory_space<vmem>>, vector<1x16xi32>,
      %get3A_309 = vector.shape_cast %get3A_308 : vector<1x16xi32> to vector<16xi32>
      %mul3A_310 = arith.constant 10000 : i32
      %mul3A_311 = arith.muli %arg0, %mul3A_310 : i32
      %add3A_312 = vector.broadcast %mul3A_311 : i32 to vector<16xi32>
      %add3A_313 = arith.addi %get3A_309, %add3A_312 : vector<16xi32>
      %swap3A_314 = arith.constant 1 : i32
      %swap3A_315 = arith.index_cast %swap3A_314 : i32 to index
      %swap3A_316 = arith.constant 80 : index
      %swap3A_317 = tpu.vector_load %arg15[%swap3A_315, %swap3A_316] {strides = array<i32>} : memref<8x128xi32, #tpu.memory_space<vmem>>, vector<1x16xi32>,
      %swap3A_318 = vector.shape_cast %swap3A_317 : vector<1x16xi32> to vector<16xi32>
      %swap3A_319 = vector.shape_cast %add3A_313 : vector<16xi32> to vector<1x16xi32>
      tpu.vector_store %arg15[%swap3A_315, %swap3A_316], %swap3A_319 {strides = array<i32>} : memref<8x128xi32, #tpu.memory_space<vmem>>, vector<1x16xi32>,
      %get3A_320 = arith.constant 1 : i32
      %get3A_321 = arith.index_cast %get3A_320 : i32 to index
      %get3A_322 = arith.constant 96 : index
      %get3A_323 = tpu.vector_load %arg15[%get3A_321, %get3A_322] {strides = array<i32>} : memref<8x128xi32, #tpu.memory_space<vmem>>, vector<1x16xi32>,
      %get3A_324 = vector.shape_cast %get3A_323 : vector<1x16xi32> to vector<16xi32>
      %mul3A_325 = arith.constant 10000 : i32
      %mul3A_326 = arith.muli %arg0, %mul3A_325 : i32
      %add3A_327 = vector.broadcast %mul3A_326 : i32 to vector<16xi32>
      %add3A_328 = arith.addi %get3A_324, %add3A_327 : vector<16xi32>
      %swap3A_329 = arith.constant 1 : i32
      %swap3A_330 = arith.index_cast %swap3A_329 : i32 to index
      %swap3A_331 = arith.constant 96 : index
      %swap3A_332 = tpu.vector_load %arg15[%swap3A_330, %swap3A_331] {strides = array<i32>} : memref<8x128xi32, #tpu.memory_space<vmem>>, vector<1x16xi32>,
      %swap3A_333 = vector.shape_cast %swap3A_332 : vector<1x16xi32> to vector<16xi32>
      %swap3A_334 = vector.shape_cast %add3A_328 : vector<16xi32> to vector<1x16xi32>
      tpu.vector_store %arg15[%swap3A_330, %swap3A_331], %swap3A_334 {strides = array<i32>} : memref<8x128xi32, #tpu.memory_space<vmem>>, vector<1x16xi32>,
      %get3A_335 = arith.constant 1 : i32
      %get3A_336 = arith.index_cast %get3A_335 : i32 to index
      %get3A_337 = arith.constant 112 : index
      %get3A_338 = tpu.vector_load %arg15[%get3A_336, %get3A_337] {strides = array<i32>} : memref<8x128xi32, #tpu.memory_space<vmem>>, vector<1x16xi32>,
      %get3A_339 = vector.shape_cast %get3A_338 : vector<1x16xi32> to vector<16xi32>
      %mul3A_340 = arith.constant 10000 : i32
      %mul3A_341 = arith.muli %arg0, %mul3A_340 : i32
      %add3A_342 = vector.broadcast %mul3A_341 : i32 to vector<16xi32>
      %add3A_343 = arith.addi %get3A_339, %add3A_342 : vector<16xi32>
      %swap3A_344 = arith.constant 1 : i32
      %swap3A_345 = arith.index_cast %swap3A_344 : i32 to index
      %swap3A_346 = arith.constant 112 : index
      %swap3A_347 = tpu.vector_load %arg15[%swap3A_345, %swap3A_346] {strides = array<i32>} : memref<8x128xi32, #tpu.memory_space<vmem>>, vector<1x16xi32>,
      %swap3A_348 = vector.shape_cast %swap3A_347 : vector<1x16xi32> to vector<16xi32>
      %swap3A_349 = vector.shape_cast %add3A_343 : vector<16xi32> to vector<1x16xi32>
      tpu.vector_store %arg15[%swap3A_345, %swap3A_346], %swap3A_349 {strides = array<i32>} : memref<8x128xi32, #tpu.memory_space<vmem>>, vector<1x16xi32>,
      %get3A_350 = arith.constant 2 : i32
      %get3A_351 = arith.index_cast %get3A_350 : i32 to index
      %get3A_352 = arith.constant 0 : index
      %get3A_353 = tpu.vector_load %arg15[%get3A_351, %get3A_352] {strides = array<i32>} : memref<8x128xi32, #tpu.memory_space<vmem>>, vector<1x16xi32>,
      %get3A_354 = vector.shape_cast %get3A_353 : vector<1x16xi32> to vector<16xi32>
      %mul3A_355 = arith.constant 10000 : i32
      %mul3A_356 = arith.muli %arg0, %mul3A_355 : i32
      %add3A_357 = vector.broadcast %mul3A_356 : i32 to vector<16xi32>
      %add3A_358 = arith.addi %get3A_354, %add3A_357 : vector<16xi32>
      %swap3A_359 = arith.constant 2 : i32
      %swap3A_360 = arith.index_cast %swap3A_359 : i32 to index
      %swap3A_361 = arith.constant 0 : index
      %swap3A_362 = tpu.vector_load %arg15[%swap3A_360, %swap3A_361] {strides = array<i32>} : memref<8x128xi32, #tpu.memory_space<vmem>>, vector<1x16xi32>,
      %swap3A_363 = vector.shape_cast %swap3A_362 : vector<1x16xi32> to vector<16xi32>
      %swap3A_364 = vector.shape_cast %add3A_358 : vector<16xi32> to vector<1x16xi32>
      tpu.vector_store %arg15[%swap3A_360, %swap3A_361], %swap3A_364 {strides = array<i32>} : memref<8x128xi32, #tpu.memory_space<vmem>>, vector<1x16xi32>,
      %get3A_365 = arith.constant 2 : i32
      %get3A_366 = arith.index_cast %get3A_365 : i32 to index
      %get3A_367 = arith.constant 16 : index
      %get3A_368 = tpu.vector_load %arg15[%get3A_366, %get3A_367] {strides = array<i32>} : memref<8x128xi32, #tpu.memory_space<vmem>>, vector<1x16xi32>,
      %get3A_369 = vector.shape_cast %get3A_368 : vector<1x16xi32> to vector<16xi32>
      %mul3A_370 = arith.constant 10000 : i32
      %mul3A_371 = arith.muli %arg0, %mul3A_370 : i32
      %add3A_372 = vector.broadcast %mul3A_371 : i32 to vector<16xi32>
      %add3A_373 = arith.addi %get3A_369, %add3A_372 : vector<16xi32>
      %swap3A_374 = arith.constant 2 : i32
      %swap3A_375 = arith.index_cast %swap3A_374 : i32 to index
      %swap3A_376 = arith.constant 16 : index
      %swap3A_377 = tpu.vector_load %arg15[%swap3A_375, %swap3A_376] {strides = array<i32>} : memref<8x128xi32, #tpu.memory_space<vmem>>, vector<1x16xi32>,
      %swap3A_378 = vector.shape_cast %swap3A_377 : vector<1x16xi32> to vector<16xi32>
      %swap3A_379 = vector.shape_cast %add3A_373 : vector<16xi32> to vector<1x16xi32>
      tpu.vector_store %arg15[%swap3A_375, %swap3A_376], %swap3A_379 {strides = array<i32>} : memref<8x128xi32, #tpu.memory_space<vmem>>, vector<1x16xi32>,
      %get3A_380 = arith.constant 2 : i32
      %get3A_381 = arith.index_cast %get3A_380 : i32 to index
      %get3A_382 = arith.constant 32 : index
      %get3A_383 = tpu.vector_load %arg15[%get3A_381, %get3A_382] {strides = array<i32>} : memref<8x128xi32, #tpu.memory_space<vmem>>, vector<1x16xi32>,
      %get3A_384 = vector.shape_cast %get3A_383 : vector<1x16xi32> to vector<16xi32>
      %mul3A_385 = arith.constant 10000 : i32
      %mul3A_386 = arith.muli %arg0, %mul3A_385 : i32
      %add3A_387 = vector.broadcast %mul3A_386 : i32 to vector<16xi32>
      %add3A_388 = arith.addi %get3A_384, %add3A_387 : vector<16xi32>
      %swap3A_389 = arith.constant 2 : i32
      %swap3A_390 = arith.index_cast %swap3A_389 : i32 to index
      %swap3A_391 = arith.constant 32 : index
      %swap3A_392 = tpu.vector_load %arg15[%swap3A_390, %swap3A_391] {strides = array<i32>} : memref<8x128xi32, #tpu.memory_space<vmem>>, vector<1x16xi32>,
      %swap3A_393 = vector.shape_cast %swap3A_392 : vector<1x16xi32> to vector<16xi32>
      %swap3A_394 = vector.shape_cast %add3A_388 : vector<16xi32> to vector<1x16xi32>
      tpu.vector_store %arg15[%swap3A_390, %swap3A_391], %swap3A_394 {strides = array<i32>} : memref<8x128xi32, #tpu.memory_space<vmem>>, vector<1x16xi32>,
      %get3A_395 = arith.constant 2 : i32
      %get3A_396 = arith.index_cast %get3A_395 : i32 to index
      %get3A_397 = arith.constant 48 : index
      %get3A_398 = tpu.vector_load %arg15[%get3A_396, %get3A_397] {strides = array<i32>} : memref<8x128xi32, #tpu.memory_space<vmem>>, vector<1x16xi32>,
      %get3A_399 = vector.shape_cast %get3A_398 : vector<1x16xi32> to vector<16xi32>
      %mul3A_400 = arith.constant 10000 : i32
      %mul3A_401 = arith.muli %arg0, %mul3A_400 : i32
      %add3A_402 = vector.broadcast %mul3A_401 : i32 to vector<16xi32>
      %add3A_403 = arith.addi %get3A_399, %add3A_402 : vector<16xi32>
      %swap3A_404 = arith.constant 2 : i32
      %swap3A_405 = arith.index_cast %swap3A_404 : i32 to index
      %swap3A_406 = arith.constant 48 : index
      %swap3A_407 = tpu.vector_load %arg15[%swap3A_405, %swap3A_406] {strides = array<i32>} : memref<8x128xi32, #tpu.memory_space<vmem>>, vector<1x16xi32>,
      %swap3A_408 = vector.shape_cast %swap3A_407 : vector<1x16xi32> to vector<16xi32>
      %swap3A_409 = vector.shape_cast %add3A_403 : vector<16xi32> to vector<1x16xi32>
      tpu.vector_store %arg15[%swap3A_405, %swap3A_406], %swap3A_409 {strides = array<i32>} : memref<8x128xi32, #tpu.memory_space<vmem>>, vector<1x16xi32>,
      %get3A_410 = arith.constant 2 : i32
      %get3A_411 = arith.index_cast %get3A_410 : i32 to index
      %get3A_412 = arith.constant 64 : index
      %get3A_413 = tpu.vector_load %arg15[%get3A_411, %get3A_412] {strides = array<i32>} : memref<8x128xi32, #tpu.memory_space<vmem>>, vector<1x16xi32>,
      %get3A_414 = vector.shape_cast %get3A_413 : vector<1x16xi32> to vector<16xi32>
      %mul3A_415 = arith.constant 10000 : i32
      %mul3A_416 = arith.muli %arg0, %mul3A_415 : i32
      %add3A_417 = vector.broadcast %mul3A_416 : i32 to vector<16xi32>
      %add3A_418 = arith.addi %get3A_414, %add3A_417 : vector<16xi32>
      %swap3A_419 = arith.constant 2 : i32
      %swap3A_420 = arith.index_cast %swap3A_419 : i32 to index
      %swap3A_421 = arith.constant 64 : index
      %swap3A_422 = tpu.vector_load %arg15[%swap3A_420, %swap3A_421] {strides = array<i32>} : memref<8x128xi32, #tpu.memory_space<vmem>>, vector<1x16xi32>,
      %swap3A_423 = vector.shape_cast %swap3A_422 : vector<1x16xi32> to vector<16xi32>
      %swap3A_424 = vector.shape_cast %add3A_418 : vector<16xi32> to vector<1x16xi32>
      tpu.vector_store %arg15[%swap3A_420, %swap3A_421], %swap3A_424 {strides = array<i32>} : memref<8x128xi32, #tpu.memory_space<vmem>>, vector<1x16xi32>,
      %get3A_425 = arith.constant 2 : i32
      %get3A_426 = arith.index_cast %get3A_425 : i32 to index
      %get3A_427 = arith.constant 80 : index
      %get3A_428 = tpu.vector_load %arg15[%get3A_426, %get3A_427] {strides = array<i32>} : memref<8x128xi32, #tpu.memory_space<vmem>>, vector<1x16xi32>,
      %get3A_429 = vector.shape_cast %get3A_428 : vector<1x16xi32> to vector<16xi32>
      %mul3A_430 = arith.constant 10000 : i32
      %mul3A_431 = arith.muli %arg0, %mul3A_430 : i32
      %add3A_432 = vector.broadcast %mul3A_431 : i32 to vector<16xi32>
      %add3A_433 = arith.addi %get3A_429, %add3A_432 : vector<16xi32>
      %swap3A_434 = arith.constant 2 : i32
      %swap3A_435 = arith.index_cast %swap3A_434 : i32 to index
      %swap3A_436 = arith.constant 80 : index
      %swap3A_437 = tpu.vector_load %arg15[%swap3A_435, %swap3A_436] {strides = array<i32>} : memref<8x128xi32, #tpu.memory_space<vmem>>, vector<1x16xi32>,
      %swap3A_438 = vector.shape_cast %swap3A_437 : vector<1x16xi32> to vector<16xi32>
      %swap3A_439 = vector.shape_cast %add3A_433 : vector<16xi32> to vector<1x16xi32>
      tpu.vector_store %arg15[%swap3A_435, %swap3A_436], %swap3A_439 {strides = array<i32>} : memref<8x128xi32, #tpu.memory_space<vmem>>, vector<1x16xi32>,
      %get3A_440 = arith.constant 2 : i32
      %get3A_441 = arith.index_cast %get3A_440 : i32 to index
      %get3A_442 = arith.constant 96 : index
      %get3A_443 = tpu.vector_load %arg15[%get3A_441, %get3A_442] {strides = array<i32>} : memref<8x128xi32, #tpu.memory_space<vmem>>, vector<1x16xi32>,
      %get3A_444 = vector.shape_cast %get3A_443 : vector<1x16xi32> to vector<16xi32>
      %mul3A_445 = arith.constant 10000 : i32
      %mul3A_446 = arith.muli %arg0, %mul3A_445 : i32
      %add3A_447 = vector.broadcast %mul3A_446 : i32 to vector<16xi32>
      %add3A_448 = arith.addi %get3A_444, %add3A_447 : vector<16xi32>
      %swap3A_449 = arith.constant 2 : i32
      %swap3A_450 = arith.index_cast %swap3A_449 : i32 to index
      %swap3A_451 = arith.constant 96 : index
      %swap3A_452 = tpu.vector_load %arg15[%swap3A_450, %swap3A_451] {strides = array<i32>} : memref<8x128xi32, #tpu.memory_space<vmem>>, vector<1x16xi32>,
      %swap3A_453 = vector.shape_cast %swap3A_452 : vector<1x16xi32> to vector<16xi32>
      %swap3A_454 = vector.shape_cast %add3A_448 : vector<16xi32> to vector<1x16xi32>
      tpu.vector_store %arg15[%swap3A_450, %swap3A_451], %swap3A_454 {strides = array<i32>} : memref<8x128xi32, #tpu.memory_space<vmem>>, vector<1x16xi32>,
      %get3A_455 = arith.constant 2 : i32
      %get3A_456 = arith.index_cast %get3A_455 : i32 to index
      %get3A_457 = arith.constant 112 : index
      %get3A_458 = tpu.vector_load %arg15[%get3A_456, %get3A_457] {strides = array<i32>} : memref<8x128xi32, #tpu.memory_space<vmem>>, vector<1x16xi32>,
      %get3A_459 = vector.shape_cast %get3A_458 : vector<1x16xi32> to vector<16xi32>
      %mul3A_460 = arith.constant 10000 : i32
      %mul3A_461 = arith.muli %arg0, %mul3A_460 : i32
      %add3A_462 = vector.broadcast %mul3A_461 : i32 to vector<16xi32>
      %add3A_463 = arith.addi %get3A_459, %add3A_462 : vector<16xi32>
      %swap3A_464 = arith.constant 2 : i32
      %swap3A_465 = arith.index_cast %swap3A_464 : i32 to index
      %swap3A_466 = arith.constant 112 : index
      %swap3A_467 = tpu.vector_load %arg15[%swap3A_465, %swap3A_466] {strides = array<i32>} : memref<8x128xi32, #tpu.memory_space<vmem>>, vector<1x16xi32>,
      %swap3A_468 = vector.shape_cast %swap3A_467 : vector<1x16xi32> to vector<16xi32>
      %swap3A_469 = vector.shape_cast %add3A_463 : vector<16xi32> to vector<1x16xi32>
      tpu.vector_store %arg15[%swap3A_465, %swap3A_466], %swap3A_469 {strides = array<i32>} : memref<8x128xi32, #tpu.memory_space<vmem>>, vector<1x16xi32>,
      %get3A_470 = arith.constant 3 : i32
      %get3A_471 = arith.index_cast %get3A_470 : i32 to index
      %get3A_472 = arith.constant 0 : index
      %get3A_473 = tpu.vector_load %arg15[%get3A_471, %get3A_472] {strides = array<i32>} : memref<8x128xi32, #tpu.memory_space<vmem>>, vector<1x16xi32>,
      %get3A_474 = vector.shape_cast %get3A_473 : vector<1x16xi32> to vector<16xi32>
      %mul3A_475 = arith.constant 10000 : i32
      %mul3A_476 = arith.muli %arg0, %mul3A_475 : i32
      %add3A_477 = vector.broadcast %mul3A_476 : i32 to vector<16xi32>
      %add3A_478 = arith.addi %get3A_474, %add3A_477 : vector<16xi32>
      %swap3A_479 = arith.constant 3 : i32
      %swap3A_480 = arith.index_cast %swap3A_479 : i32 to index
      %swap3A_481 = arith.constant 0 : index
      %swap3A_482 = tpu.vector_load %arg15[%swap3A_480, %swap3A_481] {strides = array<i32>} : memref<8x128xi32, #tpu.memory_space<vmem>>, vector<1x16xi32>,
      %swap3A_483 = vector.shape_cast %swap3A_482 : vector<1x16xi32> to vector<16xi32>
      %swap3A_484 = vector.shape_cast %add3A_478 : vector<16xi32> to vector<1x16xi32>
      tpu.vector_store %arg15[%swap3A_480, %swap3A_481], %swap3A_484 {strides = array<i32>} : memref<8x128xi32, #tpu.memory_space<vmem>>, vector<1x16xi32>,
      %get3A_485 = arith.constant 3 : i32
      %get3A_486 = arith.index_cast %get3A_485 : i32 to index
      %get3A_487 = arith.constant 16 : index
      %get3A_488 = tpu.vector_load %arg15[%get3A_486, %get3A_487] {strides = array<i32>} : memref<8x128xi32, #tpu.memory_space<vmem>>, vector<1x16xi32>,
      %get3A_489 = vector.shape_cast %get3A_488 : vector<1x16xi32> to vector<16xi32>
      %mul3A_490 = arith.constant 10000 : i32
      %mul3A_491 = arith.muli %arg0, %mul3A_490 : i32
      %add3A_492 = vector.broadcast %mul3A_491 : i32 to vector<16xi32>
      %add3A_493 = arith.addi %get3A_489, %add3A_492 : vector<16xi32>
      %swap3A_494 = arith.constant 3 : i32
      %swap3A_495 = arith.index_cast %swap3A_494 : i32 to index
      %swap3A_496 = arith.constant 16 : index
      %swap3A_497 = tpu.vector_load %arg15[%swap3A_495, %swap3A_496] {strides = array<i32>} : memref<8x128xi32, #tpu.memory_space<vmem>>, vector<1x16xi32>,
      %swap3A_498 = vector.shape_cast %swap3A_497 : vector<1x16xi32> to vector<16xi32>
      %swap3A_499 = vector.shape_cast %add3A_493 : vector<16xi32> to vector<1x16xi32>
      tpu.vector_store %arg15[%swap3A_495, %swap3A_496], %swap3A_499 {strides = array<i32>} : memref<8x128xi32, #tpu.memory_space<vmem>>, vector<1x16xi32>,
      %get3A_500 = arith.constant 3 : i32
      %get3A_501 = arith.index_cast %get3A_500 : i32 to index
      %get3A_502 = arith.constant 32 : index
      %get3A_503 = tpu.vector_load %arg15[%get3A_501, %get3A_502] {strides = array<i32>} : memref<8x128xi32, #tpu.memory_space<vmem>>, vector<1x16xi32>,
      %get3A_504 = vector.shape_cast %get3A_503 : vector<1x16xi32> to vector<16xi32>
      %mul3A_505 = arith.constant 10000 : i32
      %mul3A_506 = arith.muli %arg0, %mul3A_505 : i32
      %add3A_507 = vector.broadcast %mul3A_506 : i32 to vector<16xi32>
      %add3A_508 = arith.addi %get3A_504, %add3A_507 : vector<16xi32>
      %swap3A_509 = arith.constant 3 : i32
      %swap3A_510 = arith.index_cast %swap3A_509 : i32 to index
      %swap3A_511 = arith.constant 32 : index
      %swap3A_512 = tpu.vector_load %arg15[%swap3A_510, %swap3A_511] {strides = array<i32>} : memref<8x128xi32, #tpu.memory_space<vmem>>, vector<1x16xi32>,
      %swap3A_513 = vector.shape_cast %swap3A_512 : vector<1x16xi32> to vector<16xi32>
      %swap3A_514 = vector.shape_cast %add3A_508 : vector<16xi32> to vector<1x16xi32>
      tpu.vector_store %arg15[%swap3A_510, %swap3A_511], %swap3A_514 {strides = array<i32>} : memref<8x128xi32, #tpu.memory_space<vmem>>, vector<1x16xi32>,
      %get3A_515 = arith.constant 3 : i32
      %get3A_516 = arith.index_cast %get3A_515 : i32 to index
      %get3A_517 = arith.constant 48 : index
      %get3A_518 = tpu.vector_load %arg15[%get3A_516, %get3A_517] {strides = array<i32>} : memref<8x128xi32, #tpu.memory_space<vmem>>, vector<1x16xi32>,
      %get3A_519 = vector.shape_cast %get3A_518 : vector<1x16xi32> to vector<16xi32>
      %mul3A_520 = arith.constant 10000 : i32
      %mul3A_521 = arith.muli %arg0, %mul3A_520 : i32
      %add3A_522 = vector.broadcast %mul3A_521 : i32 to vector<16xi32>
      %add3A_523 = arith.addi %get3A_519, %add3A_522 : vector<16xi32>
      %swap3A_524 = arith.constant 3 : i32
      %swap3A_525 = arith.index_cast %swap3A_524 : i32 to index
      %swap3A_526 = arith.constant 48 : index
      %swap3A_527 = tpu.vector_load %arg15[%swap3A_525, %swap3A_526] {strides = array<i32>} : memref<8x128xi32, #tpu.memory_space<vmem>>, vector<1x16xi32>,
      %swap3A_528 = vector.shape_cast %swap3A_527 : vector<1x16xi32> to vector<16xi32>
      %swap3A_529 = vector.shape_cast %add3A_523 : vector<16xi32> to vector<1x16xi32>
      tpu.vector_store %arg15[%swap3A_525, %swap3A_526], %swap3A_529 {strides = array<i32>} : memref<8x128xi32, #tpu.memory_space<vmem>>, vector<1x16xi32>,
      %get3A_530 = arith.constant 3 : i32
      %get3A_531 = arith.index_cast %get3A_530 : i32 to index
      %get3A_532 = arith.constant 64 : index
      %get3A_533 = tpu.vector_load %arg15[%get3A_531, %get3A_532] {strides = array<i32>} : memref<8x128xi32, #tpu.memory_space<vmem>>, vector<1x16xi32>,
      %get3A_534 = vector.shape_cast %get3A_533 : vector<1x16xi32> to vector<16xi32>
      %mul3A_535 = arith.constant 10000 : i32
      %mul3A_536 = arith.muli %arg0, %mul3A_535 : i32
      %add3A_537 = vector.broadcast %mul3A_536 : i32 to vector<16xi32>
      %add3A_538 = arith.addi %get3A_534, %add3A_537 : vector<16xi32>
      %swap3A_539 = arith.constant 3 : i32
      %swap3A_540 = arith.index_cast %swap3A_539 : i32 to index
      %swap3A_541 = arith.constant 64 : index
      %swap3A_542 = tpu.vector_load %arg15[%swap3A_540, %swap3A_541] {strides = array<i32>} : memref<8x128xi32, #tpu.memory_space<vmem>>, vector<1x16xi32>,
      %swap3A_543 = vector.shape_cast %swap3A_542 : vector<1x16xi32> to vector<16xi32>
      %swap3A_544 = vector.shape_cast %add3A_538 : vector<16xi32> to vector<1x16xi32>
      tpu.vector_store %arg15[%swap3A_540, %swap3A_541], %swap3A_544 {strides = array<i32>} : memref<8x128xi32, #tpu.memory_space<vmem>>, vector<1x16xi32>,
      %get3A_545 = arith.constant 3 : i32
      %get3A_546 = arith.index_cast %get3A_545 : i32 to index
      %get3A_547 = arith.constant 80 : index
      %get3A_548 = tpu.vector_load %arg15[%get3A_546, %get3A_547] {strides = array<i32>} : memref<8x128xi32, #tpu.memory_space<vmem>>, vector<1x16xi32>,
      %get3A_549 = vector.shape_cast %get3A_548 : vector<1x16xi32> to vector<16xi32>
      %mul3A_550 = arith.constant 10000 : i32
      %mul3A_551 = arith.muli %arg0, %mul3A_550 : i32
      %add3A_552 = vector.broadcast %mul3A_551 : i32 to vector<16xi32>
      %add3A_553 = arith.addi %get3A_549, %add3A_552 : vector<16xi32>
      %swap3A_554 = arith.constant 3 : i32
      %swap3A_555 = arith.index_cast %swap3A_554 : i32 to index
      %swap3A_556 = arith.constant 80 : index
      %swap3A_557 = tpu.vector_load %arg15[%swap3A_555, %swap3A_556] {strides = array<i32>} : memref<8x128xi32, #tpu.memory_space<vmem>>, vector<1x16xi32>,
      %swap3A_558 = vector.shape_cast %swap3A_557 : vector<1x16xi32> to vector<16xi32>
      %swap3A_559 = vector.shape_cast %add3A_553 : vector<16xi32> to vector<1x16xi32>
      tpu.vector_store %arg15[%swap3A_555, %swap3A_556], %swap3A_559 {strides = array<i32>} : memref<8x128xi32, #tpu.memory_space<vmem>>, vector<1x16xi32>,
      %get3A_560 = arith.constant 3 : i32
      %get3A_561 = arith.index_cast %get3A_560 : i32 to index
      %get3A_562 = arith.constant 96 : index
      %get3A_563 = tpu.vector_load %arg15[%get3A_561, %get3A_562] {strides = array<i32>} : memref<8x128xi32, #tpu.memory_space<vmem>>, vector<1x16xi32>,
      %get3A_564 = vector.shape_cast %get3A_563 : vector<1x16xi32> to vector<16xi32>
      %mul3A_565 = arith.constant 10000 : i32
      %mul3A_566 = arith.muli %arg0, %mul3A_565 : i32
      %add3A_567 = vector.broadcast %mul3A_566 : i32 to vector<16xi32>
      %add3A_568 = arith.addi %get3A_564, %add3A_567 : vector<16xi32>
      %swap3A_569 = arith.constant 3 : i32
      %swap3A_570 = arith.index_cast %swap3A_569 : i32 to index
      %swap3A_571 = arith.constant 96 : index
      %swap3A_572 = tpu.vector_load %arg15[%swap3A_570, %swap3A_571] {strides = array<i32>} : memref<8x128xi32, #tpu.memory_space<vmem>>, vector<1x16xi32>,
      %swap3A_573 = vector.shape_cast %swap3A_572 : vector<1x16xi32> to vector<16xi32>
      %swap3A_574 = vector.shape_cast %add3A_568 : vector<16xi32> to vector<1x16xi32>
      tpu.vector_store %arg15[%swap3A_570, %swap3A_571], %swap3A_574 {strides = array<i32>} : memref<8x128xi32, #tpu.memory_space<vmem>>, vector<1x16xi32>,
      %get3A_575 = arith.constant 3 : i32
      %get3A_576 = arith.index_cast %get3A_575 : i32 to index
      %get3A_577 = arith.constant 112 : index
      %get3A_578 = tpu.vector_load %arg15[%get3A_576, %get3A_577] {strides = array<i32>} : memref<8x128xi32, #tpu.memory_space<vmem>>, vector<1x16xi32>,
      %get3A_579 = vector.shape_cast %get3A_578 : vector<1x16xi32> to vector<16xi32>
      %mul3A_580 = arith.constant 10000 : i32
      %mul3A_581 = arith.muli %arg0, %mul3A_580 : i32
      %add3A_582 = vector.broadcast %mul3A_581 : i32 to vector<16xi32>
      %add3A_583 = arith.addi %get3A_579, %add3A_582 : vector<16xi32>
      %swap3A_584 = arith.constant 3 : i32
      %swap3A_585 = arith.index_cast %swap3A_584 : i32 to index
      %swap3A_586 = arith.constant 112 : index
      %swap3A_587 = tpu.vector_load %arg15[%swap3A_585, %swap3A_586] {strides = array<i32>} : memref<8x128xi32, #tpu.memory_space<vmem>>, vector<1x16xi32>,
      %swap3A_588 = vector.shape_cast %swap3A_587 : vector<1x16xi32> to vector<16xi32>
      %swap3A_589 = vector.shape_cast %add3A_583 : vector<16xi32> to vector<1x16xi32>
      tpu.vector_store %arg15[%swap3A_585, %swap3A_586], %swap3A_589 {strides = array<i32>} : memref<8x128xi32, #tpu.memory_space<vmem>>, vector<1x16xi32>,
      %get3A_590 = arith.constant 4 : i32
      %get3A_591 = arith.index_cast %get3A_590 : i32 to index
      %get3A_592 = arith.constant 0 : index
      %get3A_593 = tpu.vector_load %arg15[%get3A_591, %get3A_592] {strides = array<i32>} : memref<8x128xi32, #tpu.memory_space<vmem>>, vector<1x16xi32>,
      %get3A_594 = vector.shape_cast %get3A_593 : vector<1x16xi32> to vector<16xi32>
      %mul3A_595 = arith.constant 10000 : i32
      %mul3A_596 = arith.muli %arg0, %mul3A_595 : i32
      %add3A_597 = vector.broadcast %mul3A_596 : i32 to vector<16xi32>
      %add3A_598 = arith.addi %get3A_594, %add3A_597 : vector<16xi32>
      %swap3A_599 = arith.constant 4 : i32
      %swap3A_600 = arith.index_cast %swap3A_599 : i32 to index
      %swap3A_601 = arith.constant 0 : index
      %swap3A_602 = tpu.vector_load %arg15[%swap3A_600, %swap3A_601] {strides = array<i32>} : memref<8x128xi32, #tpu.memory_space<vmem>>, vector<1x16xi32>,
      %swap3A_603 = vector.shape_cast %swap3A_602 : vector<1x16xi32> to vector<16xi32>
      %swap3A_604 = vector.shape_cast %add3A_598 : vector<16xi32> to vector<1x16xi32>
      tpu.vector_store %arg15[%swap3A_600, %swap3A_601], %swap3A_604 {strides = array<i32>} : memref<8x128xi32, #tpu.memory_space<vmem>>, vector<1x16xi32>,
      %get3A_605 = arith.constant 4 : i32
      %get3A_606 = arith.index_cast %get3A_605 : i32 to index
      %get3A_607 = arith.constant 16 : index
      %get3A_608 = tpu.vector_load %arg15[%get3A_606, %get3A_607] {strides = array<i32>} : memref<8x128xi32, #tpu.memory_space<vmem>>, vector<1x16xi32>,
      %get3A_609 = vector.shape_cast %get3A_608 : vector<1x16xi32> to vector<16xi32>
      %mul3A_610 = arith.constant 10000 : i32
      %mul3A_611 = arith.muli %arg0, %mul3A_610 : i32
      %add3A_612 = vector.broadcast %mul3A_611 : i32 to vector<16xi32>
      %add3A_613 = arith.addi %get3A_609, %add3A_612 : vector<16xi32>
      %swap3A_614 = arith.constant 4 : i32
      %swap3A_615 = arith.index_cast %swap3A_614 : i32 to index
      %swap3A_616 = arith.constant 16 : index
      %swap3A_617 = tpu.vector_load %arg15[%swap3A_615, %swap3A_616] {strides = array<i32>} : memref<8x128xi32, #tpu.memory_space<vmem>>, vector<1x16xi32>,
      %swap3A_618 = vector.shape_cast %swap3A_617 : vector<1x16xi32> to vector<16xi32>
      %swap3A_619 = vector.shape_cast %add3A_613 : vector<16xi32> to vector<1x16xi32>
      tpu.vector_store %arg15[%swap3A_615, %swap3A_616], %swap3A_619 {strides = array<i32>} : memref<8x128xi32, #tpu.memory_space<vmem>>, vector<1x16xi32>,
      %get3A_620 = arith.constant 4 : i32
      %get3A_621 = arith.index_cast %get3A_620 : i32 to index
      %get3A_622 = arith.constant 32 : index
      %get3A_623 = tpu.vector_load %arg15[%get3A_621, %get3A_622] {strides = array<i32>} : memref<8x128xi32, #tpu.memory_space<vmem>>, vector<1x16xi32>,
      %get3A_624 = vector.shape_cast %get3A_623 : vector<1x16xi32> to vector<16xi32>
      %mul3A_625 = arith.constant 10000 : i32
      %mul3A_626 = arith.muli %arg0, %mul3A_625 : i32
      %add3A_627 = vector.broadcast %mul3A_626 : i32 to vector<16xi32>
      %add3A_628 = arith.addi %get3A_624, %add3A_627 : vector<16xi32>
      %swap3A_629 = arith.constant 4 : i32
      %swap3A_630 = arith.index_cast %swap3A_629 : i32 to index
      %swap3A_631 = arith.constant 32 : index
      %swap3A_632 = tpu.vector_load %arg15[%swap3A_630, %swap3A_631] {strides = array<i32>} : memref<8x128xi32, #tpu.memory_space<vmem>>, vector<1x16xi32>,
      %swap3A_633 = vector.shape_cast %swap3A_632 : vector<1x16xi32> to vector<16xi32>
      %swap3A_634 = vector.shape_cast %add3A_628 : vector<16xi32> to vector<1x16xi32>
      tpu.vector_store %arg15[%swap3A_630, %swap3A_631], %swap3A_634 {strides = array<i32>} : memref<8x128xi32, #tpu.memory_space<vmem>>, vector<1x16xi32>,
      %get3A_635 = arith.constant 4 : i32
      %get3A_636 = arith.index_cast %get3A_635 : i32 to index
      %get3A_637 = arith.constant 48 : index
      %get3A_638 = tpu.vector_load %arg15[%get3A_636, %get3A_637] {strides = array<i32>} : memref<8x128xi32, #tpu.memory_space<vmem>>, vector<1x16xi32>,
      %get3A_639 = vector.shape_cast %get3A_638 : vector<1x16xi32> to vector<16xi32>
      %mul3A_640 = arith.constant 10000 : i32
      %mul3A_641 = arith.muli %arg0, %mul3A_640 : i32
      %add3A_642 = vector.broadcast %mul3A_641 : i32 to vector<16xi32>
      %add3A_643 = arith.addi %get3A_639, %add3A_642 : vector<16xi32>
      %swap3A_644 = arith.constant 4 : i32
      %swap3A_645 = arith.index_cast %swap3A_644 : i32 to index
      %swap3A_646 = arith.constant 48 : index
      %swap3A_647 = tpu.vector_load %arg15[%swap3A_645, %swap3A_646] {strides = array<i32>} : memref<8x128xi32, #tpu.memory_space<vmem>>, vector<1x16xi32>,
      %swap3A_648 = vector.shape_cast %swap3A_647 : vector<1x16xi32> to vector<16xi32>
      %swap3A_649 = vector.shape_cast %add3A_643 : vector<16xi32> to vector<1x16xi32>
      tpu.vector_store %arg15[%swap3A_645, %swap3A_646], %swap3A_649 {strides = array<i32>} : memref<8x128xi32, #tpu.memory_space<vmem>>, vector<1x16xi32>,
      %get3A_650 = arith.constant 4 : i32
      %get3A_651 = arith.index_cast %get3A_650 : i32 to index
      %get3A_652 = arith.constant 64 : index
      %get3A_653 = tpu.vector_load %arg15[%get3A_651, %get3A_652] {strides = array<i32>} : memref<8x128xi32, #tpu.memory_space<vmem>>, vector<1x16xi32>,
      %get3A_654 = vector.shape_cast %get3A_653 : vector<1x16xi32> to vector<16xi32>
      %mul3A_655 = arith.constant 10000 : i32
      %mul3A_656 = arith.muli %arg0, %mul3A_655 : i32
      %add3A_657 = vector.broadcast %mul3A_656 : i32 to vector<16xi32>
      %add3A_658 = arith.addi %get3A_654, %add3A_657 : vector<16xi32>
      %swap3A_659 = arith.constant 4 : i32
      %swap3A_660 = arith.index_cast %swap3A_659 : i32 to index
      %swap3A_661 = arith.constant 64 : index
      %swap3A_662 = tpu.vector_load %arg15[%swap3A_660, %swap3A_661] {strides = array<i32>} : memref<8x128xi32, #tpu.memory_space<vmem>>, vector<1x16xi32>,
      %swap3A_663 = vector.shape_cast %swap3A_662 : vector<1x16xi32> to vector<16xi32>
      %swap3A_664 = vector.shape_cast %add3A_658 : vector<16xi32> to vector<1x16xi32>
      tpu.vector_store %arg15[%swap3A_660, %swap3A_661], %swap3A_664 {strides = array<i32>} : memref<8x128xi32, #tpu.memory_space<vmem>>, vector<1x16xi32>,
      %get3A_665 = arith.constant 4 : i32
      %get3A_666 = arith.index_cast %get3A_665 : i32 to index
      %get3A_667 = arith.constant 80 : index
      %get3A_668 = tpu.vector_load %arg15[%get3A_666, %get3A_667] {strides = array<i32>} : memref<8x128xi32, #tpu.memory_space<vmem>>, vector<1x16xi32>,
      %get3A_669 = vector.shape_cast %get3A_668 : vector<1x16xi32> to vector<16xi32>
      %mul3A_670 = arith.constant 10000 : i32
      %mul3A_671 = arith.muli %arg0, %mul3A_670 : i32
      %add3A_672 = vector.broadcast %mul3A_671 : i32 to vector<16xi32>
      %add3A_673 = arith.addi %get3A_669, %add3A_672 : vector<16xi32>
      %swap3A_674 = arith.constant 4 : i32
      %swap3A_675 = arith.index_cast %swap3A_674 : i32 to index
      %swap3A_676 = arith.constant 80 : index
      %swap3A_677 = tpu.vector_load %arg15[%swap3A_675, %swap3A_676] {strides = array<i32>} : memref<8x128xi32, #tpu.memory_space<vmem>>, vector<1x16xi32>,
      %swap3A_678 = vector.shape_cast %swap3A_677 : vector<1x16xi32> to vector<16xi32>
      %swap3A_679 = vector.shape_cast %add3A_673 : vector<16xi32> to vector<1x16xi32>
      tpu.vector_store %arg15[%swap3A_675, %swap3A_676], %swap3A_679 {strides = array<i32>} : memref<8x128xi32, #tpu.memory_space<vmem>>, vector<1x16xi32>,
      %get3A_680 = arith.constant 4 : i32
      %get3A_681 = arith.index_cast %get3A_680 : i32 to index
      %get3A_682 = arith.constant 96 : index
      %get3A_683 = tpu.vector_load %arg15[%get3A_681, %get3A_682] {strides = array<i32>} : memref<8x128xi32, #tpu.memory_space<vmem>>, vector<1x16xi32>,
      %get3A_684 = vector.shape_cast %get3A_683 : vector<1x16xi32> to vector<16xi32>
      %mul3A_685 = arith.constant 10000 : i32
      %mul3A_686 = arith.muli %arg0, %mul3A_685 : i32
      %add3A_687 = vector.broadcast %mul3A_686 : i32 to vector<16xi32>
      %add3A_688 = arith.addi %get3A_684, %add3A_687 : vector<16xi32>
      %swap3A_689 = arith.constant 4 : i32
      %swap3A_690 = arith.index_cast %swap3A_689 : i32 to index
      %swap3A_691 = arith.constant 96 : index
      %swap3A_692 = tpu.vector_load %arg15[%swap3A_690, %swap3A_691] {strides = array<i32>} : memref<8x128xi32, #tpu.memory_space<vmem>>, vector<1x16xi32>,
      %swap3A_693 = vector.shape_cast %swap3A_692 : vector<1x16xi32> to vector<16xi32>
      %swap3A_694 = vector.shape_cast %add3A_688 : vector<16xi32> to vector<1x16xi32>
      tpu.vector_store %arg15[%swap3A_690, %swap3A_691], %swap3A_694 {strides = array<i32>} : memref<8x128xi32, #tpu.memory_space<vmem>>, vector<1x16xi32>,
      %get3A_695 = arith.constant 4 : i32
      %get3A_696 = arith.index_cast %get3A_695 : i32 to index
      %get3A_697 = arith.constant 112 : index
      %get3A_698 = tpu.vector_load %arg15[%get3A_696, %get3A_697] {strides = array<i32>} : memref<8x128xi32, #tpu.memory_space<vmem>>, vector<1x16xi32>,
      %get3A_699 = vector.shape_cast %get3A_698 : vector<1x16xi32> to vector<16xi32>
      %mul3A_700 = arith.constant 10000 : i32
      %mul3A_701 = arith.muli %arg0, %mul3A_700 : i32
      %add3A_702 = vector.broadcast %mul3A_701 : i32 to vector<16xi32>
      %add3A_703 = arith.addi %get3A_699, %add3A_702 : vector<16xi32>
      %swap3A_704 = arith.constant 4 : i32
      %swap3A_705 = arith.index_cast %swap3A_704 : i32 to index
      %swap3A_706 = arith.constant 112 : index
      %swap3A_707 = tpu.vector_load %arg15[%swap3A_705, %swap3A_706] {strides = array<i32>} : memref<8x128xi32, #tpu.memory_space<vmem>>, vector<1x16xi32>,
      %swap3A_708 = vector.shape_cast %swap3A_707 : vector<1x16xi32> to vector<16xi32>
      %swap3A_709 = vector.shape_cast %add3A_703 : vector<16xi32> to vector<1x16xi32>
      tpu.vector_store %arg15[%swap3A_705, %swap3A_706], %swap3A_709 {strides = array<i32>} : memref<8x128xi32, #tpu.memory_space<vmem>>, vector<1x16xi32>,
      %get3A_710 = arith.constant 5 : i32
      %get3A_711 = arith.index_cast %get3A_710 : i32 to index
      %get3A_712 = arith.constant 0 : index
      %get3A_713 = tpu.vector_load %arg15[%get3A_711, %get3A_712] {strides = array<i32>} : memref<8x128xi32, #tpu.memory_space<vmem>>, vector<1x16xi32>,
      %get3A_714 = vector.shape_cast %get3A_713 : vector<1x16xi32> to vector<16xi32>
      %mul3A_715 = arith.constant 10000 : i32
      %mul3A_716 = arith.muli %arg0, %mul3A_715 : i32
      %add3A_717 = vector.broadcast %mul3A_716 : i32 to vector<16xi32>
      %add3A_718 = arith.addi %get3A_714, %add3A_717 : vector<16xi32>
      %swap3A_719 = arith.constant 5 : i32
      %swap3A_720 = arith.index_cast %swap3A_719 : i32 to index
      %swap3A_721 = arith.constant 0 : index
      %swap3A_722 = tpu.vector_load %arg15[%swap3A_720, %swap3A_721] {strides = array<i32>} : memref<8x128xi32, #tpu.memory_space<vmem>>, vector<1x16xi32>,
      %swap3A_723 = vector.shape_cast %swap3A_722 : vector<1x16xi32> to vector<16xi32>
      %swap3A_724 = vector.shape_cast %add3A_718 : vector<16xi32> to vector<1x16xi32>
      tpu.vector_store %arg15[%swap3A_720, %swap3A_721], %swap3A_724 {strides = array<i32>} : memref<8x128xi32, #tpu.memory_space<vmem>>, vector<1x16xi32>,
      %get3A_725 = arith.constant 5 : i32
      %get3A_726 = arith.index_cast %get3A_725 : i32 to index
      %get3A_727 = arith.constant 16 : index
      %get3A_728 = tpu.vector_load %arg15[%get3A_726, %get3A_727] {strides = array<i32>} : memref<8x128xi32, #tpu.memory_space<vmem>>, vector<1x16xi32>,
      %get3A_729 = vector.shape_cast %get3A_728 : vector<1x16xi32> to vector<16xi32>
      %mul3A_730 = arith.constant 10000 : i32
      %mul3A_731 = arith.muli %arg0, %mul3A_730 : i32
      %add3A_732 = vector.broadcast %mul3A_731 : i32 to vector<16xi32>
      %add3A_733 = arith.addi %get3A_729, %add3A_732 : vector<16xi32>
      %swap3A_734 = arith.constant 5 : i32
      %swap3A_735 = arith.index_cast %swap3A_734 : i32 to index
      %swap3A_736 = arith.constant 16 : index
      %swap3A_737 = tpu.vector_load %arg15[%swap3A_735, %swap3A_736] {strides = array<i32>} : memref<8x128xi32, #tpu.memory_space<vmem>>, vector<1x16xi32>,
      %swap3A_738 = vector.shape_cast %swap3A_737 : vector<1x16xi32> to vector<16xi32>
      %swap3A_739 = vector.shape_cast %add3A_733 : vector<16xi32> to vector<1x16xi32>
      tpu.vector_store %arg15[%swap3A_735, %swap3A_736], %swap3A_739 {strides = array<i32>} : memref<8x128xi32, #tpu.memory_space<vmem>>, vector<1x16xi32>,
      %get3A_740 = arith.constant 5 : i32
      %get3A_741 = arith.index_cast %get3A_740 : i32 to index
      %get3A_742 = arith.constant 32 : index
      %get3A_743 = tpu.vector_load %arg15[%get3A_741, %get3A_742] {strides = array<i32>} : memref<8x128xi32, #tpu.memory_space<vmem>>, vector<1x16xi32>,
      %get3A_744 = vector.shape_cast %get3A_743 : vector<1x16xi32> to vector<16xi32>
      %mul3A_745 = arith.constant 10000 : i32
      %mul3A_746 = arith.muli %arg0, %mul3A_745 : i32
      %add3A_747 = vector.broadcast %mul3A_746 : i32 to vector<16xi32>
      %add3A_748 = arith.addi %get3A_744, %add3A_747 : vector<16xi32>
      %swap3A_749 = arith.constant 5 : i32
      %swap3A_750 = arith.index_cast %swap3A_749 : i32 to index
      %swap3A_751 = arith.constant 32 : index
      %swap3A_752 = tpu.vector_load %arg15[%swap3A_750, %swap3A_751] {strides = array<i32>} : memref<8x128xi32, #tpu.memory_space<vmem>>, vector<1x16xi32>,
      %swap3A_753 = vector.shape_cast %swap3A_752 : vector<1x16xi32> to vector<16xi32>
      %swap3A_754 = vector.shape_cast %add3A_748 : vector<16xi32> to vector<1x16xi32>
      tpu.vector_store %arg15[%swap3A_750, %swap3A_751], %swap3A_754 {strides = array<i32>} : memref<8x128xi32, #tpu.memory_space<vmem>>, vector<1x16xi32>,
      %get3A_755 = arith.constant 5 : i32
      %get3A_756 = arith.index_cast %get3A_755 : i32 to index
      %get3A_757 = arith.constant 48 : index
      %get3A_758 = tpu.vector_load %arg15[%get3A_756, %get3A_757] {strides = array<i32>} : memref<8x128xi32, #tpu.memory_space<vmem>>, vector<1x16xi32>,
      %get3A_759 = vector.shape_cast %get3A_758 : vector<1x16xi32> to vector<16xi32>
      %mul3A_760 = arith.constant 10000 : i32
      %mul3A_761 = arith.muli %arg0, %mul3A_760 : i32
      %add3A_762 = vector.broadcast %mul3A_761 : i32 to vector<16xi32>
      %add3A_763 = arith.addi %get3A_759, %add3A_762 : vector<16xi32>
      %swap3A_764 = arith.constant 5 : i32
      %swap3A_765 = arith.index_cast %swap3A_764 : i32 to index
      %swap3A_766 = arith.constant 48 : index
      %swap3A_767 = tpu.vector_load %arg15[%swap3A_765, %swap3A_766] {strides = array<i32>} : memref<8x128xi32, #tpu.memory_space<vmem>>, vector<1x16xi32>,
      %swap3A_768 = vector.shape_cast %swap3A_767 : vector<1x16xi32> to vector<16xi32>
      %swap3A_769 = vector.shape_cast %add3A_763 : vector<16xi32> to vector<1x16xi32>
      tpu.vector_store %arg15[%swap3A_765, %swap3A_766], %swap3A_769 {strides = array<i32>} : memref<8x128xi32, #tpu.memory_space<vmem>>, vector<1x16xi32>,
      %get3A_770 = arith.constant 5 : i32
      %get3A_771 = arith.index_cast %get3A_770 : i32 to index
      %get3A_772 = arith.constant 64 : index
      %get3A_773 = tpu.vector_load %arg15[%get3A_771, %get3A_772] {strides = array<i32>} : memref<8x128xi32, #tpu.memory_space<vmem>>, vector<1x16xi32>,
      %get3A_774 = vector.shape_cast %get3A_773 : vector<1x16xi32> to vector<16xi32>
      %mul3A_775 = arith.constant 10000 : i32
      %mul3A_776 = arith.muli %arg0, %mul3A_775 : i32
      %add3A_777 = vector.broadcast %mul3A_776 : i32 to vector<16xi32>
      %add3A_778 = arith.addi %get3A_774, %add3A_777 : vector<16xi32>
      %swap3A_779 = arith.constant 5 : i32
      %swap3A_780 = arith.index_cast %swap3A_779 : i32 to index
      %swap3A_781 = arith.constant 64 : index
      %swap3A_782 = tpu.vector_load %arg15[%swap3A_780, %swap3A_781] {strides = array<i32>} : memref<8x128xi32, #tpu.memory_space<vmem>>, vector<1x16xi32>,
      %swap3A_783 = vector.shape_cast %swap3A_782 : vector<1x16xi32> to vector<16xi32>
      %swap3A_784 = vector.shape_cast %add3A_778 : vector<16xi32> to vector<1x16xi32>
      tpu.vector_store %arg15[%swap3A_780, %swap3A_781], %swap3A_784 {strides = array<i32>} : memref<8x128xi32, #tpu.memory_space<vmem>>, vector<1x16xi32>,
      %get3A_785 = arith.constant 5 : i32
      %get3A_786 = arith.index_cast %get3A_785 : i32 to index
      %get3A_787 = arith.constant 80 : index
      %get3A_788 = tpu.vector_load %arg15[%get3A_786, %get3A_787] {strides = array<i32>} : memref<8x128xi32, #tpu.memory_space<vmem>>, vector<1x16xi32>,
      %get3A_789 = vector.shape_cast %get3A_788 : vector<1x16xi32> to vector<16xi32>
      %mul3A_790 = arith.constant 10000 : i32
      %mul3A_791 = arith.muli %arg0, %mul3A_790 : i32
      %add3A_792 = vector.broadcast %mul3A_791 : i32 to vector<16xi32>
      %add3A_793 = arith.addi %get3A_789, %add3A_792 : vector<16xi32>
      %swap3A_794 = arith.constant 5 : i32
      %swap3A_795 = arith.index_cast %swap3A_794 : i32 to index
      %swap3A_796 = arith.constant 80 : index
      %swap3A_797 = tpu.vector_load %arg15[%swap3A_795, %swap3A_796] {strides = array<i32>} : memref<8x128xi32, #tpu.memory_space<vmem>>, vector<1x16xi32>,
      %swap3A_798 = vector.shape_cast %swap3A_797 : vector<1x16xi32> to vector<16xi32>
      %swap3A_799 = vector.shape_cast %add3A_793 : vector<16xi32> to vector<1x16xi32>
      tpu.vector_store %arg15[%swap3A_795, %swap3A_796], %swap3A_799 {strides = array<i32>} : memref<8x128xi32, #tpu.memory_space<vmem>>, vector<1x16xi32>,
      %get3A_800 = arith.constant 5 : i32
      %get3A_801 = arith.index_cast %get3A_800 : i32 to index
      %get3A_802 = arith.constant 96 : index
      %get3A_803 = tpu.vector_load %arg15[%get3A_801, %get3A_802] {strides = array<i32>} : memref<8x128xi32, #tpu.memory_space<vmem>>, vector<1x16xi32>,
      %get3A_804 = vector.shape_cast %get3A_803 : vector<1x16xi32> to vector<16xi32>
      %mul3A_805 = arith.constant 10000 : i32
      %mul3A_806 = arith.muli %arg0, %mul3A_805 : i32
      %add3A_807 = vector.broadcast %mul3A_806 : i32 to vector<16xi32>
      %add3A_808 = arith.addi %get3A_804, %add3A_807 : vector<16xi32>
      %swap3A_809 = arith.constant 5 : i32
      %swap3A_810 = arith.index_cast %swap3A_809 : i32 to index
      %swap3A_811 = arith.constant 96 : index
      %swap3A_812 = tpu.vector_load %arg15[%swap3A_810, %swap3A_811] {strides = array<i32>} : memref<8x128xi32, #tpu.memory_space<vmem>>, vector<1x16xi32>,
      %swap3A_813 = vector.shape_cast %swap3A_812 : vector<1x16xi32> to vector<16xi32>
      %swap3A_814 = vector.shape_cast %add3A_808 : vector<16xi32> to vector<1x16xi32>
      tpu.vector_store %arg15[%swap3A_810, %swap3A_811], %swap3A_814 {strides = array<i32>} : memref<8x128xi32, #tpu.memory_space<vmem>>, vector<1x16xi32>,
      %get3A_815 = arith.constant 5 : i32
      %get3A_816 = arith.index_cast %get3A_815 : i32 to index
      %get3A_817 = arith.constant 112 : index
      %get3A_818 = tpu.vector_load %arg15[%get3A_816, %get3A_817] {strides = array<i32>} : memref<8x128xi32, #tpu.memory_space<vmem>>, vector<1x16xi32>,
      %get3A_819 = vector.shape_cast %get3A_818 : vector<1x16xi32> to vector<16xi32>
      %mul3A_820 = arith.constant 10000 : i32
      %mul3A_821 = arith.muli %arg0, %mul3A_820 : i32
      %add3A_822 = vector.broadcast %mul3A_821 : i32 to vector<16xi32>
      %add3A_823 = arith.addi %get3A_819, %add3A_822 : vector<16xi32>
      %swap3A_824 = arith.constant 5 : i32
      %swap3A_825 = arith.index_cast %swap3A_824 : i32 to index
      %swap3A_826 = arith.constant 112 : index
      %swap3A_827 = tpu.vector_load %arg15[%swap3A_825, %swap3A_826] {strides = array<i32>} : memref<8x128xi32, #tpu.memory_space<vmem>>, vector<1x16xi32>,
      %swap3A_828 = vector.shape_cast %swap3A_827 : vector<1x16xi32> to vector<16xi32>
      %swap3A_829 = vector.shape_cast %add3A_823 : vector<16xi32> to vector<1x16xi32>
      tpu.vector_store %arg15[%swap3A_825, %swap3A_826], %swap3A_829 {strides = array<i32>} : memref<8x128xi32, #tpu.memory_space<vmem>>, vector<1x16xi32>,
      %get3A_830 = arith.constant 6 : i32
      %get3A_831 = arith.index_cast %get3A_830 : i32 to index
      %get3A_832 = arith.constant 0 : index
      %get3A_833 = tpu.vector_load %arg15[%get3A_831, %get3A_832] {strides = array<i32>} : memref<8x128xi32, #tpu.memory_space<vmem>>, vector<1x16xi32>,
      %get3A_834 = vector.shape_cast %get3A_833 : vector<1x16xi32> to vector<16xi32>
      %mul3A_835 = arith.constant 10000 : i32
      %mul3A_836 = arith.muli %arg0, %mul3A_835 : i32
      %add3A_837 = vector.broadcast %mul3A_836 : i32 to vector<16xi32>
      %add3A_838 = arith.addi %get3A_834, %add3A_837 : vector<16xi32>
      %swap3A_839 = arith.constant 6 : i32
      %swap3A_840 = arith.index_cast %swap3A_839 : i32 to index
      %swap3A_841 = arith.constant 0 : index
      %swap3A_842 = tpu.vector_load %arg15[%swap3A_840, %swap3A_841] {strides = array<i32>} : memref<8x128xi32, #tpu.memory_space<vmem>>, vector<1x16xi32>,
      %swap3A_843 = vector.shape_cast %swap3A_842 : vector<1x16xi32> to vector<16xi32>
      %swap3A_844 = vector.shape_cast %add3A_838 : vector<16xi32> to vector<1x16xi32>
      tpu.vector_store %arg15[%swap3A_840, %swap3A_841], %swap3A_844 {strides = array<i32>} : memref<8x128xi32, #tpu.memory_space<vmem>>, vector<1x16xi32>,
      %get3A_845 = arith.constant 6 : i32
      %get3A_846 = arith.index_cast %get3A_845 : i32 to index
      %get3A_847 = arith.constant 16 : index
      %get3A_848 = tpu.vector_load %arg15[%get3A_846, %get3A_847] {strides = array<i32>} : memref<8x128xi32, #tpu.memory_space<vmem>>, vector<1x16xi32>,
      %get3A_849 = vector.shape_cast %get3A_848 : vector<1x16xi32> to vector<16xi32>
      %mul3A_850 = arith.constant 10000 : i32
      %mul3A_851 = arith.muli %arg0, %mul3A_850 : i32
      %add3A_852 = vector.broadcast %mul3A_851 : i32 to vector<16xi32>
      %add3A_853 = arith.addi %get3A_849, %add3A_852 : vector<16xi32>
      %swap3A_854 = arith.constant 6 : i32
      %swap3A_855 = arith.index_cast %swap3A_854 : i32 to index
      %swap3A_856 = arith.constant 16 : index
      %swap3A_857 = tpu.vector_load %arg15[%swap3A_855, %swap3A_856] {strides = array<i32>} : memref<8x128xi32, #tpu.memory_space<vmem>>, vector<1x16xi32>,
      %swap3A_858 = vector.shape_cast %swap3A_857 : vector<1x16xi32> to vector<16xi32>
      %swap3A_859 = vector.shape_cast %add3A_853 : vector<16xi32> to vector<1x16xi32>
      tpu.vector_store %arg15[%swap3A_855, %swap3A_856], %swap3A_859 {strides = array<i32>} : memref<8x128xi32, #tpu.memory_space<vmem>>, vector<1x16xi32>,
      %get3A_860 = arith.constant 6 : i32
      %get3A_861 = arith.index_cast %get3A_860 : i32 to index
      %get3A_862 = arith.constant 32 : index
      %get3A_863 = tpu.vector_load %arg15[%get3A_861, %get3A_862] {strides = array<i32>} : memref<8x128xi32, #tpu.memory_space<vmem>>, vector<1x16xi32>,
      %get3A_864 = vector.shape_cast %get3A_863 : vector<1x16xi32> to vector<16xi32>
      %mul3A_865 = arith.constant 10000 : i32
      %mul3A_866 = arith.muli %arg0, %mul3A_865 : i32
      %add3A_867 = vector.broadcast %mul3A_866 : i32 to vector<16xi32>
      %add3A_868 = arith.addi %get3A_864, %add3A_867 : vector<16xi32>
      %swap3A_869 = arith.constant 6 : i32
      %swap3A_870 = arith.index_cast %swap3A_869 : i32 to index
      %swap3A_871 = arith.constant 32 : index
      %swap3A_872 = tpu.vector_load %arg15[%swap3A_870, %swap3A_871] {strides = array<i32>} : memref<8x128xi32, #tpu.memory_space<vmem>>, vector<1x16xi32>,
      %swap3A_873 = vector.shape_cast %swap3A_872 : vector<1x16xi32> to vector<16xi32>
      %swap3A_874 = vector.shape_cast %add3A_868 : vector<16xi32> to vector<1x16xi32>
      tpu.vector_store %arg15[%swap3A_870, %swap3A_871], %swap3A_874 {strides = array<i32>} : memref<8x128xi32, #tpu.memory_space<vmem>>, vector<1x16xi32>,
      %get3A_875 = arith.constant 6 : i32
      %get3A_876 = arith.index_cast %get3A_875 : i32 to index
      %get3A_877 = arith.constant 48 : index
      %get3A_878 = tpu.vector_load %arg15[%get3A_876, %get3A_877] {strides = array<i32>} : memref<8x128xi32, #tpu.memory_space<vmem>>, vector<1x16xi32>,
      %get3A_879 = vector.shape_cast %get3A_878 : vector<1x16xi32> to vector<16xi32>
      %mul3A_880 = arith.constant 10000 : i32
      %mul3A_881 = arith.muli %arg0, %mul3A_880 : i32
      %add3A_882 = vector.broadcast %mul3A_881 : i32 to vector<16xi32>
      %add3A_883 = arith.addi %get3A_879, %add3A_882 : vector<16xi32>
      %swap3A_884 = arith.constant 6 : i32
      %swap3A_885 = arith.index_cast %swap3A_884 : i32 to index
      %swap3A_886 = arith.constant 48 : index
      %swap3A_887 = tpu.vector_load %arg15[%swap3A_885, %swap3A_886] {strides = array<i32>} : memref<8x128xi32, #tpu.memory_space<vmem>>, vector<1x16xi32>,
      %swap3A_888 = vector.shape_cast %swap3A_887 : vector<1x16xi32> to vector<16xi32>
      %swap3A_889 = vector.shape_cast %add3A_883 : vector<16xi32> to vector<1x16xi32>
      tpu.vector_store %arg15[%swap3A_885, %swap3A_886], %swap3A_889 {strides = array<i32>} : memref<8x128xi32, #tpu.memory_space<vmem>>, vector<1x16xi32>,
      %get3A_890 = arith.constant 6 : i32
      %get3A_891 = arith.index_cast %get3A_890 : i32 to index
      %get3A_892 = arith.constant 64 : index
      %get3A_893 = tpu.vector_load %arg15[%get3A_891, %get3A_892] {strides = array<i32>} : memref<8x128xi32, #tpu.memory_space<vmem>>, vector<1x16xi32>,
      %get3A_894 = vector.shape_cast %get3A_893 : vector<1x16xi32> to vector<16xi32>
      %mul3A_895 = arith.constant 10000 : i32
      %mul3A_896 = arith.muli %arg0, %mul3A_895 : i32
      %add3A_897 = vector.broadcast %mul3A_896 : i32 to vector<16xi32>
      %add3A_898 = arith.addi %get3A_894, %add3A_897 : vector<16xi32>
      %swap3A_899 = arith.constant 6 : i32
      %swap3A_900 = arith.index_cast %swap3A_899 : i32 to index
      %swap3A_901 = arith.constant 64 : index
      %swap3A_902 = tpu.vector_load %arg15[%swap3A_900, %swap3A_901] {strides = array<i32>} : memref<8x128xi32, #tpu.memory_space<vmem>>, vector<1x16xi32>,
      %swap3A_903 = vector.shape_cast %swap3A_902 : vector<1x16xi32> to vector<16xi32>
      %swap3A_904 = vector.shape_cast %add3A_898 : vector<16xi32> to vector<1x16xi32>
      tpu.vector_store %arg15[%swap3A_900, %swap3A_901], %swap3A_904 {strides = array<i32>} : memref<8x128xi32, #tpu.memory_space<vmem>>, vector<1x16xi32>,
      %get3A_905 = arith.constant 6 : i32
      %get3A_906 = arith.index_cast %get3A_905 : i32 to index
      %get3A_907 = arith.constant 80 : index
      %get3A_908 = tpu.vector_load %arg15[%get3A_906, %get3A_907] {strides = array<i32>} : memref<8x128xi32, #tpu.memory_space<vmem>>, vector<1x16xi32>,
      %get3A_909 = vector.shape_cast %get3A_908 : vector<1x16xi32> to vector<16xi32>
      %mul3A_910 = arith.constant 10000 : i32
      %mul3A_911 = arith.muli %arg0, %mul3A_910 : i32
      %add3A_912 = vector.broadcast %mul3A_911 : i32 to vector<16xi32>
      %add3A_913 = arith.addi %get3A_909, %add3A_912 : vector<16xi32>
      %swap3A_914 = arith.constant 6 : i32
      %swap3A_915 = arith.index_cast %swap3A_914 : i32 to index
      %swap3A_916 = arith.constant 80 : index
      %swap3A_917 = tpu.vector_load %arg15[%swap3A_915, %swap3A_916] {strides = array<i32>} : memref<8x128xi32, #tpu.memory_space<vmem>>, vector<1x16xi32>,
      %swap3A_918 = vector.shape_cast %swap3A_917 : vector<1x16xi32> to vector<16xi32>
      %swap3A_919 = vector.shape_cast %add3A_913 : vector<16xi32> to vector<1x16xi32>
      tpu.vector_store %arg15[%swap3A_915, %swap3A_916], %swap3A_919 {strides = array<i32>} : memref<8x128xi32, #tpu.memory_space<vmem>>, vector<1x16xi32>,
      %get3A_920 = arith.constant 6 : i32
      %get3A_921 = arith.index_cast %get3A_920 : i32 to index
      %get3A_922 = arith.constant 96 : index
      %get3A_923 = tpu.vector_load %arg15[%get3A_921, %get3A_922] {strides = array<i32>} : memref<8x128xi32, #tpu.memory_space<vmem>>, vector<1x16xi32>,
      %get3A_924 = vector.shape_cast %get3A_923 : vector<1x16xi32> to vector<16xi32>
      %mul3A_925 = arith.constant 10000 : i32
      %mul3A_926 = arith.muli %arg0, %mul3A_925 : i32
      %add3A_927 = vector.broadcast %mul3A_926 : i32 to vector<16xi32>
      %add3A_928 = arith.addi %get3A_924, %add3A_927 : vector<16xi32>
      %swap3A_929 = arith.constant 6 : i32
      %swap3A_930 = arith.index_cast %swap3A_929 : i32 to index
      %swap3A_931 = arith.constant 96 : index
      %swap3A_932 = tpu.vector_load %arg15[%swap3A_930, %swap3A_931] {strides = array<i32>} : memref<8x128xi32, #tpu.memory_space<vmem>>, vector<1x16xi32>,
      %swap3A_933 = vector.shape_cast %swap3A_932 : vector<1x16xi32> to vector<16xi32>
      %swap3A_934 = vector.shape_cast %add3A_928 : vector<16xi32> to vector<1x16xi32>
      tpu.vector_store %arg15[%swap3A_930, %swap3A_931], %swap3A_934 {strides = array<i32>} : memref<8x128xi32, #tpu.memory_space<vmem>>, vector<1x16xi32>,
      %get3A_935 = arith.constant 6 : i32
      %get3A_936 = arith.index_cast %get3A_935 : i32 to index
      %get3A_937 = arith.constant 112 : index
      %get3A_938 = tpu.vector_load %arg15[%get3A_936, %get3A_937] {strides = array<i32>} : memref<8x128xi32, #tpu.memory_space<vmem>>, vector<1x16xi32>,
      %get3A_939 = vector.shape_cast %get3A_938 : vector<1x16xi32> to vector<16xi32>
      %mul3A_940 = arith.constant 10000 : i32
      %mul3A_941 = arith.muli %arg0, %mul3A_940 : i32
      %add3A_942 = vector.broadcast %mul3A_941 : i32 to vector<16xi32>
      %add3A_943 = arith.addi %get3A_939, %add3A_942 : vector<16xi32>
      %swap3A_944 = arith.constant 6 : i32
      %swap3A_945 = arith.index_cast %swap3A_944 : i32 to index
      %swap3A_946 = arith.constant 112 : index
      %swap3A_947 = tpu.vector_load %arg15[%swap3A_945, %swap3A_946] {strides = array<i32>} : memref<8x128xi32, #tpu.memory_space<vmem>>, vector<1x16xi32>,
      %swap3A_948 = vector.shape_cast %swap3A_947 : vector<1x16xi32> to vector<16xi32>
      %swap3A_949 = vector.shape_cast %add3A_943 : vector<16xi32> to vector<1x16xi32>
      tpu.vector_store %arg15[%swap3A_945, %swap3A_946], %swap3A_949 {strides = array<i32>} : memref<8x128xi32, #tpu.memory_space<vmem>>, vector<1x16xi32>,
      %get3A_950 = arith.constant 7 : i32
      %get3A_951 = arith.index_cast %get3A_950 : i32 to index
      %get3A_952 = arith.constant 0 : index
      %get3A_953 = tpu.vector_load %arg15[%get3A_951, %get3A_952] {strides = array<i32>} : memref<8x128xi32, #tpu.memory_space<vmem>>, vector<1x16xi32>,
      %get3A_954 = vector.shape_cast %get3A_953 : vector<1x16xi32> to vector<16xi32>
      %mul3A_955 = arith.constant 10000 : i32
      %mul3A_956 = arith.muli %arg0, %mul3A_955 : i32
      %add3A_957 = vector.broadcast %mul3A_956 : i32 to vector<16xi32>
      %add3A_958 = arith.addi %get3A_954, %add3A_957 : vector<16xi32>
      %swap3A_959 = arith.constant 7 : i32
      %swap3A_960 = arith.index_cast %swap3A_959 : i32 to index
      %swap3A_961 = arith.constant 0 : index
      %swap3A_962 = tpu.vector_load %arg15[%swap3A_960, %swap3A_961] {strides = array<i32>} : memref<8x128xi32, #tpu.memory_space<vmem>>, vector<1x16xi32>,
      %swap3A_963 = vector.shape_cast %swap3A_962 : vector<1x16xi32> to vector<16xi32>
      %swap3A_964 = vector.shape_cast %add3A_958 : vector<16xi32> to vector<1x16xi32>
      tpu.vector_store %arg15[%swap3A_960, %swap3A_961], %swap3A_964 {strides = array<i32>} : memref<8x128xi32, #tpu.memory_space<vmem>>, vector<1x16xi32>,
      %get3A_965 = arith.constant 7 : i32
      %get3A_966 = arith.index_cast %get3A_965 : i32 to index
      %get3A_967 = arith.constant 16 : index
      %get3A_968 = tpu.vector_load %arg15[%get3A_966, %get3A_967] {strides = array<i32>} : memref<8x128xi32, #tpu.memory_space<vmem>>, vector<1x16xi32>,
      %get3A_969 = vector.shape_cast %get3A_968 : vector<1x16xi32> to vector<16xi32>
      %mul3A_970 = arith.constant 10000 : i32
      %mul3A_971 = arith.muli %arg0, %mul3A_970 : i32
      %add3A_972 = vector.broadcast %mul3A_971 : i32 to vector<16xi32>
      %add3A_973 = arith.addi %get3A_969, %add3A_972 : vector<16xi32>
      %swap3A_974 = arith.constant 7 : i32
      %swap3A_975 = arith.index_cast %swap3A_974 : i32 to index
      %swap3A_976 = arith.constant 16 : index
      %swap3A_977 = tpu.vector_load %arg15[%swap3A_975, %swap3A_976] {strides = array<i32>} : memref<8x128xi32, #tpu.memory_space<vmem>>, vector<1x16xi32>,
      %swap3A_978 = vector.shape_cast %swap3A_977 : vector<1x16xi32> to vector<16xi32>
      %swap3A_979 = vector.shape_cast %add3A_973 : vector<16xi32> to vector<1x16xi32>
      tpu.vector_store %arg15[%swap3A_975, %swap3A_976], %swap3A_979 {strides = array<i32>} : memref<8x128xi32, #tpu.memory_space<vmem>>, vector<1x16xi32>,
      %get3A_980 = arith.constant 7 : i32
      %get3A_981 = arith.index_cast %get3A_980 : i32 to index
      %get3A_982 = arith.constant 32 : index
      %get3A_983 = tpu.vector_load %arg15[%get3A_981, %get3A_982] {strides = array<i32>} : memref<8x128xi32, #tpu.memory_space<vmem>>, vector<1x16xi32>,
      %get3A_984 = vector.shape_cast %get3A_983 : vector<1x16xi32> to vector<16xi32>
      %mul3A_985 = arith.constant 10000 : i32
      %mul3A_986 = arith.muli %arg0, %mul3A_985 : i32
      %add3A_987 = vector.broadcast %mul3A_986 : i32 to vector<16xi32>
      %add3A_988 = arith.addi %get3A_984, %add3A_987 : vector<16xi32>
      %swap3A_989 = arith.constant 7 : i32
      %swap3A_990 = arith.index_cast %swap3A_989 : i32 to index
      %swap3A_991 = arith.constant 32 : index
      %swap3A_992 = tpu.vector_load %arg15[%swap3A_990, %swap3A_991] {strides = array<i32>} : memref<8x128xi32, #tpu.memory_space<vmem>>, vector<1x16xi32>,
      %swap3A_993 = vector.shape_cast %swap3A_992 : vector<1x16xi32> to vector<16xi32>
      %swap3A_994 = vector.shape_cast %add3A_988 : vector<16xi32> to vector<1x16xi32>
      tpu.vector_store %arg15[%swap3A_990, %swap3A_991], %swap3A_994 {strides = array<i32>} : memref<8x128xi32, #tpu.memory_space<vmem>>, vector<1x16xi32>,
      %get3A_995 = arith.constant 7 : i32
      %get3A_996 = arith.index_cast %get3A_995 : i32 to index
      %get3A_997 = arith.constant 48 : index
      %get3A_998 = tpu.vector_load %arg15[%get3A_996, %get3A_997] {strides = array<i32>} : memref<8x128xi32, #tpu.memory_space<vmem>>, vector<1x16xi32>,
      %get3A_999 = vector.shape_cast %get3A_998 : vector<1x16xi32> to vector<16xi32>
      %mul3A_1000 = arith.constant 10000 : i32
      %mul3A_1001 = arith.muli %arg0, %mul3A_1000 : i32
      %add3A_1002 = vector.broadcast %mul3A_1001 : i32 to vector<16xi32>
      %add3A_1003 = arith.addi %get3A_999, %add3A_1002 : vector<16xi32>
      %swap3A_1004 = arith.constant 7 : i32
      %swap3A_1005 = arith.index_cast %swap3A_1004 : i32 to index
      %swap3A_1006 = arith.constant 48 : index
      %swap3A_1007 = tpu.vector_load %arg15[%swap3A_1005, %swap3A_1006] {strides = array<i32>} : memref<8x128xi32, #tpu.memory_space<vmem>>, vector<1x16xi32>,
      %swap3A_1008 = vector.shape_cast %swap3A_1007 : vector<1x16xi32> to vector<16xi32>
      %swap3A_1009 = vector.shape_cast %add3A_1003 : vector<16xi32> to vector<1x16xi32>
      tpu.vector_store %arg15[%swap3A_1005, %swap3A_1006], %swap3A_1009 {strides = array<i32>} : memref<8x128xi32, #tpu.memory_space<vmem>>, vector<1x16xi32>,
      %get3A_1010 = arith.constant 7 : i32
      %get3A_1011 = arith.index_cast %get3A_1010 : i32 to index
      %get3A_1012 = arith.constant 64 : index
      %get3A_1013 = tpu.vector_load %arg15[%get3A_1011, %get3A_1012] {strides = array<i32>} : memref<8x128xi32, #tpu.memory_space<vmem>>, vector<1x16xi32>,
      %get3A_1014 = vector.shape_cast %get3A_1013 : vector<1x16xi32> to vector<16xi32>
      %mul3A_1015 = arith.constant 10000 : i32
      %mul3A_1016 = arith.muli %arg0, %mul3A_1015 : i32
      %add3A_1017 = vector.broadcast %mul3A_1016 : i32 to vector<16xi32>
      %add3A_1018 = arith.addi %get3A_1014, %add3A_1017 : vector<16xi32>
      %swap3A_1019 = arith.constant 7 : i32
      %swap3A_1020 = arith.index_cast %swap3A_1019 : i32 to index
      %swap3A_1021 = arith.constant 64 : index
      %swap3A_1022 = tpu.vector_load %arg15[%swap3A_1020, %swap3A_1021] {strides = array<i32>} : memref<8x128xi32, #tpu.memory_space<vmem>>, vector<1x16xi32>,
      %swap3A_1023 = vector.shape_cast %swap3A_1022 : vector<1x16xi32> to vector<16xi32>
      %swap3A_1024 = vector.shape_cast %add3A_1018 : vector<16xi32> to vector<1x16xi32>
      tpu.vector_store %arg15[%swap3A_1020, %swap3A_1021], %swap3A_1024 {strides = array<i32>} : memref<8x128xi32, #tpu.memory_space<vmem>>, vector<1x16xi32>,
      %get3A_1025 = arith.constant 7 : i32
      %get3A_1026 = arith.index_cast %get3A_1025 : i32 to index
      %get3A_1027 = arith.constant 80 : index
      %get3A_1028 = tpu.vector_load %arg15[%get3A_1026, %get3A_1027] {strides = array<i32>} : memref<8x128xi32, #tpu.memory_space<vmem>>, vector<1x16xi32>,
      %get3A_1029 = vector.shape_cast %get3A_1028 : vector<1x16xi32> to vector<16xi32>
      %mul3A_1030 = arith.constant 10000 : i32
      %mul3A_1031 = arith.muli %arg0, %mul3A_1030 : i32
      %add3A_1032 = vector.broadcast %mul3A_1031 : i32 to vector<16xi32>
      %add3A_1033 = arith.addi %get3A_1029, %add3A_1032 : vector<16xi32>
      %swap3A_1034 = arith.constant 7 : i32
      %swap3A_1035 = arith.index_cast %swap3A_1034 : i32 to index
      %swap3A_1036 = arith.constant 80 : index
      %swap3A_1037 = tpu.vector_load %arg15[%swap3A_1035, %swap3A_1036] {strides = array<i32>} : memref<8x128xi32, #tpu.memory_space<vmem>>, vector<1x16xi32>,
      %swap3A_1038 = vector.shape_cast %swap3A_1037 : vector<1x16xi32> to vector<16xi32>
      %swap3A_1039 = vector.shape_cast %add3A_1033 : vector<16xi32> to vector<1x16xi32>
      tpu.vector_store %arg15[%swap3A_1035, %swap3A_1036], %swap3A_1039 {strides = array<i32>} : memref<8x128xi32, #tpu.memory_space<vmem>>, vector<1x16xi32>,
      %get3A_1040 = arith.constant 7 : i32
      %get3A_1041 = arith.index_cast %get3A_1040 : i32 to index
      %get3A_1042 = arith.constant 96 : index
      %get3A_1043 = tpu.vector_load %arg15[%get3A_1041, %get3A_1042] {strides = array<i32>} : memref<8x128xi32, #tpu.memory_space<vmem>>, vector<1x16xi32>,
      %get3A_1044 = vector.shape_cast %get3A_1043 : vector<1x16xi32> to vector<16xi32>
      %mul3A_1045 = arith.constant 10000 : i32
      %mul3A_1046 = arith.muli %arg0, %mul3A_1045 : i32
      %add3A_1047 = vector.broadcast %mul3A_1046 : i32 to vector<16xi32>
      %add3A_1048 = arith.addi %get3A_1044, %add3A_1047 : vector<16xi32>
      %swap3A_1049 = arith.constant 7 : i32
      %swap3A_1050 = arith.index_cast %swap3A_1049 : i32 to index
      %swap3A_1051 = arith.constant 96 : index
      %swap3A_1052 = tpu.vector_load %arg15[%swap3A_1050, %swap3A_1051] {strides = array<i32>} : memref<8x128xi32, #tpu.memory_space<vmem>>, vector<1x16xi32>,
      %swap3A_1053 = vector.shape_cast %swap3A_1052 : vector<1x16xi32> to vector<16xi32>
      %swap3A_1054 = vector.shape_cast %add3A_1048 : vector<16xi32> to vector<1x16xi32>
      tpu.vector_store %arg15[%swap3A_1050, %swap3A_1051], %swap3A_1054 {strides = array<i32>} : memref<8x128xi32, #tpu.memory_space<vmem>>, vector<1x16xi32>,
      %get3A_1055 = arith.constant 7 : i32
      %get3A_1056 = arith.index_cast %get3A_1055 : i32 to index
      %get3A_1057 = arith.constant 112 : index
      %get3A_1058 = tpu.vector_load %arg15[%get3A_1056, %get3A_1057] {strides = array<i32>} : memref<8x128xi32, #tpu.memory_space<vmem>>, vector<1x16xi32>,
      %get3A_1059 = vector.shape_cast %get3A_1058 : vector<1x16xi32> to vector<16xi32>
      %mul3A_1060 = arith.constant 10000 : i32
      %mul3A_1061 = arith.muli %arg0, %mul3A_1060 : i32
      %add3A_1062 = vector.broadcast %mul3A_1061 : i32 to vector<16xi32>
      %add3A_1063 = arith.addi %get3A_1059, %add3A_1062 : vector<16xi32>
      %swap3A_1064 = arith.constant 7 : i32
      %swap3A_1065 = arith.index_cast %swap3A_1064 : i32 to index
      %swap3A_1066 = arith.constant 112 : index
      %swap3A_1067 = tpu.vector_load %arg15[%swap3A_1065, %swap3A_1066] {strides = array<i32>} : memref<8x128xi32, #tpu.memory_space<vmem>>, vector<1x16xi32>,
      %swap3A_1068 = vector.shape_cast %swap3A_1067 : vector<1x16xi32> to vector<16xi32>
      %swap3A_1069 = vector.shape_cast %add3A_1063 : vector<16xi32> to vector<1x16xi32>
      tpu.vector_store %arg15[%swap3A_1065, %swap3A_1066], %swap3A_1069 {strides = array<i32>} : memref<8x128xi32, #tpu.memory_space<vmem>>, vector<1x16xi32>,
      %dma_start3A = arith.constant 0 : i32
      %dma_start3A_1070 = arith.constant 0 : i32
      %dma_start3A_1071 = tpu.memref_slice %arg15[%dma_start3A, %dma_start3A_1070] : memref<8x128xi32, #tpu.memory_space<vmem>> -> memref<1x128xi32, #tpu.memory_space<vmem>>
      %dma_start3A_1072 = tpu.memref_squeeze %dma_start3A_1071 : memref<1x128xi32, #tpu.memory_space<vmem>> -> memref<128xi32, #tpu.memory_space<vmem>>
      %dma_start3A_1073 = arith.constant 0 : i32
      %dma_start3A_1074 = arith.constant 0 : i32
      %dma_start3A_1075 = tpu.memref_slice %arg2[%dma_start3A_1073, %dma_start3A_1074] : memref<20000x64xf32, #tpu.memory_space<hbm>> -> memref<20000x64xf32, #tpu.memory_space<hbm>>
      tpu.enqueue_indirect_dma source(%dma_start3A_1075 : memref<20000x64xf32, #tpu.memory_space<hbm>>) target(%arg17 : memref<128x64xf32, #tpu.memory_space<vmem>>) offsets(%dma_start3A_1072 : memref<128xi32, #tpu.memory_space<vmem>>) semaphore(%arg22 : memref<!tpu.dma_semaphore, #tpu.memory_space<semaphore_mem>>)
      %dma_start3A_1076 = arith.constant 1 : i32
      %dma_start3A_1077 = arith.constant 0 : i32
      %dma_start3A_1078 = tpu.memref_slice %arg15[%dma_start3A_1076, %dma_start3A_1077] : memref<8x128xi32, #tpu.memory_space<vmem>> -> memref<1x128xi32, #tpu.memory_space<vmem>>
      %dma_start3A_1079 = tpu.memref_squeeze %dma_start3A_1078 : memref<1x128xi32, #tpu.memory_space<vmem>> -> memref<128xi32, #tpu.memory_space<vmem>>
      %dma_start3A_1080 = arith.constant 0 : i32
      %dma_start3A_1081 = arith.constant 0 : i32
      %dma_start3A_1082 = tpu.memref_slice %arg2[%dma_start3A_1080, %dma_start3A_1081] : memref<20000x64xf32, #tpu.memory_space<hbm>> -> memref<20000x64xf32, #tpu.memory_space<hbm>>
      tpu.enqueue_indirect_dma source(%dma_start3A_1082 : memref<20000x64xf32, #tpu.memory_space<hbm>>) target(%arg18 : memref<128x64xf32, #tpu.memory_space<vmem>>) offsets(%dma_start3A_1079 : memref<128xi32, #tpu.memory_space<vmem>>) semaphore(%arg23 : memref<!tpu.dma_semaphore, #tpu.memory_space<semaphore_mem>>)
      %dma_wait3A = arith.constant 0 : i32
      %dma_wait3A_1083 = arith.constant 0 : i32
      %dma_wait3A_1084 = tpu.memref_slice %arg15[%dma_wait3A, %dma_wait3A_1083] : memref<8x128xi32, #tpu.memory_space<vmem>> -> memref<1x128xi32, #tpu.memory_space<vmem>>
      %dma_wait3A_1085 = tpu.memref_squeeze %dma_wait3A_1084 : memref<1x128xi32, #tpu.memory_space<vmem>> -> memref<128xi32, #tpu.memory_space<vmem>>
      %dma_wait3A_1086 = arith.constant 0 : i32
      %dma_wait3A_1087 = arith.constant 0 : i32
      %dma_wait3A_1088 = tpu.memref_slice %arg2[%dma_wait3A_1086, %dma_wait3A_1087] : memref<20000x64xf32, #tpu.memory_space<hbm>> -> memref<20000x64xf32, #tpu.memory_space<hbm>>
      tpu.wait_indirect_dma semaphore(%arg22 : memref<!tpu.dma_semaphore, #tpu.memory_space<semaphore_mem>>) src(%dma_wait3A_1088 : memref<20000x64xf32, #tpu.memory_space<hbm>>) dst(%arg17 : memref<128x64xf32, #tpu.memory_space<vmem>>)
      %run_scoped3A = arith.constant 0 : i32
      "tpu.region"() ({
        %run_scoped3A_1232 = tpu.sem_alloc : memref<!tpu.dma_semaphore, #tpu.memory_space<semaphore_mem>>
        %dma_start3A_1233 = arith.constant 0 : i32
        %dma_start3A_1234 = tpu.memref_slice %arg16[%run_scoped3A, %dma_start3A_1233] : memref<8x128xi32, #tpu.memory_space<vmem>> -> memref<1x128xi32, #tpu.memory_space<vmem>>
        %dma_start3A_1235 = tpu.memref_squeeze %dma_start3A_1234 : memref<1x128xi32, #tpu.memory_space<vmem>> -> memref<128xi32, #tpu.memory_space<vmem>>
        %dma_start3A_1236 = arith.constant 0 : i32
        %dma_start3A_1237 = arith.constant 0 : i32
        %dma_start3A_1238 = tpu.memref_slice %arg20[%dma_start3A_1236, %dma_start3A_1237] : memref<20480x64xf32, #tpu.memory_space<vmem_shared>> -> memref<20480x64xf32, #tpu.memory_space<vmem_shared>>
        tpu.enqueue_indirect_dma source(%arg17 : memref<128x64xf32, #tpu.memory_space<vmem>>) target(%dma_start3A_1238 : memref<20480x64xf32, #tpu.memory_space<vmem_shared>>) offsets(%dma_start3A_1235 : memref<128xi32, #tpu.memory_space<vmem>>) semaphore(%run_scoped3A_1232 : memref<!tpu.dma_semaphore, #tpu.memory_space<semaphore_mem>>) {add = true}
        %dma_wait3A_1239 = arith.constant 0 : i32
        %dma_wait3A_1240 = tpu.memref_slice %arg16[%run_scoped3A, %dma_wait3A_1239] : memref<8x128xi32, #tpu.memory_space<vmem>> -> memref<1x128xi32, #tpu.memory_space<vmem>>
        %dma_wait3A_1241 = tpu.memref_squeeze %dma_wait3A_1240 : memref<1x128xi32, #tpu.memory_space<vmem>> -> memref<128xi32, #tpu.memory_space<vmem>>
        %dma_wait3A_1242 = arith.constant 0 : i32
        %dma_wait3A_1243 = arith.constant 0 : i32
        %dma_wait3A_1244 = tpu.memref_slice %arg20[%dma_wait3A_1242, %dma_wait3A_1243] : memref<20480x64xf32, #tpu.memory_space<vmem_shared>> -> memref<20480x64xf32, #tpu.memory_space<vmem_shared>>
        tpu.wait_indirect_dma semaphore(%run_scoped3A_1232 : memref<!tpu.dma_semaphore, #tpu.memory_space<semaphore_mem>>) src(%arg17 : memref<128x64xf32, #tpu.memory_space<vmem>>) dst(%dma_wait3A_1244 : memref<20480x64xf32, #tpu.memory_space<vmem_shared>>)
        tpu.yield
      }) : () -> ()
      %eq3A_1089 = arith.constant 0 : i32
      %eq3A_1090 = arith.cmpi eq, %arg0, %eq3A_1089 : i32
      %convert_element_type3A_1091 = arith.extui %eq3A_1090 : i1 to i32
      %cond3A_1092 = arith.constant 0 : i32
      %cond3A_1093 = arith.cmpi ne, %convert_element_type3A_1091, %cond3A_1092 : i32
      scf.if %cond3A_1093 {
        %dma_start3A_1232 = arith.constant 0 : i32
        %dma_start3A_1233 = arith.constant 0 : i32
        %dma_start3A_1234 = tpu.memref_slice %arg16[%dma_start3A_1232, %dma_start3A_1233] : memref<8x128xi32, #tpu.memory_space<vmem>> -> memref<1x128xi32, #tpu.memory_space<vmem>>
        %dma_start3A_1235 = tpu.memref_squeeze %dma_start3A_1234 : memref<1x128xi32, #tpu.memory_space<vmem>> -> memref<128xi32, #tpu.memory_space<vmem>>
        %dma_start3A_1236 = arith.constant 0 : i32
        %dma_start3A_1237 = arith.constant 0 : i32
        %dma_start3A_1238 = tpu.memref_slice %arg21[%dma_start3A_1236, %dma_start3A_1237] : memref<20480x16xf32, #tpu.memory_space<vmem_shared>> -> memref<20480x16xf32, #tpu.memory_space<vmem_shared>>
        tpu.enqueue_indirect_dma source(%arg19 : memref<128x16xf32, #tpu.memory_space<vmem>>) target(%dma_start3A_1238 : memref<20480x16xf32, #tpu.memory_space<vmem_shared>>) offsets(%dma_start3A_1235 : memref<128xi32, #tpu.memory_space<vmem>>) semaphore(%arg24 : memref<!tpu.dma_semaphore, #tpu.memory_space<semaphore_mem>>) {add = true}
      } else {
      }
      %dma_start3A_1094 = arith.constant 2 : i32
      %dma_start3A_1095 = arith.constant 0 : i32
      %dma_start3A_1096 = tpu.memref_slice %arg15[%dma_start3A_1094, %dma_start3A_1095] : memref<8x128xi32, #tpu.memory_space<vmem>> -> memref<1x128xi32, #tpu.memory_space<vmem>>
      %dma_start3A_1097 = tpu.memref_squeeze %dma_start3A_1096 : memref<1x128xi32, #tpu.memory_space<vmem>> -> memref<128xi32, #tpu.memory_space<vmem>>
      %dma_start3A_1098 = arith.constant 0 : i32
      %dma_start3A_1099 = arith.constant 0 : i32
      %dma_start3A_1100 = tpu.memref_slice %arg2[%dma_start3A_1098, %dma_start3A_1099] : memref<20000x64xf32, #tpu.memory_space<hbm>> -> memref<20000x64xf32, #tpu.memory_space<hbm>>
      tpu.enqueue_indirect_dma source(%dma_start3A_1100 : memref<20000x64xf32, #tpu.memory_space<hbm>>) target(%arg17 : memref<128x64xf32, #tpu.memory_space<vmem>>) offsets(%dma_start3A_1097 : memref<128xi32, #tpu.memory_space<vmem>>) semaphore(%arg22 : memref<!tpu.dma_semaphore, #tpu.memory_space<semaphore_mem>>)
      %dma_wait3A_1101 = arith.constant 1 : i32
      %dma_wait3A_1102 = arith.constant 0 : i32
      %dma_wait3A_1103 = tpu.memref_slice %arg15[%dma_wait3A_1101, %dma_wait3A_1102] : memref<8x128xi32, #tpu.memory_space<vmem>> -> memref<1x128xi32, #tpu.memory_space<vmem>>
      %dma_wait3A_1104 = tpu.memref_squeeze %dma_wait3A_1103 : memref<1x128xi32, #tpu.memory_space<vmem>> -> memref<128xi32, #tpu.memory_space<vmem>>
      %dma_wait3A_1105 = arith.constant 0 : i32
      %dma_wait3A_1106 = arith.constant 0 : i32
      %dma_wait3A_1107 = tpu.memref_slice %arg2[%dma_wait3A_1105, %dma_wait3A_1106] : memref<20000x64xf32, #tpu.memory_space<hbm>> -> memref<20000x64xf32, #tpu.memory_space<hbm>>
      tpu.wait_indirect_dma semaphore(%arg23 : memref<!tpu.dma_semaphore, #tpu.memory_space<semaphore_mem>>) src(%dma_wait3A_1107 : memref<20000x64xf32, #tpu.memory_space<hbm>>) dst(%arg18 : memref<128x64xf32, #tpu.memory_space<vmem>>)
      %run_scoped3A_1108 = arith.constant 1 : i32
      "tpu.region"() ({
        %run_scoped3A_1232 = tpu.sem_alloc : memref<!tpu.dma_semaphore, #tpu.memory_space<semaphore_mem>>
        %dma_start3A_1233 = arith.constant 0 : i32
        %dma_start3A_1234 = tpu.memref_slice %arg16[%run_scoped3A_1108, %dma_start3A_1233] : memref<8x128xi32, #tpu.memory_space<vmem>> -> memref<1x128xi32, #tpu.memory_space<vmem>>
        %dma_start3A_1235 = tpu.memref_squeeze %dma_start3A_1234 : memref<1x128xi32, #tpu.memory_space<vmem>> -> memref<128xi32, #tpu.memory_space<vmem>>
        %dma_start3A_1236 = arith.constant 0 : i32
        %dma_start3A_1237 = arith.constant 0 : i32
        %dma_start3A_1238 = tpu.memref_slice %arg20[%dma_start3A_1236, %dma_start3A_1237] : memref<20480x64xf32, #tpu.memory_space<vmem_shared>> -> memref<20480x64xf32, #tpu.memory_space<vmem_shared>>
        tpu.enqueue_indirect_dma source(%arg18 : memref<128x64xf32, #tpu.memory_space<vmem>>) target(%dma_start3A_1238 : memref<20480x64xf32, #tpu.memory_space<vmem_shared>>) offsets(%dma_start3A_1235 : memref<128xi32, #tpu.memory_space<vmem>>) semaphore(%run_scoped3A_1232 : memref<!tpu.dma_semaphore, #tpu.memory_space<semaphore_mem>>) {add = true}
        %dma_wait3A_1239 = arith.constant 0 : i32
        %dma_wait3A_1240 = tpu.memref_slice %arg16[%run_scoped3A_1108, %dma_wait3A_1239] : memref<8x128xi32, #tpu.memory_space<vmem>> -> memref<1x128xi32, #tpu.memory_space<vmem>>
        %dma_wait3A_1241 = tpu.memref_squeeze %dma_wait3A_1240 : memref<1x128xi32, #tpu.memory_space<vmem>> -> memref<128xi32, #tpu.memory_space<vmem>>
        %dma_wait3A_1242 = arith.constant 0 : i32
        %dma_wait3A_1243 = arith.constant 0 : i32
        %dma_wait3A_1244 = tpu.memref_slice %arg20[%dma_wait3A_1242, %dma_wait3A_1243] : memref<20480x64xf32, #tpu.memory_space<vmem_shared>> -> memref<20480x64xf32, #tpu.memory_space<vmem_shared>>
        tpu.wait_indirect_dma semaphore(%run_scoped3A_1232 : memref<!tpu.dma_semaphore, #tpu.memory_space<semaphore_mem>>) src(%arg18 : memref<128x64xf32, #tpu.memory_space<vmem>>) dst(%dma_wait3A_1244 : memref<20480x64xf32, #tpu.memory_space<vmem_shared>>)
        tpu.yield
      }) : () -> ()
      %eq3A_1109 = arith.constant 0 : i32
      %eq3A_1110 = arith.cmpi eq, %arg0, %eq3A_1109 : i32
      %convert_element_type3A_1111 = arith.extui %eq3A_1110 : i1 to i32
      %cond3A_1112 = arith.constant 0 : i32
      %cond3A_1113 = arith.cmpi ne, %convert_element_type3A_1111, %cond3A_1112 : i32
      scf.if %cond3A_1113 {
        %dma_start3A_1232 = arith.constant 1 : i32
        %dma_start3A_1233 = arith.constant 0 : i32
        %dma_start3A_1234 = tpu.memref_slice %arg16[%dma_start3A_1232, %dma_start3A_1233] : memref<8x128xi32, #tpu.memory_space<vmem>> -> memref<1x128xi32, #tpu.memory_space<vmem>>
        %dma_start3A_1235 = tpu.memref_squeeze %dma_start3A_1234 : memref<1x128xi32, #tpu.memory_space<vmem>> -> memref<128xi32, #tpu.memory_space<vmem>>
        %dma_start3A_1236 = arith.constant 0 : i32
        %dma_start3A_1237 = arith.constant 0 : i32
        %dma_start3A_1238 = tpu.memref_slice %arg21[%dma_start3A_1236, %dma_start3A_1237] : memref<20480x16xf32, #tpu.memory_space<vmem_shared>> -> memref<20480x16xf32, #tpu.memory_space<vmem_shared>>
        tpu.enqueue_indirect_dma source(%arg19 : memref<128x16xf32, #tpu.memory_space<vmem>>) target(%dma_start3A_1238 : memref<20480x16xf32, #tpu.memory_space<vmem_shared>>) offsets(%dma_start3A_1235 : memref<128xi32, #tpu.memory_space<vmem>>) semaphore(%arg24 : memref<!tpu.dma_semaphore, #tpu.memory_space<semaphore_mem>>) {add = true}
      } else {
      }
      %dma_start3A_1114 = arith.constant 3 : i32
      %dma_start3A_1115 = arith.constant 0 : i32
      %dma_start3A_1116 = tpu.memref_slice %arg15[%dma_start3A_1114, %dma_start3A_1115] : memref<8x128xi32, #tpu.memory_space<vmem>> -> memref<1x128xi32, #tpu.memory_space<vmem>>
      %dma_start3A_1117 = tpu.memref_squeeze %dma_start3A_1116 : memref<1x128xi32, #tpu.memory_space<vmem>> -> memref<128xi32, #tpu.memory_space<vmem>>
      %dma_start3A_1118 = arith.constant 0 : i32
      %dma_start3A_1119 = arith.constant 0 : i32
      %dma_start3A_1120 = tpu.memref_slice %arg2[%dma_start3A_1118, %dma_start3A_1119] : memref<20000x64xf32, #tpu.memory_space<hbm>> -> memref<20000x64xf32, #tpu.memory_space<hbm>>
      tpu.enqueue_indirect_dma source(%dma_start3A_1120 : memref<20000x64xf32, #tpu.memory_space<hbm>>) target(%arg18 : memref<128x64xf32, #tpu.memory_space<vmem>>) offsets(%dma_start3A_1117 : memref<128xi32, #tpu.memory_space<vmem>>) semaphore(%arg23 : memref<!tpu.dma_semaphore, #tpu.memory_space<semaphore_mem>>)
      %dma_wait3A_1121 = arith.constant 2 : i32
      %dma_wait3A_1122 = arith.constant 0 : i32
      %dma_wait3A_1123 = tpu.memref_slice %arg15[%dma_wait3A_1121, %dma_wait3A_1122] : memref<8x128xi32, #tpu.memory_space<vmem>> -> memref<1x128xi32, #tpu.memory_space<vmem>>
      %dma_wait3A_1124 = tpu.memref_squeeze %dma_wait3A_1123 : memref<1x128xi32, #tpu.memory_space<vmem>> -> memref<128xi32, #tpu.memory_space<vmem>>
      %dma_wait3A_1125 = arith.constant 0 : i32
      %dma_wait3A_1126 = arith.constant 0 : i32
      %dma_wait3A_1127 = tpu.memref_slice %arg2[%dma_wait3A_1125, %dma_wait3A_1126] : memref<20000x64xf32, #tpu.memory_space<hbm>> -> memref<20000x64xf32, #tpu.memory_space<hbm>>
      tpu.wait_indirect_dma semaphore(%arg22 : memref<!tpu.dma_semaphore, #tpu.memory_space<semaphore_mem>>) src(%dma_wait3A_1127 : memref<20000x64xf32, #tpu.memory_space<hbm>>) dst(%arg17 : memref<128x64xf32, #tpu.memory_space<vmem>>)
      %run_scoped3A_1128 = arith.constant 2 : i32
      "tpu.region"() ({
        %run_scoped3A_1232 = tpu.sem_alloc : memref<!tpu.dma_semaphore, #tpu.memory_space<semaphore_mem>>
        %dma_start3A_1233 = arith.constant 0 : i32
        %dma_start3A_1234 = tpu.memref_slice %arg16[%run_scoped3A_1128, %dma_start3A_1233] : memref<8x128xi32, #tpu.memory_space<vmem>> -> memref<1x128xi32, #tpu.memory_space<vmem>>
        %dma_start3A_1235 = tpu.memref_squeeze %dma_start3A_1234 : memref<1x128xi32, #tpu.memory_space<vmem>> -> memref<128xi32, #tpu.memory_space<vmem>>
        %dma_start3A_1236 = arith.constant 0 : i32
        %dma_start3A_1237 = arith.constant 0 : i32
        %dma_start3A_1238 = tpu.memref_slice %arg20[%dma_start3A_1236, %dma_start3A_1237] : memref<20480x64xf32, #tpu.memory_space<vmem_shared>> -> memref<20480x64xf32, #tpu.memory_space<vmem_shared>>
        tpu.enqueue_indirect_dma source(%arg17 : memref<128x64xf32, #tpu.memory_space<vmem>>) target(%dma_start3A_1238 : memref<20480x64xf32, #tpu.memory_space<vmem_shared>>) offsets(%dma_start3A_1235 : memref<128xi32, #tpu.memory_space<vmem>>) semaphore(%run_scoped3A_1232 : memref<!tpu.dma_semaphore, #tpu.memory_space<semaphore_mem>>) {add = true}
        %dma_wait3A_1239 = arith.constant 0 : i32
        %dma_wait3A_1240 = tpu.memref_slice %arg16[%run_scoped3A_1128, %dma_wait3A_1239] : memref<8x128xi32, #tpu.memory_space<vmem>> -> memref<1x128xi32, #tpu.memory_space<vmem>>
        %dma_wait3A_1241 = tpu.memref_squeeze %dma_wait3A_1240 : memref<1x128xi32, #tpu.memory_space<vmem>> -> memref<128xi32, #tpu.memory_space<vmem>>
        %dma_wait3A_1242 = arith.constant 0 : i32
        %dma_wait3A_1243 = arith.constant 0 : i32
        %dma_wait3A_1244 = tpu.memref_slice %arg20[%dma_wait3A_1242, %dma_wait3A_1243] : memref<20480x64xf32, #tpu.memory_space<vmem_shared>> -> memref<20480x64xf32, #tpu.memory_space<vmem_shared>>
        tpu.wait_indirect_dma semaphore(%run_scoped3A_1232 : memref<!tpu.dma_semaphore, #tpu.memory_space<semaphore_mem>>) src(%arg17 : memref<128x64xf32, #tpu.memory_space<vmem>>) dst(%dma_wait3A_1244 : memref<20480x64xf32, #tpu.memory_space<vmem_shared>>)
        tpu.yield
      }) : () -> ()
      %eq3A_1129 = arith.constant 0 : i32
      %eq3A_1130 = arith.cmpi eq, %arg0, %eq3A_1129 : i32
      %convert_element_type3A_1131 = arith.extui %eq3A_1130 : i1 to i32
      %cond3A_1132 = arith.constant 0 : i32
      %cond3A_1133 = arith.cmpi ne, %convert_element_type3A_1131, %cond3A_1132 : i32
      scf.if %cond3A_1133 {
        %dma_start3A_1232 = arith.constant 2 : i32
        %dma_start3A_1233 = arith.constant 0 : i32
        %dma_start3A_1234 = tpu.memref_slice %arg16[%dma_start3A_1232, %dma_start3A_1233] : memref<8x128xi32, #tpu.memory_space<vmem>> -> memref<1x128xi32, #tpu.memory_space<vmem>>
        %dma_start3A_1235 = tpu.memref_squeeze %dma_start3A_1234 : memref<1x128xi32, #tpu.memory_space<vmem>> -> memref<128xi32, #tpu.memory_space<vmem>>
        %dma_start3A_1236 = arith.constant 0 : i32
        %dma_start3A_1237 = arith.constant 0 : i32
        %dma_start3A_1238 = tpu.memref_slice %arg21[%dma_start3A_1236, %dma_start3A_1237] : memref<20480x16xf32, #tpu.memory_space<vmem_shared>> -> memref<20480x16xf32, #tpu.memory_space<vmem_shared>>
        tpu.enqueue_indirect_dma source(%arg19 : memref<128x16xf32, #tpu.memory_space<vmem>>) target(%dma_start3A_1238 : memref<20480x16xf32, #tpu.memory_space<vmem_shared>>) offsets(%dma_start3A_1235 : memref<128xi32, #tpu.memory_space<vmem>>) semaphore(%arg24 : memref<!tpu.dma_semaphore, #tpu.memory_space<semaphore_mem>>) {add = true}
      } else {
      }
      %dma_start3A_1134 = arith.constant 4 : i32
      %dma_start3A_1135 = arith.constant 0 : i32
      %dma_start3A_1136 = tpu.memref_slice %arg15[%dma_start3A_1134, %dma_start3A_1135] : memref<8x128xi32, #tpu.memory_space<vmem>> -> memref<1x128xi32, #tpu.memory_space<vmem>>
      %dma_start3A_1137 = tpu.memref_squeeze %dma_start3A_1136 : memref<1x128xi32, #tpu.memory_space<vmem>> -> memref<128xi32, #tpu.memory_space<vmem>>
      %dma_start3A_1138 = arith.constant 0 : i32
      %dma_start3A_1139 = arith.constant 0 : i32
      %dma_start3A_1140 = tpu.memref_slice %arg2[%dma_start3A_1138, %dma_start3A_1139] : memref<20000x64xf32, #tpu.memory_space<hbm>> -> memref<20000x64xf32, #tpu.memory_space<hbm>>
      tpu.enqueue_indirect_dma source(%dma_start3A_1140 : memref<20000x64xf32, #tpu.memory_space<hbm>>) target(%arg17 : memref<128x64xf32, #tpu.memory_space<vmem>>) offsets(%dma_start3A_1137 : memref<128xi32, #tpu.memory_space<vmem>>) semaphore(%arg22 : memref<!tpu.dma_semaphore, #tpu.memory_space<semaphore_mem>>)
      %dma_wait3A_1141 = arith.constant 3 : i32
      %dma_wait3A_1142 = arith.constant 0 : i32
      %dma_wait3A_1143 = tpu.memref_slice %arg15[%dma_wait3A_1141, %dma_wait3A_1142] : memref<8x128xi32, #tpu.memory_space<vmem>> -> memref<1x128xi32, #tpu.memory_space<vmem>>
      %dma_wait3A_1144 = tpu.memref_squeeze %dma_wait3A_1143 : memref<1x128xi32, #tpu.memory_space<vmem>> -> memref<128xi32, #tpu.memory_space<vmem>>
      %dma_wait3A_1145 = arith.constant 0 : i32
      %dma_wait3A_1146 = arith.constant 0 : i32
      %dma_wait3A_1147 = tpu.memref_slice %arg2[%dma_wait3A_1145, %dma_wait3A_1146] : memref<20000x64xf32, #tpu.memory_space<hbm>> -> memref<20000x64xf32, #tpu.memory_space<hbm>>
      tpu.wait_indirect_dma semaphore(%arg23 : memref<!tpu.dma_semaphore, #tpu.memory_space<semaphore_mem>>) src(%dma_wait3A_1147 : memref<20000x64xf32, #tpu.memory_space<hbm>>) dst(%arg18 : memref<128x64xf32, #tpu.memory_space<vmem>>)
      %run_scoped3A_1148 = arith.constant 3 : i32
      "tpu.region"() ({
        %run_scoped3A_1232 = tpu.sem_alloc : memref<!tpu.dma_semaphore, #tpu.memory_space<semaphore_mem>>
        %dma_start3A_1233 = arith.constant 0 : i32
        %dma_start3A_1234 = tpu.memref_slice %arg16[%run_scoped3A_1148, %dma_start3A_1233] : memref<8x128xi32, #tpu.memory_space<vmem>> -> memref<1x128xi32, #tpu.memory_space<vmem>>
        %dma_start3A_1235 = tpu.memref_squeeze %dma_start3A_1234 : memref<1x128xi32, #tpu.memory_space<vmem>> -> memref<128xi32, #tpu.memory_space<vmem>>
        %dma_start3A_1236 = arith.constant 0 : i32
        %dma_start3A_1237 = arith.constant 0 : i32
        %dma_start3A_1238 = tpu.memref_slice %arg20[%dma_start3A_1236, %dma_start3A_1237] : memref<20480x64xf32, #tpu.memory_space<vmem_shared>> -> memref<20480x64xf32, #tpu.memory_space<vmem_shared>>
        tpu.enqueue_indirect_dma source(%arg18 : memref<128x64xf32, #tpu.memory_space<vmem>>) target(%dma_start3A_1238 : memref<20480x64xf32, #tpu.memory_space<vmem_shared>>) offsets(%dma_start3A_1235 : memref<128xi32, #tpu.memory_space<vmem>>) semaphore(%run_scoped3A_1232 : memref<!tpu.dma_semaphore, #tpu.memory_space<semaphore_mem>>) {add = true}
        %dma_wait3A_1239 = arith.constant 0 : i32
        %dma_wait3A_1240 = tpu.memref_slice %arg16[%run_scoped3A_1148, %dma_wait3A_1239] : memref<8x128xi32, #tpu.memory_space<vmem>> -> memref<1x128xi32, #tpu.memory_space<vmem>>
        %dma_wait3A_1241 = tpu.memref_squeeze %dma_wait3A_1240 : memref<1x128xi32, #tpu.memory_space<vmem>> -> memref<128xi32, #tpu.memory_space<vmem>>
        %dma_wait3A_1242 = arith.constant 0 : i32
        %dma_wait3A_1243 = arith.constant 0 : i32
        %dma_wait3A_1244 = tpu.memref_slice %arg20[%dma_wait3A_1242, %dma_wait3A_1243] : memref<20480x64xf32, #tpu.memory_space<vmem_shared>> -> memref<20480x64xf32, #tpu.memory_space<vmem_shared>>
        tpu.wait_indirect_dma semaphore(%run_scoped3A_1232 : memref<!tpu.dma_semaphore, #tpu.memory_space<semaphore_mem>>) src(%arg18 : memref<128x64xf32, #tpu.memory_space<vmem>>) dst(%dma_wait3A_1244 : memref<20480x64xf32, #tpu.memory_space<vmem_shared>>)
        tpu.yield
      }) : () -> ()
      %eq3A_1149 = arith.constant 0 : i32
      %eq3A_1150 = arith.cmpi eq, %arg0, %eq3A_1149 : i32
      %convert_element_type3A_1151 = arith.extui %eq3A_1150 : i1 to i32
      %cond3A_1152 = arith.constant 0 : i32
      %cond3A_1153 = arith.cmpi ne, %convert_element_type3A_1151, %cond3A_1152 : i32
      scf.if %cond3A_1153 {
        %dma_start3A_1232 = arith.constant 3 : i32
        %dma_start3A_1233 = arith.constant 0 : i32
        %dma_start3A_1234 = tpu.memref_slice %arg16[%dma_start3A_1232, %dma_start3A_1233] : memref<8x128xi32, #tpu.memory_space<vmem>> -> memref<1x128xi32, #tpu.memory_space<vmem>>
        %dma_start3A_1235 = tpu.memref_squeeze %dma_start3A_1234 : memref<1x128xi32, #tpu.memory_space<vmem>> -> memref<128xi32, #tpu.memory_space<vmem>>
        %dma_start3A_1236 = arith.constant 0 : i32
        %dma_start3A_1237 = arith.constant 0 : i32
        %dma_start3A_1238 = tpu.memref_slice %arg21[%dma_start3A_1236, %dma_start3A_1237] : memref<20480x16xf32, #tpu.memory_space<vmem_shared>> -> memref<20480x16xf32, #tpu.memory_space<vmem_shared>>
        tpu.enqueue_indirect_dma source(%arg19 : memref<128x16xf32, #tpu.memory_space<vmem>>) target(%dma_start3A_1238 : memref<20480x16xf32, #tpu.memory_space<vmem_shared>>) offsets(%dma_start3A_1235 : memref<128xi32, #tpu.memory_space<vmem>>) semaphore(%arg24 : memref<!tpu.dma_semaphore, #tpu.memory_space<semaphore_mem>>) {add = true}
      } else {
      }
      %dma_start3A_1154 = arith.constant 5 : i32
      %dma_start3A_1155 = arith.constant 0 : i32
      %dma_start3A_1156 = tpu.memref_slice %arg15[%dma_start3A_1154, %dma_start3A_1155] : memref<8x128xi32, #tpu.memory_space<vmem>> -> memref<1x128xi32, #tpu.memory_space<vmem>>
      %dma_start3A_1157 = tpu.memref_squeeze %dma_start3A_1156 : memref<1x128xi32, #tpu.memory_space<vmem>> -> memref<128xi32, #tpu.memory_space<vmem>>
      %dma_start3A_1158 = arith.constant 0 : i32
      %dma_start3A_1159 = arith.constant 0 : i32
      %dma_start3A_1160 = tpu.memref_slice %arg2[%dma_start3A_1158, %dma_start3A_1159] : memref<20000x64xf32, #tpu.memory_space<hbm>> -> memref<20000x64xf32, #tpu.memory_space<hbm>>
      tpu.enqueue_indirect_dma source(%dma_start3A_1160 : memref<20000x64xf32, #tpu.memory_space<hbm>>) target(%arg18 : memref<128x64xf32, #tpu.memory_space<vmem>>) offsets(%dma_start3A_1157 : memref<128xi32, #tpu.memory_space<vmem>>) semaphore(%arg23 : memref<!tpu.dma_semaphore, #tpu.memory_space<semaphore_mem>>)
      %dma_wait3A_1161 = arith.constant 4 : i32
      %dma_wait3A_1162 = arith.constant 0 : i32
      %dma_wait3A_1163 = tpu.memref_slice %arg15[%dma_wait3A_1161, %dma_wait3A_1162] : memref<8x128xi32, #tpu.memory_space<vmem>> -> memref<1x128xi32, #tpu.memory_space<vmem>>
      %dma_wait3A_1164 = tpu.memref_squeeze %dma_wait3A_1163 : memref<1x128xi32, #tpu.memory_space<vmem>> -> memref<128xi32, #tpu.memory_space<vmem>>
      %dma_wait3A_1165 = arith.constant 0 : i32
      %dma_wait3A_1166 = arith.constant 0 : i32
      %dma_wait3A_1167 = tpu.memref_slice %arg2[%dma_wait3A_1165, %dma_wait3A_1166] : memref<20000x64xf32, #tpu.memory_space<hbm>> -> memref<20000x64xf32, #tpu.memory_space<hbm>>
      tpu.wait_indirect_dma semaphore(%arg22 : memref<!tpu.dma_semaphore, #tpu.memory_space<semaphore_mem>>) src(%dma_wait3A_1167 : memref<20000x64xf32, #tpu.memory_space<hbm>>) dst(%arg17 : memref<128x64xf32, #tpu.memory_space<vmem>>)
      %run_scoped3A_1168 = arith.constant 4 : i32
      "tpu.region"() ({
        %run_scoped3A_1232 = tpu.sem_alloc : memref<!tpu.dma_semaphore, #tpu.memory_space<semaphore_mem>>
        %dma_start3A_1233 = arith.constant 0 : i32
        %dma_start3A_1234 = tpu.memref_slice %arg16[%run_scoped3A_1168, %dma_start3A_1233] : memref<8x128xi32, #tpu.memory_space<vmem>> -> memref<1x128xi32, #tpu.memory_space<vmem>>
        %dma_start3A_1235 = tpu.memref_squeeze %dma_start3A_1234 : memref<1x128xi32, #tpu.memory_space<vmem>> -> memref<128xi32, #tpu.memory_space<vmem>>
        %dma_start3A_1236 = arith.constant 0 : i32
        %dma_start3A_1237 = arith.constant 0 : i32
        %dma_start3A_1238 = tpu.memref_slice %arg20[%dma_start3A_1236, %dma_start3A_1237] : memref<20480x64xf32, #tpu.memory_space<vmem_shared>> -> memref<20480x64xf32, #tpu.memory_space<vmem_shared>>
        tpu.enqueue_indirect_dma source(%arg17 : memref<128x64xf32, #tpu.memory_space<vmem>>) target(%dma_start3A_1238 : memref<20480x64xf32, #tpu.memory_space<vmem_shared>>) offsets(%dma_start3A_1235 : memref<128xi32, #tpu.memory_space<vmem>>) semaphore(%run_scoped3A_1232 : memref<!tpu.dma_semaphore, #tpu.memory_space<semaphore_mem>>) {add = true}
        %dma_wait3A_1239 = arith.constant 0 : i32
        %dma_wait3A_1240 = tpu.memref_slice %arg16[%run_scoped3A_1168, %dma_wait3A_1239] : memref<8x128xi32, #tpu.memory_space<vmem>> -> memref<1x128xi32, #tpu.memory_space<vmem>>
        %dma_wait3A_1241 = tpu.memref_squeeze %dma_wait3A_1240 : memref<1x128xi32, #tpu.memory_space<vmem>> -> memref<128xi32, #tpu.memory_space<vmem>>
        %dma_wait3A_1242 = arith.constant 0 : i32
        %dma_wait3A_1243 = arith.constant 0 : i32
        %dma_wait3A_1244 = tpu.memref_slice %arg20[%dma_wait3A_1242, %dma_wait3A_1243] : memref<20480x64xf32, #tpu.memory_space<vmem_shared>> -> memref<20480x64xf32, #tpu.memory_space<vmem_shared>>
        tpu.wait_indirect_dma semaphore(%run_scoped3A_1232 : memref<!tpu.dma_semaphore, #tpu.memory_space<semaphore_mem>>) src(%arg17 : memref<128x64xf32, #tpu.memory_space<vmem>>) dst(%dma_wait3A_1244 : memref<20480x64xf32, #tpu.memory_space<vmem_shared>>)
        tpu.yield
      }) : () -> ()
      %eq3A_1169 = arith.constant 0 : i32
      %eq3A_1170 = arith.cmpi eq, %arg0, %eq3A_1169 : i32
      %convert_element_type3A_1171 = arith.extui %eq3A_1170 : i1 to i32
      %cond3A_1172 = arith.constant 0 : i32
      %cond3A_1173 = arith.cmpi ne, %convert_element_type3A_1171, %cond3A_1172 : i32
      scf.if %cond3A_1173 {
        %dma_start3A_1232 = arith.constant 4 : i32
        %dma_start3A_1233 = arith.constant 0 : i32
        %dma_start3A_1234 = tpu.memref_slice %arg16[%dma_start3A_1232, %dma_start3A_1233] : memref<8x128xi32, #tpu.memory_space<vmem>> -> memref<1x128xi32, #tpu.memory_space<vmem>>
        %dma_start3A_1235 = tpu.memref_squeeze %dma_start3A_1234 : memref<1x128xi32, #tpu.memory_space<vmem>> -> memref<128xi32, #tpu.memory_space<vmem>>
        %dma_start3A_1236 = arith.constant 0 : i32
        %dma_start3A_1237 = arith.constant 0 : i32
        %dma_start3A_1238 = tpu.memref_slice %arg21[%dma_start3A_1236, %dma_start3A_1237] : memref<20480x16xf32, #tpu.memory_space<vmem_shared>> -> memref<20480x16xf32, #tpu.memory_space<vmem_shared>>
        tpu.enqueue_indirect_dma source(%arg19 : memref<128x16xf32, #tpu.memory_space<vmem>>) target(%dma_start3A_1238 : memref<20480x16xf32, #tpu.memory_space<vmem_shared>>) offsets(%dma_start3A_1235 : memref<128xi32, #tpu.memory_space<vmem>>) semaphore(%arg24 : memref<!tpu.dma_semaphore, #tpu.memory_space<semaphore_mem>>) {add = true}
      } else {
      }
      %dma_start3A_1174 = arith.constant 6 : i32
      %dma_start3A_1175 = arith.constant 0 : i32
      %dma_start3A_1176 = tpu.memref_slice %arg15[%dma_start3A_1174, %dma_start3A_1175] : memref<8x128xi32, #tpu.memory_space<vmem>> -> memref<1x128xi32, #tpu.memory_space<vmem>>
      %dma_start3A_1177 = tpu.memref_squeeze %dma_start3A_1176 : memref<1x128xi32, #tpu.memory_space<vmem>> -> memref<128xi32, #tpu.memory_space<vmem>>
      %dma_start3A_1178 = arith.constant 0 : i32
      %dma_start3A_1179 = arith.constant 0 : i32
      %dma_start3A_1180 = tpu.memref_slice %arg2[%dma_start3A_1178, %dma_start3A_1179] : memref<20000x64xf32, #tpu.memory_space<hbm>> -> memref<20000x64xf32, #tpu.memory_space<hbm>>
      tpu.enqueue_indirect_dma source(%dma_start3A_1180 : memref<20000x64xf32, #tpu.memory_space<hbm>>) target(%arg17 : memref<128x64xf32, #tpu.memory_space<vmem>>) offsets(%dma_start3A_1177 : memref<128xi32, #tpu.memory_space<vmem>>) semaphore(%arg22 : memref<!tpu.dma_semaphore, #tpu.memory_space<semaphore_mem>>)
      %dma_wait3A_1181 = arith.constant 5 : i32
      %dma_wait3A_1182 = arith.constant 0 : i32
      %dma_wait3A_1183 = tpu.memref_slice %arg15[%dma_wait3A_1181, %dma_wait3A_1182] : memref<8x128xi32, #tpu.memory_space<vmem>> -> memref<1x128xi32, #tpu.memory_space<vmem>>
      %dma_wait3A_1184 = tpu.memref_squeeze %dma_wait3A_1183 : memref<1x128xi32, #tpu.memory_space<vmem>> -> memref<128xi32, #tpu.memory_space<vmem>>
      %dma_wait3A_1185 = arith.constant 0 : i32
      %dma_wait3A_1186 = arith.constant 0 : i32
      %dma_wait3A_1187 = tpu.memref_slice %arg2[%dma_wait3A_1185, %dma_wait3A_1186] : memref<20000x64xf32, #tpu.memory_space<hbm>> -> memref<20000x64xf32, #tpu.memory_space<hbm>>
      tpu.wait_indirect_dma semaphore(%arg23 : memref<!tpu.dma_semaphore, #tpu.memory_space<semaphore_mem>>) src(%dma_wait3A_1187 : memref<20000x64xf32, #tpu.memory_space<hbm>>) dst(%arg18 : memref<128x64xf32, #tpu.memory_space<vmem>>)
      %run_scoped3A_1188 = arith.constant 5 : i32
      "tpu.region"() ({
        %run_scoped3A_1232 = tpu.sem_alloc : memref<!tpu.dma_semaphore, #tpu.memory_space<semaphore_mem>>
        %dma_start3A_1233 = arith.constant 0 : i32
        %dma_start3A_1234 = tpu.memref_slice %arg16[%run_scoped3A_1188, %dma_start3A_1233] : memref<8x128xi32, #tpu.memory_space<vmem>> -> memref<1x128xi32, #tpu.memory_space<vmem>>
        %dma_start3A_1235 = tpu.memref_squeeze %dma_start3A_1234 : memref<1x128xi32, #tpu.memory_space<vmem>> -> memref<128xi32, #tpu.memory_space<vmem>>
        %dma_start3A_1236 = arith.constant 0 : i32
        %dma_start3A_1237 = arith.constant 0 : i32
        %dma_start3A_1238 = tpu.memref_slice %arg20[%dma_start3A_1236, %dma_start3A_1237] : memref<20480x64xf32, #tpu.memory_space<vmem_shared>> -> memref<20480x64xf32, #tpu.memory_space<vmem_shared>>
        tpu.enqueue_indirect_dma source(%arg18 : memref<128x64xf32, #tpu.memory_space<vmem>>) target(%dma_start3A_1238 : memref<20480x64xf32, #tpu.memory_space<vmem_shared>>) offsets(%dma_start3A_1235 : memref<128xi32, #tpu.memory_space<vmem>>) semaphore(%run_scoped3A_1232 : memref<!tpu.dma_semaphore, #tpu.memory_space<semaphore_mem>>) {add = true}
        %dma_wait3A_1239 = arith.constant 0 : i32
        %dma_wait3A_1240 = tpu.memref_slice %arg16[%run_scoped3A_1188, %dma_wait3A_1239] : memref<8x128xi32, #tpu.memory_space<vmem>> -> memref<1x128xi32, #tpu.memory_space<vmem>>
        %dma_wait3A_1241 = tpu.memref_squeeze %dma_wait3A_1240 : memref<1x128xi32, #tpu.memory_space<vmem>> -> memref<128xi32, #tpu.memory_space<vmem>>
        %dma_wait3A_1242 = arith.constant 0 : i32
        %dma_wait3A_1243 = arith.constant 0 : i32
        %dma_wait3A_1244 = tpu.memref_slice %arg20[%dma_wait3A_1242, %dma_wait3A_1243] : memref<20480x64xf32, #tpu.memory_space<vmem_shared>> -> memref<20480x64xf32, #tpu.memory_space<vmem_shared>>
        tpu.wait_indirect_dma semaphore(%run_scoped3A_1232 : memref<!tpu.dma_semaphore, #tpu.memory_space<semaphore_mem>>) src(%arg18 : memref<128x64xf32, #tpu.memory_space<vmem>>) dst(%dma_wait3A_1244 : memref<20480x64xf32, #tpu.memory_space<vmem_shared>>)
        tpu.yield
      }) : () -> ()
      %eq3A_1189 = arith.constant 0 : i32
      %eq3A_1190 = arith.cmpi eq, %arg0, %eq3A_1189 : i32
      %convert_element_type3A_1191 = arith.extui %eq3A_1190 : i1 to i32
      %cond3A_1192 = arith.constant 0 : i32
      %cond3A_1193 = arith.cmpi ne, %convert_element_type3A_1191, %cond3A_1192 : i32
      scf.if %cond3A_1193 {
        %dma_start3A_1232 = arith.constant 5 : i32
        %dma_start3A_1233 = arith.constant 0 : i32
        %dma_start3A_1234 = tpu.memref_slice %arg16[%dma_start3A_1232, %dma_start3A_1233] : memref<8x128xi32, #tpu.memory_space<vmem>> -> memref<1x128xi32, #tpu.memory_space<vmem>>
        %dma_start3A_1235 = tpu.memref_squeeze %dma_start3A_1234 : memref<1x128xi32, #tpu.memory_space<vmem>> -> memref<128xi32, #tpu.memory_space<vmem>>
        %dma_start3A_1236 = arith.constant 0 : i32
        %dma_start3A_1237 = arith.constant 0 : i32
        %dma_start3A_1238 = tpu.memref_slice %arg21[%dma_start3A_1236, %dma_start3A_1237] : memref<20480x16xf32, #tpu.memory_space<vmem_shared>> -> memref<20480x16xf32, #tpu.memory_space<vmem_shared>>
        tpu.enqueue_indirect_dma source(%arg19 : memref<128x16xf32, #tpu.memory_space<vmem>>) target(%dma_start3A_1238 : memref<20480x16xf32, #tpu.memory_space<vmem_shared>>) offsets(%dma_start3A_1235 : memref<128xi32, #tpu.memory_space<vmem>>) semaphore(%arg24 : memref<!tpu.dma_semaphore, #tpu.memory_space<semaphore_mem>>) {add = true}
      } else {
      }
      %dma_start3A_1194 = arith.constant 7 : i32
      %dma_start3A_1195 = arith.constant 0 : i32
      %dma_start3A_1196 = tpu.memref_slice %arg15[%dma_start3A_1194, %dma_start3A_1195] : memref<8x128xi32, #tpu.memory_space<vmem>> -> memref<1x128xi32, #tpu.memory_space<vmem>>
      %dma_start3A_1197 = tpu.memref_squeeze %dma_start3A_1196 : memref<1x128xi32, #tpu.memory_space<vmem>> -> memref<128xi32, #tpu.memory_space<vmem>>
      %dma_start3A_1198 = arith.constant 0 : i32
      %dma_start3A_1199 = arith.constant 0 : i32
      %dma_start3A_1200 = tpu.memref_slice %arg2[%dma_start3A_1198, %dma_start3A_1199] : memref<20000x64xf32, #tpu.memory_space<hbm>> -> memref<20000x64xf32, #tpu.memory_space<hbm>>
      tpu.enqueue_indirect_dma source(%dma_start3A_1200 : memref<20000x64xf32, #tpu.memory_space<hbm>>) target(%arg18 : memref<128x64xf32, #tpu.memory_space<vmem>>) offsets(%dma_start3A_1197 : memref<128xi32, #tpu.memory_space<vmem>>) semaphore(%arg23 : memref<!tpu.dma_semaphore, #tpu.memory_space<semaphore_mem>>)
      %dma_wait3A_1201 = arith.constant 6 : i32
      %dma_wait3A_1202 = arith.constant 0 : i32
      %dma_wait3A_1203 = tpu.memref_slice %arg15[%dma_wait3A_1201, %dma_wait3A_1202] : memref<8x128xi32, #tpu.memory_space<vmem>> -> memref<1x128xi32, #tpu.memory_space<vmem>>
      %dma_wait3A_1204 = tpu.memref_squeeze %dma_wait3A_1203 : memref<1x128xi32, #tpu.memory_space<vmem>> -> memref<128xi32, #tpu.memory_space<vmem>>
      %dma_wait3A_1205 = arith.constant 0 : i32
      %dma_wait3A_1206 = arith.constant 0 : i32
      %dma_wait3A_1207 = tpu.memref_slice %arg2[%dma_wait3A_1205, %dma_wait3A_1206] : memref<20000x64xf32, #tpu.memory_space<hbm>> -> memref<20000x64xf32, #tpu.memory_space<hbm>>
      tpu.wait_indirect_dma semaphore(%arg22 : memref<!tpu.dma_semaphore, #tpu.memory_space<semaphore_mem>>) src(%dma_wait3A_1207 : memref<20000x64xf32, #tpu.memory_space<hbm>>) dst(%arg17 : memref<128x64xf32, #tpu.memory_space<vmem>>)
      %run_scoped3A_1208 = arith.constant 6 : i32
      "tpu.region"() ({
        %run_scoped3A_1232 = tpu.sem_alloc : memref<!tpu.dma_semaphore, #tpu.memory_space<semaphore_mem>>
        %dma_start3A_1233 = arith.constant 0 : i32
        %dma_start3A_1234 = tpu.memref_slice %arg16[%run_scoped3A_1208, %dma_start3A_1233] : memref<8x128xi32, #tpu.memory_space<vmem>> -> memref<1x128xi32, #tpu.memory_space<vmem>>
        %dma_start3A_1235 = tpu.memref_squeeze %dma_start3A_1234 : memref<1x128xi32, #tpu.memory_space<vmem>> -> memref<128xi32, #tpu.memory_space<vmem>>
        %dma_start3A_1236 = arith.constant 0 : i32
        %dma_start3A_1237 = arith.constant 0 : i32
        %dma_start3A_1238 = tpu.memref_slice %arg20[%dma_start3A_1236, %dma_start3A_1237] : memref<20480x64xf32, #tpu.memory_space<vmem_shared>> -> memref<20480x64xf32, #tpu.memory_space<vmem_shared>>
        tpu.enqueue_indirect_dma source(%arg17 : memref<128x64xf32, #tpu.memory_space<vmem>>) target(%dma_start3A_1238 : memref<20480x64xf32, #tpu.memory_space<vmem_shared>>) offsets(%dma_start3A_1235 : memref<128xi32, #tpu.memory_space<vmem>>) semaphore(%run_scoped3A_1232 : memref<!tpu.dma_semaphore, #tpu.memory_space<semaphore_mem>>) {add = true}
        %dma_wait3A_1239 = arith.constant 0 : i32
        %dma_wait3A_1240 = tpu.memref_slice %arg16[%run_scoped3A_1208, %dma_wait3A_1239] : memref<8x128xi32, #tpu.memory_space<vmem>> -> memref<1x128xi32, #tpu.memory_space<vmem>>
        %dma_wait3A_1241 = tpu.memref_squeeze %dma_wait3A_1240 : memref<1x128xi32, #tpu.memory_space<vmem>> -> memref<128xi32, #tpu.memory_space<vmem>>
        %dma_wait3A_1242 = arith.constant 0 : i32
        %dma_wait3A_1243 = arith.constant 0 : i32
        %dma_wait3A_1244 = tpu.memref_slice %arg20[%dma_wait3A_1242, %dma_wait3A_1243] : memref<20480x64xf32, #tpu.memory_space<vmem_shared>> -> memref<20480x64xf32, #tpu.memory_space<vmem_shared>>
        tpu.wait_indirect_dma semaphore(%run_scoped3A_1232 : memref<!tpu.dma_semaphore, #tpu.memory_space<semaphore_mem>>) src(%arg17 : memref<128x64xf32, #tpu.memory_space<vmem>>) dst(%dma_wait3A_1244 : memref<20480x64xf32, #tpu.memory_space<vmem_shared>>)
        tpu.yield
      }) : () -> ()
      %eq3A_1209 = arith.constant 0 : i32
      %eq3A_1210 = arith.cmpi eq, %arg0, %eq3A_1209 : i32
      %convert_element_type3A_1211 = arith.extui %eq3A_1210 : i1 to i32
      %cond3A_1212 = arith.constant 0 : i32
      %cond3A_1213 = arith.cmpi ne, %convert_element_type3A_1211, %cond3A_1212 : i32
      scf.if %cond3A_1213 {
        %dma_start3A_1232 = arith.constant 6 : i32
        %dma_start3A_1233 = arith.constant 0 : i32
        %dma_start3A_1234 = tpu.memref_slice %arg16[%dma_start3A_1232, %dma_start3A_1233] : memref<8x128xi32, #tpu.memory_space<vmem>> -> memref<1x128xi32, #tpu.memory_space<vmem>>
        %dma_start3A_1235 = tpu.memref_squeeze %dma_start3A_1234 : memref<1x128xi32, #tpu.memory_space<vmem>> -> memref<128xi32, #tpu.memory_space<vmem>>
        %dma_start3A_1236 = arith.constant 0 : i32
        %dma_start3A_1237 = arith.constant 0 : i32
        %dma_start3A_1238 = tpu.memref_slice %arg21[%dma_start3A_1236, %dma_start3A_1237] : memref<20480x16xf32, #tpu.memory_space<vmem_shared>> -> memref<20480x16xf32, #tpu.memory_space<vmem_shared>>
        tpu.enqueue_indirect_dma source(%arg19 : memref<128x16xf32, #tpu.memory_space<vmem>>) target(%dma_start3A_1238 : memref<20480x16xf32, #tpu.memory_space<vmem_shared>>) offsets(%dma_start3A_1235 : memref<128xi32, #tpu.memory_space<vmem>>) semaphore(%arg24 : memref<!tpu.dma_semaphore, #tpu.memory_space<semaphore_mem>>) {add = true}
      } else {
      }
      %dma_wait3A_1214 = arith.constant 7 : i32
      %dma_wait3A_1215 = arith.constant 0 : i32
      %dma_wait3A_1216 = tpu.memref_slice %arg15[%dma_wait3A_1214, %dma_wait3A_1215] : memref<8x128xi32, #tpu.memory_space<vmem>> -> memref<1x128xi32, #tpu.memory_space<vmem>>
      %dma_wait3A_1217 = tpu.memref_squeeze %dma_wait3A_1216 : memref<1x128xi32, #tpu.memory_space<vmem>> -> memref<128xi32, #tpu.memory_space<vmem>>
      %dma_wait3A_1218 = arith.constant 0 : i32
      %dma_wait3A_1219 = arith.constant 0 : i32
      %dma_wait3A_1220 = tpu.memref_slice %arg2[%dma_wait3A_1218, %dma_wait3A_1219] : memref<20000x64xf32, #tpu.memory_space<hbm>> -> memref<20000x64xf32, #tpu.memory_space<hbm>>
      tpu.wait_indirect_dma semaphore(%arg23 : memref<!tpu.dma_semaphore, #tpu.memory_space<semaphore_mem>>) src(%dma_wait3A_1220 : memref<20000x64xf32, #tpu.memory_space<hbm>>) dst(%arg18 : memref<128x64xf32, #tpu.memory_space<vmem>>)
      %run_scoped3A_1221 = arith.constant 7 : i32
      "tpu.region"() ({
        %run_scoped3A_1232 = tpu.sem_alloc : memref<!tpu.dma_semaphore, #tpu.memory_space<semaphore_mem>>
        %dma_start3A_1233 = arith.constant 0 : i32
        %dma_start3A_1234 = tpu.memref_slice %arg16[%run_scoped3A_1221, %dma_start3A_1233] : memref<8x128xi32, #tpu.memory_space<vmem>> -> memref<1x128xi32, #tpu.memory_space<vmem>>
        %dma_start3A_1235 = tpu.memref_squeeze %dma_start3A_1234 : memref<1x128xi32, #tpu.memory_space<vmem>> -> memref<128xi32, #tpu.memory_space<vmem>>
        %dma_start3A_1236 = arith.constant 0 : i32
        %dma_start3A_1237 = arith.constant 0 : i32
        %dma_start3A_1238 = tpu.memref_slice %arg20[%dma_start3A_1236, %dma_start3A_1237] : memref<20480x64xf32, #tpu.memory_space<vmem_shared>> -> memref<20480x64xf32, #tpu.memory_space<vmem_shared>>
        tpu.enqueue_indirect_dma source(%arg18 : memref<128x64xf32, #tpu.memory_space<vmem>>) target(%dma_start3A_1238 : memref<20480x64xf32, #tpu.memory_space<vmem_shared>>) offsets(%dma_start3A_1235 : memref<128xi32, #tpu.memory_space<vmem>>) semaphore(%run_scoped3A_1232 : memref<!tpu.dma_semaphore, #tpu.memory_space<semaphore_mem>>) {add = true}
        %dma_wait3A_1239 = arith.constant 0 : i32
        %dma_wait3A_1240 = tpu.memref_slice %arg16[%run_scoped3A_1221, %dma_wait3A_1239] : memref<8x128xi32, #tpu.memory_space<vmem>> -> memref<1x128xi32, #tpu.memory_space<vmem>>
        %dma_wait3A_1241 = tpu.memref_squeeze %dma_wait3A_1240 : memref<1x128xi32, #tpu.memory_space<vmem>> -> memref<128xi32, #tpu.memory_space<vmem>>
        %dma_wait3A_1242 = arith.constant 0 : i32
        %dma_wait3A_1243 = arith.constant 0 : i32
        %dma_wait3A_1244 = tpu.memref_slice %arg20[%dma_wait3A_1242, %dma_wait3A_1243] : memref<20480x64xf32, #tpu.memory_space<vmem_shared>> -> memref<20480x64xf32, #tpu.memory_space<vmem_shared>>
        tpu.wait_indirect_dma semaphore(%run_scoped3A_1232 : memref<!tpu.dma_semaphore, #tpu.memory_space<semaphore_mem>>) src(%arg18 : memref<128x64xf32, #tpu.memory_space<vmem>>) dst(%dma_wait3A_1244 : memref<20480x64xf32, #tpu.memory_space<vmem_shared>>)
        tpu.yield
      }) : () -> ()
      %eq3A_1222 = arith.constant 0 : i32
      %eq3A_1223 = arith.cmpi eq, %arg0, %eq3A_1222 : i32
      %convert_element_type3A_1224 = arith.extui %eq3A_1223 : i1 to i32
      %cond3A_1225 = arith.constant 0 : i32
      %cond3A_1226 = arith.cmpi ne, %convert_element_type3A_1224, %cond3A_1225 : i32
      scf.if %cond3A_1226 {
        %dma_start3A_1232 = arith.constant 7 : i32
        %dma_start3A_1233 = arith.constant 0 : i32
        %dma_start3A_1234 = tpu.memref_slice %arg16[%dma_start3A_1232, %dma_start3A_1233] : memref<8x128xi32, #tpu.memory_space<vmem>> -> memref<1x128xi32, #tpu.memory_space<vmem>>
        %dma_start3A_1235 = tpu.memref_squeeze %dma_start3A_1234 : memref<1x128xi32, #tpu.memory_space<vmem>> -> memref<128xi32, #tpu.memory_space<vmem>>
        %dma_start3A_1236 = arith.constant 0 : i32
        %dma_start3A_1237 = arith.constant 0 : i32
        %dma_start3A_1238 = tpu.memref_slice %arg21[%dma_start3A_1236, %dma_start3A_1237] : memref<20480x16xf32, #tpu.memory_space<vmem_shared>> -> memref<20480x16xf32, #tpu.memory_space<vmem_shared>>
        tpu.enqueue_indirect_dma source(%arg19 : memref<128x16xf32, #tpu.memory_space<vmem>>) target(%dma_start3A_1238 : memref<20480x16xf32, #tpu.memory_space<vmem_shared>>) offsets(%dma_start3A_1235 : memref<128xi32, #tpu.memory_space<vmem>>) semaphore(%arg24 : memref<!tpu.dma_semaphore, #tpu.memory_space<semaphore_mem>>) {add = true}
      } else {
      }
      %eq3A_1227 = arith.constant 0 : i32
      %eq3A_1228 = arith.cmpi eq, %arg0, %eq3A_1227 : i32
      %convert_element_type3A_1229 = arith.extui %eq3A_1228 : i1 to i32
      %cond3A_1230 = arith.constant 0 : i32
      %cond3A_1231 = arith.cmpi ne, %convert_element_type3A_1229, %cond3A_1230 : i32
      scf.if %cond3A_1231 {
        %dma_wait3A_1232 = arith.constant 0 : i32
        %dma_wait3A_1233 = tpu.memref_slice %arg16[%squeeze3A, %dma_wait3A_1232] : memref<8x128xi32, #tpu.memory_space<vmem>> -> memref<1x128xi32, #tpu.memory_space<vmem>>
        %dma_wait3A_1234 = tpu.memref_squeeze %dma_wait3A_1233 : memref<1x128xi32, #tpu.memory_space<vmem>> -> memref<128xi32, #tpu.memory_space<vmem>>
        %dma_wait3A_1235 = arith.constant 0 : i32
        %dma_wait3A_1236 = arith.constant 0 : i32
        %dma_wait3A_1237 = tpu.memref_slice %arg21[%dma_wait3A_1235, %dma_wait3A_1236] : memref<20480x16xf32, #tpu.memory_space<vmem_shared>> -> memref<20480x16xf32, #tpu.memory_space<vmem_shared>>
        tpu.wait_indirect_dma semaphore(%arg24 : memref<!tpu.dma_semaphore, #tpu.memory_space<semaphore_mem>>) src(%arg19 : memref<128x16xf32, #tpu.memory_space<vmem>>) dst(%dma_wait3A_1237 : memref<20480x16xf32, #tpu.memory_space<vmem_shared>>)
        %dma_wait3A_1238 = arith.constant 0 : i32
        %dma_wait3A_1239 = tpu.memref_slice %arg16[%squeeze3A_13, %dma_wait3A_1238] : memref<8x128xi32, #tpu.memory_space<vmem>> -> memref<1x128xi32, #tpu.memory_space<vmem>>
        %dma_wait3A_1240 = tpu.memref_squeeze %dma_wait3A_1239 : memref<1x128xi32, #tpu.memory_space<vmem>> -> memref<128xi32, #tpu.memory_space<vmem>>
        %dma_wait3A_1241 = arith.constant 0 : i32
        %dma_wait3A_1242 = arith.constant 0 : i32
        %dma_wait3A_1243 = tpu.memref_slice %arg21[%dma_wait3A_1241, %dma_wait3A_1242] : memref<20480x16xf32, #tpu.memory_space<vmem_shared>> -> memref<20480x16xf32, #tpu.memory_space<vmem_shared>>
        tpu.wait_indirect_dma semaphore(%arg24 : memref<!tpu.dma_semaphore, #tpu.memory_space<semaphore_mem>>) src(%arg19 : memref<128x16xf32, #tpu.memory_space<vmem>>) dst(%dma_wait3A_1243 : memref<20480x16xf32, #tpu.memory_space<vmem_shared>>)
        %dma_wait3A_1244 = arith.constant 0 : i32
        %dma_wait3A_1245 = tpu.memref_slice %arg16[%squeeze3A_18, %dma_wait3A_1244] : memref<8x128xi32, #tpu.memory_space<vmem>> -> memref<1x128xi32, #tpu.memory_space<vmem>>
        %dma_wait3A_1246 = tpu.memref_squeeze %dma_wait3A_1245 : memref<1x128xi32, #tpu.memory_space<vmem>> -> memref<128xi32, #tpu.memory_space<vmem>>
        %dma_wait3A_1247 = arith.constant 0 : i32
        %dma_wait3A_1248 = arith.constant 0 : i32
        %dma_wait3A_1249 = tpu.memref_slice %arg21[%dma_wait3A_1247, %dma_wait3A_1248] : memref<20480x16xf32, #tpu.memory_space<vmem_shared>> -> memref<20480x16xf32, #tpu.memory_space<vmem_shared>>
        tpu.wait_indirect_dma semaphore(%arg24 : memref<!tpu.dma_semaphore, #tpu.memory_space<semaphore_mem>>) src(%arg19 : memref<128x16xf32, #tpu.memory_space<vmem>>) dst(%dma_wait3A_1249 : memref<20480x16xf32, #tpu.memory_space<vmem_shared>>)
        %dma_wait3A_1250 = arith.constant 0 : i32
        %dma_wait3A_1251 = tpu.memref_slice %arg16[%squeeze3A_23, %dma_wait3A_1250] : memref<8x128xi32, #tpu.memory_space<vmem>> -> memref<1x128xi32, #tpu.memory_space<vmem>>
        %dma_wait3A_1252 = tpu.memref_squeeze %dma_wait3A_1251 : memref<1x128xi32, #tpu.memory_space<vmem>> -> memref<128xi32, #tpu.memory_space<vmem>>
        %dma_wait3A_1253 = arith.constant 0 : i32
        %dma_wait3A_1254 = arith.constant 0 : i32
        %dma_wait3A_1255 = tpu.memref_slice %arg21[%dma_wait3A_1253, %dma_wait3A_1254] : memref<20480x16xf32, #tpu.memory_space<vmem_shared>> -> memref<20480x16xf32, #tpu.memory_space<vmem_shared>>
        tpu.wait_indirect_dma semaphore(%arg24 : memref<!tpu.dma_semaphore, #tpu.memory_space<semaphore_mem>>) src(%arg19 : memref<128x16xf32, #tpu.memory_space<vmem>>) dst(%dma_wait3A_1255 : memref<20480x16xf32, #tpu.memory_space<vmem_shared>>)
        %dma_wait3A_1256 = arith.constant 0 : i32
        %dma_wait3A_1257 = tpu.memref_slice %arg16[%squeeze3A_28, %dma_wait3A_1256] : memref<8x128xi32, #tpu.memory_space<vmem>> -> memref<1x128xi32, #tpu.memory_space<vmem>>
        %dma_wait3A_1258 = tpu.memref_squeeze %dma_wait3A_1257 : memref<1x128xi32, #tpu.memory_space<vmem>> -> memref<128xi32, #tpu.memory_space<vmem>>
        %dma_wait3A_1259 = arith.constant 0 : i32
        %dma_wait3A_1260 = arith.constant 0 : i32
        %dma_wait3A_1261 = tpu.memref_slice %arg21[%dma_wait3A_1259, %dma_wait3A_1260] : memref<20480x16xf32, #tpu.memory_space<vmem_shared>> -> memref<20480x16xf32, #tpu.memory_space<vmem_shared>>
        tpu.wait_indirect_dma semaphore(%arg24 : memref<!tpu.dma_semaphore, #tpu.memory_space<semaphore_mem>>) src(%arg19 : memref<128x16xf32, #tpu.memory_space<vmem>>) dst(%dma_wait3A_1261 : memref<20480x16xf32, #tpu.memory_space<vmem_shared>>)
        %dma_wait3A_1262 = arith.constant 0 : i32
        %dma_wait3A_1263 = tpu.memref_slice %arg16[%squeeze3A_33, %dma_wait3A_1262] : memref<8x128xi32, #tpu.memory_space<vmem>> -> memref<1x128xi32, #tpu.memory_space<vmem>>
        %dma_wait3A_1264 = tpu.memref_squeeze %dma_wait3A_1263 : memref<1x128xi32, #tpu.memory_space<vmem>> -> memref<128xi32, #tpu.memory_space<vmem>>
        %dma_wait3A_1265 = arith.constant 0 : i32
        %dma_wait3A_1266 = arith.constant 0 : i32
        %dma_wait3A_1267 = tpu.memref_slice %arg21[%dma_wait3A_1265, %dma_wait3A_1266] : memref<20480x16xf32, #tpu.memory_space<vmem_shared>> -> memref<20480x16xf32, #tpu.memory_space<vmem_shared>>
        tpu.wait_indirect_dma semaphore(%arg24 : memref<!tpu.dma_semaphore, #tpu.memory_space<semaphore_mem>>) src(%arg19 : memref<128x16xf32, #tpu.memory_space<vmem>>) dst(%dma_wait3A_1267 : memref<20480x16xf32, #tpu.memory_space<vmem_shared>>)
        %dma_wait3A_1268 = arith.constant 0 : i32
        %dma_wait3A_1269 = tpu.memref_slice %arg16[%squeeze3A_38, %dma_wait3A_1268] : memref<8x128xi32, #tpu.memory_space<vmem>> -> memref<1x128xi32, #tpu.memory_space<vmem>>
        %dma_wait3A_1270 = tpu.memref_squeeze %dma_wait3A_1269 : memref<1x128xi32, #tpu.memory_space<vmem>> -> memref<128xi32, #tpu.memory_space<vmem>>
        %dma_wait3A_1271 = arith.constant 0 : i32
        %dma_wait3A_1272 = arith.constant 0 : i32
        %dma_wait3A_1273 = tpu.memref_slice %arg21[%dma_wait3A_1271, %dma_wait3A_1272] : memref<20480x16xf32, #tpu.memory_space<vmem_shared>> -> memref<20480x16xf32, #tpu.memory_space<vmem_shared>>
        tpu.wait_indirect_dma semaphore(%arg24 : memref<!tpu.dma_semaphore, #tpu.memory_space<semaphore_mem>>) src(%arg19 : memref<128x16xf32, #tpu.memory_space<vmem>>) dst(%dma_wait3A_1273 : memref<20480x16xf32, #tpu.memory_space<vmem_shared>>)
        %dma_wait3A_1274 = arith.constant 0 : i32
        %dma_wait3A_1275 = tpu.memref_slice %arg16[%squeeze3A_43, %dma_wait3A_1274] : memref<8x128xi32, #tpu.memory_space<vmem>> -> memref<1x128xi32, #tpu.memory_space<vmem>>
        %dma_wait3A_1276 = tpu.memref_squeeze %dma_wait3A_1275 : memref<1x128xi32, #tpu.memory_space<vmem>> -> memref<128xi32, #tpu.memory_space<vmem>>
        %dma_wait3A_1277 = arith.constant 0 : i32
        %dma_wait3A_1278 = arith.constant 0 : i32
        %dma_wait3A_1279 = tpu.memref_slice %arg21[%dma_wait3A_1277, %dma_wait3A_1278] : memref<20480x16xf32, #tpu.memory_space<vmem_shared>> -> memref<20480x16xf32, #tpu.memory_space<vmem_shared>>
        tpu.wait_indirect_dma semaphore(%arg24 : memref<!tpu.dma_semaphore, #tpu.memory_space<semaphore_mem>>) src(%arg19 : memref<128x16xf32, #tpu.memory_space<vmem>>) dst(%dma_wait3A_1279 : memref<20480x16xf32, #tpu.memory_space<vmem_shared>>)
      } else {
      }
    }
    %scan3A_89 = arith.constant 20 : i32
    %barrier3A_90 = arith.constant 0 : index
    tpu.barrier barrier_id(%barrier3A_90)
    %mul3A_91 = arith.constant 1280 : i32
    %mul3A_92 = arith.muli %arg1, %mul3A_91 : i32
    %mul3A_93 = arith.constant 20480 : i32
    %mul3A_94 = arith.muli %arg0, %mul3A_93 : i32
    %add3A_95 = arith.addi %mul3A_94, %mul3A_92 : i32
    "tpu.region"() ({
      %run_scoped3A = tpu.sem_alloc : memref<!tpu.dma_semaphore, #tpu.memory_space<semaphore_mem>>
      %dma_start3A = arith.constant 0 : i32
      %dma_start3A_101 = tpu.memref_slice %arg13[%add3A_95, %dma_start3A] : memref<40960x64xf32, #tpu.memory_space<hbm>> -> memref<1280x64xf32, #tpu.memory_space<hbm>>
      %dma_start3A_102 = arith.constant 0 : i32
      %dma_start3A_103 = tpu.memref_slice %arg20[%mul3A_92, %dma_start3A_102] : memref<20480x64xf32, #tpu.memory_space<vmem_shared>> -> memref<1280x64xf32, #tpu.memory_space<vmem_shared>>
      tpu.enqueue_dma source(%dma_start3A_103 : memref<1280x64xf32, #tpu.memory_space<vmem_shared>>) target(%dma_start3A_101 : memref<1280x64xf32, #tpu.memory_space<hbm>>) target_semaphore(%run_scoped3A : memref<!tpu.dma_semaphore, #tpu.memory_space<semaphore_mem>>)
      %dma_wait3A = arith.constant 0 : i32
      %dma_wait3A_104 = tpu.memref_slice %arg13[%add3A_95, %dma_wait3A] : memref<40960x64xf32, #tpu.memory_space<hbm>> -> memref<1280x64xf32, #tpu.memory_space<hbm>>
      %dma_wait3A_105 = arith.constant 0 : i32
      %dma_wait3A_106 = tpu.memref_slice %arg20[%mul3A_92, %dma_wait3A_105] : memref<20480x64xf32, #tpu.memory_space<vmem_shared>> -> memref<1280x64xf32, #tpu.memory_space<vmem_shared>>
      tpu.wait_dma2 semaphore(%run_scoped3A : memref<!tpu.dma_semaphore, #tpu.memory_space<semaphore_mem>>) src(%dma_wait3A_106 : memref<1280x64xf32, #tpu.memory_space<vmem_shared>>) dst(%dma_wait3A_104 : memref<1280x64xf32, #tpu.memory_space<hbm>>)
      tpu.yield
    }) : () -> ()
    %eq3A_96 = arith.constant 0 : i32
    %eq3A_97 = arith.cmpi eq, %arg0, %eq3A_96 : i32
    %convert_element_type3A_98 = arith.extui %eq3A_97 : i1 to i32
    %cond3A_99 = arith.constant 0 : i32
    %cond3A_100 = arith.cmpi ne, %convert_element_type3A_98, %cond3A_99 : i32
    scf.if %cond3A_100 {
      "tpu.region"() ({
        %run_scoped3A = tpu.sem_alloc : memref<!tpu.dma_semaphore, #tpu.memory_space<semaphore_mem>>
        %dma_start3A = arith.constant 0 : i32
        %dma_start3A_101 = tpu.memref_slice %arg14[%mul3A_92, %dma_start3A] : memref<20480x16xf32, #tpu.memory_space<hbm>> -> memref<1280x16xf32, #tpu.memory_space<hbm>>
        %dma_start3A_102 = arith.constant 0 : i32
        %dma_start3A_103 = tpu.memref_slice %arg21[%mul3A_92, %dma_start3A_102] : memref<20480x16xf32, #tpu.memory_space<vmem_shared>> -> memref<1280x16xf32, #tpu.memory_space<vmem_shared>>
        tpu.enqueue_dma source(%dma_start3A_103 : memref<1280x16xf32, #tpu.memory_space<vmem_shared>>) target(%dma_start3A_101 : memref<1280x16xf32, #tpu.memory_space<hbm>>) target_semaphore(%run_scoped3A : memref<!tpu.dma_semaphore, #tpu.memory_space<semaphore_mem>>)
        %dma_wait3A = arith.constant 0 : i32
        %dma_wait3A_104 = tpu.memref_slice %arg14[%mul3A_92, %dma_wait3A] : memref<20480x16xf32, #tpu.memory_space<hbm>> -> memref<1280x16xf32, #tpu.memory_space<hbm>>
        %dma_wait3A_105 = arith.constant 0 : i32
        %dma_wait3A_106 = tpu.memref_slice %arg21[%mul3A_92, %dma_wait3A_105] : memref<20480x16xf32, #tpu.memory_space<vmem_shared>> -> memref<1280x16xf32, #tpu.memory_space<vmem_shared>>
        tpu.wait_dma2 semaphore(%run_scoped3A : memref<!tpu.dma_semaphore, #tpu.memory_space<semaphore_mem>>) src(%dma_wait3A_106 : memref<1280x16xf32, #tpu.memory_space<vmem_shared>>) dst(%dma_wait3A_104 : memref<1280x16xf32, #tpu.memory_space<hbm>>)
        tpu.yield
      }) : () -> ()
    } else {
    }
    return
  }
}

module attributes {stable_mosaic.version = 14 : i64} {
  func.func @_enc_body(%arg0: i32, %arg1: memref<1000x768xf32, #tpu.memory_space<vmem>>, %arg2: memref<1000x768xf32, #tpu.memory_space<vmem>>, %arg3: memref<1000x5xf32, #tpu.memory_space<vmem>>, %arg4: memref<1000x3xf32, #tpu.memory_space<vmem>>, %arg5: memref<768x32xf32, #tpu.memory_space<vmem>>, %arg6: memref<1x32xf32, #tpu.memory_space<vmem>>, %arg7: memref<768x32xf32, #tpu.memory_space<vmem>>, %arg8: memref<1x32xf32, #tpu.memory_space<vmem>>, %arg9: memref<5x32xf32, #tpu.memory_space<vmem>>, %arg10: memref<1x32xf32, #tpu.memory_space<vmem>>, %arg11: memref<3x32xf32, #tpu.memory_space<vmem>>, %arg12: memref<1x32xf32, #tpu.memory_space<vmem>>, %arg13: memref<128x128xf32, #tpu.memory_space<vmem>>, %arg14: memref<1x128xf32, #tpu.memory_space<vmem>>, %arg15: memref<2x1000x64xf32, #tpu.memory_space<vmem>>) attributes {dimension_semantics = [#tpu.dimension_semantics<arbitrary>], iteration_bounds = array<i64: 10>, scalar_prefetch = 0 : i64, scratch_operands = 0 : i64, tpu.core_type = #tpu.core_type<tc>, window_params = [{transform_indices = @transform_0, window_bounds = array<i64: 1000, 768>}, {transform_indices = @transform_1, window_bounds = array<i64: 1000, 768>}, {transform_indices = @transform_2, window_bounds = array<i64: 1000, 5>}, {transform_indices = @transform_3, window_bounds = array<i64: 1000, 3>}, {pipeline_mode = #tpu.pipeline_mode<synchronous>, transform_indices = @transform_4, window_bounds = array<i64: 768, 32>}, {pipeline_mode = #tpu.pipeline_mode<synchronous>, transform_indices = @transform_5, window_bounds = array<i64: 1, 32>}, {pipeline_mode = #tpu.pipeline_mode<synchronous>, transform_indices = @transform_6, window_bounds = array<i64: 768, 32>}, {pipeline_mode = #tpu.pipeline_mode<synchronous>, transform_indices = @transform_7, window_bounds = array<i64: 1, 32>}, {pipeline_mode = #tpu.pipeline_mode<synchronous>, transform_indices = @transform_8, window_bounds = array<i64: 5, 32>}, {pipeline_mode = #tpu.pipeline_mode<synchronous>, transform_indices = @transform_9, window_bounds = array<i64: 1, 32>}, {pipeline_mode = #tpu.pipeline_mode<synchronous>, transform_indices = @transform_10, window_bounds = array<i64: 3, 32>}, {pipeline_mode = #tpu.pipeline_mode<synchronous>, transform_indices = @transform_11, window_bounds = array<i64: 1, 32>}, {pipeline_mode = #tpu.pipeline_mode<synchronous>, transform_indices = @transform_12, window_bounds = array<i64: 128, 128>}, {pipeline_mode = #tpu.pipeline_mode<synchronous>, transform_indices = @transform_13, window_bounds = array<i64: 1, 128>}, {transform_indices = @transform_14, window_bounds = array<i64: 2, 1000, 64>}]} {
    %get3A = arith.constant 0 : index
    %get3A_0 = arith.constant 0 : index
    %get3A_1 = vector.load %arg1[%get3A, %get3A_0] : memref<1000x768xf32, #tpu.memory_space<vmem>>, vector<1000x768xf32>
    %get3A_2 = arith.constant 0 : index
    %get3A_3 = arith.constant 0 : index
    %get3A_4 = vector.load %arg5[%get3A_2, %get3A_3] : memref<768x32xf32, #tpu.memory_space<vmem>>, vector<768x32xf32>
    %dot_general3A = arith.constant dense<0.000000e+00> : vector<1000x32xf32>
    %dot_general3A_5 = tpu.matmul %get3A_1, %get3A_4, %dot_general3A {dimension_numbers = #tpu.dot_dimension_numbers<[1], [0], [0], [1], [0, 0, 1, 1], [], []>, transpose_lhs_hint = false} : vector<1000x768xf32>, vector<768x32xf32>, vector<1000x32xf32> -> vector<1000x32xf32>
    %get3A_6 = arith.constant 0 : index
    %get3A_7 = arith.constant 0 : index
    %get3A_8 = vector.load %arg6[%get3A_6, %get3A_7] : memref<1x32xf32, #tpu.memory_space<vmem>>, vector<1x32xf32>
    %add3A = vector.broadcast %get3A_8 : vector<1x32xf32> to vector<1000x32xf32>
    %add3A_9 = arith.addf %dot_general3A_5, %add3A : vector<1000x32xf32>
    %ge3A = arith.constant 0.000000e+00 : f32
    %ge3A_10 = vector.broadcast %ge3A : f32 to vector<1000x32xf32>
    %ge3A_11 = arith.cmpf oge, %add3A_9, %ge3A_10 : vector<1000x32xf32>
    %mul3A = arith.constant 0.00999999977 : f32
    %mul3A_12 = vector.broadcast %mul3A : f32 to vector<1000x32xf32>
    %mul3A_13 = arith.mulf %mul3A_12, %add3A_9 : vector<1000x32xf32>
    %select_n3A = arith.select %ge3A_11, %add3A_9, %mul3A_13 : vector<1000x32xi1>, vector<1000x32xf32>
    %get3A_14 = arith.constant 0 : index
    %get3A_15 = arith.constant 0 : index
    %get3A_16 = vector.load %arg2[%get3A_14, %get3A_15] : memref<1000x768xf32, #tpu.memory_space<vmem>>, vector<1000x768xf32>
    %get3A_17 = arith.constant 0 : index
    %get3A_18 = arith.constant 0 : index
    %get3A_19 = vector.load %arg7[%get3A_17, %get3A_18] : memref<768x32xf32, #tpu.memory_space<vmem>>, vector<768x32xf32>
    %dot_general3A_20 = arith.constant dense<0.000000e+00> : vector<1000x32xf32>
    %dot_general3A_21 = tpu.matmul %get3A_16, %get3A_19, %dot_general3A_20 {dimension_numbers = #tpu.dot_dimension_numbers<[1], [0], [0], [1], [0, 0, 1, 1], [], []>, transpose_lhs_hint = false} : vector<1000x768xf32>, vector<768x32xf32>, vector<1000x32xf32> -> vector<1000x32xf32>
    %get3A_22 = arith.constant 0 : index
    %get3A_23 = arith.constant 0 : index
    %get3A_24 = vector.load %arg8[%get3A_22, %get3A_23] : memref<1x32xf32, #tpu.memory_space<vmem>>, vector<1x32xf32>
    %add3A_25 = vector.broadcast %get3A_24 : vector<1x32xf32> to vector<1000x32xf32>
    %add3A_26 = arith.addf %dot_general3A_21, %add3A_25 : vector<1000x32xf32>
    %ge3A_27 = arith.constant 0.000000e+00 : f32
    %ge3A_28 = vector.broadcast %ge3A_27 : f32 to vector<1000x32xf32>
    %ge3A_29 = arith.cmpf oge, %add3A_26, %ge3A_28 : vector<1000x32xf32>
    %mul3A_30 = arith.constant 0.00999999977 : f32
    %mul3A_31 = vector.broadcast %mul3A_30 : f32 to vector<1000x32xf32>
    %mul3A_32 = arith.mulf %mul3A_31, %add3A_26 : vector<1000x32xf32>
    %select_n3A_33 = arith.select %ge3A_29, %add3A_26, %mul3A_32 : vector<1000x32xi1>, vector<1000x32xf32>
    %get3A_34 = arith.constant 0 : index
    %get3A_35 = arith.constant 0 : index
    %get3A_36 = vector.load %arg3[%get3A_34, %get3A_35] : memref<1000x5xf32, #tpu.memory_space<vmem>>, vector<1000x5xf32>
    %get3A_37 = arith.constant 0 : index
    %get3A_38 = arith.constant 0 : index
    %get3A_39 = vector.load %arg9[%get3A_37, %get3A_38] : memref<5x32xf32, #tpu.memory_space<vmem>>, vector<5x32xf32>
    %dot_general3A_40 = arith.constant dense<0.000000e+00> : vector<1000x32xf32>
    %dot_general3A_41 = tpu.matmul %get3A_36, %get3A_39, %dot_general3A_40 {dimension_numbers = #tpu.dot_dimension_numbers<[1], [0], [0], [1], [0, 0, 1, 1], [], []>, transpose_lhs_hint = false} : vector<1000x5xf32>, vector<5x32xf32>, vector<1000x32xf32> -> vector<1000x32xf32>
    %get3A_42 = arith.constant 0 : index
    %get3A_43 = arith.constant 0 : index
    %get3A_44 = vector.load %arg10[%get3A_42, %get3A_43] : memref<1x32xf32, #tpu.memory_space<vmem>>, vector<1x32xf32>
    %add3A_45 = vector.broadcast %get3A_44 : vector<1x32xf32> to vector<1000x32xf32>
    %add3A_46 = arith.addf %dot_general3A_41, %add3A_45 : vector<1000x32xf32>
    %ge3A_47 = arith.constant 0.000000e+00 : f32
    %ge3A_48 = vector.broadcast %ge3A_47 : f32 to vector<1000x32xf32>
    %ge3A_49 = arith.cmpf oge, %add3A_46, %ge3A_48 : vector<1000x32xf32>
    %mul3A_50 = arith.constant 0.00999999977 : f32
    %mul3A_51 = vector.broadcast %mul3A_50 : f32 to vector<1000x32xf32>
    %mul3A_52 = arith.mulf %mul3A_51, %add3A_46 : vector<1000x32xf32>
    %select_n3A_53 = arith.select %ge3A_49, %add3A_46, %mul3A_52 : vector<1000x32xi1>, vector<1000x32xf32>
    %get3A_54 = arith.constant 0 : index
    %get3A_55 = arith.constant 0 : index
    %get3A_56 = vector.load %arg4[%get3A_54, %get3A_55] : memref<1000x3xf32, #tpu.memory_space<vmem>>, vector<1000x3xf32>
    %get3A_57 = arith.constant 0 : index
    %get3A_58 = arith.constant 0 : index
    %get3A_59 = vector.load %arg11[%get3A_57, %get3A_58] : memref<3x32xf32, #tpu.memory_space<vmem>>, vector<3x32xf32>
    %dot_general3A_60 = arith.constant dense<0.000000e+00> : vector<1000x32xf32>
    %dot_general3A_61 = tpu.matmul %get3A_56, %get3A_59, %dot_general3A_60 {dimension_numbers = #tpu.dot_dimension_numbers<[1], [0], [0], [1], [0, 0, 1, 1], [], []>, transpose_lhs_hint = false} : vector<1000x3xf32>, vector<3x32xf32>, vector<1000x32xf32> -> vector<1000x32xf32>
    %get3A_62 = arith.constant 0 : index
    %get3A_63 = arith.constant 0 : index
    %get3A_64 = vector.load %arg12[%get3A_62, %get3A_63] : memref<1x32xf32, #tpu.memory_space<vmem>>, vector<1x32xf32>
    %add3A_65 = vector.broadcast %get3A_64 : vector<1x32xf32> to vector<1000x32xf32>
    %add3A_66 = arith.addf %dot_general3A_61, %add3A_65 : vector<1000x32xf32>
    %ge3A_67 = arith.constant 0.000000e+00 : f32
    %ge3A_68 = vector.broadcast %ge3A_67 : f32 to vector<1000x32xf32>
    %ge3A_69 = arith.cmpf oge, %add3A_66, %ge3A_68 : vector<1000x32xf32>
    %mul3A_70 = arith.constant 0.00999999977 : f32
    %mul3A_71 = vector.broadcast %mul3A_70 : f32 to vector<1000x32xf32>
    %mul3A_72 = arith.mulf %mul3A_71, %add3A_66 : vector<1000x32xf32>
    %select_n3A_73 = arith.select %ge3A_69, %add3A_66, %mul3A_72 : vector<1000x32xi1>, vector<1000x32xf32>
    %concatenate3A = tpu.concatenate %select_n3A, %select_n3A_33, %select_n3A_53, %select_n3A_73 in 1 : vector<1000x32xf32>, vector<1000x32xf32>, vector<1000x32xf32>, vector<1000x32xf32> -> vector<1000x128xf32>
    %get3A_74 = arith.constant 0 : index
    %get3A_75 = arith.constant 0 : index
    %get3A_76 = vector.load %arg13[%get3A_74, %get3A_75] : memref<128x128xf32, #tpu.memory_space<vmem>>, vector<128x128xf32>
    %dot_general3A_77 = arith.constant dense<0.000000e+00> : vector<1000x128xf32>
    %dot_general3A_78 = tpu.matmul %concatenate3A, %get3A_76, %dot_general3A_77 {dimension_numbers = #tpu.dot_dimension_numbers<[1], [0], [0], [1], [0, 0, 1, 1], [], []>, transpose_lhs_hint = false} : vector<1000x128xf32>, vector<128x128xf32>, vector<1000x128xf32> -> vector<1000x128xf32>
    %get3A_79 = arith.constant 0 : index
    %get3A_80 = arith.constant 0 : index
    %get3A_81 = vector.load %arg14[%get3A_79, %get3A_80] : memref<1x128xf32, #tpu.memory_space<vmem>>, vector<1x128xf32>
    %add3A_82 = vector.broadcast %get3A_81 : vector<1x128xf32> to vector<1000x128xf32>
    %add3A_83 = arith.addf %dot_general3A_78, %add3A_82 : vector<1000x128xf32>
    %ge3A_84 = arith.constant 0.000000e+00 : f32
    %ge3A_85 = vector.broadcast %ge3A_84 : f32 to vector<1000x128xf32>
    %ge3A_86 = arith.cmpf oge, %add3A_83, %ge3A_85 : vector<1000x128xf32>
    %mul3A_87 = arith.constant 0.00999999977 : f32
    %mul3A_88 = vector.broadcast %mul3A_87 : f32 to vector<1000x128xf32>
    %mul3A_89 = arith.mulf %mul3A_88, %add3A_83 : vector<1000x128xf32>
    %select_n3A_90 = arith.select %ge3A_86, %add3A_83, %mul3A_89 : vector<1000x128xi1>, vector<1000x128xf32>
    %slice3A = vector.extract_strided_slice %select_n3A_90 {offsets = [0, 0], sizes = [1000, 64], strides = [1, 1]} : vector<1000x128xf32> to vector<1000x64xf32>
    %swap3A = arith.constant 0 : index
    %swap3A_91 = arith.constant 0 : index
    %swap3A_92 = arith.constant 0 : index
    %swap3A_93 = vector.load %arg15[%swap3A, %swap3A_91, %swap3A_92] : memref<2x1000x64xf32, #tpu.memory_space<vmem>>, vector<1x1000x64xf32>
    %swap3A_94 = vector.shape_cast %swap3A_93 : vector<1x1000x64xf32> to vector<1000x64xf32>
    %swap3A_95 = vector.shape_cast %slice3A : vector<1000x64xf32> to vector<1x1000x64xf32>
    tpu.vector_store %arg15[%swap3A, %swap3A_91, %swap3A_92], %swap3A_95 {strides = array<i32>} : memref<2x1000x64xf32, #tpu.memory_space<vmem>>, vector<1x1000x64xf32>,
    %slice3A_96 = vector.extract_strided_slice %select_n3A_90 {offsets = [0, 64], sizes = [1000, 64], strides = [1, 1]} : vector<1000x128xf32> to vector<1000x64xf32>
    %swap3A_97 = arith.constant 1 : index
    %swap3A_98 = arith.constant 0 : index
    %swap3A_99 = arith.constant 0 : index
    %swap3A_100 = vector.load %arg15[%swap3A_97, %swap3A_98, %swap3A_99] : memref<2x1000x64xf32, #tpu.memory_space<vmem>>, vector<1x1000x64xf32>
    %swap3A_101 = vector.shape_cast %swap3A_100 : vector<1x1000x64xf32> to vector<1000x64xf32>
    %swap3A_102 = vector.shape_cast %slice3A_96 : vector<1000x64xf32> to vector<1x1000x64xf32>
    tpu.vector_store %arg15[%swap3A_97, %swap3A_98, %swap3A_99], %swap3A_102 {strides = array<i32>} : memref<2x1000x64xf32, #tpu.memory_space<vmem>>, vector<1x1000x64xf32>,
    return
  }
  func.func @transform_0(%arg0: i32) -> (i32, i32) {
    %c0_i32 = arith.constant 0 : i32
    %c0_i32_0 = arith.constant 0 : i32
    return %arg0, %c0_i32 : i32, i32
  }
  func.func @transform_1(%arg0: i32) -> (i32, i32) {
    %c0_i32 = arith.constant 0 : i32
    %c0_i32_0 = arith.constant 0 : i32
    return %arg0, %c0_i32 : i32, i32
  }
  func.func @transform_2(%arg0: i32) -> (i32, i32) {
    %c0_i32 = arith.constant 0 : i32
    %c0_i32_0 = arith.constant 0 : i32
    return %arg0, %c0_i32 : i32, i32
  }
  func.func @transform_3(%arg0: i32) -> (i32, i32) {
    %c0_i32 = arith.constant 0 : i32
    %c0_i32_0 = arith.constant 0 : i32
    return %arg0, %c0_i32 : i32, i32
  }
  func.func @transform_4(%arg0: i32) -> (i32, i32) {
    %c0_i32 = arith.constant 0 : i32
    %c0_i32_0 = arith.constant 0 : i32
    %c0_i32_1 = arith.constant 0 : i32
    return %c0_i32, %c0_i32_0 : i32, i32
  }
  func.func @transform_5(%arg0: i32) -> (i32, i32) {
    %c0_i32 = arith.constant 0 : i32
    %c0_i32_0 = arith.constant 0 : i32
    %c0_i32_1 = arith.constant 0 : i32
    return %c0_i32, %c0_i32_0 : i32, i32
  }
  func.func @transform_6(%arg0: i32) -> (i32, i32) {
    %c0_i32 = arith.constant 0 : i32
    %c0_i32_0 = arith.constant 0 : i32
    %c0_i32_1 = arith.constant 0 : i32
    return %c0_i32, %c0_i32_0 : i32, i32
  }
  func.func @transform_7(%arg0: i32) -> (i32, i32) {
    %c0_i32 = arith.constant 0 : i32
    %c0_i32_0 = arith.constant 0 : i32
    %c0_i32_1 = arith.constant 0 : i32
    return %c0_i32, %c0_i32_0 : i32, i32
  }
  func.func @transform_8(%arg0: i32) -> (i32, i32) {
    %c0_i32 = arith.constant 0 : i32
    %c0_i32_0 = arith.constant 0 : i32
    %c0_i32_1 = arith.constant 0 : i32
    return %c0_i32, %c0_i32_0 : i32, i32
  }
  func.func @transform_9(%arg0: i32) -> (i32, i32) {
    %c0_i32 = arith.constant 0 : i32
    %c0_i32_0 = arith.constant 0 : i32
    %c0_i32_1 = arith.constant 0 : i32
    return %c0_i32, %c0_i32_0 : i32, i32
  }
  func.func @transform_10(%arg0: i32) -> (i32, i32) {
    %c0_i32 = arith.constant 0 : i32
    %c0_i32_0 = arith.constant 0 : i32
    %c0_i32_1 = arith.constant 0 : i32
    return %c0_i32, %c0_i32_0 : i32, i32
  }
  func.func @transform_11(%arg0: i32) -> (i32, i32) {
    %c0_i32 = arith.constant 0 : i32
    %c0_i32_0 = arith.constant 0 : i32
    %c0_i32_1 = arith.constant 0 : i32
    return %c0_i32, %c0_i32_0 : i32, i32
  }
  func.func @transform_12(%arg0: i32) -> (i32, i32) {
    %c0_i32 = arith.constant 0 : i32
    %c0_i32_0 = arith.constant 0 : i32
    %c0_i32_1 = arith.constant 0 : i32
    return %c0_i32, %c0_i32_0 : i32, i32
  }
  func.func @transform_13(%arg0: i32) -> (i32, i32) {
    %c0_i32 = arith.constant 0 : i32
    %c0_i32_0 = arith.constant 0 : i32
    %c0_i32_1 = arith.constant 0 : i32
    return %c0_i32, %c0_i32_0 : i32, i32
  }
  func.func @transform_14(%arg0: i32) -> (i32, i32, i32) {
    %c0_i32 = arith.constant 0 : i32
    %c0_i32_0 = arith.constant 0 : i32
    %c0_i32_1 = arith.constant 0 : i32
    return %c0_i32, %arg0, %c0_i32_0 : i32, i32, i32
  }
}

module attributes {stable_mosaic.version = 14 : i64} {
  func.func @_rgcn_dense_body(%arg0: i32, %arg1: memref<2x1000x64xf32, #tpu.memory_space<vmem>>, %arg2: memref<2x2x1000x64xf32, #tpu.memory_space<vmem>>, %arg3: memref<2x1000x16xf32, #tpu.memory_space<vmem>>, %arg4: memref<128x128xf32, #tpu.memory_space<vmem>>, %arg5: memref<2x128x128xf32, #tpu.memory_space<vmem>>, %arg6: memref<1x128xf32, #tpu.memory_space<vmem>>, %arg7: memref<128x64xf32, #tpu.memory_space<vmem>>, %arg8: memref<1x64xf32, #tpu.memory_space<vmem>>, %arg9: memref<64x128xf32, #tpu.memory_space<vmem>>, %arg10: memref<1x128xf32, #tpu.memory_space<vmem>>, %arg11: memref<2x1000x64xf32, #tpu.memory_space<vmem>>) attributes {dimension_semantics = [#tpu.dimension_semantics<arbitrary>], iteration_bounds = array<i64: 10>, scalar_prefetch = 0 : i64, scratch_operands = 0 : i64, tpu.core_type = #tpu.core_type<tc>, window_params = [{transform_indices = @transform_0, window_bounds = array<i64: 2, 1000, 64>}, {transform_indices = @transform_1, window_bounds = array<i64: 2, 2, 1000, 64>}, {transform_indices = @transform_2, window_bounds = array<i64: 2, 1000, 16>}, {pipeline_mode = #tpu.pipeline_mode<synchronous>, transform_indices = @transform_3, window_bounds = array<i64: 128, 128>}, {pipeline_mode = #tpu.pipeline_mode<synchronous>, transform_indices = @transform_4, window_bounds = array<i64: 2, 128, 128>}, {pipeline_mode = #tpu.pipeline_mode<synchronous>, transform_indices = @transform_5, window_bounds = array<i64: 1, 128>}, {pipeline_mode = #tpu.pipeline_mode<synchronous>, transform_indices = @transform_6, window_bounds = array<i64: 128, 64>}, {pipeline_mode = #tpu.pipeline_mode<synchronous>, transform_indices = @transform_7, window_bounds = array<i64: 1, 64>}, {transform_indices = @transform_8, window_bounds = array<i64: 64, 128>}, {transform_indices = @transform_9, window_bounds = array<i64: 1, 128>}, {transform_indices = @transform_10, window_bounds = array<i64: 2, 1000, 64>}]} {
    %get3A = arith.constant 0 : index
    %get3A_0 = arith.constant 0 : index
    %get3A_1 = arith.constant 0 : index
    %get3A_2 = vector.load %arg1[%get3A, %get3A_0, %get3A_1] : memref<2x1000x64xf32, #tpu.memory_space<vmem>>, vector<1x1000x64xf32>
    %get3A_3 = vector.shape_cast %get3A_2 : vector<1x1000x64xf32> to vector<1000x64xf32>
    %get3A_4 = arith.constant 1 : index
    %get3A_5 = arith.constant 0 : index
    %get3A_6 = arith.constant 0 : index
    %get3A_7 = vector.load %arg1[%get3A_4, %get3A_5, %get3A_6] : memref<2x1000x64xf32, #tpu.memory_space<vmem>>, vector<1x1000x64xf32>
    %get3A_8 = vector.shape_cast %get3A_7 : vector<1x1000x64xf32> to vector<1000x64xf32>
    %concatenate3A = tpu.concatenate %get3A_3, %get3A_8 in 1 : vector<1000x64xf32>, vector<1000x64xf32> -> vector<1000x128xf32>
    %get3A_9 = arith.constant 0 : index
    %get3A_10 = arith.constant 0 : index
    %get3A_11 = arith.constant 0 : index
    %get3A_12 = arith.constant 0 : index
    %get3A_13 = vector.load %arg2[%get3A_9, %get3A_10, %get3A_11, %get3A_12] : memref<2x2x1000x64xf32, #tpu.memory_space<vmem>>, vector<1x1x1000x64xf32>
    %get3A_14 = vector.shape_cast %get3A_13 : vector<1x1x1000x64xf32> to vector<1000x64xf32>
    %get3A_15 = arith.constant 1 : index
    %get3A_16 = arith.constant 0 : index
    %get3A_17 = arith.constant 0 : index
    %get3A_18 = arith.constant 0 : index
    %get3A_19 = vector.load %arg2[%get3A_15, %get3A_16, %get3A_17, %get3A_18] : memref<2x2x1000x64xf32, #tpu.memory_space<vmem>>, vector<1x1x1000x64xf32>
    %get3A_20 = vector.shape_cast %get3A_19 : vector<1x1x1000x64xf32> to vector<1000x64xf32>
    %concatenate3A_21 = tpu.concatenate %get3A_14, %get3A_20 in 1 : vector<1000x64xf32>, vector<1000x64xf32> -> vector<1000x128xf32>
    %get3A_22 = arith.constant 0 : index
    %get3A_23 = arith.constant 1 : index
    %get3A_24 = arith.constant 0 : index
    %get3A_25 = arith.constant 0 : index
    %get3A_26 = vector.load %arg2[%get3A_22, %get3A_23, %get3A_24, %get3A_25] : memref<2x2x1000x64xf32, #tpu.memory_space<vmem>>, vector<1x1x1000x64xf32>
    %get3A_27 = vector.shape_cast %get3A_26 : vector<1x1x1000x64xf32> to vector<1000x64xf32>
    %get3A_28 = arith.constant 1 : index
    %get3A_29 = arith.constant 1 : index
    %get3A_30 = arith.constant 0 : index
    %get3A_31 = arith.constant 0 : index
    %get3A_32 = vector.load %arg2[%get3A_28, %get3A_29, %get3A_30, %get3A_31] : memref<2x2x1000x64xf32, #tpu.memory_space<vmem>>, vector<1x1x1000x64xf32>
    %get3A_33 = vector.shape_cast %get3A_32 : vector<1x1x1000x64xf32> to vector<1000x64xf32>
    %concatenate3A_34 = tpu.concatenate %get3A_27, %get3A_33 in 1 : vector<1000x64xf32>, vector<1000x64xf32> -> vector<1000x128xf32>
    %get3A_35 = arith.constant 0 : index
    %get3A_36 = arith.constant 0 : index
    %get3A_37 = arith.constant 0 : index
    %get3A_38 = vector.load %arg3[%get3A_35, %get3A_36, %get3A_37] : memref<2x1000x16xf32, #tpu.memory_space<vmem>>, vector<1x1000x16xf32>
    %get3A_39 = vector.shape_cast %get3A_38 : vector<1x1000x16xf32> to vector<1000x16xf32>
    %slice3A = vector.extract_strided_slice %get3A_39 {offsets = [0, 0], sizes = [1000, 1], strides = [1, 1]} : vector<1000x16xf32> to vector<1000x1xf32>
    %max3A = arith.constant 1.000000e+00 : f32
    %max3A_40 = vector.broadcast %max3A : f32 to vector<1000x1xf32>
    %max3A_41 = arith.maximumf %slice3A, %max3A_40 : vector<1000x1xf32>
    %div3A = arith.constant 1.000000e+00 : f32
    %div3A_42 = vector.broadcast %div3A : f32 to vector<1000x1xf32>
    %div3A_43 = arith.divf %div3A_42, %max3A_41 : vector<1000x1xf32>
    %get3A_44 = arith.constant 1 : index
    %get3A_45 = arith.constant 0 : index
    %get3A_46 = arith.constant 0 : index
    %get3A_47 = vector.load %arg3[%get3A_44, %get3A_45, %get3A_46] : memref<2x1000x16xf32, #tpu.memory_space<vmem>>, vector<1x1000x16xf32>
    %get3A_48 = vector.shape_cast %get3A_47 : vector<1x1000x16xf32> to vector<1000x16xf32>
    %slice3A_49 = vector.extract_strided_slice %get3A_48 {offsets = [0, 0], sizes = [1000, 1], strides = [1, 1]} : vector<1000x16xf32> to vector<1000x1xf32>
    %max3A_50 = arith.constant 1.000000e+00 : f32
    %max3A_51 = vector.broadcast %max3A_50 : f32 to vector<1000x1xf32>
    %max3A_52 = arith.maximumf %slice3A_49, %max3A_51 : vector<1000x1xf32>
    %div3A_53 = arith.constant 1.000000e+00 : f32
    %div3A_54 = vector.broadcast %div3A_53 : f32 to vector<1000x1xf32>
    %div3A_55 = arith.divf %div3A_54, %max3A_52 : vector<1000x1xf32>
    %get3A_56 = arith.constant 0 : index
    %get3A_57 = arith.constant 0 : index
    %get3A_58 = vector.load %arg4[%get3A_56, %get3A_57] : memref<128x128xf32, #tpu.memory_space<vmem>>, vector<128x128xf32>
    %dot_general3A = arith.constant dense<0.000000e+00> : vector<1000x128xf32>
    %dot_general3A_59 = tpu.matmul %concatenate3A, %get3A_58, %dot_general3A {dimension_numbers = #tpu.dot_dimension_numbers<[1], [0], [0], [1], [0, 0, 1, 1], [], []>, transpose_lhs_hint = false} : vector<1000x128xf32>, vector<128x128xf32>, vector<1000x128xf32> -> vector<1000x128xf32>
    %get3A_60 = arith.constant 0 : index
    %get3A_61 = arith.constant 0 : index
    %get3A_62 = vector.load %arg6[%get3A_60, %get3A_61] : memref<1x128xf32, #tpu.memory_space<vmem>>, vector<1x128xf32>
    %add3A = vector.broadcast %get3A_62 : vector<1x128xf32> to vector<1000x128xf32>
    %add3A_63 = arith.addf %dot_general3A_59, %add3A : vector<1000x128xf32>
    %mul3A = vector.broadcast %div3A_43 : vector<1000x1xf32> to vector<1000x128xf32>
    %mul3A_64 = arith.mulf %concatenate3A_21, %mul3A : vector<1000x128xf32>
    %get3A_65 = arith.constant 0 : index
    %get3A_66 = arith.constant 0 : index
    %get3A_67 = arith.constant 0 : index
    %get3A_68 = vector.load %arg5[%get3A_65, %get3A_66, %get3A_67] : memref<2x128x128xf32, #tpu.memory_space<vmem>>, vector<1x128x128xf32>
    %get3A_69 = vector.shape_cast %get3A_68 : vector<1x128x128xf32> to vector<128x128xf32>
    %dot_general3A_70 = arith.constant dense<0.000000e+00> : vector<1000x128xf32>
    %dot_general3A_71 = tpu.matmul %mul3A_64, %get3A_69, %dot_general3A_70 {dimension_numbers = #tpu.dot_dimension_numbers<[1], [0], [0], [1], [0, 0, 1, 1], [], []>, transpose_lhs_hint = false} : vector<1000x128xf32>, vector<128x128xf32>, vector<1000x128xf32> -> vector<1000x128xf32>
    %add3A_72 = arith.addf %add3A_63, %dot_general3A_71 : vector<1000x128xf32>
    %mul3A_73 = vector.broadcast %div3A_55 : vector<1000x1xf32> to vector<1000x128xf32>
    %mul3A_74 = arith.mulf %concatenate3A_34, %mul3A_73 : vector<1000x128xf32>
    %get3A_75 = arith.constant 1 : index
    %get3A_76 = arith.constant 0 : index
    %get3A_77 = arith.constant 0 : index
    %get3A_78 = vector.load %arg5[%get3A_75, %get3A_76, %get3A_77] : memref<2x128x128xf32, #tpu.memory_space<vmem>>, vector<1x128x128xf32>
    %get3A_79 = vector.shape_cast %get3A_78 : vector<1x128x128xf32> to vector<128x128xf32>
    %dot_general3A_80 = arith.constant dense<0.000000e+00> : vector<1000x128xf32>
    %dot_general3A_81 = tpu.matmul %mul3A_74, %get3A_79, %dot_general3A_80 {dimension_numbers = #tpu.dot_dimension_numbers<[1], [0], [0], [1], [0, 0, 1, 1], [], []>, transpose_lhs_hint = false} : vector<1000x128xf32>, vector<128x128xf32>, vector<1000x128xf32> -> vector<1000x128xf32>
    %add3A_82 = arith.addf %add3A_72, %dot_general3A_81 : vector<1000x128xf32>
    %slice3A_83 = vector.extract_strided_slice %add3A_82 {offsets = [0, 0], sizes = [1000, 64], strides = [1, 1]} : vector<1000x128xf32> to vector<1000x64xf32>
    %swap3A = arith.constant 0 : index
    %swap3A_84 = arith.constant 0 : index
    %swap3A_85 = arith.constant 0 : index
    %swap3A_86 = vector.load %arg11[%swap3A, %swap3A_84, %swap3A_85] : memref<2x1000x64xf32, #tpu.memory_space<vmem>>, vector<1x1000x64xf32>
    %swap3A_87 = vector.shape_cast %swap3A_86 : vector<1x1000x64xf32> to vector<1000x64xf32>
    %swap3A_88 = vector.shape_cast %slice3A_83 : vector<1000x64xf32> to vector<1x1000x64xf32>
    tpu.vector_store %arg11[%swap3A, %swap3A_84, %swap3A_85], %swap3A_88 {strides = array<i32>} : memref<2x1000x64xf32, #tpu.memory_space<vmem>>, vector<1x1000x64xf32>,
    %slice3A_89 = vector.extract_strided_slice %add3A_82 {offsets = [0, 64], sizes = [1000, 64], strides = [1, 1]} : vector<1000x128xf32> to vector<1000x64xf32>
    %swap3A_90 = arith.constant 1 : index
    %swap3A_91 = arith.constant 0 : index
    %swap3A_92 = arith.constant 0 : index
    %swap3A_93 = vector.load %arg11[%swap3A_90, %swap3A_91, %swap3A_92] : memref<2x1000x64xf32, #tpu.memory_space<vmem>>, vector<1x1000x64xf32>
    %swap3A_94 = vector.shape_cast %swap3A_93 : vector<1x1000x64xf32> to vector<1000x64xf32>
    %swap3A_95 = vector.shape_cast %slice3A_89 : vector<1000x64xf32> to vector<1x1000x64xf32>
    tpu.vector_store %arg11[%swap3A_90, %swap3A_91, %swap3A_92], %swap3A_95 {strides = array<i32>} : memref<2x1000x64xf32, #tpu.memory_space<vmem>>, vector<1x1000x64xf32>,
    return
  }
  func.func @transform_0(%arg0: i32) -> (i32, i32, i32) {
    %c0_i32 = arith.constant 0 : i32
    %c0_i32_0 = arith.constant 0 : i32
    %c0_i32_1 = arith.constant 0 : i32
    return %c0_i32, %arg0, %c0_i32_0 : i32, i32, i32
  }
  func.func @transform_1(%arg0: i32) -> (i32, i32, i32, i32) {
    %c0_i32 = arith.constant 0 : i32
    %c0_i32_0 = arith.constant 0 : i32
    %c0_i32_1 = arith.constant 0 : i32
    %c0_i32_2 = arith.constant 0 : i32
    return %c0_i32, %c0_i32_0, %arg0, %c0_i32_1 : i32, i32, i32, i32
  }
  func.func @transform_2(%arg0: i32) -> (i32, i32, i32) {
    %c0_i32 = arith.constant 0 : i32
    %c0_i32_0 = arith.constant 0 : i32
    %c0_i32_1 = arith.constant 0 : i32
    return %c0_i32, %arg0, %c0_i32_0 : i32, i32, i32
  }
  func.func @transform_3(%arg0: i32) -> (i32, i32) {
    %c0_i32 = arith.constant 0 : i32
    %c0_i32_0 = arith.constant 0 : i32
    %c0_i32_1 = arith.constant 0 : i32
    return %c0_i32, %c0_i32_0 : i32, i32
  }
  func.func @transform_4(%arg0: i32) -> (i32, i32, i32) {
    %c0_i32 = arith.constant 0 : i32
    %c0_i32_0 = arith.constant 0 : i32
    %c0_i32_1 = arith.constant 0 : i32
    %c0_i32_2 = arith.constant 0 : i32
    return %c0_i32, %c0_i32_0, %c0_i32_1 : i32, i32, i32
  }
  func.func @transform_5(%arg0: i32) -> (i32, i32) {
    %c0_i32 = arith.constant 0 : i32
    %c0_i32_0 = arith.constant 0 : i32
    %c0_i32_1 = arith.constant 0 : i32
    return %c0_i32, %c0_i32_0 : i32, i32
  }
  func.func @transform_6(%arg0: i32) -> (i32, i32) {
    %c0_i32 = arith.constant 0 : i32
    %c0_i32_0 = arith.constant 0 : i32
    %c0_i32_1 = arith.constant 0 : i32
    return %c0_i32, %c0_i32_0 : i32, i32
  }
  func.func @transform_7(%arg0: i32) -> (i32, i32) {
    %c0_i32 = arith.constant 0 : i32
    %c0_i32_0 = arith.constant 0 : i32
    %c0_i32_1 = arith.constant 0 : i32
    return %c0_i32, %c0_i32_0 : i32, i32
  }
  func.func @transform_8(%arg0: i32) -> (i32, i32) {
    %c0_i32 = arith.constant 0 : i32
    %c0_i32_0 = arith.constant 0 : i32
    %c0_i32_1 = arith.constant 0 : i32
    return %c0_i32, %c0_i32_0 : i32, i32
  }
  func.func @transform_9(%arg0: i32) -> (i32, i32) {
    %c0_i32 = arith.constant 0 : i32
    %c0_i32_0 = arith.constant 0 : i32
    %c0_i32_1 = arith.constant 0 : i32
    return %c0_i32, %c0_i32_0 : i32, i32
  }
  func.func @transform_10(%arg0: i32) -> (i32, i32, i32) {
    %c0_i32 = arith.constant 0 : i32
    %c0_i32_0 = arith.constant 0 : i32
    %c0_i32_1 = arith.constant 0 : i32
    return %c0_i32, %arg0, %c0_i32_0 : i32, i32, i32
  }
}

module attributes {stable_mosaic.version = 14 : i64} {
  func.func @_rgcn_dense_body(%arg0: i32, %arg1: memref<2x1000x64xf32, #tpu.memory_space<vmem>>, %arg2: memref<2x2x1000x64xf32, #tpu.memory_space<vmem>>, %arg3: memref<2x1000x16xf32, #tpu.memory_space<vmem>>, %arg4: memref<128x128xf32, #tpu.memory_space<vmem>>, %arg5: memref<2x128x128xf32, #tpu.memory_space<vmem>>, %arg6: memref<1x128xf32, #tpu.memory_space<vmem>>, %arg7: memref<128x64xf32, #tpu.memory_space<vmem>>, %arg8: memref<1x64xf32, #tpu.memory_space<vmem>>, %arg9: memref<64x128xf32, #tpu.memory_space<vmem>>, %arg10: memref<1x128xf32, #tpu.memory_space<vmem>>, %arg11: memref<1000x128xf32, #tpu.memory_space<vmem>>) attributes {dimension_semantics = [#tpu.dimension_semantics<arbitrary>], iteration_bounds = array<i64: 10>, scalar_prefetch = 0 : i64, scratch_operands = 0 : i64, tpu.core_type = #tpu.core_type<tc>, window_params = [{transform_indices = @transform_0, window_bounds = array<i64: 2, 1000, 64>}, {transform_indices = @transform_1, window_bounds = array<i64: 2, 2, 1000, 64>}, {transform_indices = @transform_2, window_bounds = array<i64: 2, 1000, 16>}, {pipeline_mode = #tpu.pipeline_mode<synchronous>, transform_indices = @transform_3, window_bounds = array<i64: 128, 128>}, {pipeline_mode = #tpu.pipeline_mode<synchronous>, transform_indices = @transform_4, window_bounds = array<i64: 2, 128, 128>}, {pipeline_mode = #tpu.pipeline_mode<synchronous>, transform_indices = @transform_5, window_bounds = array<i64: 1, 128>}, {pipeline_mode = #tpu.pipeline_mode<synchronous>, transform_indices = @transform_6, window_bounds = array<i64: 128, 64>}, {pipeline_mode = #tpu.pipeline_mode<synchronous>, transform_indices = @transform_7, window_bounds = array<i64: 1, 64>}, {pipeline_mode = #tpu.pipeline_mode<synchronous>, transform_indices = @transform_8, window_bounds = array<i64: 64, 128>}, {pipeline_mode = #tpu.pipeline_mode<synchronous>, transform_indices = @transform_9, window_bounds = array<i64: 1, 128>}, {transform_indices = @transform_10, window_bounds = array<i64: 1000, 128>}]} {
    %get3A = arith.constant 0 : index
    %get3A_0 = arith.constant 0 : index
    %get3A_1 = arith.constant 0 : index
    %get3A_2 = vector.load %arg1[%get3A, %get3A_0, %get3A_1] : memref<2x1000x64xf32, #tpu.memory_space<vmem>>, vector<1x1000x64xf32>
    %get3A_3 = vector.shape_cast %get3A_2 : vector<1x1000x64xf32> to vector<1000x64xf32>
    %get3A_4 = arith.constant 1 : index
    %get3A_5 = arith.constant 0 : index
    %get3A_6 = arith.constant 0 : index
    %get3A_7 = vector.load %arg1[%get3A_4, %get3A_5, %get3A_6] : memref<2x1000x64xf32, #tpu.memory_space<vmem>>, vector<1x1000x64xf32>
    %get3A_8 = vector.shape_cast %get3A_7 : vector<1x1000x64xf32> to vector<1000x64xf32>
    %concatenate3A = tpu.concatenate %get3A_3, %get3A_8 in 1 : vector<1000x64xf32>, vector<1000x64xf32> -> vector<1000x128xf32>
    %get3A_9 = arith.constant 0 : index
    %get3A_10 = arith.constant 0 : index
    %get3A_11 = arith.constant 0 : index
    %get3A_12 = arith.constant 0 : index
    %get3A_13 = vector.load %arg2[%get3A_9, %get3A_10, %get3A_11, %get3A_12] : memref<2x2x1000x64xf32, #tpu.memory_space<vmem>>, vector<1x1x1000x64xf32>
    %get3A_14 = vector.shape_cast %get3A_13 : vector<1x1x1000x64xf32> to vector<1000x64xf32>
    %get3A_15 = arith.constant 1 : index
    %get3A_16 = arith.constant 0 : index
    %get3A_17 = arith.constant 0 : index
    %get3A_18 = arith.constant 0 : index
    %get3A_19 = vector.load %arg2[%get3A_15, %get3A_16, %get3A_17, %get3A_18] : memref<2x2x1000x64xf32, #tpu.memory_space<vmem>>, vector<1x1x1000x64xf32>
    %get3A_20 = vector.shape_cast %get3A_19 : vector<1x1x1000x64xf32> to vector<1000x64xf32>
    %concatenate3A_21 = tpu.concatenate %get3A_14, %get3A_20 in 1 : vector<1000x64xf32>, vector<1000x64xf32> -> vector<1000x128xf32>
    %get3A_22 = arith.constant 0 : index
    %get3A_23 = arith.constant 1 : index
    %get3A_24 = arith.constant 0 : index
    %get3A_25 = arith.constant 0 : index
    %get3A_26 = vector.load %arg2[%get3A_22, %get3A_23, %get3A_24, %get3A_25] : memref<2x2x1000x64xf32, #tpu.memory_space<vmem>>, vector<1x1x1000x64xf32>
    %get3A_27 = vector.shape_cast %get3A_26 : vector<1x1x1000x64xf32> to vector<1000x64xf32>
    %get3A_28 = arith.constant 1 : index
    %get3A_29 = arith.constant 1 : index
    %get3A_30 = arith.constant 0 : index
    %get3A_31 = arith.constant 0 : index
    %get3A_32 = vector.load %arg2[%get3A_28, %get3A_29, %get3A_30, %get3A_31] : memref<2x2x1000x64xf32, #tpu.memory_space<vmem>>, vector<1x1x1000x64xf32>
    %get3A_33 = vector.shape_cast %get3A_32 : vector<1x1x1000x64xf32> to vector<1000x64xf32>
    %concatenate3A_34 = tpu.concatenate %get3A_27, %get3A_33 in 1 : vector<1000x64xf32>, vector<1000x64xf32> -> vector<1000x128xf32>
    %get3A_35 = arith.constant 0 : index
    %get3A_36 = arith.constant 0 : index
    %get3A_37 = arith.constant 0 : index
    %get3A_38 = vector.load %arg3[%get3A_35, %get3A_36, %get3A_37] : memref<2x1000x16xf32, #tpu.memory_space<vmem>>, vector<1x1000x16xf32>
    %get3A_39 = vector.shape_cast %get3A_38 : vector<1x1000x16xf32> to vector<1000x16xf32>
    %slice3A = vector.extract_strided_slice %get3A_39 {offsets = [0, 0], sizes = [1000, 1], strides = [1, 1]} : vector<1000x16xf32> to vector<1000x1xf32>
    %max3A = arith.constant 1.000000e+00 : f32
    %max3A_40 = vector.broadcast %max3A : f32 to vector<1000x1xf32>
    %max3A_41 = arith.maximumf %slice3A, %max3A_40 : vector<1000x1xf32>
    %div3A = arith.constant 1.000000e+00 : f32
    %div3A_42 = vector.broadcast %div3A : f32 to vector<1000x1xf32>
    %div3A_43 = arith.divf %div3A_42, %max3A_41 : vector<1000x1xf32>
    %get3A_44 = arith.constant 1 : index
    %get3A_45 = arith.constant 0 : index
    %get3A_46 = arith.constant 0 : index
    %get3A_47 = vector.load %arg3[%get3A_44, %get3A_45, %get3A_46] : memref<2x1000x16xf32, #tpu.memory_space<vmem>>, vector<1x1000x16xf32>
    %get3A_48 = vector.shape_cast %get3A_47 : vector<1x1000x16xf32> to vector<1000x16xf32>
    %slice3A_49 = vector.extract_strided_slice %get3A_48 {offsets = [0, 0], sizes = [1000, 1], strides = [1, 1]} : vector<1000x16xf32> to vector<1000x1xf32>
    %max3A_50 = arith.constant 1.000000e+00 : f32
    %max3A_51 = vector.broadcast %max3A_50 : f32 to vector<1000x1xf32>
    %max3A_52 = arith.maximumf %slice3A_49, %max3A_51 : vector<1000x1xf32>
    %div3A_53 = arith.constant 1.000000e+00 : f32
    %div3A_54 = vector.broadcast %div3A_53 : f32 to vector<1000x1xf32>
    %div3A_55 = arith.divf %div3A_54, %max3A_52 : vector<1000x1xf32>
    %get3A_56 = arith.constant 0 : index
    %get3A_57 = arith.constant 0 : index
    %get3A_58 = vector.load %arg4[%get3A_56, %get3A_57] : memref<128x128xf32, #tpu.memory_space<vmem>>, vector<128x128xf32>
    %dot_general3A = arith.constant dense<0.000000e+00> : vector<1000x128xf32>
    %dot_general3A_59 = tpu.matmul %concatenate3A, %get3A_58, %dot_general3A {dimension_numbers = #tpu.dot_dimension_numbers<[1], [0], [0], [1], [0, 0, 1, 1], [], []>, transpose_lhs_hint = false} : vector<1000x128xf32>, vector<128x128xf32>, vector<1000x128xf32> -> vector<1000x128xf32>
    %get3A_60 = arith.constant 0 : index
    %get3A_61 = arith.constant 0 : index
    %get3A_62 = vector.load %arg6[%get3A_60, %get3A_61] : memref<1x128xf32, #tpu.memory_space<vmem>>, vector<1x128xf32>
    %add3A = vector.broadcast %get3A_62 : vector<1x128xf32> to vector<1000x128xf32>
    %add3A_63 = arith.addf %dot_general3A_59, %add3A : vector<1000x128xf32>
    %mul3A = vector.broadcast %div3A_43 : vector<1000x1xf32> to vector<1000x128xf32>
    %mul3A_64 = arith.mulf %concatenate3A_21, %mul3A : vector<1000x128xf32>
    %get3A_65 = arith.constant 0 : index
    %get3A_66 = arith.constant 0 : index
    %get3A_67 = arith.constant 0 : index
    %get3A_68 = vector.load %arg5[%get3A_65, %get3A_66, %get3A_67] : memref<2x128x128xf32, #tpu.memory_space<vmem>>, vector<1x128x128xf32>
    %get3A_69 = vector.shape_cast %get3A_68 : vector<1x128x128xf32> to vector<128x128xf32>
    %dot_general3A_70 = arith.constant dense<0.000000e+00> : vector<1000x128xf32>
    %dot_general3A_71 = tpu.matmul %mul3A_64, %get3A_69, %dot_general3A_70 {dimension_numbers = #tpu.dot_dimension_numbers<[1], [0], [0], [1], [0, 0, 1, 1], [], []>, transpose_lhs_hint = false} : vector<1000x128xf32>, vector<128x128xf32>, vector<1000x128xf32> -> vector<1000x128xf32>
    %add3A_72 = arith.addf %add3A_63, %dot_general3A_71 : vector<1000x128xf32>
    %mul3A_73 = vector.broadcast %div3A_55 : vector<1000x1xf32> to vector<1000x128xf32>
    %mul3A_74 = arith.mulf %concatenate3A_34, %mul3A_73 : vector<1000x128xf32>
    %get3A_75 = arith.constant 1 : index
    %get3A_76 = arith.constant 0 : index
    %get3A_77 = arith.constant 0 : index
    %get3A_78 = vector.load %arg5[%get3A_75, %get3A_76, %get3A_77] : memref<2x128x128xf32, #tpu.memory_space<vmem>>, vector<1x128x128xf32>
    %get3A_79 = vector.shape_cast %get3A_78 : vector<1x128x128xf32> to vector<128x128xf32>
    %dot_general3A_80 = arith.constant dense<0.000000e+00> : vector<1000x128xf32>
    %dot_general3A_81 = tpu.matmul %mul3A_74, %get3A_79, %dot_general3A_80 {dimension_numbers = #tpu.dot_dimension_numbers<[1], [0], [0], [1], [0, 0, 1, 1], [], []>, transpose_lhs_hint = false} : vector<1000x128xf32>, vector<128x128xf32>, vector<1000x128xf32> -> vector<1000x128xf32>
    %add3A_82 = arith.addf %add3A_72, %dot_general3A_81 : vector<1000x128xf32>
    %get3A_83 = arith.constant 0 : index
    %get3A_84 = arith.constant 0 : index
    %get3A_85 = vector.load %arg7[%get3A_83, %get3A_84] : memref<128x64xf32, #tpu.memory_space<vmem>>, vector<128x64xf32>
    %dot_general3A_86 = arith.constant dense<0.000000e+00> : vector<1000x64xf32>
    %dot_general3A_87 = tpu.matmul %add3A_82, %get3A_85, %dot_general3A_86 {dimension_numbers = #tpu.dot_dimension_numbers<[1], [0], [0], [1], [0, 0, 1, 1], [], []>, transpose_lhs_hint = false} : vector<1000x128xf32>, vector<128x64xf32>, vector<1000x64xf32> -> vector<1000x64xf32>
    %get3A_88 = arith.constant 0 : index
    %get3A_89 = arith.constant 0 : index
    %get3A_90 = vector.load %arg8[%get3A_88, %get3A_89] : memref<1x64xf32, #tpu.memory_space<vmem>>, vector<1x64xf32>
    %add3A_91 = vector.broadcast %get3A_90 : vector<1x64xf32> to vector<1000x64xf32>
    %add3A_92 = arith.addf %dot_general3A_87, %add3A_91 : vector<1000x64xf32>
    %ge3A = arith.constant 0.000000e+00 : f32
    %ge3A_93 = vector.broadcast %ge3A : f32 to vector<1000x64xf32>
    %ge3A_94 = arith.cmpf oge, %add3A_92, %ge3A_93 : vector<1000x64xf32>
    %mul3A_95 = arith.constant 0.00999999977 : f32
    %mul3A_96 = vector.broadcast %mul3A_95 : f32 to vector<1000x64xf32>
    %mul3A_97 = arith.mulf %mul3A_96, %add3A_92 : vector<1000x64xf32>
    %select_n3A = arith.select %ge3A_94, %add3A_92, %mul3A_97 : vector<1000x64xi1>, vector<1000x64xf32>
    %get3A_98 = arith.constant 0 : index
    %get3A_99 = arith.constant 0 : index
    %get3A_100 = vector.load %arg9[%get3A_98, %get3A_99] : memref<64x128xf32, #tpu.memory_space<vmem>>, vector<64x128xf32>
    %dot_general3A_101 = arith.constant dense<0.000000e+00> : vector<1000x128xf32>
    %dot_general3A_102 = tpu.matmul %select_n3A, %get3A_100, %dot_general3A_101 {dimension_numbers = #tpu.dot_dimension_numbers<[1], [0], [0], [1], [0, 0, 1, 1], [], []>, transpose_lhs_hint = false} : vector<1000x64xf32>, vector<64x128xf32>, vector<1000x128xf32> -> vector<1000x128xf32>
    %get3A_103 = arith.constant 0 : index
    %get3A_104 = arith.constant 0 : index
    %get3A_105 = vector.load %arg10[%get3A_103, %get3A_104] : memref<1x128xf32, #tpu.memory_space<vmem>>, vector<1x128xf32>
    %add3A_106 = vector.broadcast %get3A_105 : vector<1x128xf32> to vector<1000x128xf32>
    %add3A_107 = arith.addf %dot_general3A_102, %add3A_106 : vector<1000x128xf32>
    %swap3A = arith.constant 0 : index
    %swap3A_108 = arith.constant 0 : index
    %swap3A_109 = vector.load %arg11[%swap3A, %swap3A_108] : memref<1000x128xf32, #tpu.memory_space<vmem>>, vector<1000x128xf32>
    tpu.vector_store %arg11[%swap3A, %swap3A_108], %add3A_107 {strides = array<i32>} : memref<1000x128xf32, #tpu.memory_space<vmem>>, vector<1000x128xf32>,
    return
  }
  func.func @transform_0(%arg0: i32) -> (i32, i32, i32) {
    %c0_i32 = arith.constant 0 : i32
    %c0_i32_0 = arith.constant 0 : i32
    %c0_i32_1 = arith.constant 0 : i32
    return %c0_i32, %arg0, %c0_i32_0 : i32, i32, i32
  }
  func.func @transform_1(%arg0: i32) -> (i32, i32, i32, i32) {
    %c0_i32 = arith.constant 0 : i32
    %c0_i32_0 = arith.constant 0 : i32
    %c0_i32_1 = arith.constant 0 : i32
    %c0_i32_2 = arith.constant 0 : i32
    return %c0_i32, %c0_i32_0, %arg0, %c0_i32_1 : i32, i32, i32, i32
  }
  func.func @transform_2(%arg0: i32) -> (i32, i32, i32) {
    %c0_i32 = arith.constant 0 : i32
    %c0_i32_0 = arith.constant 0 : i32
    %c0_i32_1 = arith.constant 0 : i32
    return %c0_i32, %arg0, %c0_i32_0 : i32, i32, i32
  }
  func.func @transform_3(%arg0: i32) -> (i32, i32) {
    %c0_i32 = arith.constant 0 : i32
    %c0_i32_0 = arith.constant 0 : i32
    %c0_i32_1 = arith.constant 0 : i32
    return %c0_i32, %c0_i32_0 : i32, i32
  }
  func.func @transform_4(%arg0: i32) -> (i32, i32, i32) {
    %c0_i32 = arith.constant 0 : i32
    %c0_i32_0 = arith.constant 0 : i32
    %c0_i32_1 = arith.constant 0 : i32
    %c0_i32_2 = arith.constant 0 : i32
    return %c0_i32, %c0_i32_0, %c0_i32_1 : i32, i32, i32
  }
  func.func @transform_5(%arg0: i32) -> (i32, i32) {
    %c0_i32 = arith.constant 0 : i32
    %c0_i32_0 = arith.constant 0 : i32
    %c0_i32_1 = arith.constant 0 : i32
    return %c0_i32, %c0_i32_0 : i32, i32
  }
  func.func @transform_6(%arg0: i32) -> (i32, i32) {
    %c0_i32 = arith.constant 0 : i32
    %c0_i32_0 = arith.constant 0 : i32
    %c0_i32_1 = arith.constant 0 : i32
    return %c0_i32, %c0_i32_0 : i32, i32
  }
  func.func @transform_7(%arg0: i32) -> (i32, i32) {
    %c0_i32 = arith.constant 0 : i32
    %c0_i32_0 = arith.constant 0 : i32
    %c0_i32_1 = arith.constant 0 : i32
    return %c0_i32, %c0_i32_0 : i32, i32
  }
  func.func @transform_8(%arg0: i32) -> (i32, i32) {
    %c0_i32 = arith.constant 0 : i32
    %c0_i32_0 = arith.constant 0 : i32
    %c0_i32_1 = arith.constant 0 : i32
    return %c0_i32, %c0_i32_0 : i32, i32
  }
  func.func @transform_9(%arg0: i32) -> (i32, i32) {
    %c0_i32 = arith.constant 0 : i32
    %c0_i32_0 = arith.constant 0 : i32
    %c0_i32_1 = arith.constant 0 : i32
    return %c0_i32, %c0_i32_0 : i32, i32
  }
  func.func @transform_10(%arg0: i32) -> (i32, i32) {
    %c0_i32 = arith.constant 0 : i32
    %c0_i32_0 = arith.constant 0 : i32
    return %arg0, %c0_i32 : i32, i32
  }
}

</mosaic_0001>

<sc_bundles>
// kernel: kernel.10.cloned.1.call-start
scs
__scs_entry_jumppad:
0x0: {  	(pc) =	sbr.rel $0x88, $3  }
0x1: {  	(tag) =	ssettag $0x0;
	lr =	simm.s32 $0x1  }
0x2: {  	[smem:$0x3F82] =	sst lr;
	_ =	strace $0xD0000000  }
0x3: {  	_ = 	snop  }
0x4: {  	_ = 	snop  }
0x5: {  	_ = 	snop  }
0x6: {  	_ = 	snop  }
0x7: {  	_ = 	snop  }
__scs_overlays_trampoline_lowered:
0x8: {  	[smem:$0x3F91] =	sst s0  }
0x9: {  	[smem:$0x3F92] =	sst s1  }
0xa: {  	[smem:$0x3F93] =	sst s2  }
0xb: {  	[smem:$0x3F94] =	sst s3  }
0xc: {  	[smem:$0x3F95] =	sst s4  }
0xd: {  	[smem:$0x3F96] =	sst s5  }
0xe: {  	[smem:$0x3F97] =	sst s6  }
0xf: {  	[smem:$0x3F98] =	sst s7  }
0x10: {  	[smem:$0x3F99] =	sst s8  }
0x11: {  	[smem:$0x3F9A] =	sst s9;
	s0 =	simm.s32 @!p0 $0x0  }
0x12: {  	s1 =	sld [smem:$0x3F80];
	s0 =	simm.s32 @p0 $0x1  }
0x13: {  	[smem:$0x3F9B] =	sst s0;
	s0 =	simm.s32 @!p1 $0x0  }
0x14: {  	s2 =	sld [smem:$0x3F7F];
	s0 =	simm.s32 @p1 $0x1  }
0x15: {  	[smem:$0x3F9C] =	sst s0;
	s0 =	simm.s32 @!p2 $0x0  }
0x16: {  	s3 =	sld [smem:$0x3FDB];
	s0 =	simm.s32 @p2 $0x1  }
0x17: {  	s4 =	simm.s32 $0x1BF5;
	[smem:$0x3F9E] =	sst s0  }
0x18: {  	s0 =	sld [smem:$0x3F81];
	_ =	swait.ge [sflag:s4], $0x0  }
0x19: {  	s7 =	sld [smem:$0x3F82]  }
0x1a: {  	s8 =	sadd.s32 $0xFFFFE003, lr  }
0x1b: {  	s9 =	sadd.s32 $0xFFFFFEF7, lr;
	s5 =	simm.s32 $0xFFFFFFFF;
	p2 =	slt.u32 s8, $0xFFFFF086  }
0x1c: {  	p1 =	slt.u32 s9, $0xF7A;
	s5 =	simm.s32 @!p2 $0x0  }
0x1d: {  	s5 =	simm.s32 @p1 $0x1;
	p0 =	seq.s32 s7, s2  }
0x1e: {  	s7 =	smul.u32 @!p0 $0xF7A, s2;
	p2 =	seq.s32 @!p0 s5, $0x0  }
0x1f: {  	s9 =	smul.u32 $0xF7A, s1;
	s8 =	simm.s32 @!p0 $0x1BF5;
	p2 =	por !p2, p0  }
0x20: {  	[sflag:s8] =	ssyncset.s32 @!p0 $0xFFFFF086;
	s6 =	sadd.s32 @!p0 s3, s7;
	s7 =	simm.s32 @!p0 $0x108  }
0x21: {  	s3 =	sadd.s32 s3, s9;
	s6 =	sadd.s32 @!p0 $0x88, s6;
	s7 =	simm.s32 @p2 $0x1082  }
0x22: {  	[simem:s7], [sflag:s8] =	dma.local @!p0 [hbm:s6], $0xF7A  }
0x23: {  	s9 =	sor.u32 $0xD0000000, s2;
	s6 =	simm.s32 $0x108;
	_ =	swait.ge @!p0 [sflag:s8], $0x0  }
0x24: {  	s3 =	sadd.s32 $0x88, s3;
	s6 =	simm.s32 @!p1 $0x1082;
	[sflag:s4] =	ssyncset.s32 $0xFFFFF086  }
0x25: {  	[simem:s6], [sflag:s4] =	dma.local [hbm:s3], $0xF7A  }
0x26: {  	[smem:$0x3F82] =	sst s1;
	(tag) =	ssettag s2;
	_ =	strace s9  }
0x27: {  	s1 =	sld [smem:$0x3F92]  }
0x28: {  	s2 =	sld [smem:$0x3F93]  }
0x29: {  	s4 =	sld [smem:$0x3F95]  }
0x2a: {  	p0 =	seq.s32 s5, $0x0;
	s5 =	sld [smem:$0x3F96]  }
0x2b: {  	s6 =	sld [smem:$0x3F97]  }
0x2c: {  	s7 =	sld [smem:$0x3F98]  }
0x2d: {  	s3 =	simm.s32 $0x108;
	s8 =	sld [smem:$0x3F99]  }
0x2e: {  	s3 =	simm.s32 @!p0 $0x1082;
	s9 =	sld [smem:$0x3F9A]  }
0x2f: {  	lr =	sadd.s32 s0, s3;
	s0 =	sld [smem:$0x3F91]  }
0x30: {  	s3 =	sld [smem:$0x3F94]  }
0x31: {  	[smem:$0x3F9D] =	sst s10  }
0x32: {  	s10 =	sld [smem:$0x3F9B];
	_ =	sdelay $0x3  }
0x33: {  	p0 =	seq.s32 s10, $0x1;
	s10 =	sld [smem:$0x3F9D];
	_ =	sdelay $0x3  }
0x34: {  	[smem:$0x3F9D] =	sst s10  }
0x35: {  	s10 =	sld [smem:$0x3F9C];
	_ =	sdelay $0x3  }
0x36: {  	p1 =	seq.s32 s10, $0x1;
	s10 =	sld [smem:$0x3F9D];
	_ =	sdelay $0x3  }
0x37: {  	[smem:$0x3F9D] =	sst s10  }
0x38: {  	s10 =	sld [smem:$0x3F9E]  }
0x39: {  	_ = 	snop;
	(pc) =	sbr.ind lr, $3  }
0x3a: {  	_ = 	snop  }
0x3b: {  	_ = 	snop  }
0x3c: {  	p2 =	seq.s32 s10, $0x1;
	s10 =	sld [smem:$0x3F9D]  }
0x3d: {  	_ =	shalt  }
0x3e: {  	_ =	shalt  }
0x3f: {  	_ =	shalt  }
0x40: {  	_ =	shalt  }
0x41: {  	_ =	shalt  }
0x42: {  	_ =	shalt  }
0x43: {  	_ =	shalt  }
0x44: {  	_ =	shalt  }
0x45: {  	_ =	shalt  }
0x46: {  	_ =	shalt  }
0x47: {  	_ =	shalt  }
0x48: {  	_ =	shalt  }
0x49: {  	_ =	shalt  }
0x4a: {  	_ =	shalt  }
0x4b: {  	_ =	shalt  }
0x4c: {  	_ =	shalt  }
0x4d: {  	_ =	shalt  }
0x4e: {  	_ =	shalt  }
0x4f: {  	_ =	shalt  }
0x50: {  	_ =	shalt  }
0x51: {  	_ =	shalt  }
0x52: {  	_ =	shalt  }
0x53: {  	_ =	shalt  }
0x54: {  	_ =	shalt  }
0x55: {  	_ =	shalt  }
0x56: {  	_ =	shalt  }
0x57: {  	_ =	shalt  }
0x58: {  	_ =	shalt  }
0x59: {  	_ =	shalt  }
0x5a: {  	_ =	shalt  }
0x5b: {  	_ =	shalt  }
0x5c: {  	_ =	shalt  }
0x5d: {  	_ =	shalt  }
0x5e: {  	_ =	shalt  }
0x5f: {  	_ =	shalt  }
0x60: {  	_ =	shalt  }
0x61: {  	_ =	shalt  }
0x62: {  	_ =	shalt  }
0x63: {  	_ =	shalt  }
0x64: {  	_ =	shalt  }
0x65: {  	_ =	shalt  }
0x66: {  	_ =	shalt  }
0x67: {  	_ =	shalt  }
0x68: {  	_ =	shalt  }
0x69: {  	_ =	shalt  }
0x6a: {  	_ =	shalt  }
0x6b: {  	_ =	shalt  }
0x6c: {  	_ =	shalt  }
0x6d: {  	_ =	shalt  }
0x6e: {  	_ =	shalt  }
0x6f: {  	_ =	shalt  }
0x70: {  	_ =	shalt  }
0x71: {  	_ =	shalt  }
0x72: {  	_ =	shalt  }
0x73: {  	_ =	shalt  }
0x74: {  	_ =	shalt  }
0x75: {  	_ =	shalt  }
0x76: {  	_ =	shalt  }
0x77: {  	_ =	shalt  }
0x78: {  	_ =	shalt  }
0x79: {  	_ =	shalt  }
0x7a: {  	_ =	shalt  }
0x7b: {  	_ =	shalt  }
0x7c: {  	_ =	shalt  }
0x7d: {  	_ =	shalt  }
0x7e: {  	_ =	shalt  }
0x7f: {  	_ =	shalt  }
0x80: {  	_ =	shalt  }
0x81: {  	_ =	shalt  }
0x82: {  	_ =	shalt  }
0x83: {  	_ =	shalt  }
0x84: {  	_ =	shalt  }
0x85: {  	_ =	shalt  }
0x86: {  	_ =	shalt  }
0x87: {  	_ =	shalt  }
.Lfunc_end0:
.L_simem_size_0:
called_computation.1_lowered:
.L_overlay_start_0:
0x88: {  	s2 =	sld [smem:$0x3FD9]  }
0x89: {  	s3 =	sld [smem:$0x3FFE];
	_ =	sdelay $0x1  }
0x8a: {  	s1 =	srdreg.scid  }
0x8b: {  	s0 =	sand.u32 $0x1, s1  }
0x8c: {  	s16 =	sshll.u32 s0, $0xA;
	s2 =	sadd.s32 s3, s2  }
0x8d: {  	s2 =	sadd.s32 s2, s16  }
0x8e: {  	[smem:$0x3FA9] =	sst s2  }
0x8f: {  	_ = 	snop  }
0x90: {  	(tm) =	ssettm $0x1  }
0x91: {  	s17 =	sld [smem:$0x3FFB];
	_ =	sdelay $0x3  }
0x92: {  	_ =	strace s17  }
0x93: {  	s2 =	sld [smem:$0x3FFC];
	_ =	sdelay $0x3  }
0x94: {  	_ =	strace s2  }
0x95: {  	s2 =	sld [smem:$0x3FFD];
	_ =	sdelay $0x3  }
0x96: {  	_ =	strace s2  }
0x97: {  	_ =	strace $0x8FFFFFFF  }
0x98: {  	s18 =	sld [smem:$0x3FDB];
	_ =	sdelay $0x1  }
0x99: {  	s19 =	simm.s32 $_scs_section_size  }
0x9a: {  	s4 =	simm.s32 $_size__tile_overlayer_lowered;
	s5 =	simm.s32 $_tile_overlayer_lowered  }
0x9b: {  	s22 =	simm.s32 $0x1BFF;
	s21 =	sshll.u32 s5, $0x1;
	s2 =	sadd.s32 s19, s18  }
0x9c: {  	s6 =	simm.s32 $0x0;
	s20 =	sshll.u32 s4, $0x1;
	s4 =	sadd.s32 s21, s2  }
0x9d: {  	[timem:s6], [sflag:s22] =	dma.local [hbm:s4], s20  }
0x9e: {  	_ =	swait.ge [sflag:s22], s20  }
0x9f: {  	s3 =	ssub.s32 $0x0, s20;
	[sflag:s22] =	ssyncset.done $0x0  }
0xa0: {  	[sflag:s22] =	ssyncadd.s32 s3;
	_ =	sdelay $0x1  }
0xa1: {  	s23 =	simm.s32 $0x1B8B  }
0xa2: {  	_ =	swait.ge [sflag:s23], $0x1  }
0xa3: {  	[sflag:s23] =	ssyncset.done $0x0  }
0xa4: {  	s25 =	simm.s32 $0x1B8E;
	s24 =	sld [smem:$0x3FFE];
	[sflag:s23] =	ssyncadd.s32 $0xFFFFFFFF  }
0xa5: {  	s26 =	simm.s32 $execute0_lowered;
	[smem:$0x3FD2] =	sst s25  }
0xa6: {  	s4 =	sshll.u32 s26, $0x1;
	_ =	strace $0x80000049;
	[dreg:$0x1] =	wrdreg $0xFFFFFFFF  }
0xa7: {  	s28 =	simm.s32 $_size_execute0_lowered;
	s2 =	sadd.s32 s2, s4;
	[dreg:$0x0] =	wrdreg $0x0  }
0xa8: {  	s4 =	sshll.u32 s28, $0x1;
	[dreg:$0x2] =	wrdreg s2  }
0xa9: {  	[dreg:$0x3] =	wrdreg s4  }
0xaa: {  	[dreg:$0x4] =	wrdreg $0xC0  }
0xab: {  	_ =	task [dreg:s6], $0x5FFFF  }
0xac: {  	[dreg:$0x1] =	wrdreg $0xFFFFFFFF  }
0xad: {  	[dreg:$0x0] =	wrdreg $0x60  }
0xae: {  	[dreg:$0x2] =	wrdreg s24  }
0xaf: {  	[dreg:$0x3] =	wrdreg $0x88000  }
0xb0: {  	[dreg:$0x4] =	wrdreg $0x9  }
0xb1: {  	_ =	task.clear_ibuf [dreg:s6], $0x5FFFF;
	_ =	strace $0x90000049  }
0xb2: {  	s29 =	simm.s32 $0x9;
	_ =	strace $0x8000004B  }
0xb3: {  	_ =	swait.ge [sflag:s29], $0x1  }
0xb4: {  	[sflag:s29] =	ssyncadd.s32 $0xFFFFFFFF  }
0xb5: {  	_ =	strace $0x9000004B  }
0xb6: {  	_ =	sfence  }
0xb7: {  	s30 =	sld [smem:$0x0];
	_ =	sdelay $0x2  }
0xb8: {  	s31 =	sshll.u32 s1, $0xD;
	s1 =	sshrl.u32 s1, $0x2  }
0xb9: {  	s3 =	sand.u32 $0x4000, s31;
	s1 =	sadd.s32 s1, s30  }
0xba: {  	s0 =	sor.u32 s3, s0;
	s1 =	sshll.u32 s1, $0x11  }
0xbb: {  	s0 =	sor.u32 s1, s0  }
0xbc: {  	s0 =	sadd.s32 $0x8F2B, s0  }
0xbd: {  	[sflag:s0] =	ssyncadd.remote.s32 $0x1  }
0xbe: {  	_ =	sfence.sel $0xFFFF  }
0xbf: {  	[dreg:$0x0] =	wrdreg $0xFFFFFFFF;
	(pc) =	sbr.abs _section_cstart, $3  }
0xc0: {  	[dreg:$0x1] =	wrdreg $0xFFFFFFFF  }
0xc1: {  	_ =	task.clear_ibuf [dreg:s6], $0x2FFFF;
	_ =	strace $0x9FFFFFFF  }
0xc2: {  	(tm) =	ssettm $0x7FFFFFFF  }
0xc3: {  	_ =	shalt  }
tec
execute0_lowered:
.L_overlay_start_1:
0x0: {  	(tag) =	ssettag $0x1  }
0x1: {  	s0 =	rddreg [dreg:$0x0];
	s4 =	stileid.u32  }
0x2: {  	s3 =	srdreg.scid;
	s2 =	rddreg [dreg:$0x1]  }
0x3: {  	s28 =	simm.s32 $0x200;
	s29 =	simm.s32 $0x2;
	s30 =	simm.s32 $0x480  }
0x4: {  	s31 =	simm.s32 $0x280;
	s10 =	simm.s32 $0x600;
	s1 =	smul.u32 $0xA00, s4  }
0x5: {  	s11 =	simm.s32 $0x680;
	s6 =	sand.u32 $0x1, s3;
	s5 =	smul.u32 $0x2800, s4  }
0x6: {  	s3 =	simm.s32 $0x0;
	s8 =	smul.u32 $0x50000, s4;
	s4 =	sadd.s32 $0x3200, s0  }
0x7: {  	s7 =	smul.u32 $0x28000, s6;
	[smem:$0x7FF] =	sst s3;
	s13 =	ssub.s32 $0x2, s6  }
0x8: {  	s12 =	smul.u32 $0x2710, s6;
	s6 =	simm.s32 $0x300;
	_ =	strace $0x8000004A  }
0x9: {  	s1 =	sadd.s32 s1, s0;
	s8 =	sshrl.u32 s8, $0x2;
	s9 =	sshrl.u32 s13, $0x1  }
0xa: {  	s5 =	sadd.s32 s5, s7;
	s16 =	sadd.s32 s8, s2;
	s24 =	sadd.s32 $0x34400, s1  }
0xb: {  	s7 =	ssub.s32 s13, s9;
	s25 =	sadd.s32 $0x2A400, s1;
	[dreg:$0x3] =	wrdreg s24  }
0xc: {  	s1 =	simm.s32 $0x3;
	s14 =	sadd.s32 $0x2000, s16;
	[dreg:$0x4] =	wrdreg s25  }
0xd: {  	s8 =	simm.s32 $0x580;
	s15 =	sadd.s32 $0x4000, s16;
	[dreg:$0x5] =	wrdreg s14  }
0xe: {  	s9 =	simm.s32 $0x380;
	s17 =	sadd.s32 $0x6000, s16;
	[dreg:$0x6] =	wrdreg s15  }
0xf: {  	v0 =	vmov s12;
	s12 =	simm.s32 $0x700;
	s18 =	sadd.s32 $0x8000, s16;
	[dreg:$0x7] =	wrdreg s17  }
0x10: {  	s13 =	simm.s32 $0x780;
	s19 =	sadd.s32 $0xA000, s16;
	[dreg:$0x8] =	wrdreg s18  }
0x11: {  	s0 =	sadd.s32 s5, s0;
	s20 =	sadd.s32 $0xC000, s16;
	[dreg:$0x9] =	wrdreg s19  }
0x12: {  	s21 =	sadd.s32 $0xE000, s16;
	s22 =	sadd.s32 $0x10000, s16;
	[dreg:$0xa] =	wrdreg s20  }
0x13: {  	s23 =	sadd.s32 $0x12000, s16;
	s26 =	smax.u32 s7, $0x1;
	[dreg:$0xb] =	wrdreg s21  }
0x14: {  	s24 =	simm.s32 $0x180;
	s25 =	simm.s32 $0x6800;
	[dreg:$0xc] =	wrdreg s22  }
0x15: {  	s7 =	simm.s32 $0x4;
	[dreg:$0xd] =	wrdreg s23;
	s0 =	sadd.s32 $0xDC600, s0  }
0x16: {  	[dreg:$0xf] =	wrdreg s26;
	s17 =	simm.s32 $0x800;
	s18 =	simm.s32 $0x5  }
0x17: {  	s19 =	simm.s32 $0x400;
	s20 =	simm.s32 $0x80;
	s21 =	simm.s32 $0x2800  }
0x18: {  	s22 =	simm.s32 $0x100;
	s23 =	simm.s32 $0x4800;
	s26 =	simm.s32 $0x1  }
0x19: {  	v1 =	vimm.f32 $0.0e+00;
	s14 =	simm.s32 $0x0;
	[dreg:$0xe] =	wrdreg s0;
	s0 =	simm.s32 $0x500  }
.LBB2_1:
0x1a: {  	[dreg:$0x10] =	wrdreg s14  }
0x1b: {  	s14 =	smov.u32 s16;
	s16 =	simm.s32 $0x100;
	s15 =	simm.s32 $0x0  }
.LBB2_2:
0x1c: {  	p0 =	sne.s32 s16, $0x7F00;
	[tilespmem:s15+$0x830] =	vst v1;
	s5 =	smov.u32 s16;
	s16 =	sadd.s32 $0x100, s16  }
.Ltmp0:
0x1d: {  	[tilespmem:s15+$0x820] =	vst v1;
	(pc) =	sbr.rel @p0 .LBB2_2-.Ltmp0, $3  }
0x1e: {  	[tilespmem:s15+$0x800] =	vst v1  }
0x1f: {  	[tilespmem:s15+$0x810] =	vst v1;
	_ =	sdelay $0x1  }
0x20: {  	s15 =	sshra.s32 s5, $0x2  }
0x21: {  	[tilespmem:s15+$0x830] =	vst v1  }
0x22: {  	[tilespmem:s15+$0x820] =	vst v1  }
0x23: {  	[tilespmem:s15+$0x800] =	vst v1  }
0x24: {  	[tilespmem:s15+$0x810] =	vst v1  }
0x25: {  	[spmem:s14] =	stream.linear.scatter [tilespmem:s17], [sflag:$0x5], $0x2000, $0x38;
	[tilespmem:$0x1C800] =	vst v63  }
0x26: {  	_ =	swait.ge [sflag:s18], $0x2000  }
0x27: {  	[sflag:s18] =	ssyncset.done $0x0  }
0x28: {  	s5 =	rddreg [dreg:$0x5];
	[sflag:s18] =	ssyncadd.s32 $0xFFFFE000  }
0x29: {  	[spmem:s5] =	stream.linear.scatter [tilespmem:s17], [sflag:$0x5], $0x2000, $0x38;
	[tilespmem:$0x1C800] =	vst v63  }
0x2a: {  	_ =	swait.ge [sflag:s18], $0x2000  }
0x2b: {  	[sflag:s18] =	ssyncset.done $0x0  }
0x2c: {  	s16 =	smov.u32 s14;
	s14 =	rddreg [dreg:$0x6];
	[sflag:s18] =	ssyncadd.s32 $0xFFFFE000  }
0x2d: {  	[spmem:s14] =	stream.linear.scatter [tilespmem:s17], [sflag:$0x5], $0x2000, $0x38;
	[tilespmem:$0x1C800] =	vst v63  }
0x2e: {  	_ =	swait.ge [sflag:s18], $0x2000  }
0x2f: {  	[sflag:s18] =	ssyncset.done $0x0  }
0x30: {  	s15 =	rddreg [dreg:$0x7];
	[sflag:s18] =	ssyncadd.s32 $0xFFFFE000  }
0x31: {  	[spmem:s15] =	stream.linear.scatter [tilespmem:s17], [sflag:$0x5], $0x2000, $0x38;
	[tilespmem:$0x1C800] =	vst v63  }
0x32: {  	_ =	swait.ge [sflag:s18], $0x2000  }
0x33: {  	[sflag:s18] =	ssyncset.done $0x0  }
0x34: {  	s14 =	rddreg [dreg:$0x8];
	[sflag:s18] =	ssyncadd.s32 $0xFFFFE000  }
0x35: {  	[spmem:s14] =	stream.linear.scatter [tilespmem:s17], [sflag:$0x5], $0x2000, $0x38;
	[tilespmem:$0x1C800] =	vst v63  }
0x36: {  	_ =	swait.ge [sflag:s18], $0x2000  }
0x37: {  	[sflag:s18] =	ssyncset.done $0x0  }
0x38: {  	s15 =	rddreg [dreg:$0x9];
	[sflag:s18] =	ssyncadd.s32 $0xFFFFE000  }
0x39: {  	[spmem:s15] =	stream.linear.scatter [tilespmem:s17], [sflag:$0x5], $0x2000, $0x38;
	[tilespmem:$0x1C800] =	vst v63  }
0x3a: {  	_ =	swait.ge [sflag:s18], $0x2000  }
0x3b: {  	[sflag:s18] =	ssyncset.done $0x0  }
0x3c: {  	s14 =	rddreg [dreg:$0xa];
	[sflag:s18] =	ssyncadd.s32 $0xFFFFE000  }
0x3d: {  	[spmem:s14] =	stream.linear.scatter [tilespmem:s17], [sflag:$0x5], $0x2000, $0x38;
	[tilespmem:$0x1C800] =	vst v63  }
0x3e: {  	_ =	swait.ge [sflag:s18], $0x2000  }
0x3f: {  	[sflag:s18] =	ssyncset.done $0x0  }
0x40: {  	s15 =	rddreg [dreg:$0xb];
	[sflag:s18] =	ssyncadd.s32 $0xFFFFE000  }
0x41: {  	[spmem:s15] =	stream.linear.scatter [tilespmem:s17], [sflag:$0x5], $0x2000, $0x38;
	[tilespmem:$0x1C800] =	vst v63  }
0x42: {  	_ =	swait.ge [sflag:s18], $0x2000  }
0x43: {  	[sflag:s18] =	ssyncset.done $0x0  }
0x44: {  	s14 =	rddreg [dreg:$0xc];
	[sflag:s18] =	ssyncadd.s32 $0xFFFFE000  }
0x45: {  	[spmem:s14] =	stream.linear.scatter [tilespmem:s17], [sflag:$0x5], $0x2000, $0x38;
	[tilespmem:$0x1C800] =	vst v63  }
0x46: {  	_ =	swait.ge [sflag:s18], $0x2000  }
0x47: {  	[sflag:s18] =	ssyncset.done $0x0  }
0x48: {  	s15 =	rddreg [dreg:$0xd];
	[sflag:s18] =	ssyncadd.s32 $0xFFFFE000  }
0x49: {  	[spmem:s15] =	stream.linear.scatter [tilespmem:s17], [sflag:$0x5], $0x2000, $0x38;
	[tilespmem:$0x1C800] =	vst v63  }
0x4a: {  	_ =	swait.ge [sflag:s18], $0x2000  }
0x4b: {  	[sflag:s18] =	ssyncset.done $0x0  }
0x4c: {  	[sflag:s18] =	ssyncadd.s32 $0xFFFFE000  }
0x4d: {  	s15 =	simm.s32 $0x0;
	[bflag:$0x0] =	sbarrier.arrive $0xFFFF  }
.LBB2_4:
0x4e: {  	s5 =	rddreg [dreg:$0x4]  }
0x4f: {  	s5 =	sadd.s32 s15, s5  }
0x50: {  	[tilespmem:s3], [sflag:$0x5] =	stream.linear.gather [hbm4b:s5+s3], $0x400, $0x38;
	[tilespmem:$0x1C800] =	vst v63  }
0x51: {  	_ =	swait.ge [sflag:s18], $0x400  }
0x52: {  	s14 =	rddreg [dreg:$0x3];
	[sflag:s18] =	ssyncset.done $0x0  }
0x53: {  	[sflag:s18] =	ssyncadd.s32 $0xFFFFFC00;
	s5 =	sadd.s32 s15, s14  }
0x54: {  	[tilespmem:s19], [sflag:$0x5] =	stream.linear.gather [hbm4b:s5+s3], $0x400, $0x38;
	[tilespmem:$0x1C800] =	vst v63  }
0x55: {  	_ =	swait.ge [sflag:s18], $0x400  }
0x56: {  	[sflag:s18] =	ssyncset.done $0x0  }
0x57: {  	[sflag:s18] =	ssyncadd.s32 $0xFFFFFC00  }
0x58: {  	v2 =	vld [tilespmem:$0x0]  }
0x59: {  	v3 =	vld [tilespmem:$0x10]  }
0x5a: {  	v4 =	vld [tilespmem:$0x20]  }
0x5b: {  	v5 =	vld [tilespmem:$0x30]  }
0x5c: {  	v6 =	vld [tilespmem:$0x40]  }
0x5d: {  	v7 =	vld [tilespmem:$0x50];
	v2 =	vadd.s32 v0, v2  }
0x5e: {  	[tilespmem:$0x0] =	vst v2;
	v2 =	vadd.s32 v0, v3;
	v3 =	vld [tilespmem:$0x60]  }
0x5f: {  	v18 =	vld [tilespmem:$0x70];
	[tilespmem:$0x10] =	vst v2;
	v2 =	vadd.s32 v0, v4  }
0x60: {  	v19 =	vld [tilespmem:$0x80];
	[tilespmem:$0x20] =	vst v2;
	v2 =	vadd.s32 v0, v5  }
0x61: {  	v20 =	vld [tilespmem:$0x90];
	[tilespmem:$0x30] =	vst v2;
	v2 =	vadd.s32 v0, v6  }
0x62: {  	v21 =	vld [tilespmem:$0xA0];
	[tilespmem:$0x40] =	vst v2;
	v2 =	vadd.s32 v0, v7  }
0x63: {  	[tilespmem:$0x50] =	vst v2;
	v2 =	vadd.s32 v0, v3;
	v3 =	vld [tilespmem:$0xB0]  }
0x64: {  	v22 =	vld [tilespmem:$0xC0];
	[tilespmem:$0x60] =	vst v2;
	v2 =	vadd.s32 v0, v18  }
0x65: {  	v23 =	vld [tilespmem:$0xD0];
	[tilespmem:$0x70] =	vst v2;
	v2 =	vadd.s32 v0, v19  }
0x66: {  	v24 =	vld [tilespmem:$0xE0];
	[tilespmem:$0x80] =	vst v2;
	v2 =	vadd.s32 v0, v20  }
0x67: {  	v25 =	vld [tilespmem:$0xF0];
	[tilespmem:$0x90] =	vst v2;
	v2 =	vadd.s32 v0, v21  }
0x68: {  	[tilespmem:$0xA0] =	vst v2;
	v2 =	vadd.s32 v0, v3;
	v3 =	vld [tilespmem:$0x100]  }
0x69: {  	v26 =	vld [tilespmem:$0x110];
	[tilespmem:$0xB0] =	vst v2;
	v2 =	vadd.s32 v0, v22  }
0x6a: {  	v27 =	vld [tilespmem:$0x120];
	[tilespmem:$0xC0] =	vst v2;
	v2 =	vadd.s32 v0, v23  }
0x6b: {  	v28 =	vld [tilespmem:$0x130];
	[tilespmem:$0xD0] =	vst v2;
	v2 =	vadd.s32 v0, v24  }
0x6c: {  	v29 =	vld [tilespmem:$0x140];
	[tilespmem:$0xE0] =	vst v2;
	v2 =	vadd.s32 v0, v25  }
0x6d: {  	[tilespmem:$0xF0] =	vst v2;
	v2 =	vadd.s32 v0, v3;
	v3 =	vld [tilespmem:$0x150]  }
0x6e: {  	v30 =	vld [tilespmem:$0x160];
	[tilespmem:$0x100] =	vst v2;
	v2 =	vadd.s32 v0, v26  }
0x6f: {  	v31 =	vld [tilespmem:$0x170];
	[tilespmem:$0x110] =	vst v2;
	v2 =	vadd.s32 v0, v27  }
0x70: {  	v32 =	vld [tilespmem:$0x180];
	[tilespmem:$0x120] =	vst v2;
	v2 =	vadd.s32 v0, v28  }
0x71: {  	v33 =	vld [tilespmem:$0x190];
	[tilespmem:$0x130] =	vst v2;
	v2 =	vadd.s32 v0, v29  }
0x72: {  	[tilespmem:$0x140] =	vst v2;
	v2 =	vadd.s32 v0, v3;
	v3 =	vld [tilespmem:$0x1A0]  }
0x73: {  	v34 =	vld [tilespmem:$0x1B0];
	[tilespmem:$0x150] =	vst v2;
	v2 =	vadd.s32 v0, v30  }
0x74: {  	v35 =	vld [tilespmem:$0x1C0];
	[tilespmem:$0x160] =	vst v2;
	v2 =	vadd.s32 v0, v31  }
0x75: {  	v36 =	vld [tilespmem:$0x1D0];
	[tilespmem:$0x170] =	vst v2;
	v2 =	vadd.s32 v0, v32  }
0x76: {  	v37 =	vld [tilespmem:$0x1E0];
	[tilespmem:$0x180] =	vst v2;
	v2 =	vadd.s32 v0, v33  }
0x77: {  	[tilespmem:$0x190] =	vst v2;
	v2 =	vadd.s32 v0, v3;
	v3 =	vld [tilespmem:$0x1F0]  }
0x78: {  	v38 =	vld [tilespmem:$0x200];
	[tilespmem:$0x1A0] =	vst v2;
	v2 =	vadd.s32 v0, v34  }
0x79: {  	v39 =	vld [tilespmem:$0x210];
	[tilespmem:$0x1B0] =	vst v2;
	v2 =	vadd.s32 v0, v35  }
0x7a: {  	v40 =	vld [tilespmem:$0x220];
	[tilespmem:$0x1C0] =	vst v2;
	v2 =	vadd.s32 v0, v36  }
0x7b: {  	v41 =	vld [tilespmem:$0x230];
	[tilespmem:$0x1D0] =	vst v2;
	v2 =	vadd.s32 v0, v37  }
0x7c: {  	[tilespmem:$0x1E0] =	vst v2;
	v2 =	vadd.s32 v0, v3;
	v3 =	vld [tilespmem:$0x240]  }
0x7d: {  	v42 =	vld [tilespmem:$0x250];
	[tilespmem:$0x1F0] =	vst v2;
	v2 =	vadd.s32 v0, v38  }
0x7e: {  	v43 =	vld [tilespmem:$0x260];
	[tilespmem:$0x200] =	vst v2;
	v2 =	vadd.s32 v0, v39  }
0x7f: {  	v44 =	vld [tilespmem:$0x270];
	[tilespmem:$0x210] =	vst v2;
	v2 =	vadd.s32 v0, v40  }
0x80: {  	v45 =	vld [tilespmem:$0x280];
	[tilespmem:$0x220] =	vst v2;
	v2 =	vadd.s32 v0, v41  }
0x81: {  	[tilespmem:$0x230] =	vst v2;
	v2 =	vadd.s32 v0, v3;
	v3 =	vld [tilespmem:$0x290]  }
0x82: {  	v46 =	vld [tilespmem:$0x2A0];
	[tilespmem:$0x240] =	vst v2;
	v2 =	vadd.s32 v0, v42  }
0x83: {  	v47 =	vld [tilespmem:$0x2B0];
	[tilespmem:$0x250] =	vst v2;
	v2 =	vadd.s32 v0, v43  }
0x84: {  	v48 =	vld [tilespmem:$0x2C0];
	[tilespmem:$0x260] =	vst v2;
	v2 =	vadd.s32 v0, v44  }
0x85: {  	v49 =	vld [tilespmem:$0x2D0];
	[tilespmem:$0x270] =	vst v2;
	v2 =	vadd.s32 v0, v45  }
0x86: {  	[tilespmem:$0x280] =	vst v2;
	v2 =	vadd.s32 v0, v3;
	v3 =	vld [tilespmem:$0x2E0]  }
0x87: {  	v50 =	vld [tilespmem:$0x2F0];
	[tilespmem:$0x290] =	vst v2;
	v2 =	vadd.s32 v0, v46  }
0x88: {  	v51 =	vld [tilespmem:$0x300];
	[tilespmem:$0x2A0] =	vst v2;
	v2 =	vadd.s32 v0, v47  }
0x89: {  	v52 =	vld [tilespmem:$0x310];
	[tilespmem:$0x2B0] =	vst v2;
	v2 =	vadd.s32 v0, v48  }
0x8a: {  	v53 =	vld [tilespmem:$0x320];
	[tilespmem:$0x2C0] =	vst v2;
	v2 =	vadd.s32 v0, v49  }
0x8b: {  	[tilespmem:$0x2D0] =	vst v2;
	v2 =	vadd.s32 v0, v3;
	v3 =	vld [tilespmem:$0x330]  }
0x8c: {  	v54 =	vld [tilespmem:$0x340];
	[tilespmem:$0x2E0] =	vst v2;
	v2 =	vadd.s32 v0, v50  }
0x8d: {  	v55 =	vld [tilespmem:$0x350];
	[tilespmem:$0x2F0] =	vst v2;
	v2 =	vadd.s32 v0, v51  }
0x8e: {  	v56 =	vld [tilespmem:$0x360];
	[tilespmem:$0x300] =	vst v2;
	v2 =	vadd.s32 v0, v52  }
0x8f: {  	v57 =	vld [tilespmem:$0x370];
	[tilespmem:$0x310] =	vst v2;
	v2 =	vadd.s32 v0, v53  }
0x90: {  	[tilespmem:$0x320] =	vst v2;
	v2 =	vadd.s32 v0, v3;
	v3 =	vld [tilespmem:$0x380]  }
0x91: {  	v58 =	vld [tilespmem:$0x390];
	[tilespmem:$0x330] =	vst v2;
	v2 =	vadd.s32 v0, v54  }
0x92: {  	v59 =	vld [tilespmem:$0x3A0];
	[tilespmem:$0x340] =	vst v2;
	v2 =	vadd.s32 v0, v55  }
0x93: {  	v60 =	vld [tilespmem:$0x3B0];
	[tilespmem:$0x350] =	vst v2;
	v2 =	vadd.s32 v0, v56  }
0x94: {  	v61 =	vld [tilespmem:$0x3C0];
	[tilespmem:$0x360] =	vst v2;
	v2 =	vadd.s32 v0, v57  }
0x95: {  	[tilespmem:$0x370] =	vst v2;
	v2 =	vadd.s32 v0, v3;
	v3 =	vld [tilespmem:$0x3D0]  }
0x96: {  	v62 =	vld [tilespmem:$0x3E0];
	[tilespmem:$0x380] =	vst v2;
	v2 =	vadd.s32 v0, v58  }
0x97: {  	v63 =	vld [tilespmem:$0x3F0];
	[tilespmem:$0x390] =	vst v2;
	v2 =	vadd.s32 v0, v59  }
0x98: {  	[tilespmem:$0x3A0] =	vst v2;
	v2 =	vadd.s32 v0, v60  }
0x99: {  	[tilespmem:$0x3B0] =	vst v2;
	v2 =	vadd.s32 v0, v61  }
0x9a: {  	[tilespmem:$0x3C0] =	vst v2;
	v2 =	vadd.s32 v0, v3  }
0x9b: {  	[tilespmem:$0x3D0] =	vst v2;
	v2 =	vadd.s32 v0, v62  }
0x9c: {  	[tilespmem:$0x3E0] =	vst v2;
	v2 =	vadd.s32 v0, v63  }
0x9d: {  	[tilespmem:$0x3F0] =	vst v2  }
0x9e: {  	[tilespmem:s17], [sflag:$0x1] =	stream.indirect.gather [hbm4b:s4+s20], $0x40, s3, s20, $0xb8;
	[tilespmem:$0x1C800] =	vst v63  }
0x9f: {  	_ = 	snop  }
0xa0: {  	[tilespmem:s21], [sflag:$0x2] =	stream.indirect.gather [hbm4b:s4+s20], $0x40, s20, s20, $0xb8;
	[tilespmem:$0x1C800] =	vst v63  }
0xa1: {  	_ = 	snop  }
0xa2: {  	[tilespmem:s23], [sflag:$0x3] =	stream.indirect.gather [hbm4b:s4+s20], $0x40, s22, s20, $0xb8;
	[tilespmem:$0x1C800] =	vst v63  }
0xa3: {  	_ = 	snop  }
0xa4: {  	[tilespmem:s25], [sflag:$0x4] =	stream.indirect.gather [hbm4b:s4+s20], $0x40, s24, s20, $0xb8;
	[tilespmem:$0x1C800] =	vst v63  }
0xa5: {  	_ =	swait.ge [sflag:s26], $0x2000  }
0xa6: {  	[sflag:s26] =	ssyncset.done $0x0  }
0xa7: {  	[sflag:s26] =	ssyncadd.s32 $0xFFFFE000  }
0xa8: {  	[spmem:s2] =	stream.indirect.scatter.add.f32 [tilespmem:s17], [sflag:$0x5], $0x40, s19, s20, $0xb8;
	[tilespmem:$0x1C800] =	vst v63  }
0xa9: {  	_ =	swait.ge [sflag:s18], $0x2000  }
0xaa: {  	[sflag:s18] =	ssyncset.done $0x0  }
0xab: {  	[sflag:s18] =	ssyncadd.s32 $0xFFFFE000  }
0xac: {  	[tilespmem:s17], [sflag:$0x1] =	stream.indirect.gather [hbm4b:s4+s20], $0x40, s28, s20, $0xb8;
	[tilespmem:$0x1C800] =	vst v63  }
0xad: {  	_ =	swait.ge [sflag:s29], $0x2000  }
0xae: {  	[sflag:s29] =	ssyncset.done $0x0  }
0xaf: {  	[sflag:s29] =	ssyncadd.s32 $0xFFFFE000  }
0xb0: {  	[spmem:s2] =	stream.indirect.scatter.add.f32 [tilespmem:s21], [sflag:$0x5], $0x40, s30, s20, $0xb8;
	[tilespmem:$0x1C800] =	vst v63  }
0xb1: {  	_ =	swait.ge [sflag:s18], $0x2000  }
0xb2: {  	[sflag:s18] =	ssyncset.done $0x0  }
0xb3: {  	[sflag:s18] =	ssyncadd.s32 $0xFFFFE000  }
0xb4: {  	[tilespmem:s21], [sflag:$0x2] =	stream.indirect.gather [hbm4b:s4+s20], $0x40, s31, s20, $0xb8;
	[tilespmem:$0x1C800] =	vst v63  }
0xb5: {  	_ =	swait.ge [sflag:s1], $0x2000  }
0xb6: {  	[sflag:s1] =	ssyncset.done $0x0  }
0xb7: {  	[sflag:s1] =	ssyncadd.s32 $0xFFFFE000  }
0xb8: {  	[spmem:s2] =	stream.indirect.scatter.add.f32 [tilespmem:s23], [sflag:$0x5], $0x40, s0, s20, $0xb8;
	[tilespmem:$0x1C800] =	vst v63  }
0xb9: {  	_ =	swait.ge [sflag:s18], $0x2000  }
0xba: {  	[sflag:s18] =	ssyncset.done $0x0  }
0xbb: {  	[sflag:s18] =	ssyncadd.s32 $0xFFFFE000  }
0xbc: {  	[tilespmem:s23], [sflag:$0x3] =	stream.indirect.gather [hbm4b:s4+s20], $0x40, s6, s20, $0xb8;
	[tilespmem:$0x1C800] =	vst v63  }
0xbd: {  	_ =	swait.ge [sflag:s7], $0x2000  }
0xbe: {  	[sflag:s7] =	ssyncset.done $0x0  }
0xbf: {  	[sflag:s7] =	ssyncadd.s32 $0xFFFFE000  }
0xc0: {  	[spmem:s2] =	stream.indirect.scatter.add.f32 [tilespmem:s25], [sflag:$0x5], $0x40, s8, s20, $0xb8;
	[tilespmem:$0x1C800] =	vst v63  }
0xc1: {  	_ =	swait.ge [sflag:s18], $0x2000  }
0xc2: {  	[sflag:s18] =	ssyncset.done $0x0  }
0xc3: {  	[sflag:s18] =	ssyncadd.s32 $0xFFFFE000  }
0xc4: {  	[tilespmem:s25], [sflag:$0x4] =	stream.indirect.gather [hbm4b:s4+s20], $0x40, s9, s20, $0xb8;
	[tilespmem:$0x1C800] =	vst v63  }
0xc5: {  	_ =	swait.ge [sflag:s26], $0x2000  }
0xc6: {  	[sflag:s26] =	ssyncset.done $0x0  }
0xc7: {  	[sflag:s26] =	ssyncadd.s32 $0xFFFFE000  }
0xc8: {  	[spmem:s2] =	stream.indirect.scatter.add.f32 [tilespmem:s17], [sflag:$0x5], $0x40, s10, s20, $0xb8;
	[tilespmem:$0x1C800] =	vst v63  }
0xc9: {  	_ =	swait.ge [sflag:s18], $0x2000  }
0xca: {  	[sflag:s18] =	ssyncset.done $0x0  }
0xcb: {  	[sflag:s18] =	ssyncadd.s32 $0xFFFFE000  }
0xcc: {  	_ =	swait.ge [sflag:s29], $0x2000  }
0xcd: {  	[sflag:s29] =	ssyncset.done $0x0  }
0xce: {  	[sflag:s29] =	ssyncadd.s32 $0xFFFFE000  }
0xcf: {  	[spmem:s2] =	stream.indirect.scatter.add.f32 [tilespmem:s21], [sflag:$0x5], $0x40, s11, s20, $0xb8;
	[tilespmem:$0x1C800] =	vst v63  }
0xd0: {  	_ =	swait.ge [sflag:s18], $0x2000  }
0xd1: {  	[sflag:s18] =	ssyncset.done $0x0  }
0xd2: {  	[sflag:s18] =	ssyncadd.s32 $0xFFFFE000  }
0xd3: {  	_ =	swait.ge [sflag:s1], $0x2000  }
0xd4: {  	[sflag:s1] =	ssyncset.done $0x0  }
0xd5: {  	[sflag:s1] =	ssyncadd.s32 $0xFFFFE000  }
0xd6: {  	[spmem:s2] =	stream.indirect.scatter.add.f32 [tilespmem:s23], [sflag:$0x5], $0x40, s12, s20, $0xb8;
	[tilespmem:$0x1C800] =	vst v63  }
0xd7: {  	_ =	swait.ge [sflag:s18], $0x2000  }
0xd8: {  	[sflag:s18] =	ssyncset.done $0x0  }
0xd9: {  	[sflag:s18] =	ssyncadd.s32 $0xFFFFE000  }
0xda: {  	_ =	swait.ge [sflag:s7], $0x2000  }
0xdb: {  	p0 =	sne.s32 s15, $0x980;
	[sflag:s7] =	ssyncset.done $0x0  }
.Ltmp1:
0xdc: {  	[sflag:s7] =	ssyncadd.s32 $0xFFFFE000;
	(pc) =	sbr.rel @p0 .LBB2_4-.Ltmp1, $4  }
0xdd: {  	[spmem:s2] =	stream.indirect.scatter.add.f32 [tilespmem:s25], [sflag:$0x5], $0x40, s13, s20, $0xb8;
	[tilespmem:$0x1C800] =	vst v63  }
0xde: {  	_ =	swait.ge [sflag:s18], $0x2000  }
0xdf: {  	[sflag:s18] =	ssyncset.done $0x0  }
0xe0: {  	s15 =	sadd.s32 $0x80, s15;
	[sflag:s18] =	ssyncadd.s32 $0xFFFFE000  }
0xe1: {  	s5 =	stileid.u32  }
0xe2: {  	[bflag:$0x0] =	sbarrier.arrive $0xFFFF;
	s5 =	sshll.u32 s5, $0x6  }
0xe3: {  	s15 =	sshrl.u32 s16, $0x3;
	s14 =	rddreg [dreg:$0xe];
	s5 =	sor.u32 $0x1C05, s5  }
0xe4: {  	[hbm:s14], [sflag:s5] =	dma.local [spmem:s15], $0x2800  }
0xe5: {  	_ =	swait.ge [sflag:s18], $0x2800  }
0xe6: {  	s5 =	rddreg [dreg:$0x10]  }
0xe7: {  	s15 =	rddreg [dreg:$0xf];
	s14 =	sadd.s32 $0x1, s5  }
0xe8: {  	p0 =	sne.s32 s14, s15  }
.Ltmp2:
0xe9: {  	_ = 	snop;
	(pc) =	sbr.rel @p0 .LBB2_1-.Ltmp2, $3  }
0xea: {  	_ =	sdelay $0x1  }
0xeb: {  	[sflag:s18] =	ssyncset.done $0x0  }
0xec: {  	[sflag:s18] =	ssyncadd.s32 $0xFFFFD800  }
0xed: {  	_ =	sfence.sel $0x180000  }
0xee: {  	[bflag:$0x0] =	sbarrier.arrive $0xFFFF  }
0xef: {  	_ =	strace $0x9000004A  }
0xf0: {  	s0 =	stileid.u32;
	[bflag:$0x2] =	sbarrier.arrive $0xFFFF  }
0xf1: {  	p0 =	sne.s32 s0, $0x0;
	s0 =	rddreg [dreg:$0x2]  }
0xf2: {  	s0 =	sadd.s32 @!p0 $0x100000, s0  }
0xf3: {  	[sflag:s0] =	ssyncadd.tile.s32 @!p0 $0x1;
	_ =	shalt  }
.Lfunc_end2:
_tile_overlayer_lowered:
.L_overlay_start_2:
0xf4: {  	(tag) =	ssettag $0x2  }
0xf5: {  	s0 =	rddreg [dreg:$0x0];
	s2 =	stileid.u32  }
0xf6: {  	s1 =	rddreg [dreg:$0x1];
	p0 =	sne.s32 s2, $0x0  }
0xf7: {  	s3 =	rddreg [dreg:$0x2];
	[bflag:$0x3] =	sbarrier.arrive $0xFFFF;
	s2 =	simm.s32 @!p0 $0x1C05  }
0xf8: {  	[timem:s3], [sflag:s2] =	dma.local @!p0 [hbm:s0], s1  }
0xf9: {  	s0 =	simm.s32 @!p0 $0x5  }
0xfa: {  	_ =	swait.ge @!p0 [sflag:s0], s1  }
0xfb: {  	s1 =	ssub.s32 @!p0 $0x0, s1;
	[sflag:s0] =	ssyncset.done @!p0 $0x0  }
0xfc: {  	[sflag:s0] =	ssyncadd.s32 @!p0 s1  }
0xfd: {  	[bflag:$0x3] =	sbarrier.arrive $0xFFFF  }
0xfe: {  	_ =	shalt  }

// kernel: kernel.7.cloned.1.call-start
scs
__scs_entry_jumppad:
0x0: {  	(pc) =	sbr.rel $0x88, $3  }
0x1: {  	(tag) =	ssettag $0x0;
	lr =	simm.s32 $0x1  }
0x2: {  	[smem:$0x3F82] =	sst lr;
	_ =	strace $0xD0000000  }
0x3: {  	_ = 	snop  }
0x4: {  	_ = 	snop  }
0x5: {  	_ = 	snop  }
0x6: {  	_ = 	snop  }
0x7: {  	_ = 	snop  }
__scs_overlays_trampoline_lowered:
0x8: {  	[smem:$0x3F91] =	sst s0  }
0x9: {  	[smem:$0x3F92] =	sst s1  }
0xa: {  	[smem:$0x3F93] =	sst s2  }
0xb: {  	[smem:$0x3F94] =	sst s3  }
0xc: {  	[smem:$0x3F95] =	sst s4  }
0xd: {  	[smem:$0x3F96] =	sst s5  }
0xe: {  	[smem:$0x3F97] =	sst s6  }
0xf: {  	[smem:$0x3F98] =	sst s7  }
0x10: {  	[smem:$0x3F99] =	sst s8  }
0x11: {  	[smem:$0x3F9A] =	sst s9;
	s0 =	simm.s32 @!p0 $0x0  }
0x12: {  	s1 =	sld [smem:$0x3F80];
	s0 =	simm.s32 @p0 $0x1  }
0x13: {  	[smem:$0x3F9B] =	sst s0;
	s0 =	simm.s32 @!p1 $0x0  }
0x14: {  	s2 =	sld [smem:$0x3F7F];
	s0 =	simm.s32 @p1 $0x1  }
0x15: {  	[smem:$0x3F9C] =	sst s0;
	s0 =	simm.s32 @!p2 $0x0  }
0x16: {  	s3 =	sld [smem:$0x3FDB];
	s0 =	simm.s32 @p2 $0x1  }
0x17: {  	s4 =	simm.s32 $0x1BF5;
	[smem:$0x3F9E] =	sst s0  }
0x18: {  	s0 =	sld [smem:$0x3F81];
	_ =	swait.ge [sflag:s4], $0x0  }
0x19: {  	s7 =	sld [smem:$0x3F82]  }
0x1a: {  	s8 =	sadd.s32 $0xFFFFE003, lr  }
0x1b: {  	s9 =	sadd.s32 $0xFFFFFEF7, lr;
	s5 =	simm.s32 $0xFFFFFFFF;
	p2 =	slt.u32 s8, $0xFFFFF086  }
0x1c: {  	p1 =	slt.u32 s9, $0xF7A;
	s5 =	simm.s32 @!p2 $0x0  }
0x1d: {  	s5 =	simm.s32 @p1 $0x1;
	p0 =	seq.s32 s7, s2  }
0x1e: {  	s7 =	smul.u32 @!p0 $0xF7A, s2;
	p2 =	seq.s32 @!p0 s5, $0x0  }
0x1f: {  	s9 =	smul.u32 $0xF7A, s1;
	s8 =	simm.s32 @!p0 $0x1BF5;
	p2 =	por !p2, p0  }
0x20: {  	[sflag:s8] =	ssyncset.s32 @!p0 $0xFFFFF086;
	s6 =	sadd.s32 @!p0 s3, s7;
	s7 =	simm.s32 @!p0 $0x108  }
0x21: {  	s3 =	sadd.s32 s3, s9;
	s6 =	sadd.s32 @!p0 $0x88, s6;
	s7 =	simm.s32 @p2 $0x1082  }
0x22: {  	[simem:s7], [sflag:s8] =	dma.local @!p0 [hbm:s6], $0xF7A  }
0x23: {  	s9 =	sor.u32 $0xD0000000, s2;
	s6 =	simm.s32 $0x108;
	_ =	swait.ge @!p0 [sflag:s8], $0x0  }
0x24: {  	s3 =	sadd.s32 $0x88, s3;
	s6 =	simm.s32 @!p1 $0x1082;
	[sflag:s4] =	ssyncset.s32 $0xFFFFF086  }
0x25: {  	[simem:s6], [sflag:s4] =	dma.local [hbm:s3], $0xF7A  }
0x26: {  	[smem:$0x3F82] =	sst s1;
	(tag) =	ssettag s2;
	_ =	strace s9  }
0x27: {  	s1 =	sld [smem:$0x3F92]  }
0x28: {  	s2 =	sld [smem:$0x3F93]  }
0x29: {  	s4 =	sld [smem:$0x3F95]  }
0x2a: {  	p0 =	seq.s32 s5, $0x0;
	s5 =	sld [smem:$0x3F96]  }
0x2b: {  	s6 =	sld [smem:$0x3F97]  }
0x2c: {  	s7 =	sld [smem:$0x3F98]  }
0x2d: {  	s3 =	simm.s32 $0x108;
	s8 =	sld [smem:$0x3F99]  }
0x2e: {  	s3 =	simm.s32 @!p0 $0x1082;
	s9 =	sld [smem:$0x3F9A]  }
0x2f: {  	lr =	sadd.s32 s0, s3;
	s0 =	sld [smem:$0x3F91]  }
0x30: {  	s3 =	sld [smem:$0x3F94]  }
0x31: {  	[smem:$0x3F9D] =	sst s10  }
0x32: {  	s10 =	sld [smem:$0x3F9B];
	_ =	sdelay $0x3  }
0x33: {  	p0 =	seq.s32 s10, $0x1;
	s10 =	sld [smem:$0x3F9D];
	_ =	sdelay $0x3  }
0x34: {  	[smem:$0x3F9D] =	sst s10  }
0x35: {  	s10 =	sld [smem:$0x3F9C];
	_ =	sdelay $0x3  }
0x36: {  	p1 =	seq.s32 s10, $0x1;
	s10 =	sld [smem:$0x3F9D];
	_ =	sdelay $0x3  }
0x37: {  	[smem:$0x3F9D] =	sst s10  }
0x38: {  	s10 =	sld [smem:$0x3F9E]  }
0x39: {  	_ = 	snop;
	(pc) =	sbr.ind lr, $3  }
0x3a: {  	_ = 	snop  }
0x3b: {  	_ = 	snop  }
0x3c: {  	p2 =	seq.s32 s10, $0x1;
	s10 =	sld [smem:$0x3F9D]  }
0x3d: {  	_ =	shalt  }
0x3e: {  	_ =	shalt  }
0x3f: {  	_ =	shalt  }
0x40: {  	_ =	shalt  }
0x41: {  	_ =	shalt  }
0x42: {  	_ =	shalt  }
0x43: {  	_ =	shalt  }
0x44: {  	_ =	shalt  }
0x45: {  	_ =	shalt  }
0x46: {  	_ =	shalt  }
0x47: {  	_ =	shalt  }
0x48: {  	_ =	shalt  }
0x49: {  	_ =	shalt  }
0x4a: {  	_ =	shalt  }
0x4b: {  	_ =	shalt  }
0x4c: {  	_ =	shalt  }
0x4d: {  	_ =	shalt  }
0x4e: {  	_ =	shalt  }
0x4f: {  	_ =	shalt  }
0x50: {  	_ =	shalt  }
0x51: {  	_ =	shalt  }
0x52: {  	_ =	shalt  }
0x53: {  	_ =	shalt  }
0x54: {  	_ =	shalt  }
0x55: {  	_ =	shalt  }
0x56: {  	_ =	shalt  }
0x57: {  	_ =	shalt  }
0x58: {  	_ =	shalt  }
0x59: {  	_ =	shalt  }
0x5a: {  	_ =	shalt  }
0x5b: {  	_ =	shalt  }
0x5c: {  	_ =	shalt  }
0x5d: {  	_ =	shalt  }
0x5e: {  	_ =	shalt  }
0x5f: {  	_ =	shalt  }
0x60: {  	_ =	shalt  }
0x61: {  	_ =	shalt  }
0x62: {  	_ =	shalt  }
0x63: {  	_ =	shalt  }
0x64: {  	_ =	shalt  }
0x65: {  	_ =	shalt  }
0x66: {  	_ =	shalt  }
0x67: {  	_ =	shalt  }
0x68: {  	_ =	shalt  }
0x69: {  	_ =	shalt  }
0x6a: {  	_ =	shalt  }
0x6b: {  	_ =	shalt  }
0x6c: {  	_ =	shalt  }
0x6d: {  	_ =	shalt  }
0x6e: {  	_ =	shalt  }
0x6f: {  	_ =	shalt  }
0x70: {  	_ =	shalt  }
0x71: {  	_ =	shalt  }
0x72: {  	_ =	shalt  }
0x73: {  	_ =	shalt  }
0x74: {  	_ =	shalt  }
0x75: {  	_ =	shalt  }
0x76: {  	_ =	shalt  }
0x77: {  	_ =	shalt  }
0x78: {  	_ =	shalt  }
0x79: {  	_ =	shalt  }
0x7a: {  	_ =	shalt  }
0x7b: {  	_ =	shalt  }
0x7c: {  	_ =	shalt  }
0x7d: {  	_ =	shalt  }
0x7e: {  	_ =	shalt  }
0x7f: {  	_ =	shalt  }
0x80: {  	_ =	shalt  }
0x81: {  	_ =	shalt  }
0x82: {  	_ =	shalt  }
0x83: {  	_ =	shalt  }
0x84: {  	_ =	shalt  }
0x85: {  	_ =	shalt  }
0x86: {  	_ =	shalt  }
0x87: {  	_ =	shalt  }
.Lfunc_end0:
.L_simem_size_0:
called_computation_lowered:
.L_overlay_start_0:
0x88: {  	s2 =	sld [smem:$0x3FD9]  }
0x89: {  	s3 =	sld [smem:$0x3FFE];
	_ =	sdelay $0x1  }
0x8a: {  	s1 =	srdreg.scid  }
0x8b: {  	s0 =	sand.u32 $0x1, s1  }
0x8c: {  	s17 =	sshll.u32 s0, $0xA;
	s2 =	sadd.s32 s3, s2  }
0x8d: {  	s2 =	sadd.s32 s2, s17  }
0x8e: {  	[smem:$0x3FA9] =	sst s2  }
0x8f: {  	_ = 	snop  }
0x90: {  	s2 =	sld [smem:$0x3FC9]  }
0x91: {  	s18 =	sld [smem:$0x3FC8]  }
0x92: {  	s4 =	sld [smem:$0x3FC7]  }
0x93: {  	s5 =	sld [smem:$0x3FC6]  }
0x94: {  	s6 =	sld [smem:$0x3FC5]  }
0x95: {  	s7 =	sld [smem:$0x3FC4]  }
0x96: {  	s8 =	sld [smem:$0x3FC3]  }
0x97: {  	s9 =	sld [smem:$0x3FC2];
	(tm) =	ssettm $0x1  }
0x98: {  	s10 =	sld [smem:$0x3FFB];
	_ =	sdelay $0x3  }
0x99: {  	_ =	strace s10  }
0x9a: {  	s10 =	sld [smem:$0x3FFC];
	_ =	sdelay $0x3  }
0x9b: {  	_ =	strace s10  }
0x9c: {  	s10 =	sld [smem:$0x3FFD];
	_ =	sdelay $0x3  }
0x9d: {  	_ =	strace s10  }
0x9e: {  	_ =	strace $0x8FFFFFFF  }
0x9f: {  	s19 =	sld [smem:$0x3FDB];
	_ =	sdelay $0x1  }
0xa0: {  	s11 =	simm.s32 $_scs_section_size  }
0xa1: {  	s12 =	simm.s32 $_size__tile_overlayer_lowered;
	s13 =	simm.s32 $_tile_overlayer_lowered  }
0xa2: {  	s22 =	simm.s32 $0x1BFF;
	s21 =	sshll.u32 s13, $0x1;
	s10 =	sadd.s32 s11, s19  }
0xa3: {  	s14 =	simm.s32 $0x0;
	s20 =	sshll.u32 s12, $0x1;
	s12 =	sadd.s32 s21, s10  }
0xa4: {  	[timem:s14], [sflag:s22] =	dma.local [hbm:s12], s20  }
0xa5: {  	_ =	swait.ge [sflag:s22], s20  }
0xa6: {  	s11 =	ssub.s32 $0x0, s20;
	[sflag:s22] =	ssyncset.done $0x0  }
0xa7: {  	[sflag:s22] =	ssyncadd.s32 s11;
	_ =	sdelay $0x1  }
0xa8: {  	s23 =	simm.s32 $0x1B8B  }
0xa9: {  	_ =	swait.ge [sflag:s23], $0x1  }
0xaa: {  	[sflag:s23] =	ssyncset.done $0x0  }
0xab: {  	s25 =	simm.s32 $0x1B8E;
	s24 =	sld [smem:$0x3FFE];
	[sflag:s23] =	ssyncadd.s32 $0xFFFFFFFF  }
0xac: {  	s26 =	simm.s32 $execute0_lowered;
	[smem:$0x3FD2] =	sst s25  }
0xad: {  	s12 =	sshll.u32 s26, $0x1;
	_ =	strace $0x80000046;
	[dreg:$0x1] =	wrdreg $0xFFFFFFFF  }
0xae: {  	s28 =	simm.s32 $_size_execute0_lowered;
	s10 =	sadd.s32 s10, s12;
	[dreg:$0x0] =	wrdreg $0x0  }
0xaf: {  	s12 =	sshll.u32 s28, $0x1;
	[dreg:$0x2] =	wrdreg s10  }
0xb0: {  	[dreg:$0x3] =	wrdreg s12  }
0xb1: {  	[dreg:$0x4] =	wrdreg $0xC0  }
0xb2: {  	_ =	task [dreg:s14], $0x5FFFF  }
0xb3: {  	[dreg:$0x1] =	wrdreg $0xFFFFFFFF  }
0xb4: {  	[dreg:$0x0] =	wrdreg $0x60  }
0xb5: {  	[dreg:$0x2] =	wrdreg s24  }
0xb6: {  	[dreg:$0x3] =	wrdreg s2  }
0xb7: {  	[dreg:$0x4] =	wrdreg s18  }
0xb8: {  	[dreg:$0x5] =	wrdreg s4  }
0xb9: {  	[dreg:$0x6] =	wrdreg s5  }
0xba: {  	[dreg:$0x7] =	wrdreg s6  }
0xbb: {  	[dreg:$0x8] =	wrdreg s7  }
0xbc: {  	[dreg:$0x9] =	wrdreg s8  }
0xbd: {  	[dreg:$0xa] =	wrdreg s9  }
0xbe: {  	[dreg:$0xb] =	wrdreg $0x50000  }
0xbf: {  	[dreg:$0xc] =	wrdreg $0x190000  }
0xc0: {  	[dreg:$0xd] =	wrdreg $0x9  }
0xc1: {  	_ =	task.clear_ibuf [dreg:s14], $0xEFFFF;
	_ =	strace $0x90000046  }
0xc2: {  	s29 =	simm.s32 $0x9;
	_ =	strace $0x80000048  }
0xc3: {  	_ =	swait.ge [sflag:s29], $0x1  }
0xc4: {  	[sflag:s29] =	ssyncadd.s32 $0xFFFFFFFF  }
0xc5: {  	_ =	strace $0x90000048  }
0xc6: {  	_ =	sfence  }
0xc7: {  	s30 =	sld [smem:$0x0];
	_ =	sdelay $0x2  }
0xc8: {  	s31 =	sshll.u32 s1, $0xD;
	s1 =	sshrl.u32 s1, $0x2  }
0xc9: {  	s3 =	sand.u32 $0x4000, s31;
	s1 =	sadd.s32 s1, s30  }
0xca: {  	s0 =	sor.u32 s3, s0;
	s1 =	sshll.u32 s1, $0x11  }
0xcb: {  	s0 =	sor.u32 s1, s0  }
0xcc: {  	s0 =	sadd.s32 $0x8F2B, s0  }
0xcd: {  	[sflag:s0] =	ssyncadd.remote.s32 $0x1  }
0xce: {  	_ =	sfence.sel $0xFFFF  }
0xcf: {  	[dreg:$0x0] =	wrdreg $0xFFFFFFFF;
	(pc) =	sbr.abs _section_cstart, $3  }
0xd0: {  	[dreg:$0x1] =	wrdreg $0xFFFFFFFF  }
0xd1: {  	_ =	task.clear_ibuf [dreg:s14], $0x2FFFF;
	_ =	strace $0x9FFFFFFF  }
0xd2: {  	(tm) =	ssettm $0x7FFFFFFF  }
0xd3: {  	_ =	shalt  }
tec
execute0_lowered:
.L_overlay_start_1:
0x0: {  	(tag) =	ssettag $0x1  }
0x1: {  	s0 =	rddreg [dreg:$0x0]  }
0x2: {  	s10 =	rddreg [dreg:$0x9];
	s20 =	stileid.u32  }
0x3: {  	s1 =	srdreg.scid;
	s11 =	rddreg [dreg:$0xa]  }
0x4: {  	s12 =	simm.s32 $0x0;
	s15 =	simm.s32 $0x180;
	s16 =	simm.s32 $0x500  }
0x5: {  	s18 =	simm.s32 $0x280;
	s19 =	simm.s32 $0x600;
	[smem:$0x7FF] =	sst s12  }
0x6: {  	s21 =	simm.s32 $0x380;
	_ =	strace $0x80000047;
	[dreg:$0xe] =	wrdreg s15  }
0x7: {  	s2 =	sand.u32 $0x1, s1;
	s1 =	smul.u32 $0x500, s20;
	[dreg:$0xf] =	wrdreg s16  }
0x8: {  	s22 =	simm.s32 $0x700;
	s4 =	smul.u32 $0xA00, s20;
	[dreg:$0x10] =	wrdreg s18  }
0x9: {  	s13 =	sadd.s32 $0x3200, s0;
	s9 =	smul.u32 $0x50000, s20;
	[dreg:$0x11] =	wrdreg s19  }
0xa: {  	s3 =	smul.u32 $0x5000, s2;
	s6 =	ssub.s32 $0x2, s2;
	[dreg:$0x12] =	wrdreg s21  }
0xb: {  	[dreg:$0x13] =	wrdreg s22;
	p0 =	sne.s32 s2, $0x0;
	s7 =	sadd.s32 s4, s0  }
0xc: {  	s8 =	sshrl.u32 s6, $0x1;
	s31 =	sshrl.u32 s9, $0x2;
	s16 =	sadd.s32 $0x280, s1  }
0xd: {  	s19 =	sadd.s32 $0x400, s1;
	s3 =	sadd.s32 s1, s3;
	s6 =	ssub.s32 s6, s8  }
0xe: {  	s30 =	sadd.s32 $0x34400, s7;
	s9 =	sadd.s32 $0x2A400, s7;
	s14 =	sadd.s32 s31, s10  }
0xf: {  	s7 =	sor.u32 $0x80, s1;
	s26 =	sshll.u32 s16, $0x6;
	[dreg:$0xc] =	wrdreg s30  }
0x10: {  	s5 =	sshll.u32 s3, $0x3;
	s3 =	smul.u32 $0x5000, s20;
	[dreg:$0xd] =	wrdreg s9  }
0x11: {  	s17 =	sshll.u32 s7, $0x6;
	s9 =	sadd.s32 $0x180, s1;
	s20 =	smul.u32 $0x14000, s20  }
0x12: {  	s30 =	sshll.u32 s19, $0x6;
	s7 =	sshll.u32 s7, $0x4;
	s4 =	sadd.s32 s5, s0  }
0x13: {  	s8 =	sadd.s32 s17, s10;
	s15 =	sshll.u32 s9, $0x6;
	s17 =	sadd.s32 $0x300, s1  }
0x14: {  	s7 =	sadd.s32 s7, s11;
	s29 =	sshrl.u32 s3, $0x3;
	[dreg:$0x14] =	wrdreg s8  }
0x15: {  	s8 =	sadd.s32 $0x100, s1;
	s24 =	sadd.s32 s15, s10;
	s18 =	sshll.u32 s17, $0x6  }
0x16: {  	s31 =	sshrl.u32 s20, $0x2;
	[dreg:$0x1e] =	wrdreg s7;
	s5 =	sadd.s32 s29, s0  }
0x17: {  	s23 =	sshll.u32 s8, $0x6;
	[dreg:$0x16] =	wrdreg s24;
	s28 =	sadd.s32 s18, s10  }
0x18: {  	s22 =	sshll.u32 s8, $0x4;
	s0 =	sadd.s32 s23, s10;
	[dreg:$0x19] =	wrdreg s28  }
0x19: {  	s8 =	simm.s32 $0x800;
	s7 =	sadd.s32 s22, s11;
	[dreg:$0x15] =	wrdreg s0  }
0x1a: {  	s23 =	sshll.u32 s9, $0x4;
	s0 =	sadd.s32 $0x200, s1;
	[dreg:$0x1f] =	wrdreg s7  }
0x1b: {  	s24 =	sadd.s32 s23, s11;
	s7 =	sadd.s32 s3, s11;
	s3 =	sadd.s32 $0x8E400, s5  }
0x1c: {  	s5 =	simm.s32 $0x400;
	s25 =	sshll.u32 s0, $0x6;
	s0 =	sshll.u32 s0, $0x4  }
0x1d: {  	[smem:$0x7F8] =	sst s24;
	s15 =	sadd.s32 s25, s10;
	s0 =	sadd.s32 s0, s11  }
0x1e: {  	s25 =	sshll.u32 s16, $0x4;
	s16 =	simm.s32 $0x2800;
	[dreg:$0x17] =	wrdreg s15  }
0x1f: {  	s15 =	sadd.s32 s26, s10;
	[smem:$0x7F9] =	sst s0;
	s26 =	sshll.u32 s17, $0x4  }
0x20: {  	s0 =	sadd.s32 s25, s11;
	s17 =	simm.s32 $0x1;
	[dreg:$0x18] =	wrdreg s15  }
0x21: {  	s15 =	sadd.s32 $0x380, s1;
	s1 =	sadd.s32 $0x480, s1;
	[smem:$0x7FA] =	sst s0  }
0x22: {  	s28 =	sadd.s32 s26, s11;
	s29 =	sshll.u32 s15, $0x6;
	s21 =	sshll.u32 s1, $0x6  }
0x23: {  	[smem:$0x7FB] =	sst s28;
	s1 =	sshll.u32 s1, $0x4;
	s18 =	sadd.s32 s29, s10  }
0x24: {  	s20 =	sadd.s32 s21, s10;
	s29 =	sshll.u32 s15, $0x4;
	[dreg:$0x1a] =	wrdreg s18  }
0x25: {  	s1 =	sadd.s32 s1, s11;
	s18 =	sadd.s32 s30, s10;
	[dreg:$0x1c] =	wrdreg s20  }
0x26: {  	s15 =	simm.s32 $0x80;
	s0 =	sadd.s32 s29, s11;
	[dreg:$0x1b] =	wrdreg s18  }
0x27: {  	s30 =	sshll.u32 s19, $0x4;
	s18 =	sadd.s32 s31, s11;
	[smem:$0x7FC] =	sst s0  }
0x28: {  	s0 =	sadd.s32 s30, s11;
	s31 =	smul.u32 $0x2710, s2;
	s2 =	sadd.s32 $0x3E400, s4  }
0x29: {  	s4 =	smax.u32 s6, $0x1;
	s6 =	sshrl.u32 @!p0 s7, $0x3;
	[dreg:$0x1d] =	wrdreg s18  }
0x2a: {  	v1 =	vimm.f32 $0.0e+00;
	v2 =	vimm.f32 $1.000000000e+00;
	s7 =	simm.s32 $0x4;
	[smem:$0x7FD] =	sst s0;
	s18 =	simm.s32 $0x0;
	v0 =	vmov s31  }
.LBB2_1:
0x2b: {  	s0 =	rddreg [dreg:$0x1];
	s9 =	simm.s32 $0x1E000  }
0x2c: {  	[tilespmem:s9], [sflag:$0x4] =	stream.linear.gather [hbm4b:s0+s12], $0x1, $0x38;
	[tilespmem:$0x1E080] =	vst v63  }
0x2d: {  	s30 =	rddreg [dreg:$0x2];
	s31 =	simm.s32 $0x1E010  }
0x2e: {  	[tilespmem:s31], [sflag:$0x4] =	stream.linear.gather [hbm4b:s30+s12], $0x1, $0x38;
	[tilespmem:$0x1E080] =	vst v63  }
0x2f: {  	s19 =	rddreg [dreg:$0x3];
	s20 =	simm.s32 $0x1E020  }
0x30: {  	[tilespmem:s20], [sflag:$0x4] =	stream.linear.gather [hbm4b:s19+s12], $0x1, $0x38;
	[tilespmem:$0x1E080] =	vst v63  }
0x31: {  	s21 =	rddreg [dreg:$0x4];
	s22 =	simm.s32 $0x1E030  }
0x32: {  	[tilespmem:s22], [sflag:$0x4] =	stream.linear.gather [hbm4b:s21+s12], $0x1, $0x38;
	[tilespmem:$0x1E080] =	vst v63  }
0x33: {  	s23 =	rddreg [dreg:$0x5];
	s24 =	simm.s32 $0x1E040  }
0x34: {  	[tilespmem:s24], [sflag:$0x4] =	stream.linear.gather [hbm4b:s23+s12], $0x1, $0x38;
	[tilespmem:$0x1E080] =	vst v63  }
0x35: {  	s25 =	rddreg [dreg:$0x6];
	s26 =	simm.s32 $0x1E050  }
0x36: {  	[tilespmem:s26], [sflag:$0x4] =	stream.linear.gather [hbm4b:s25+s12], $0x1, $0x38;
	[tilespmem:$0x1E080] =	vst v63  }
0x37: {  	s28 =	rddreg [dreg:$0x7];
	s29 =	simm.s32 $0x1E060  }
0x38: {  	[tilespmem:s29], [sflag:$0x4] =	stream.linear.gather [hbm4b:s28+s12], $0x1, $0x38;
	[tilespmem:$0x1E080] =	vst v63  }
0x39: {  	s30 =	rddreg [dreg:$0x8];
	s31 =	simm.s32 $0x1E070  }
0x3a: {  	[tilespmem:s31], [sflag:$0x4] =	stream.linear.gather [hbm4b:s30+s12], $0x1, $0x38;
	[tilespmem:$0x1E080] =	vst v63  }
0x3b: {  	_ =	swait.ge [sflag:s7], $0x1  }
0x3c: {  	[sflag:s7] =	ssyncset.done $0x0  }
0x3d: {  	[sflag:s7] =	ssyncadd.s32 $0xFFFFFFFF  }
0x3e: {  	_ =	swait.ge [sflag:s7], $0x1  }
0x3f: {  	[sflag:s7] =	ssyncset.done $0x0  }
0x40: {  	[sflag:s7] =	ssyncadd.s32 $0xFFFFFFFF  }
0x41: {  	_ =	swait.ge [sflag:s7], $0x1  }
0x42: {  	[sflag:s7] =	ssyncset.done $0x0  }
0x43: {  	[sflag:s7] =	ssyncadd.s32 $0xFFFFFFFF  }
0x44: {  	_ =	swait.ge [sflag:s7], $0x1  }
0x45: {  	[sflag:s7] =	ssyncset.done $0x0  }
0x46: {  	[sflag:s7] =	ssyncadd.s32 $0xFFFFFFFF  }
0x47: {  	_ =	swait.ge [sflag:s7], $0x1  }
0x48: {  	[sflag:s7] =	ssyncset.done $0x0  }
0x49: {  	[sflag:s7] =	ssyncadd.s32 $0xFFFFFFFF  }
0x4a: {  	_ =	swait.ge [sflag:s7], $0x1  }
0x4b: {  	[sflag:s7] =	ssyncset.done $0x0  }
0x4c: {  	[sflag:s7] =	ssyncadd.s32 $0xFFFFFFFF  }
0x4d: {  	_ =	swait.ge [sflag:s7], $0x1  }
0x4e: {  	[sflag:s7] =	ssyncset.done $0x0  }
0x4f: {  	[sflag:s7] =	ssyncadd.s32 $0xFFFFFFFF  }
0x50: {  	_ =	swait.ge [sflag:s7], $0x1  }
0x51: {  	[sflag:s7] =	ssyncset.done $0x0  }
0x52: {  	s20 =	simm.s32 $0x100;
	s19 =	simm.s32 $0x0;
	[sflag:s7] =	ssyncadd.s32 $0xFFFFFFFF  }
.LBB2_2:
0x53: {  	p1 =	sne.s32 s20, $0x7F00;
	[tilespmem:s19+$0x830] =	vst v1;
	s21 =	smov.u32 s20;
	s20 =	sadd.s32 $0x100, s20  }
.Ltmp0:
0x54: {  	[tilespmem:s19+$0x820] =	vst v1;
	(pc) =	sbr.rel @p1 .LBB2_2-.Ltmp0, $3  }
0x55: {  	[tilespmem:s19+$0x800] =	vst v1  }
0x56: {  	[tilespmem:s19+$0x810] =	vst v1;
	_ =	sdelay $0x1  }
0x57: {  	s19 =	sshra.s32 s21, $0x2  }
0x58: {  	[tilespmem:s19+$0x830] =	vst v1  }
0x59: {  	[tilespmem:s19+$0x820] =	vst v1  }
0x5a: {  	[tilespmem:s19+$0x800] =	vst v1  }
0x5b: {  	[tilespmem:s19+$0x810] =	vst v1  }
0x5c: {  	[spmem:s14] =	stream.linear.scatter [tilespmem:s8], [sflag:$0x4], $0x2000, $0x38;
	[tilespmem:$0x1E080] =	vst v63  }
0x5d: {  	_ =	swait.ge [sflag:s7], $0x2000  }
0x5e: {  	[sflag:s7] =	ssyncset.done $0x0  }
0x5f: {  	s0 =	rddreg [dreg:$0x14];
	[sflag:s7] =	ssyncadd.s32 $0xFFFFE000  }
0x60: {  	[spmem:s0] =	stream.linear.scatter [tilespmem:s8], [sflag:$0x4], $0x2000, $0x38;
	[tilespmem:$0x1E080] =	vst v63  }
0x61: {  	_ =	swait.ge [sflag:s7], $0x2000  }
0x62: {  	[sflag:s7] =	ssyncset.done $0x0  }
0x63: {  	s23 =	rddreg [dreg:$0x15];
	[sflag:s7] =	ssyncadd.s32 $0xFFFFE000  }
0x64: {  	[spmem:s23] =	stream.linear.scatter [tilespmem:s8], [sflag:$0x4], $0x2000, $0x38;
	[tilespmem:$0x1E080] =	vst v63  }
0x65: {  	_ =	swait.ge [sflag:s7], $0x2000  }
0x66: {  	[sflag:s7] =	ssyncset.done $0x0  }
0x67: {  	s24 =	rddreg [dreg:$0x16];
	[sflag:s7] =	ssyncadd.s32 $0xFFFFE000  }
0x68: {  	[spmem:s24] =	stream.linear.scatter [tilespmem:s8], [sflag:$0x4], $0x2000, $0x38;
	[tilespmem:$0x1E080] =	vst v63  }
0x69: {  	_ =	swait.ge [sflag:s7], $0x2000  }
0x6a: {  	[sflag:s7] =	ssyncset.done $0x0  }
0x6b: {  	s25 =	rddreg [dreg:$0x17];
	[sflag:s7] =	ssyncadd.s32 $0xFFFFE000  }
0x6c: {  	[spmem:s25] =	stream.linear.scatter [tilespmem:s8], [sflag:$0x4], $0x2000, $0x38;
	[tilespmem:$0x1E080] =	vst v63  }
0x6d: {  	_ =	swait.ge [sflag:s7], $0x2000  }
0x6e: {  	[sflag:s7] =	ssyncset.done $0x0  }
0x6f: {  	s26 =	rddreg [dreg:$0x18];
	[sflag:s7] =	ssyncadd.s32 $0xFFFFE000  }
0x70: {  	[spmem:s26] =	stream.linear.scatter [tilespmem:s8], [sflag:$0x4], $0x2000, $0x38;
	[tilespmem:$0x1E080] =	vst v63  }
0x71: {  	_ =	swait.ge [sflag:s7], $0x2000  }
0x72: {  	[sflag:s7] =	ssyncset.done $0x0  }
0x73: {  	s28 =	rddreg [dreg:$0x19];
	[sflag:s7] =	ssyncadd.s32 $0xFFFFE000  }
0x74: {  	[spmem:s28] =	stream.linear.scatter [tilespmem:s8], [sflag:$0x4], $0x2000, $0x38;
	[tilespmem:$0x1E080] =	vst v63  }
0x75: {  	_ =	swait.ge [sflag:s7], $0x2000  }
0x76: {  	[sflag:s7] =	ssyncset.done $0x0  }
0x77: {  	s29 =	rddreg [dreg:$0x1a];
	[sflag:s7] =	ssyncadd.s32 $0xFFFFE000  }
0x78: {  	[spmem:s29] =	stream.linear.scatter [tilespmem:s8], [sflag:$0x4], $0x2000, $0x38;
	[tilespmem:$0x1E080] =	vst v63  }
0x79: {  	_ =	swait.ge [sflag:s7], $0x2000  }
0x7a: {  	[sflag:s7] =	ssyncset.done $0x0  }
0x7b: {  	s30 =	rddreg [dreg:$0x1b];
	[sflag:s7] =	ssyncadd.s32 $0xFFFFE000  }
0x7c: {  	[spmem:s30] =	stream.linear.scatter [tilespmem:s8], [sflag:$0x4], $0x2000, $0x38;
	[tilespmem:$0x1E080] =	vst v63  }
0x7d: {  	_ =	swait.ge [sflag:s7], $0x2000  }
0x7e: {  	[sflag:s7] =	ssyncset.done $0x0  }
0x7f: {  	s31 =	rddreg [dreg:$0x1c];
	[sflag:s7] =	ssyncadd.s32 $0xFFFFE000  }
0x80: {  	[spmem:s31] =	stream.linear.scatter [tilespmem:s8], [sflag:$0x4], $0x2000, $0x38;
	[tilespmem:$0x1E080] =	vst v63  }
0x81: {  	_ =	swait.ge [sflag:s7], $0x2000  }
0x82: {  	[sflag:s7] =	ssyncset.done $0x0  }
0x83: {  	s19 =	simm.s32 $0x40;
	s20 =	simm.s32 $0x0;
	[sflag:s7] =	ssyncadd.s32 $0xFFFFE000  }
.LBB2_4:
0x84: {  	p1 =	sne.s32 s19, $0x1FC0;
	[tilespmem:s20+$0x4800] =	vst v1;
	s20 =	smov.u32 s19;
	s19 =	sadd.s32 $0x40, s19  }
.Ltmp1:
0x85: {  	(pc) =	sbr.rel @p1 .LBB2_4-.Ltmp1, $2  }
0x86: {  	_ =	sdelay $0x2  }
0x87: {  	s20 =	sshra.s32 s20, $0x2  }
0x88: {  	[tilespmem:s20+$0x4800] =	vst v1;
	s19 =	simm.s32 @!p0 $0x4800;
	s0 =	rddreg [dreg:$0x1d];
	s20 =	simm.s32 @!p0 $0x4  }
0x89: {  	[spmem:s0] =	stream.linear.scatter @!p0 [tilespmem:s19], [sflag:$0x4], $0x800, $0x38;
	[tilespmem:$0x1E080] =	vst v63  }
0x8a: {  	_ =	swait.ge @!p0 [sflag:s20], $0x800  }
0x8b: {  	[sflag:s20] =	ssyncset.done @!p0 $0x0  }
0x8c: {  	s0 =	rddreg [dreg:$0x1e];
	[sflag:s20] =	ssyncadd.s32 @!p0 $0xFFFFF800  }
0x8d: {  	[spmem:s0] =	stream.linear.scatter @!p0 [tilespmem:s19], [sflag:$0x4], $0x800, $0x38;
	[tilespmem:$0x1E080] =	vst v63  }
0x8e: {  	_ =	swait.ge @!p0 [sflag:s20], $0x800  }
0x8f: {  	[sflag:s20] =	ssyncset.done @!p0 $0x0  }
0x90: {  	s0 =	rddreg [dreg:$0x1f];
	[sflag:s20] =	ssyncadd.s32 @!p0 $0xFFFFF800  }
0x91: {  	[spmem:s0] =	stream.linear.scatter @!p0 [tilespmem:s19], [sflag:$0x4], $0x800, $0x38;
	[tilespmem:$0x1E080] =	vst v63  }
0x92: {  	_ =	swait.ge @!p0 [sflag:s20], $0x800  }
0x93: {  	s0 =	sld [smem:$0x7F8]  }
0x94: {  	[sflag:s20] =	ssyncset.done @!p0 $0x0  }
0x95: {  	[sflag:s20] =	ssyncadd.s32 @!p0 $0xFFFFF800  }
0x96: {  	[spmem:s0] =	stream.linear.scatter @!p0 [tilespmem:s19], [sflag:$0x4], $0x800, $0x38;
	[tilespmem:$0x1E080] =	vst v63  }
0x97: {  	_ =	swait.ge @!p0 [sflag:s20], $0x800  }
0x98: {  	s0 =	sld [smem:$0x7F9]  }
0x99: {  	[sflag:s20] =	ssyncset.done @!p0 $0x0  }
0x9a: {  	[sflag:s20] =	ssyncadd.s32 @!p0 $0xFFFFF800  }
0x9b: {  	[spmem:s0] =	stream.linear.scatter @!p0 [tilespmem:s19], [sflag:$0x4], $0x800, $0x38;
	[tilespmem:$0x1E080] =	vst v63  }
0x9c: {  	_ =	swait.ge @!p0 [sflag:s20], $0x800  }
0x9d: {  	s0 =	sld [smem:$0x7FA]  }
0x9e: {  	[sflag:s20] =	ssyncset.done @!p0 $0x0  }
0x9f: {  	[sflag:s20] =	ssyncadd.s32 @!p0 $0xFFFFF800  }
0xa0: {  	[spmem:s0] =	stream.linear.scatter @!p0 [tilespmem:s19], [sflag:$0x4], $0x800, $0x38;
	[tilespmem:$0x1E080] =	vst v63  }
0xa1: {  	_ =	swait.ge @!p0 [sflag:s20], $0x800  }
0xa2: {  	s0 =	sld [smem:$0x7FB]  }
0xa3: {  	[sflag:s20] =	ssyncset.done @!p0 $0x0  }
0xa4: {  	[sflag:s20] =	ssyncadd.s32 @!p0 $0xFFFFF800  }
0xa5: {  	[spmem:s0] =	stream.linear.scatter @!p0 [tilespmem:s19], [sflag:$0x4], $0x800, $0x38;
	[tilespmem:$0x1E080] =	vst v63  }
0xa6: {  	_ =	swait.ge @!p0 [sflag:s20], $0x800  }
0xa7: {  	s0 =	sld [smem:$0x7FC]  }
0xa8: {  	[sflag:s20] =	ssyncset.done @!p0 $0x0  }
0xa9: {  	[sflag:s20] =	ssyncadd.s32 @!p0 $0xFFFFF800  }
0xaa: {  	[spmem:s0] =	stream.linear.scatter @!p0 [tilespmem:s19], [sflag:$0x4], $0x800, $0x38;
	[tilespmem:$0x1E080] =	vst v63  }
0xab: {  	_ =	swait.ge @!p0 [sflag:s20], $0x800  }
0xac: {  	s0 =	sld [smem:$0x7FD]  }
0xad: {  	[sflag:s20] =	ssyncset.done @!p0 $0x0  }
0xae: {  	[sflag:s20] =	ssyncadd.s32 @!p0 $0xFFFFF800  }
0xaf: {  	[spmem:s0] =	stream.linear.scatter @!p0 [tilespmem:s19], [sflag:$0x4], $0x800, $0x38;
	[tilespmem:$0x1E080] =	vst v63  }
0xb0: {  	_ =	swait.ge @!p0 [sflag:s20], $0x800  }
0xb1: {  	[sflag:s20] =	ssyncset.done @!p0 $0x0  }
0xb2: {  	[sflag:s20] =	ssyncadd.s32 @!p0 $0xFFFFF800  }
0xb3: {  	[spmem:s1] =	stream.linear.scatter @!p0 [tilespmem:s19], [sflag:$0x4], $0x800, $0x38;
	[tilespmem:$0x1E080] =	vst v63  }
0xb4: {  	_ =	swait.ge @!p0 [sflag:s20], $0x800  }
0xb5: {  	[sflag:s20] =	ssyncset.done @!p0 $0x0  }
0xb6: {  	s19 =	simm.s32 $0x40;
	[sflag:s20] =	ssyncadd.s32 @!p0 $0xFFFFF800;
	s20 =	simm.s32 $0x0  }
.LBB2_6:
0xb7: {  	p1 =	sne.s32 s19, $0x1FC0;
	[tilespmem:s20+$0x4800] =	vst v2;
	s20 =	smov.u32 s19;
	s19 =	sadd.s32 $0x40, s19  }
.Ltmp2:
0xb8: {  	(pc) =	sbr.rel @p1 .LBB2_6-.Ltmp2, $2  }
0xb9: {  	_ =	sdelay $0x2  }
0xba: {  	s20 =	sshra.s32 s20, $0x2  }
0xbb: {  	[tilespmem:s20+$0x4800] =	vst v2  }
0xbc: {  	s19 =	simm.s32 $0x0;
	[bflag:$0x0] =	sbarrier.arrive $0xFFFF  }
.LBB2_8:
0xbd: {  	s20 =	rddreg [dreg:$0xd]  }
0xbe: {  	s20 =	sadd.s32 s19, s20  }
0xbf: {  	[tilespmem:s12], [sflag:$0x4] =	stream.linear.gather [hbm4b:s20+s12], $0x400, $0x38;
	[tilespmem:$0x1E080] =	vst v63  }
0xc0: {  	_ =	swait.ge [sflag:s7], $0x400  }
0xc1: {  	s0 =	rddreg [dreg:$0xc];
	[sflag:s7] =	ssyncset.done $0x0  }
0xc2: {  	[sflag:s7] =	ssyncadd.s32 $0xFFFFFC00;
	s20 =	sadd.s32 s19, s0  }
0xc3: {  	[tilespmem:s5], [sflag:$0x4] =	stream.linear.gather [hbm4b:s20+s12], $0x400, $0x38;
	[tilespmem:$0x1E080] =	vst v63  }
0xc4: {  	_ =	swait.ge [sflag:s7], $0x400  }
0xc5: {  	[sflag:s7] =	ssyncset.done $0x0  }
0xc6: {  	[sflag:s7] =	ssyncadd.s32 $0xFFFFFC00  }
0xc7: {  	v3 =	vld [tilespmem:$0x0]  }
0xc8: {  	v4 =	vld [tilespmem:$0x10]  }
0xc9: {  	v5 =	vld [tilespmem:$0x20]  }
0xca: {  	v6 =	vld [tilespmem:$0x30]  }
0xcb: {  	v7 =	vld [tilespmem:$0x40]  }
0xcc: {  	v8 =	vld [tilespmem:$0x50];
	v3 =	vadd.s32 v0, v3  }
0xcd: {  	v58 =	vld [tilespmem:$0x60];
	[tilespmem:$0x0] =	vst v3;
	v3 =	vadd.s32 v0, v4  }
0xce: {  	v59 =	vld [tilespmem:$0x70];
	[tilespmem:$0x10] =	vst v3;
	v3 =	vadd.s32 v0, v5  }
0xcf: {  	v60 =	vld [tilespmem:$0x80];
	[tilespmem:$0x20] =	vst v3;
	v3 =	vadd.s32 v0, v6  }
0xd0: {  	v61 =	vld [tilespmem:$0x90];
	[tilespmem:$0x30] =	vst v3;
	v3 =	vadd.s32 v0, v7  }
0xd1: {  	v62 =	vld [tilespmem:$0xA0];
	[tilespmem:$0x40] =	vst v3;
	v3 =	vadd.s32 v0, v8  }
0xd2: {  	v63 =	vld [tilespmem:$0xB0];
	[tilespmem:$0x50] =	vst v3;
	v3 =	vadd.s32 v0, v58  }
0xd3: {  	v12 =	vld [tilespmem:$0xC0];
	[tilespmem:$0x60] =	vst v3;
	v3 =	vadd.s32 v0, v59  }
0xd4: {  	v13 =	vld [tilespmem:$0xD0];
	[tilespmem:$0x70] =	vst v3;
	v3 =	vadd.s32 v0, v60  }
0xd5: {  	v14 =	vld [tilespmem:$0xE0];
	[tilespmem:$0x80] =	vst v3;
	v3 =	vadd.s32 v0, v61  }
0xd6: {  	v15 =	vld [tilespmem:$0xF0];
	[tilespmem:$0x90] =	vst v3;
	v3 =	vadd.s32 v0, v62  }
0xd7: {  	v16 =	vld [tilespmem:$0x100];
	[tilespmem:$0xA0] =	vst v3;
	v3 =	vadd.s32 v0, v63  }
0xd8: {  	v17 =	vld [tilespmem:$0x110];
	[tilespmem:$0xB0] =	vst v3;
	v3 =	vadd.s32 v0, v12  }
0xd9: {  	v18 =	vld [tilespmem:$0x120];
	[tilespmem:$0xC0] =	vst v3;
	v3 =	vadd.s32 v0, v13  }
0xda: {  	v19 =	vld [tilespmem:$0x130];
	[tilespmem:$0xD0] =	vst v3;
	v3 =	vadd.s32 v0, v14  }
0xdb: {  	v20 =	vld [tilespmem:$0x140];
	[tilespmem:$0xE0] =	vst v3;
	v3 =	vadd.s32 v0, v15  }
0xdc: {  	v21 =	vld [tilespmem:$0x150];
	[tilespmem:$0xF0] =	vst v3;
	v3 =	vadd.s32 v0, v16  }
0xdd: {  	v22 =	vld [tilespmem:$0x160];
	[tilespmem:$0x100] =	vst v3;
	v3 =	vadd.s32 v0, v17  }
0xde: {  	v23 =	vld [tilespmem:$0x170];
	[tilespmem:$0x110] =	vst v3;
	v3 =	vadd.s32 v0, v18  }
0xdf: {  	v24 =	vld [tilespmem:$0x180];
	[tilespmem:$0x120] =	vst v3;
	v3 =	vadd.s32 v0, v19  }
0xe0: {  	v25 =	vld [tilespmem:$0x190];
	[tilespmem:$0x130] =	vst v3;
	v3 =	vadd.s32 v0, v20  }
0xe1: {  	v26 =	vld [tilespmem:$0x1A0];
	[tilespmem:$0x140] =	vst v3;
	v3 =	vadd.s32 v0, v21  }
0xe2: {  	v27 =	vld [tilespmem:$0x1B0];
	[tilespmem:$0x150] =	vst v3;
	v3 =	vadd.s32 v0, v22  }
0xe3: {  	v28 =	vld [tilespmem:$0x1C0];
	[tilespmem:$0x160] =	vst v3;
	v3 =	vadd.s32 v0, v23  }
0xe4: {  	v29 =	vld [tilespmem:$0x1D0];
	[tilespmem:$0x170] =	vst v3;
	v3 =	vadd.s32 v0, v24  }
0xe5: {  	v30 =	vld [tilespmem:$0x1E0];
	[tilespmem:$0x180] =	vst v3;
	v3 =	vadd.s32 v0, v25  }
0xe6: {  	v31 =	vld [tilespmem:$0x1F0];
	[tilespmem:$0x190] =	vst v3;
	v3 =	vadd.s32 v0, v26  }
0xe7: {  	v32 =	vld [tilespmem:$0x200];
	[tilespmem:$0x1A0] =	vst v3;
	v3 =	vadd.s32 v0, v27  }
0xe8: {  	v33 =	vld [tilespmem:$0x210];
	[tilespmem:$0x1B0] =	vst v3;
	v3 =	vadd.s32 v0, v28  }
0xe9: {  	v34 =	vld [tilespmem:$0x220];
	[tilespmem:$0x1C0] =	vst v3;
	v3 =	vadd.s32 v0, v29  }
0xea: {  	v35 =	vld [tilespmem:$0x230];
	[tilespmem:$0x1D0] =	vst v3;
	v3 =	vadd.s32 v0, v30  }
0xeb: {  	v36 =	vld [tilespmem:$0x240];
	[tilespmem:$0x1E0] =	vst v3;
	v3 =	vadd.s32 v0, v31  }
0xec: {  	v37 =	vld [tilespmem:$0x250];
	[tilespmem:$0x1F0] =	vst v3;
	v3 =	vadd.s32 v0, v32  }
0xed: {  	v38 =	vld [tilespmem:$0x260];
	[tilespmem:$0x200] =	vst v3;
	v3 =	vadd.s32 v0, v33  }
0xee: {  	v39 =	vld [tilespmem:$0x270];
	[tilespmem:$0x210] =	vst v3;
	v3 =	vadd.s32 v0, v34  }
0xef: {  	v40 =	vld [tilespmem:$0x280];
	[tilespmem:$0x220] =	vst v3;
	v3 =	vadd.s32 v0, v35  }
0xf0: {  	v41 =	vld [tilespmem:$0x290];
	[tilespmem:$0x230] =	vst v3;
	v3 =	vadd.s32 v0, v36  }
0xf1: {  	v42 =	vld [tilespmem:$0x2A0];
	[tilespmem:$0x240] =	vst v3;
	v3 =	vadd.s32 v0, v37  }
0xf2: {  	v43 =	vld [tilespmem:$0x2B0];
	[tilespmem:$0x250] =	vst v3;
	v3 =	vadd.s32 v0, v38  }
0xf3: {  	v44 =	vld [tilespmem:$0x2C0];
	[tilespmem:$0x260] =	vst v3;
	v3 =	vadd.s32 v0, v39  }
0xf4: {  	v45 =	vld [tilespmem:$0x2D0];
	[tilespmem:$0x270] =	vst v3;
	v3 =	vadd.s32 v0, v40  }
0xf5: {  	v46 =	vld [tilespmem:$0x2E0];
	[tilespmem:$0x280] =	vst v3;
	v3 =	vadd.s32 v0, v41  }
0xf6: {  	v47 =	vld [tilespmem:$0x2F0];
	[tilespmem:$0x290] =	vst v3;
	v3 =	vadd.s32 v0, v42  }
0xf7: {  	v48 =	vld [tilespmem:$0x300];
	[tilespmem:$0x2A0] =	vst v3;
	v3 =	vadd.s32 v0, v43  }
0xf8: {  	v49 =	vld [tilespmem:$0x310];
	[tilespmem:$0x2B0] =	vst v3;
	v3 =	vadd.s32 v0, v44  }
0xf9: {  	v50 =	vld [tilespmem:$0x320];
	[tilespmem:$0x2C0] =	vst v3;
	v3 =	vadd.s32 v0, v45  }
0xfa: {  	v51 =	vld [tilespmem:$0x330];
	[tilespmem:$0x2D0] =	vst v3;
	v3 =	vadd.s32 v0, v46  }
0xfb: {  	v52 =	vld [tilespmem:$0x340];
	[tilespmem:$0x2E0] =	vst v3;
	v3 =	vadd.s32 v0, v47  }
0xfc: {  	v53 =	vld [tilespmem:$0x350];
	[tilespmem:$0x2F0] =	vst v3;
	v3 =	vadd.s32 v0, v48  }
0xfd: {  	v54 =	vld [tilespmem:$0x360];
	[tilespmem:$0x300] =	vst v3;
	v3 =	vadd.s32 v0, v49  }
0xfe: {  	v55 =	vld [tilespmem:$0x370];
	[tilespmem:$0x310] =	vst v3;
	v3 =	vadd.s32 v0, v50  }
0xff: {  	v56 =	vld [tilespmem:$0x380];
	[tilespmem:$0x320] =	vst v3;
	v3 =	vadd.s32 v0, v51  }
0x100: {  	v57 =	vld [tilespmem:$0x390];
	[tilespmem:$0x330] =	vst v3;
	v3 =	vadd.s32 v0, v52  }
0x101: {  	v58 =	vld [tilespmem:$0x3A0];
	[tilespmem:$0x340] =	vst v3;
	v3 =	vadd.s32 v0, v53  }
0x102: {  	v59 =	vld [tilespmem:$0x3B0];
	[tilespmem:$0x350] =	vst v3;
	v3 =	vadd.s32 v0, v54  }
0x103: {  	v60 =	vld [tilespmem:$0x3C0];
	[tilespmem:$0x360] =	vst v3;
	v3 =	vadd.s32 v0, v55  }
0x104: {  	v61 =	vld [tilespmem:$0x3D0];
	[tilespmem:$0x370] =	vst v3;
	v3 =	vadd.s32 v0, v56  }
0x105: {  	v62 =	vld [tilespmem:$0x3E0];
	[tilespmem:$0x380] =	vst v3;
	v3 =	vadd.s32 v0, v57  }
0x106: {  	v63 =	vld [tilespmem:$0x3F0];
	[tilespmem:$0x390] =	vst v3;
	v3 =	vadd.s32 v0, v58  }
0x107: {  	[tilespmem:$0x3A0] =	vst v3;
	v3 =	vadd.s32 v0, v59  }
0x108: {  	[tilespmem:$0x3B0] =	vst v3;
	v3 =	vadd.s32 v0, v60  }
0x109: {  	[tilespmem:$0x3C0] =	vst v3;
	v3 =	vadd.s32 v0, v61  }
0x10a: {  	[tilespmem:$0x3D0] =	vst v3;
	v3 =	vadd.s32 v0, v62  }
0x10b: {  	[tilespmem:$0x3E0] =	vst v3;
	v3 =	vadd.s32 v0, v63  }
0x10c: {  	[tilespmem:$0x3F0] =	vst v3  }
0x10d: {  	[tilespmem:s8], [sflag:$0x1] =	stream.indirect.gather [hbm4b:s13+s15], $0x40, s12, s15, $0xb8;
	[tilespmem:$0x1E080] =	vst v63  }
0x10e: {  	_ = 	snop  }
0x10f: {  	[tilespmem:s16], [sflag:$0x2] =	stream.indirect.gather [hbm4b:s13+s15], $0x40, s15, s15, $0xb8;
	[tilespmem:$0x1E080] =	vst v63  }
0x110: {  	_ =	swait.ge [sflag:s17], $0x2000  }
0x111: {  	[sflag:s17] =	ssyncset.done $0x0  }
0x112: {  	[sflag:s17] =	ssyncadd.s32 $0xFFFFE000  }
0x113: {  	[spmem:s10] =	stream.indirect.scatter.add.f32 [tilespmem:s8], [sflag:$0x4], $0x40, s5, s15, $0xb8;
	[tilespmem:$0x1E080] =	vst v63  }
0x114: {  	_ =	swait.ge [sflag:s7], $0x2000  }
0x115: {  	s21 =	simm.s32 @p0 $0x80;
	s30 =	simm.s32 @p0 $0x800;
	[sflag:s7] =	ssyncset.done $0x0  }
0x116: {  	s24 =	simm.s32 @p0 $0x2;
	s20 =	simm.s32 @p0 $0x100;
	[sflag:s7] =	ssyncadd.s32 $0xFFFFE000  }
0x117: {  	[tilespmem:s30], [sflag:$0x1] =	stream.indirect.gather @p0 [hbm4b:s13+s21], $0x40, s20, s21, $0xb8;
	[tilespmem:$0x1E080] =	vst v63  }
0x118: {  	_ =	swait.ge @p0 [sflag:s24], $0x2000  }
0x119: {  	s26 =	simm.s32 @p0 $0x2800;
	[sflag:s24] =	ssyncset.done @p0 $0x0  }
0x11a: {  	s25 =	simm.s32 @p0 $0x4;
	s20 =	simm.s32 @p0 $0x480;
	[sflag:s24] =	ssyncadd.s32 @p0 $0xFFFFE000  }
0x11b: {  	[spmem:s10] =	stream.indirect.scatter.add.f32 @p0 [tilespmem:s26], [sflag:$0x4], $0x40, s20, s21, $0xb8;
	[tilespmem:$0x1E080] =	vst v63  }
0x11c: {  	_ =	swait.ge @p0 [sflag:s25], $0x2000  }
0x11d: {  	s22 =	simm.s32 @!p0 $0x80;
	[sflag:s25] =	ssyncset.done @p0 $0x0  }
0x11e: {  	s23 =	simm.s32 @!p0 $0x4800;
	s20 =	simm.s32 @!p0 $0x400;
	[sflag:s25] =	ssyncadd.s32 @p0 $0xFFFFE000  }
0x11f: {  	[spmem:s11] =	stream.indirect.scatter.add.f32 @!p0 [tilespmem:s23], [sflag:$0x3], $0x10, s20, s22, $0xb8;
	[tilespmem:$0x1E080] =	vst v63  }
0x120: {  	s31 =	simm.s32 @!p0 $0x800;
	s28 =	simm.s32 @!p0 $0x2;
	s20 =	simm.s32 @!p0 $0x100  }
0x121: {  	[tilespmem:s31], [sflag:$0x1] =	stream.indirect.gather @!p0 [hbm4b:s13+s22], $0x40, s20, s22, $0xb8;
	[tilespmem:$0x1E080] =	vst v63  }
0x122: {  	_ =	swait.ge @!p0 [sflag:s28], $0x2000  }
0x123: {  	s9 =	simm.s32 @!p0 $0x480;
	[sflag:s28] =	ssyncset.done @!p0 $0x0  }
0x124: {  	s29 =	simm.s32 @!p0 $0x2800;
	s20 =	simm.s32 @!p0 $0x4;
	[sflag:s28] =	ssyncadd.s32 @!p0 $0xFFFFE000  }
0x125: {  	[spmem:s10] =	stream.indirect.scatter.add.f32 @!p0 [tilespmem:s29], [sflag:$0x4], $0x40, s9, s22, $0xb8;
	[tilespmem:$0x1E080] =	vst v63  }
0x126: {  	_ =	swait.ge @!p0 [sflag:s20], $0x2000  }
0x127: {  	[sflag:s20] =	ssyncset.done @!p0 $0x0  }
0x128: {  	[sflag:s20] =	ssyncadd.s32 @!p0 $0xFFFFE000  }
0x129: {  	[spmem:s11] =	stream.indirect.scatter.add.f32 @!p0 [tilespmem:s23], [sflag:$0x3], $0x10, s9, s22, $0xb8;
	[tilespmem:$0x1E080] =	vst v63  }
0x12a: {  	s0 =	rddreg [dreg:$0xe]  }
0x12b: {  	[tilespmem:s16], [sflag:$0x2] =	stream.indirect.gather [hbm4b:s13+s15], $0x40, s0, s15, $0xb8;
	[tilespmem:$0x1E080] =	vst v63  }
0x12c: {  	_ =	swait.ge [sflag:s17], $0x2000  }
0x12d: {  	[sflag:s17] =	ssyncset.done $0x0  }
0x12e: {  	s9 =	rddreg [dreg:$0xf];
	[sflag:s17] =	ssyncadd.s32 $0xFFFFE000  }
0x12f: {  	[spmem:s10] =	stream.indirect.scatter.add.f32 [tilespmem:s8], [sflag:$0x4], $0x40, s9, s15, $0xb8;
	[tilespmem:$0x1E080] =	vst v63  }
0x130: {  	_ =	swait.ge [sflag:s7], $0x2000  }
0x131: {  	[sflag:s7] =	ssyncset.done $0x0  }
0x132: {  	s0 =	simm.s32 @p0 $0x200;
	[sflag:s7] =	ssyncadd.s32 $0xFFFFE000  }
0x133: {  	[tilespmem:s30], [sflag:$0x1] =	stream.indirect.gather @p0 [hbm4b:s13+s21], $0x40, s0, s21, $0xb8;
	[tilespmem:$0x1E080] =	vst v63  }
0x134: {  	_ =	swait.ge @p0 [sflag:s24], $0x2000  }
0x135: {  	[sflag:s24] =	ssyncset.done @p0 $0x0  }
0x136: {  	s0 =	simm.s32 @p0 $0x580;
	[sflag:s24] =	ssyncadd.s32 @p0 $0xFFFFE000  }
0x137: {  	[spmem:s10] =	stream.indirect.scatter.add.f32 @p0 [tilespmem:s26], [sflag:$0x4], $0x40, s0, s21, $0xb8;
	[tilespmem:$0x1E080] =	vst v63  }
0x138: {  	_ =	swait.ge @p0 [sflag:s25], $0x2000  }
0x139: {  	[sflag:s25] =	ssyncset.done @p0 $0x0  }
0x13a: {  	s0 =	simm.s32 @!p0 $0x500;
	[sflag:s25] =	ssyncadd.s32 @p0 $0xFFFFE000  }
0x13b: {  	[spmem:s11] =	stream.indirect.scatter.add.f32 @!p0 [tilespmem:s23], [sflag:$0x3], $0x10, s0, s22, $0xb8;
	[tilespmem:$0x1E080] =	vst v63  }
0x13c: {  	s0 =	simm.s32 @!p0 $0x200  }
0x13d: {  	[tilespmem:s31], [sflag:$0x1] =	stream.indirect.gather @!p0 [hbm4b:s13+s22], $0x40, s0, s22, $0xb8;
	[tilespmem:$0x1E080] =	vst v63  }
0x13e: {  	_ =	swait.ge @!p0 [sflag:s28], $0x2000  }
0x13f: {  	[sflag:s28] =	ssyncset.done @!p0 $0x0  }
0x140: {  	s0 =	simm.s32 @!p0 $0x580;
	[sflag:s28] =	ssyncadd.s32 @!p0 $0xFFFFE000  }
0x141: {  	[spmem:s10] =	stream.indirect.scatter.add.f32 @!p0 [tilespmem:s29], [sflag:$0x4], $0x40, s0, s22, $0xb8;
	[tilespmem:$0x1E080] =	vst v63  }
0x142: {  	_ =	swait.ge @!p0 [sflag:s20], $0x2000  }
0x143: {  	[sflag:s20] =	ssyncset.done @!p0 $0x0  }
0x144: {  	[sflag:s20] =	ssyncadd.s32 @!p0 $0xFFFFE000  }
0x145: {  	[spmem:s11] =	stream.indirect.scatter.add.f32 @!p0 [tilespmem:s23], [sflag:$0x3], $0x10, s0, s22, $0xb8;
	[tilespmem:$0x1E080] =	vst v63  }
0x146: {  	s9 =	rddreg [dreg:$0x10]  }
0x147: {  	[tilespmem:s16], [sflag:$0x2] =	stream.indirect.gather [hbm4b:s13+s15], $0x40, s9, s15, $0xb8;
	[tilespmem:$0x1E080] =	vst v63  }
0x148: {  	_ =	swait.ge [sflag:s17], $0x2000  }
0x149: {  	[sflag:s17] =	ssyncset.done $0x0  }
0x14a: {  	s9 =	rddreg [dreg:$0x11];
	[sflag:s17] =	ssyncadd.s32 $0xFFFFE000  }
0x14b: {  	[spmem:s10] =	stream.indirect.scatter.add.f32 [tilespmem:s8], [sflag:$0x4], $0x40, s9, s15, $0xb8;
	[tilespmem:$0x1E080] =	vst v63  }
0x14c: {  	_ =	swait.ge [sflag:s7], $0x2000  }
0x14d: {  	[sflag:s7] =	ssyncset.done $0x0  }
0x14e: {  	s0 =	simm.s32 @p0 $0x300;
	[sflag:s7] =	ssyncadd.s32 $0xFFFFE000  }
0x14f: {  	[tilespmem:s30], [sflag:$0x1] =	stream.indirect.gather @p0 [hbm4b:s13+s21], $0x40, s0, s21, $0xb8;
	[tilespmem:$0x1E080] =	vst v63  }
0x150: {  	_ =	swait.ge @p0 [sflag:s24], $0x2000  }
0x151: {  	[sflag:s24] =	ssyncset.done @p0 $0x0  }
0x152: {  	s0 =	simm.s32 @p0 $0x680;
	[sflag:s24] =	ssyncadd.s32 @p0 $0xFFFFE000  }
0x153: {  	[spmem:s10] =	stream.indirect.scatter.add.f32 @p0 [tilespmem:s26], [sflag:$0x4], $0x40, s0, s21, $0xb8;
	[tilespmem:$0x1E080] =	vst v63  }
0x154: {  	_ =	swait.ge @p0 [sflag:s25], $0x2000  }
0x155: {  	[sflag:s25] =	ssyncset.done @p0 $0x0  }
0x156: {  	s0 =	simm.s32 @!p0 $0x600;
	[sflag:s25] =	ssyncadd.s32 @p0 $0xFFFFE000  }
0x157: {  	[spmem:s11] =	stream.indirect.scatter.add.f32 @!p0 [tilespmem:s23], [sflag:$0x3], $0x10, s0, s22, $0xb8;
	[tilespmem:$0x1E080] =	vst v63  }
0x158: {  	s0 =	simm.s32 @!p0 $0x300  }
0x159: {  	[tilespmem:s31], [sflag:$0x1] =	stream.indirect.gather @!p0 [hbm4b:s13+s22], $0x40, s0, s22, $0xb8;
	[tilespmem:$0x1E080] =	vst v63  }
0x15a: {  	_ =	swait.ge @!p0 [sflag:s28], $0x2000  }
0x15b: {  	[sflag:s28] =	ssyncset.done @!p0 $0x0  }
0x15c: {  	s0 =	simm.s32 @!p0 $0x680;
	[sflag:s28] =	ssyncadd.s32 @!p0 $0xFFFFE000  }
0x15d: {  	[spmem:s10] =	stream.indirect.scatter.add.f32 @!p0 [tilespmem:s29], [sflag:$0x4], $0x40, s0, s22, $0xb8;
	[tilespmem:$0x1E080] =	vst v63  }
0x15e: {  	_ =	swait.ge @!p0 [sflag:s20], $0x2000  }
0x15f: {  	[sflag:s20] =	ssyncset.done @!p0 $0x0  }
0x160: {  	[sflag:s20] =	ssyncadd.s32 @!p0 $0xFFFFE000  }
0x161: {  	[spmem:s11] =	stream.indirect.scatter.add.f32 @!p0 [tilespmem:s23], [sflag:$0x3], $0x10, s0, s22, $0xb8;
	[tilespmem:$0x1E080] =	vst v63  }
0x162: {  	s30 =	rddreg [dreg:$0x12]  }
0x163: {  	[tilespmem:s16], [sflag:$0x2] =	stream.indirect.gather [hbm4b:s13+s15], $0x40, s30, s15, $0xb8;
	[tilespmem:$0x1E080] =	vst v63  }
0x164: {  	_ =	swait.ge [sflag:s17], $0x2000  }
0x165: {  	[sflag:s17] =	ssyncset.done $0x0  }
0x166: {  	s31 =	rddreg [dreg:$0x13];
	[sflag:s17] =	ssyncadd.s32 $0xFFFFE000  }
0x167: {  	[spmem:s10] =	stream.indirect.scatter.add.f32 [tilespmem:s8], [sflag:$0x4], $0x40, s31, s15, $0xb8;
	[tilespmem:$0x1E080] =	vst v63  }
0x168: {  	_ =	swait.ge [sflag:s7], $0x2000  }
0x169: {  	[sflag:s7] =	ssyncset.done $0x0  }
0x16a: {  	[sflag:s7] =	ssyncadd.s32 $0xFFFFE000  }
0x16b: {  	_ =	swait.ge @p0 [sflag:s24], $0x2000  }
0x16c: {  	[sflag:s24] =	ssyncset.done @p0 $0x0  }
0x16d: {  	s0 =	simm.s32 @p0 $0x780;
	[sflag:s24] =	ssyncadd.s32 @p0 $0xFFFFE000  }
0x16e: {  	[spmem:s10] =	stream.indirect.scatter.add.f32 @p0 [tilespmem:s26], [sflag:$0x4], $0x40, s0, s21, $0xb8;
	[tilespmem:$0x1E080] =	vst v63  }
0x16f: {  	_ =	swait.ge @p0 [sflag:s25], $0x2000  }
0x170: {  	[sflag:s25] =	ssyncset.done @p0 $0x0  }
0x171: {  	s0 =	simm.s32 @!p0 $0x700;
	[sflag:s25] =	ssyncadd.s32 @p0 $0xFFFFE000  }
0x172: {  	[spmem:s11] =	stream.indirect.scatter.add.f32 @!p0 [tilespmem:s23], [sflag:$0x3], $0x10, s0, s22, $0xb8;
	[tilespmem:$0x1E080] =	vst v63  }
0x173: {  	_ =	swait.ge @!p0 [sflag:s28], $0x2000  }
0x174: {  	[sflag:s28] =	ssyncset.done @!p0 $0x0  }
0x175: {  	s0 =	simm.s32 @!p0 $0x780;
	[sflag:s28] =	ssyncadd.s32 @!p0 $0xFFFFE000  }
0x176: {  	[spmem:s10] =	stream.indirect.scatter.add.f32 @!p0 [tilespmem:s29], [sflag:$0x4], $0x40, s0, s22, $0xb8;
	[tilespmem:$0x1E080] =	vst v63  }
0x177: {  	_ =	swait.ge @!p0 [sflag:s20], $0x2000  }
0x178: {  	[sflag:s20] =	ssyncset.done @!p0 $0x0  }
0x179: {  	[sflag:s20] =	ssyncadd.s32 @!p0 $0xFFFFE000  }
0x17a: {  	[spmem:s11] =	stream.indirect.scatter.add.f32 @!p0 [tilespmem:s23], [sflag:$0x3], $0x10, s0, s22, $0xb8;
	[tilespmem:$0x1E080] =	vst v63  }
0x17b: {  	s0 =	simm.s32 @!p0 $0x3  }
0x17c: {  	_ =	swait.ge @!p0 [sflag:s0], $0x800  }
0x17d: {  	[sflag:s0] =	ssyncset.done @!p0 $0x0  }
0x17e: {  	[sflag:s0] =	ssyncadd.s32 @!p0 $0xFFFFF800  }
0x17f: {  	_ =	swait.ge @!p0 [sflag:s0], $0x800  }
0x180: {  	[sflag:s0] =	ssyncset.done @!p0 $0x0  }
0x181: {  	[sflag:s0] =	ssyncadd.s32 @!p0 $0xFFFFF800  }
0x182: {  	_ =	swait.ge @!p0 [sflag:s0], $0x800  }
0x183: {  	[sflag:s0] =	ssyncset.done @!p0 $0x0  }
0x184: {  	[sflag:s0] =	ssyncadd.s32 @!p0 $0xFFFFF800  }
0x185: {  	_ =	swait.ge @!p0 [sflag:s0], $0x800  }
0x186: {  	[sflag:s0] =	ssyncset.done @!p0 $0x0  }
0x187: {  	[sflag:s0] =	ssyncadd.s32 @!p0 $0xFFFFF800  }
0x188: {  	_ =	swait.ge @!p0 [sflag:s0], $0x800  }
0x189: {  	[sflag:s0] =	ssyncset.done @!p0 $0x0  }
0x18a: {  	[sflag:s0] =	ssyncadd.s32 @!p0 $0xFFFFF800  }
0x18b: {  	_ =	swait.ge @!p0 [sflag:s0], $0x800  }
0x18c: {  	[sflag:s0] =	ssyncset.done @!p0 $0x0  }
0x18d: {  	s19 =	sadd.s32 $0x80, s19;
	[sflag:s0] =	ssyncadd.s32 @!p0 $0xFFFFF800  }
0x18e: {  	p1 =	sne.s32 s19, $0xA00;
	_ =	swait.ge @!p0 [sflag:s0], $0x800  }
.Ltmp3:
0x18f: {  	[sflag:s0] =	ssyncset.done @!p0 $0x0;
	(pc) =	sbr.rel @p1 .LBB2_8-.Ltmp3, $4  }
0x190: {  	[sflag:s0] =	ssyncadd.s32 @!p0 $0xFFFFF800  }
0x191: {  	_ =	swait.ge @!p0 [sflag:s0], $0x800  }
0x192: {  	[sflag:s0] =	ssyncset.done @!p0 $0x0  }
0x193: {  	[sflag:s0] =	ssyncadd.s32 @!p0 $0xFFFFF800  }
0x194: {  	s0 =	stileid.u32  }
0x195: {  	s0 =	sshll.u32 s0, $0x6  }
0x196: {  	[bflag:$0x0] =	sbarrier.arrive $0xFFFF;
	s9 =	sshrl.u32 s14, $0x3;
	s0 =	sor.u32 $0x1C04, s0  }
0x197: {  	[hbm:s2], [sflag:s0] =	dma.local [spmem:s9], $0x2800  }
0x198: {  	s18 =	sadd.s32 $0x1, s18;
	_ =	swait.ge [sflag:s7], $0x2800  }
0x199: {  	p1 =	sne.s32 s18, s4;
	[sflag:s7] =	ssyncset.done $0x0  }
.Ltmp4:
0x19a: {  	[sflag:s7] =	ssyncadd.s32 $0xFFFFD800;
	(pc) =	sbr.rel @p1 .LBB2_1-.Ltmp4, $4  }
0x19b: {  	[hbm:s3], [sflag:s0] =	dma.local @!p0 [spmem:s6], $0xA00  }
0x19c: {  	_ =	swait.ge @!p0 [sflag:s20], $0xA00  }
0x19d: {  	[sflag:s20] =	ssyncset.done @!p0 $0x0  }
0x19e: {  	[sflag:s20] =	ssyncadd.s32 @!p0 $0xFFFFF600  }
0x19f: {  	_ =	sfence.sel $0x180000  }
0x1a0: {  	[bflag:$0x0] =	sbarrier.arrive $0xFFFF  }
0x1a1: {  	_ =	strace $0x90000047  }
0x1a2: {  	s0 =	stileid.u32;
	[bflag:$0x2] =	sbarrier.arrive $0xFFFF  }
0x1a3: {  	p0 =	sne.s32 s0, $0x0;
	s0 =	rddreg [dreg:$0xb]  }
0x1a4: {  	s0 =	sadd.s32 @!p0 $0x100000, s0  }
0x1a5: {  	[sflag:s0] =	ssyncadd.tile.s32 @!p0 $0x1;
	_ =	shalt  }
.Lfunc_end2:
_tile_overlayer_lowered:
.L_overlay_start_2:
0x1a6: {  	(tag) =	ssettag $0x2  }
0x1a7: {  	s0 =	rddreg [dreg:$0x0];
	s2 =	stileid.u32  }
0x1a8: {  	s1 =	rddreg [dreg:$0x1];
	p0 =	sne.s32 s2, $0x0  }
0x1a9: {  	s3 =	rddreg [dreg:$0x2];
	[bflag:$0x3] =	sbarrier.arrive $0xFFFF;
	s2 =	simm.s32 @!p0 $0x1C04  }
0x1aa: {  	[timem:s3], [sflag:s2] =	dma.local @!p0 [hbm:s0], s1  }
0x1ab: {  	s0 =	simm.s32 @!p0 $0x4  }
0x1ac: {  	_ =	swait.ge @!p0 [sflag:s0], s1  }
0x1ad: {  	s1 =	ssub.s32 @!p0 $0x0, s1;
	[sflag:s0] =	ssyncset.done @!p0 $0x0  }
0x1ae: {  	[sflag:s0] =	ssyncadd.s32 @!p0 s1  }
0x1af: {  	[bflag:$0x3] =	sbarrier.arrive $0xFFFF  }
0x1b0: {  	_ =	shalt  }

</sc_bundles>
